<compile_context>
chip_gen: v7x
topology: tpu7x:2x2x1
jax: 0.10.2.dev20260603
libtpu: 0.0.44.dev20260713+nightly
codegen_flags: <defaults>
</compile_context>

<pallas_src>
import functools

import jax
import jax.numpy as jnp
from jax import lax
from jax.experimental import pallas as pl
from jax.experimental.pallas import tpu as pltpu
from jax.experimental.pallas import tpu_sc as plsc

NC = 2
NS = 16
L = 16
K = 80

_mesh = functools.partial(
    plsc.VectorSubcoreMesh, core_axis_name="c", subcore_axis_name="s",
    num_cores=NC, num_subcores=NS)


def _fill(ref, n, value):
  v = jnp.full((L,), value, ref.dtype)
  for k in range(n // L):
    ref[pl.ds(k * L, L)] = v


def _make_deg_kernel(e):
  npad = 10240
  KC = 128
  NB = 2
  per_w = e // (NC * NS)
  g = per_w // (NB * KC)
  assert per_w % (NB * KC) == 0

  @functools.partial(
      pl.kernel,
      out_type=jax.ShapeDtypeStruct((NC * 2 * npad,), jnp.float32),
      mesh=_mesh(),
      scratch_types=[
          [pltpu.VMEM((KC,), jnp.int32) for _ in range(NB)],
          [pltpu.VMEM((KC,), jnp.int32) for _ in range(NB)],
          pltpu.VMEM((KC,), jnp.float32),
          pltpu.VMEM((640,), jnp.float32),
          pltpu.VMEM_SHARED((npad,), jnp.float32),
          pltpu.VMEM_SHARED((npad,), jnp.float32),
          [pltpu.SemaphoreType.DMA for _ in range(2 * NB)],
      ],
  )
  def deg_kernel(src_ids, dst_ids, out, sidx, didx, ones, cbuf, h_out, h_in,
                 sems):
    c = lax.axis_index("c")
    s = lax.axis_index("s")
    _fill(ones, KC, 1.0)
    _fill(cbuf, 640, 0.0)
    pltpu.sync_copy(cbuf, h_out.at[pl.ds(s * 640, 640)])
    pltpu.sync_copy(cbuf, h_in.at[pl.ds(s * 640, 640)])
    plsc.subcore_barrier()

    base0 = (c * NS + s) * per_w

    def body(i, carry):
      base = base0 + i * (NB * KC)
      for j in range(NB):
        pltpu.sync_copy(src_ids.at[pl.ds(base + j * KC, KC)], sidx[j])
        pltpu.sync_copy(dst_ids.at[pl.ds(base + j * KC, KC)], didx[j])
      adds = []
      for j in range(NB):
        adds.append(
            pltpu.async_copy(ones, h_out.at[sidx[j]], sems[2 * j], add=True))
        adds.append(
            pltpu.async_copy(ones, h_in.at[didx[j]], sems[2 * j + 1],
                             add=True))
      for a in adds:
        a.wait()
      return carry

    lax.fori_loop(0, g, body, 0)
    plsc.subcore_barrier()
    pltpu.sync_copy(h_out.at[pl.ds(s * 640, 640)],
                    out.at[pl.ds(c * 2 * npad + s * 640, 640)])
    pltpu.sync_copy(h_in.at[pl.ds(s * 640, 640)],
                    out.at[pl.ds(c * 2 * npad + npad + s * 640, 640)])

  return deg_kernel


def _make_agg_kernel(n, e, hc, edge_split=False):
  KC = 128
  NB = 2
  per_t = e // (NC * NS) if edge_split else e // NS
  g = per_t // (NB * KC)
  assert per_t % (NB * KC) == 0
  npad = 10240
  assert npad >= n
  rows_t = npad // NS
  cp = 64
  assert rows_t % cp == 0

  @functools.partial(
      pl.kernel,
      out_type=jax.ShapeDtypeStruct((NC, npad, hc), jnp.float32),
      mesh=_mesh(),
      scratch_types=[
          [pltpu.VMEM((KC,), jnp.int32) for _ in range(NB)],
          [pltpu.VMEM((KC,), jnp.int32) for _ in range(NB)],
          [pltpu.VMEM((KC, hc), jnp.float32) for _ in range(NB)],
          pltpu.VMEM((cp, hc), jnp.float32),
          pltpu.VMEM_SHARED((npad, hc), jnp.float32),
          [pltpu.SemaphoreType.DMA for _ in range(NB)],
          [pltpu.SemaphoreType.DMA for _ in range(NB)],
      ],
  )
  def agg_kernel(h, src_ids, dst_ids, out, sidx, didx, rows, cbuf, acc,
                 gsem, ssem):
    c = lax.axis_index("c")
    s = lax.axis_index("s")
    hsrc = h if edge_split else h.at[c]

    def zbody(r, carry):
      z = jnp.zeros((L,), jnp.float32)
      for k in range(hc // L):
        cbuf[r, pl.ds(k * L, L)] = z
      return carry
    lax.fori_loop(0, cp, zbody, 0)
    for j in range(rows_t // cp):
      pltpu.sync_copy(cbuf, acc.at[pl.ds(s * rows_t + j * cp, cp)])
    plsc.subcore_barrier()

    base0 = ((c * NS + s) if edge_split else s) * per_t

    def body(i, carry):
      base = base0 + i * (NB * KC)
      gathers = []
      for j in range(NB):
        pltpu.sync_copy(src_ids.at[pl.ds(base + j * KC, KC)], sidx[j])
        gathers.append(pltpu.async_copy(hsrc.at[sidx[j]], rows[j], gsem[j]))
      for j in range(NB):
        pltpu.sync_copy(dst_ids.at[pl.ds(base + j * KC, KC)], didx[j])
      scatters = []
      for j in range(NB):
        gathers[j].wait()
        scatters.append(
            pltpu.async_copy(rows[j], acc.at[didx[j]], ssem[j], add=True))
      for sc in scatters:
        sc.wait()
      return carry

    lax.fori_loop(0, g, body, 0)
    plsc.subcore_barrier()
    pltpu.sync_copy(acc.at[pl.ds(s * rows_t, rows_t)],
                    out.at[c].at[pl.ds(s * rows_t, rows_t)])

  return agg_kernel


def _prep_body(degp_ref, x_ref, norms_ref, s0_ref):
  n = x_ref.shape[0]
  d = degp_ref[:, 0:2] + degp_ref[:, 2:4]
  norm = jnp.where(d > 0.0, lax.rsqrt(jnp.maximum(d, 1e-30)), 0.0)
  norms_ref[...] = norm
  s0_ref[...] = x_ref[...] * norm[:n, 0:1]


def _layer_body(agg_ref, norms_ref, w_ref, b_ref, g_ref, bt_ref, out_ref,
                *, concat):
  n = norms_ref.shape[0]
  if concat:
    a = jnp.concatenate([agg_ref[0], agg_ref[1]], axis=1)[:n]
  else:
    a = (agg_ref[0] + agg_ref[1])[:n]
  a = a * norms_ref[:, 1:2]
  z = jnp.dot(a, w_ref[...], preferred_element_type=jnp.float32) + b_ref[...]
  mu = jnp.mean(z, axis=0, keepdims=True)
  xc = z - mu
  var = jnp.mean(xc * xc, axis=0, keepdims=True)
  h = g_ref[...] * xc * lax.rsqrt(var + 1e-5) + bt_ref[...]
  h = jnp.maximum(h, 0.0)
  s = h * norms_ref[:, 0:1]
  half = s.shape[1] // 2
  out_ref[0] = s[:, :half]
  out_ref[1] = s[:, half:]


def _final_body(agg_ref, norms_ref, w_ref, b_ref, g_ref, bt_ref,
                wr0_ref, br0_ref, wr1_ref, br1_ref, wr2_ref, br2_ref,
                out_ref):
  n = norms_ref.shape[0]
  a = jnp.concatenate([agg_ref[0], agg_ref[1]], axis=1)[:n]
  a = a * norms_ref[:, 1:2]
  z = jnp.dot(a, w_ref[...], preferred_element_type=jnp.float32) + b_ref[...]
  mu = jnp.mean(z, axis=0, keepdims=True)
  xc = z - mu
  var = jnp.mean(xc * xc, axis=0, keepdims=True)
  h = g_ref[...] * xc * lax.rsqrt(var + 1e-5) + bt_ref[...]
  h = jnp.maximum(h, 0.0)
  hg = jnp.mean(h, axis=0, keepdims=True)
  y = jnp.maximum(jnp.dot(hg, wr0_ref[...],
                          preferred_element_type=jnp.float32) + br0_ref[...], 0.0)
  y = jnp.maximum(jnp.dot(y, wr1_ref[...],
                          preferred_element_type=jnp.float32) + br1_ref[...], 0.0)
  y = jnp.dot(y, wr2_ref[...], preferred_element_type=jnp.float32) + br2_ref[...]
  m = jnp.max(y, axis=0, keepdims=True)
  lse = m + jnp.log(jnp.sum(jnp.exp(y - m), axis=0, keepdims=True))
  out_ref[...] = y - lse


def kernel(x, edge_index, W0, b0, W1, b1, W2, b2, W3, b3, gamma, beta,
           Wr0, br0, Wr1, br1, Wr2, br2):
  n, in_feats = x.shape
  e = edge_index.shape[1]
  h_dim = W0.shape[1]
  npad = 10240

  src_ids = edge_index[0]
  dst_ids = edge_index[1]
  epad = 327680
  assert epad % (NC * NS * 4 * 64) == 0 and epad >= e
  p = epad - e
  pad_dst = n + (jnp.arange(p, dtype=jnp.int32) % (npad - n))
  src_d = jnp.concatenate([src_ids, pad_dst])
  dst_d = jnp.concatenate([dst_ids, pad_dst])
  degp = _make_deg_kernel(epad)(src_d, dst_d)
  degp_col = jnp.transpose(degp.reshape(4, npad))
  norms_pad, s0 = pl.pallas_call(
      _prep_body,
      out_shape=[
          jax.ShapeDtypeStruct((npad, 2), jnp.float32),
          jax.ShapeDtypeStruct((n, in_feats), jnp.float32),
      ],
  )(degp_col, x)
  norms = norms_pad[:n]

  pad_src = (jnp.arange(p, dtype=jnp.int32) * 131) % n
  src_p = jnp.concatenate([src_ids, pad_src])
  dst_p = dst_d
  agg_in = _make_agg_kernel(n, epad, in_feats, edge_split=True)
  agg_h = _make_agg_kernel(n, epad, h_dim // 2)
  out_split = jax.ShapeDtypeStruct((NC, n, h_dim // 2), jnp.float32)
  layer0_call = pl.pallas_call(
      functools.partial(_layer_body, concat=False), out_shape=out_split)
  layer_call = pl.pallas_call(
      functools.partial(_layer_body, concat=True), out_shape=out_split)

  a0 = agg_in(s0, src_p, dst_p)
  s1 = layer0_call(a0, norms, W0, b0, gamma, beta)
  a1 = agg_h(s1, src_p, dst_p)
  s2 = layer_call(a1, norms, W1, b1, gamma, beta)
  a2 = agg_h(s2, src_p, dst_p)
  s3 = layer_call(a2, norms, W2, b2, gamma, beta)
  a3 = agg_h(s3, src_p, dst_p)

  out = pl.pallas_call(
      _final_body,
      out_shape=jax.ShapeDtypeStruct((1, Wr2.shape[1]), jnp.float32),
  )(a3, norms, W3, b3, gamma, beta, Wr0, br0, Wr1, br1, Wr2, br2)
  return out

# --- scband reference (transcript-rebuilt; emitter-appended) ---
"""Pipeline reference for scband-gcn-dgl-6399501271080 (READ-ONLY COPY).

The authoritative reference and input builder live on the scoring server;
editing this copy changes nothing except your own understanding.
"""

import jax, jax.numpy as jnp
import numpy as np

N = 10000
E = 320000
IN_FEATS = 128
H = 256
C = 10


def _glorot(key, shape):
    fan_in = shape[0]
    return jax.random.normal(key, shape, dtype=jnp.float32) * (1.0 / np.sqrt(fan_in))


def setup_inputs(seed: int = 0) -> dict:
    key = jax.random.key(seed)
    ks = jax.random.split(key, 20)
    x = jax.random.normal(ks[0], (N, IN_FEATS), dtype=jnp.float32)
    edge_index = jax.random.randint(ks[1], (2, E), 0, N, dtype=jnp.int32)
    params = {
        'W0': _glorot(ks[2], (IN_FEATS, H)), 'b0': jnp.zeros((H,), jnp.float32),
        'W1': _glorot(ks[3], (H, H)), 'b1': jnp.zeros((H,), jnp.float32),
        'W2': _glorot(ks[4], (H, H)), 'b2': jnp.zeros((H,), jnp.float32),
        'W3': _glorot(ks[5], (H, H)), 'b3': jnp.zeros((H,), jnp.float32),
        'gamma': jnp.ones((H,), jnp.float32), 'beta': jnp.zeros((H,), jnp.float32),
        'Wr0': _glorot(ks[6], (H, H // 2)), 'br0': jnp.zeros((H // 2,), jnp.float32),
        'Wr1': _glorot(ks[7], (H // 2, H // 4)), 'br1': jnp.zeros((H // 4,), jnp.float32),
        'Wr2': _glorot(ks[8], (H // 4, C)), 'br2': jnp.zeros((C,), jnp.float32),
    }
    return {'x': x, 'edge_index': edge_index, **params}


def _graph_conv(h, src, dst, W, b):
    # DGL GraphConv, norm='both', allow_zero_in_degree=True
    out_deg = jnp.zeros((N,), jnp.float32).at[src].add(1.0)
    in_deg = jnp.zeros((N,), jnp.float32).at[dst].add(1.0)
    norm_src = jnp.where(out_deg > 0, out_deg ** -0.5, 0.0)
    norm_dst = jnp.where(in_deg > 0, in_deg ** -0.5, 0.0)
    h = h * norm_src[:, None]
    msgs = h[src]  # gather over edges
    agg = jnp.zeros((N, h.shape[1]), jnp.float32).at[dst].add(msgs)  # scatter-add
    agg = agg * norm_dst[:, None]
    return agg @ W + b


def _batch_norm(h, gamma, beta, eps=1e-5):
    mu = jnp.mean(h, axis=0, keepdims=True)
    var = jnp.var(h, axis=0, keepdims=True)
    return gamma * (h - mu) / jnp.sqrt(var + eps) + beta


def reference(x, edge_index, W0, b0, W1, b1, W2, b2, W3, b3, gamma, beta,
              Wr0, br0, Wr1, br1, Wr2, br2):
    src, dst = edge_index[0], edge_index[1]
    h = x
    for (W, b) in ((W0, b0), (W1, b1), (W2, b2), (W3, b3)):
        h = _graph_conv(h, src, dst, W, b)
        h = _batch_norm(h, gamma, beta)
        h = jax.nn.relu(h)
    # AvgPooling over the single graph -> [1, H]
    hg = jnp.mean(h, axis=0, keepdims=True)
    # MLPReadout (L=2): FC -> relu -> FC -> relu -> FC
    y = jax.nn.relu(hg @ Wr0 + br0)
    y = jax.nn.relu(y @ Wr1 + br1)
    y = y @ Wr2 + br2
    return jax.nn.log_softmax(y, axis=0)

if __name__ == "__main__":
    import jax
    _d = setup_inputs()
    print(jax.jit(kernel)(*tuple(_d.values())))

</pallas_src>

<mosaic_0001>
#map = affine_map<(d0, d1) -> (0)>
module attributes {stable_mosaic.version = 14 : i64} {
  func.func @deg_kernel(%arg0: i32, %arg1: i32, %arg2: memref<327680xi32, #tpu.memory_space<hbm>>, %arg3: memref<327680xi32, #tpu.memory_space<hbm>>, %arg4: memref<40960xf32, #tpu.memory_space<hbm>>, %arg5: memref<128xi32, #tpu.memory_space<vmem>>, %arg6: memref<128xi32, #tpu.memory_space<vmem>>, %arg7: memref<128xi32, #tpu.memory_space<vmem>>, %arg8: memref<128xi32, #tpu.memory_space<vmem>>, %arg9: memref<128xf32, #tpu.memory_space<vmem>>, %arg10: memref<640xf32, #tpu.memory_space<vmem>>, %arg11: memref<10240xf32, #tpu.memory_space<vmem_shared>>, %arg12: memref<10240xf32, #tpu.memory_space<vmem_shared>>, %arg13: memref<!tpu.dma_semaphore, #tpu.memory_space<semaphore_mem>>, %arg14: memref<!tpu.dma_semaphore, #tpu.memory_space<semaphore_mem>>, %arg15: memref<!tpu.dma_semaphore, #tpu.memory_space<semaphore_mem>>, %arg16: memref<!tpu.dma_semaphore, #tpu.memory_space<semaphore_mem>>) attributes {dimension_semantics = [#tpu.dimension_semantics<core_parallel>, #tpu.dimension_semantics<subcore_parallel>], iteration_bounds = array<i64: 2, 16>, scalar_prefetch = 0 : i64, scratch_operands = 12 : i64, tpu.core_type = #tpu.core_type<sc_vector_subcore>, window_params = [{transform_indices = #map}, {transform_indices = #map}, {transform_indices = #map}]} {
    %broadcast_in_dim3A = arith.constant 1.000000e+00 : f32
    %broadcast_in_dim3A_0 = vector.broadcast %broadcast_in_dim3A : f32 to vector<16xf32>
    %swap3A = arith.constant 0 : index
    %swap3A_1 = tpu.vector_load %arg9[%swap3A] {strides = array<i32>} : memref<128xf32, #tpu.memory_space<vmem>>, vector<16xf32>,
    %swap3A_2 = vector.shape_cast %swap3A_1 : vector<16xf32> to vector<16xf32>
    %swap3A_3 = vector.shape_cast %broadcast_in_dim3A_0 : vector<16xf32> to vector<16xf32>
    tpu.vector_store %arg9[%swap3A], %swap3A_3 {strides = array<i32>} : memref<128xf32, #tpu.memory_space<vmem>>, vector<16xf32>,
    %swap3A_4 = arith.constant 16 : index
    %swap3A_5 = tpu.vector_load %arg9[%swap3A_4] {strides = array<i32>} : memref<128xf32, #tpu.memory_space<vmem>>, vector<16xf32>,
    %swap3A_6 = vector.shape_cast %swap3A_5 : vector<16xf32> to vector<16xf32>
    %swap3A_7 = vector.shape_cast %broadcast_in_dim3A_0 : vector<16xf32> to vector<16xf32>
    tpu.vector_store %arg9[%swap3A_4], %swap3A_7 {strides = array<i32>} : memref<128xf32, #tpu.memory_space<vmem>>, vector<16xf32>,
    %swap3A_8 = arith.constant 32 : index
    %swap3A_9 = tpu.vector_load %arg9[%swap3A_8] {strides = array<i32>} : memref<128xf32, #tpu.memory_space<vmem>>, vector<16xf32>,
    %swap3A_10 = vector.shape_cast %swap3A_9 : vector<16xf32> to vector<16xf32>
    %swap3A_11 = vector.shape_cast %broadcast_in_dim3A_0 : vector<16xf32> to vector<16xf32>
    tpu.vector_store %arg9[%swap3A_8], %swap3A_11 {strides = array<i32>} : memref<128xf32, #tpu.memory_space<vmem>>, vector<16xf32>,
    %swap3A_12 = arith.constant 48 : index
    %swap3A_13 = tpu.vector_load %arg9[%swap3A_12] {strides = array<i32>} : memref<128xf32, #tpu.memory_space<vmem>>, vector<16xf32>,
    %swap3A_14 = vector.shape_cast %swap3A_13 : vector<16xf32> to vector<16xf32>
    %swap3A_15 = vector.shape_cast %broadcast_in_dim3A_0 : vector<16xf32> to vector<16xf32>
    tpu.vector_store %arg9[%swap3A_12], %swap3A_15 {strides = array<i32>} : memref<128xf32, #tpu.memory_space<vmem>>, vector<16xf32>,
    %swap3A_16 = arith.constant 64 : index
    %swap3A_17 = tpu.vector_load %arg9[%swap3A_16] {strides = array<i32>} : memref<128xf32, #tpu.memory_space<vmem>>, vector<16xf32>,
    %swap3A_18 = vector.shape_cast %swap3A_17 : vector<16xf32> to vector<16xf32>
    %swap3A_19 = vector.shape_cast %broadcast_in_dim3A_0 : vector<16xf32> to vector<16xf32>
    tpu.vector_store %arg9[%swap3A_16], %swap3A_19 {strides = array<i32>} : memref<128xf32, #tpu.memory_space<vmem>>, vector<16xf32>,
    %swap3A_20 = arith.constant 80 : index
    %swap3A_21 = tpu.vector_load %arg9[%swap3A_20] {strides = array<i32>} : memref<128xf32, #tpu.memory_space<vmem>>, vector<16xf32>,
    %swap3A_22 = vector.shape_cast %swap3A_21 : vector<16xf32> to vector<16xf32>
    %swap3A_23 = vector.shape_cast %broadcast_in_dim3A_0 : vector<16xf32> to vector<16xf32>
    tpu.vector_store %arg9[%swap3A_20], %swap3A_23 {strides = array<i32>} : memref<128xf32, #tpu.memory_space<vmem>>, vector<16xf32>,
    %swap3A_24 = arith.constant 96 : index
    %swap3A_25 = tpu.vector_load %arg9[%swap3A_24] {strides = array<i32>} : memref<128xf32, #tpu.memory_space<vmem>>, vector<16xf32>,
    %swap3A_26 = vector.shape_cast %swap3A_25 : vector<16xf32> to vector<16xf32>
    %swap3A_27 = vector.shape_cast %broadcast_in_dim3A_0 : vector<16xf32> to vector<16xf32>
    tpu.vector_store %arg9[%swap3A_24], %swap3A_27 {strides = array<i32>} : memref<128xf32, #tpu.memory_space<vmem>>, vector<16xf32>,
    %swap3A_28 = arith.constant 112 : index
    %swap3A_29 = tpu.vector_load %arg9[%swap3A_28] {strides = array<i32>} : memref<128xf32, #tpu.memory_space<vmem>>, vector<16xf32>,
    %swap3A_30 = vector.shape_cast %swap3A_29 : vector<16xf32> to vector<16xf32>
    %swap3A_31 = vector.shape_cast %broadcast_in_dim3A_0 : vector<16xf32> to vector<16xf32>
    tpu.vector_store %arg9[%swap3A_28], %swap3A_31 {strides = array<i32>} : memref<128xf32, #tpu.memory_space<vmem>>, vector<16xf32>,
    %broadcast_in_dim3A_32 = arith.constant 0.000000e+00 : f32
    %broadcast_in_dim3A_33 = vector.broadcast %broadcast_in_dim3A_32 : f32 to vector<16xf32>
    %swap3A_34 = arith.constant 0 : index
    %swap3A_35 = tpu.vector_load %arg10[%swap3A_34] {strides = array<i32>} : memref<640xf32, #tpu.memory_space<vmem>>, vector<16xf32>,
    %swap3A_36 = vector.shape_cast %swap3A_35 : vector<16xf32> to vector<16xf32>
    %swap3A_37 = vector.shape_cast %broadcast_in_dim3A_33 : vector<16xf32> to vector<16xf32>
    tpu.vector_store %arg10[%swap3A_34], %swap3A_37 {strides = array<i32>} : memref<640xf32, #tpu.memory_space<vmem>>, vector<16xf32>,
    %swap3A_38 = arith.constant 16 : index
    %swap3A_39 = tpu.vector_load %arg10[%swap3A_38] {strides = array<i32>} : memref<640xf32, #tpu.memory_space<vmem>>, vector<16xf32>,
    %swap3A_40 = vector.shape_cast %swap3A_39 : vector<16xf32> to vector<16xf32>
    %swap3A_41 = vector.shape_cast %broadcast_in_dim3A_33 : vector<16xf32> to vector<16xf32>
    tpu.vector_store %arg10[%swap3A_38], %swap3A_41 {strides = array<i32>} : memref<640xf32, #tpu.memory_space<vmem>>, vector<16xf32>,
    %swap3A_42 = arith.constant 32 : index
    %swap3A_43 = tpu.vector_load %arg10[%swap3A_42] {strides = array<i32>} : memref<640xf32, #tpu.memory_space<vmem>>, vector<16xf32>,
    %swap3A_44 = vector.shape_cast %swap3A_43 : vector<16xf32> to vector<16xf32>
    %swap3A_45 = vector.shape_cast %broadcast_in_dim3A_33 : vector<16xf32> to vector<16xf32>
    tpu.vector_store %arg10[%swap3A_42], %swap3A_45 {strides = array<i32>} : memref<640xf32, #tpu.memory_space<vmem>>, vector<16xf32>,
    %swap3A_46 = arith.constant 48 : index
    %swap3A_47 = tpu.vector_load %arg10[%swap3A_46] {strides = array<i32>} : memref<640xf32, #tpu.memory_space<vmem>>, vector<16xf32>,
    %swap3A_48 = vector.shape_cast %swap3A_47 : vector<16xf32> to vector<16xf32>
    %swap3A_49 = vector.shape_cast %broadcast_in_dim3A_33 : vector<16xf32> to vector<16xf32>
    tpu.vector_store %arg10[%swap3A_46], %swap3A_49 {strides = array<i32>} : memref<640xf32, #tpu.memory_space<vmem>>, vector<16xf32>,
    %swap3A_50 = arith.constant 64 : index
    %swap3A_51 = tpu.vector_load %arg10[%swap3A_50] {strides = array<i32>} : memref<640xf32, #tpu.memory_space<vmem>>, vector<16xf32>,
    %swap3A_52 = vector.shape_cast %swap3A_51 : vector<16xf32> to vector<16xf32>
    %swap3A_53 = vector.shape_cast %broadcast_in_dim3A_33 : vector<16xf32> to vector<16xf32>
    tpu.vector_store %arg10[%swap3A_50], %swap3A_53 {strides = array<i32>} : memref<640xf32, #tpu.memory_space<vmem>>, vector<16xf32>,
    %swap3A_54 = arith.constant 80 : index
    %swap3A_55 = tpu.vector_load %arg10[%swap3A_54] {strides = array<i32>} : memref<640xf32, #tpu.memory_space<vmem>>, vector<16xf32>,
    %swap3A_56 = vector.shape_cast %swap3A_55 : vector<16xf32> to vector<16xf32>
    %swap3A_57 = vector.shape_cast %broadcast_in_dim3A_33 : vector<16xf32> to vector<16xf32>
    tpu.vector_store %arg10[%swap3A_54], %swap3A_57 {strides = array<i32>} : memref<640xf32, #tpu.memory_space<vmem>>, vector<16xf32>,
    %swap3A_58 = arith.constant 96 : index
    %swap3A_59 = tpu.vector_load %arg10[%swap3A_58] {strides = array<i32>} : memref<640xf32, #tpu.memory_space<vmem>>, vector<16xf32>,
    %swap3A_60 = vector.shape_cast %swap3A_59 : vector<16xf32> to vector<16xf32>
    %swap3A_61 = vector.shape_cast %broadcast_in_dim3A_33 : vector<16xf32> to vector<16xf32>
    tpu.vector_store %arg10[%swap3A_58], %swap3A_61 {strides = array<i32>} : memref<640xf32, #tpu.memory_space<vmem>>, vector<16xf32>,
    %swap3A_62 = arith.constant 112 : index
    %swap3A_63 = tpu.vector_load %arg10[%swap3A_62] {strides = array<i32>} : memref<640xf32, #tpu.memory_space<vmem>>, vector<16xf32>,
    %swap3A_64 = vector.shape_cast %swap3A_63 : vector<16xf32> to vector<16xf32>
    %swap3A_65 = vector.shape_cast %broadcast_in_dim3A_33 : vector<16xf32> to vector<16xf32>
    tpu.vector_store %arg10[%swap3A_62], %swap3A_65 {strides = array<i32>} : memref<640xf32, #tpu.memory_space<vmem>>, vector<16xf32>,
    %swap3A_66 = arith.constant 128 : index
    %swap3A_67 = tpu.vector_load %arg10[%swap3A_66] {strides = array<i32>} : memref<640xf32, #tpu.memory_space<vmem>>, vector<16xf32>,
    %swap3A_68 = vector.shape_cast %swap3A_67 : vector<16xf32> to vector<16xf32>
    %swap3A_69 = vector.shape_cast %broadcast_in_dim3A_33 : vector<16xf32> to vector<16xf32>
    tpu.vector_store %arg10[%swap3A_66], %swap3A_69 {strides = array<i32>} : memref<640xf32, #tpu.memory_space<vmem>>, vector<16xf32>,
    %swap3A_70 = arith.constant 144 : index
    %swap3A_71 = tpu.vector_load %arg10[%swap3A_70] {strides = array<i32>} : memref<640xf32, #tpu.memory_space<vmem>>, vector<16xf32>,
    %swap3A_72 = vector.shape_cast %swap3A_71 : vector<16xf32> to vector<16xf32>
    %swap3A_73 = vector.shape_cast %broadcast_in_dim3A_33 : vector<16xf32> to vector<16xf32>
    tpu.vector_store %arg10[%swap3A_70], %swap3A_73 {strides = array<i32>} : memref<640xf32, #tpu.memory_space<vmem>>, vector<16xf32>,
    %swap3A_74 = arith.constant 160 : index
    %swap3A_75 = tpu.vector_load %arg10[%swap3A_74] {strides = array<i32>} : memref<640xf32, #tpu.memory_space<vmem>>, vector<16xf32>,
    %swap3A_76 = vector.shape_cast %swap3A_75 : vector<16xf32> to vector<16xf32>
    %swap3A_77 = vector.shape_cast %broadcast_in_dim3A_33 : vector<16xf32> to vector<16xf32>
    tpu.vector_store %arg10[%swap3A_74], %swap3A_77 {strides = array<i32>} : memref<640xf32, #tpu.memory_space<vmem>>, vector<16xf32>,
    %swap3A_78 = arith.constant 176 : index
    %swap3A_79 = tpu.vector_load %arg10[%swap3A_78] {strides = array<i32>} : memref<640xf32, #tpu.memory_space<vmem>>, vector<16xf32>,
    %swap3A_80 = vector.shape_cast %swap3A_79 : vector<16xf32> to vector<16xf32>
    %swap3A_81 = vector.shape_cast %broadcast_in_dim3A_33 : vector<16xf32> to vector<16xf32>
    tpu.vector_store %arg10[%swap3A_78], %swap3A_81 {strides = array<i32>} : memref<640xf32, #tpu.memory_space<vmem>>, vector<16xf32>,
    %swap3A_82 = arith.constant 192 : index
    %swap3A_83 = tpu.vector_load %arg10[%swap3A_82] {strides = array<i32>} : memref<640xf32, #tpu.memory_space<vmem>>, vector<16xf32>,
    %swap3A_84 = vector.shape_cast %swap3A_83 : vector<16xf32> to vector<16xf32>
    %swap3A_85 = vector.shape_cast %broadcast_in_dim3A_33 : vector<16xf32> to vector<16xf32>
    tpu.vector_store %arg10[%swap3A_82], %swap3A_85 {strides = array<i32>} : memref<640xf32, #tpu.memory_space<vmem>>, vector<16xf32>,
    %swap3A_86 = arith.constant 208 : index
    %swap3A_87 = tpu.vector_load %arg10[%swap3A_86] {strides = array<i32>} : memref<640xf32, #tpu.memory_space<vmem>>, vector<16xf32>,
    %swap3A_88 = vector.shape_cast %swap3A_87 : vector<16xf32> to vector<16xf32>
    %swap3A_89 = vector.shape_cast %broadcast_in_dim3A_33 : vector<16xf32> to vector<16xf32>
    tpu.vector_store %arg10[%swap3A_86], %swap3A_89 {strides = array<i32>} : memref<640xf32, #tpu.memory_space<vmem>>, vector<16xf32>,
    %swap3A_90 = arith.constant 224 : index
    %swap3A_91 = tpu.vector_load %arg10[%swap3A_90] {strides = array<i32>} : memref<640xf32, #tpu.memory_space<vmem>>, vector<16xf32>,
    %swap3A_92 = vector.shape_cast %swap3A_91 : vector<16xf32> to vector<16xf32>
    %swap3A_93 = vector.shape_cast %broadcast_in_dim3A_33 : vector<16xf32> to vector<16xf32>
    tpu.vector_store %arg10[%swap3A_90], %swap3A_93 {strides = array<i32>} : memref<640xf32, #tpu.memory_space<vmem>>, vector<16xf32>,
    %swap3A_94 = arith.constant 240 : index
    %swap3A_95 = tpu.vector_load %arg10[%swap3A_94] {strides = array<i32>} : memref<640xf32, #tpu.memory_space<vmem>>, vector<16xf32>,
    %swap3A_96 = vector.shape_cast %swap3A_95 : vector<16xf32> to vector<16xf32>
    %swap3A_97 = vector.shape_cast %broadcast_in_dim3A_33 : vector<16xf32> to vector<16xf32>
    tpu.vector_store %arg10[%swap3A_94], %swap3A_97 {strides = array<i32>} : memref<640xf32, #tpu.memory_space<vmem>>, vector<16xf32>,
    %swap3A_98 = arith.constant 256 : index
    %swap3A_99 = tpu.vector_load %arg10[%swap3A_98] {strides = array<i32>} : memref<640xf32, #tpu.memory_space<vmem>>, vector<16xf32>,
    %swap3A_100 = vector.shape_cast %swap3A_99 : vector<16xf32> to vector<16xf32>
    %swap3A_101 = vector.shape_cast %broadcast_in_dim3A_33 : vector<16xf32> to vector<16xf32>
    tpu.vector_store %arg10[%swap3A_98], %swap3A_101 {strides = array<i32>} : memref<640xf32, #tpu.memory_space<vmem>>, vector<16xf32>,
    %swap3A_102 = arith.constant 272 : index
    %swap3A_103 = tpu.vector_load %arg10[%swap3A_102] {strides = array<i32>} : memref<640xf32, #tpu.memory_space<vmem>>, vector<16xf32>,
    %swap3A_104 = vector.shape_cast %swap3A_103 : vector<16xf32> to vector<16xf32>
    %swap3A_105 = vector.shape_cast %broadcast_in_dim3A_33 : vector<16xf32> to vector<16xf32>
    tpu.vector_store %arg10[%swap3A_102], %swap3A_105 {strides = array<i32>} : memref<640xf32, #tpu.memory_space<vmem>>, vector<16xf32>,
    %swap3A_106 = arith.constant 288 : index
    %swap3A_107 = tpu.vector_load %arg10[%swap3A_106] {strides = array<i32>} : memref<640xf32, #tpu.memory_space<vmem>>, vector<16xf32>,
    %swap3A_108 = vector.shape_cast %swap3A_107 : vector<16xf32> to vector<16xf32>
    %swap3A_109 = vector.shape_cast %broadcast_in_dim3A_33 : vector<16xf32> to vector<16xf32>
    tpu.vector_store %arg10[%swap3A_106], %swap3A_109 {strides = array<i32>} : memref<640xf32, #tpu.memory_space<vmem>>, vector<16xf32>,
    %swap3A_110 = arith.constant 304 : index
    %swap3A_111 = tpu.vector_load %arg10[%swap3A_110] {strides = array<i32>} : memref<640xf32, #tpu.memory_space<vmem>>, vector<16xf32>,
    %swap3A_112 = vector.shape_cast %swap3A_111 : vector<16xf32> to vector<16xf32>
    %swap3A_113 = vector.shape_cast %broadcast_in_dim3A_33 : vector<16xf32> to vector<16xf32>
    tpu.vector_store %arg10[%swap3A_110], %swap3A_113 {strides = array<i32>} : memref<640xf32, #tpu.memory_space<vmem>>, vector<16xf32>,
    %swap3A_114 = arith.constant 320 : index
    %swap3A_115 = tpu.vector_load %arg10[%swap3A_114] {strides = array<i32>} : memref<640xf32, #tpu.memory_space<vmem>>, vector<16xf32>,
    %swap3A_116 = vector.shape_cast %swap3A_115 : vector<16xf32> to vector<16xf32>
    %swap3A_117 = vector.shape_cast %broadcast_in_dim3A_33 : vector<16xf32> to vector<16xf32>
    tpu.vector_store %arg10[%swap3A_114], %swap3A_117 {strides = array<i32>} : memref<640xf32, #tpu.memory_space<vmem>>, vector<16xf32>,
    %swap3A_118 = arith.constant 336 : index
    %swap3A_119 = tpu.vector_load %arg10[%swap3A_118] {strides = array<i32>} : memref<640xf32, #tpu.memory_space<vmem>>, vector<16xf32>,
    %swap3A_120 = vector.shape_cast %swap3A_119 : vector<16xf32> to vector<16xf32>
    %swap3A_121 = vector.shape_cast %broadcast_in_dim3A_33 : vector<16xf32> to vector<16xf32>
    tpu.vector_store %arg10[%swap3A_118], %swap3A_121 {strides = array<i32>} : memref<640xf32, #tpu.memory_space<vmem>>, vector<16xf32>,
    %swap3A_122 = arith.constant 352 : index
    %swap3A_123 = tpu.vector_load %arg10[%swap3A_122] {strides = array<i32>} : memref<640xf32, #tpu.memory_space<vmem>>, vector<16xf32>,
    %swap3A_124 = vector.shape_cast %swap3A_123 : vector<16xf32> to vector<16xf32>
    %swap3A_125 = vector.shape_cast %broadcast_in_dim3A_33 : vector<16xf32> to vector<16xf32>
    tpu.vector_store %arg10[%swap3A_122], %swap3A_125 {strides = array<i32>} : memref<640xf32, #tpu.memory_space<vmem>>, vector<16xf32>,
    %swap3A_126 = arith.constant 368 : index
    %swap3A_127 = tpu.vector_load %arg10[%swap3A_126] {strides = array<i32>} : memref<640xf32, #tpu.memory_space<vmem>>, vector<16xf32>,
    %swap3A_128 = vector.shape_cast %swap3A_127 : vector<16xf32> to vector<16xf32>
    %swap3A_129 = vector.shape_cast %broadcast_in_dim3A_33 : vector<16xf32> to vector<16xf32>
    tpu.vector_store %arg10[%swap3A_126], %swap3A_129 {strides = array<i32>} : memref<640xf32, #tpu.memory_space<vmem>>, vector<16xf32>,
    %swap3A_130 = arith.constant 384 : index
    %swap3A_131 = tpu.vector_load %arg10[%swap3A_130] {strides = array<i32>} : memref<640xf32, #tpu.memory_space<vmem>>, vector<16xf32>,
    %swap3A_132 = vector.shape_cast %swap3A_131 : vector<16xf32> to vector<16xf32>
    %swap3A_133 = vector.shape_cast %broadcast_in_dim3A_33 : vector<16xf32> to vector<16xf32>
    tpu.vector_store %arg10[%swap3A_130], %swap3A_133 {strides = array<i32>} : memref<640xf32, #tpu.memory_space<vmem>>, vector<16xf32>,
    %swap3A_134 = arith.constant 400 : index
    %swap3A_135 = tpu.vector_load %arg10[%swap3A_134] {strides = array<i32>} : memref<640xf32, #tpu.memory_space<vmem>>, vector<16xf32>,
    %swap3A_136 = vector.shape_cast %swap3A_135 : vector<16xf32> to vector<16xf32>
    %swap3A_137 = vector.shape_cast %broadcast_in_dim3A_33 : vector<16xf32> to vector<16xf32>
    tpu.vector_store %arg10[%swap3A_134], %swap3A_137 {strides = array<i32>} : memref<640xf32, #tpu.memory_space<vmem>>, vector<16xf32>,
    %swap3A_138 = arith.constant 416 : index
    %swap3A_139 = tpu.vector_load %arg10[%swap3A_138] {strides = array<i32>} : memref<640xf32, #tpu.memory_space<vmem>>, vector<16xf32>,
    %swap3A_140 = vector.shape_cast %swap3A_139 : vector<16xf32> to vector<16xf32>
    %swap3A_141 = vector.shape_cast %broadcast_in_dim3A_33 : vector<16xf32> to vector<16xf32>
    tpu.vector_store %arg10[%swap3A_138], %swap3A_141 {strides = array<i32>} : memref<640xf32, #tpu.memory_space<vmem>>, vector<16xf32>,
    %swap3A_142 = arith.constant 432 : index
    %swap3A_143 = tpu.vector_load %arg10[%swap3A_142] {strides = array<i32>} : memref<640xf32, #tpu.memory_space<vmem>>, vector<16xf32>,
    %swap3A_144 = vector.shape_cast %swap3A_143 : vector<16xf32> to vector<16xf32>
    %swap3A_145 = vector.shape_cast %broadcast_in_dim3A_33 : vector<16xf32> to vector<16xf32>
    tpu.vector_store %arg10[%swap3A_142], %swap3A_145 {strides = array<i32>} : memref<640xf32, #tpu.memory_space<vmem>>, vector<16xf32>,
    %swap3A_146 = arith.constant 448 : index
    %swap3A_147 = tpu.vector_load %arg10[%swap3A_146] {strides = array<i32>} : memref<640xf32, #tpu.memory_space<vmem>>, vector<16xf32>,
    %swap3A_148 = vector.shape_cast %swap3A_147 : vector<16xf32> to vector<16xf32>
    %swap3A_149 = vector.shape_cast %broadcast_in_dim3A_33 : vector<16xf32> to vector<16xf32>
    tpu.vector_store %arg10[%swap3A_146], %swap3A_149 {strides = array<i32>} : memref<640xf32, #tpu.memory_space<vmem>>, vector<16xf32>,
    %swap3A_150 = arith.constant 464 : index
    %swap3A_151 = tpu.vector_load %arg10[%swap3A_150] {strides = array<i32>} : memref<640xf32, #tpu.memory_space<vmem>>, vector<16xf32>,
    %swap3A_152 = vector.shape_cast %swap3A_151 : vector<16xf32> to vector<16xf32>
    %swap3A_153 = vector.shape_cast %broadcast_in_dim3A_33 : vector<16xf32> to vector<16xf32>
    tpu.vector_store %arg10[%swap3A_150], %swap3A_153 {strides = array<i32>} : memref<640xf32, #tpu.memory_space<vmem>>, vector<16xf32>,
    %swap3A_154 = arith.constant 480 : index
    %swap3A_155 = tpu.vector_load %arg10[%swap3A_154] {strides = array<i32>} : memref<640xf32, #tpu.memory_space<vmem>>, vector<16xf32>,
    %swap3A_156 = vector.shape_cast %swap3A_155 : vector<16xf32> to vector<16xf32>
    %swap3A_157 = vector.shape_cast %broadcast_in_dim3A_33 : vector<16xf32> to vector<16xf32>
    tpu.vector_store %arg10[%swap3A_154], %swap3A_157 {strides = array<i32>} : memref<640xf32, #tpu.memory_space<vmem>>, vector<16xf32>,
    %swap3A_158 = arith.constant 496 : index
    %swap3A_159 = tpu.vector_load %arg10[%swap3A_158] {strides = array<i32>} : memref<640xf32, #tpu.memory_space<vmem>>, vector<16xf32>,
    %swap3A_160 = vector.shape_cast %swap3A_159 : vector<16xf32> to vector<16xf32>
    %swap3A_161 = vector.shape_cast %broadcast_in_dim3A_33 : vector<16xf32> to vector<16xf32>
    tpu.vector_store %arg10[%swap3A_158], %swap3A_161 {strides = array<i32>} : memref<640xf32, #tpu.memory_space<vmem>>, vector<16xf32>,
    %swap3A_162 = arith.constant 512 : index
    %swap3A_163 = tpu.vector_load %arg10[%swap3A_162] {strides = array<i32>} : memref<640xf32, #tpu.memory_space<vmem>>, vector<16xf32>,
    %swap3A_164 = vector.shape_cast %swap3A_163 : vector<16xf32> to vector<16xf32>
    %swap3A_165 = vector.shape_cast %broadcast_in_dim3A_33 : vector<16xf32> to vector<16xf32>
    tpu.vector_store %arg10[%swap3A_162], %swap3A_165 {strides = array<i32>} : memref<640xf32, #tpu.memory_space<vmem>>, vector<16xf32>,
    %swap3A_166 = arith.constant 528 : index
    %swap3A_167 = tpu.vector_load %arg10[%swap3A_166] {strides = array<i32>} : memref<640xf32, #tpu.memory_space<vmem>>, vector<16xf32>,
    %swap3A_168 = vector.shape_cast %swap3A_167 : vector<16xf32> to vector<16xf32>
    %swap3A_169 = vector.shape_cast %broadcast_in_dim3A_33 : vector<16xf32> to vector<16xf32>
    tpu.vector_store %arg10[%swap3A_166], %swap3A_169 {strides = array<i32>} : memref<640xf32, #tpu.memory_space<vmem>>, vector<16xf32>,
    %swap3A_170 = arith.constant 544 : index
    %swap3A_171 = tpu.vector_load %arg10[%swap3A_170] {strides = array<i32>} : memref<640xf32, #tpu.memory_space<vmem>>, vector<16xf32>,
    %swap3A_172 = vector.shape_cast %swap3A_171 : vector<16xf32> to vector<16xf32>
    %swap3A_173 = vector.shape_cast %broadcast_in_dim3A_33 : vector<16xf32> to vector<16xf32>
    tpu.vector_store %arg10[%swap3A_170], %swap3A_173 {strides = array<i32>} : memref<640xf32, #tpu.memory_space<vmem>>, vector<16xf32>,
    %swap3A_174 = arith.constant 560 : index
    %swap3A_175 = tpu.vector_load %arg10[%swap3A_174] {strides = array<i32>} : memref<640xf32, #tpu.memory_space<vmem>>, vector<16xf32>,
    %swap3A_176 = vector.shape_cast %swap3A_175 : vector<16xf32> to vector<16xf32>
    %swap3A_177 = vector.shape_cast %broadcast_in_dim3A_33 : vector<16xf32> to vector<16xf32>
    tpu.vector_store %arg10[%swap3A_174], %swap3A_177 {strides = array<i32>} : memref<640xf32, #tpu.memory_space<vmem>>, vector<16xf32>,
    %swap3A_178 = arith.constant 576 : index
    %swap3A_179 = tpu.vector_load %arg10[%swap3A_178] {strides = array<i32>} : memref<640xf32, #tpu.memory_space<vmem>>, vector<16xf32>,
    %swap3A_180 = vector.shape_cast %swap3A_179 : vector<16xf32> to vector<16xf32>
    %swap3A_181 = vector.shape_cast %broadcast_in_dim3A_33 : vector<16xf32> to vector<16xf32>
    tpu.vector_store %arg10[%swap3A_178], %swap3A_181 {strides = array<i32>} : memref<640xf32, #tpu.memory_space<vmem>>, vector<16xf32>,
    %swap3A_182 = arith.constant 592 : index
    %swap3A_183 = tpu.vector_load %arg10[%swap3A_182] {strides = array<i32>} : memref<640xf32, #tpu.memory_space<vmem>>, vector<16xf32>,
    %swap3A_184 = vector.shape_cast %swap3A_183 : vector<16xf32> to vector<16xf32>
    %swap3A_185 = vector.shape_cast %broadcast_in_dim3A_33 : vector<16xf32> to vector<16xf32>
    tpu.vector_store %arg10[%swap3A_182], %swap3A_185 {strides = array<i32>} : memref<640xf32, #tpu.memory_space<vmem>>, vector<16xf32>,
    %swap3A_186 = arith.constant 608 : index
    %swap3A_187 = tpu.vector_load %arg10[%swap3A_186] {strides = array<i32>} : memref<640xf32, #tpu.memory_space<vmem>>, vector<16xf32>,
    %swap3A_188 = vector.shape_cast %swap3A_187 : vector<16xf32> to vector<16xf32>
    %swap3A_189 = vector.shape_cast %broadcast_in_dim3A_33 : vector<16xf32> to vector<16xf32>
    tpu.vector_store %arg10[%swap3A_186], %swap3A_189 {strides = array<i32>} : memref<640xf32, #tpu.memory_space<vmem>>, vector<16xf32>,
    %swap3A_190 = arith.constant 624 : index
    %swap3A_191 = tpu.vector_load %arg10[%swap3A_190] {strides = array<i32>} : memref<640xf32, #tpu.memory_space<vmem>>, vector<16xf32>,
    %swap3A_192 = vector.shape_cast %swap3A_191 : vector<16xf32> to vector<16xf32>
    %swap3A_193 = vector.shape_cast %broadcast_in_dim3A_33 : vector<16xf32> to vector<16xf32>
    tpu.vector_store %arg10[%swap3A_190], %swap3A_193 {strides = array<i32>} : memref<640xf32, #tpu.memory_space<vmem>>, vector<16xf32>,
    %mul3A = arith.constant 640 : i32
    %mul3A_194 = arith.muli %arg1, %mul3A : i32
    "tpu.region"() ({
      %run_scoped3A = tpu.sem_alloc : memref<!tpu.dma_semaphore, #tpu.memory_space<semaphore_mem>>
      %dma_start3A = tpu.memref_slice %arg11[%mul3A_194] : memref<10240xf32, #tpu.memory_space<vmem_shared>> -> memref<640xf32, #tpu.memory_space<vmem_shared>>
      %dma_start3A_227 = tpu.memref_slice %arg11[%mul3A_194] : memref<10240xf32, #tpu.memory_space<vmem_shared>> -> memref<640xf32, #tpu.memory_space<vmem_shared>>
      tpu.enqueue_dma source(%arg10 : memref<640xf32, #tpu.memory_space<vmem>>) target(%dma_start3A_227 : memref<640xf32, #tpu.memory_space<vmem_shared>>) target_semaphore(%run_scoped3A : memref<!tpu.dma_semaphore, #tpu.memory_space<semaphore_mem>>)
      %dma_wait3A = tpu.memref_slice %arg11[%mul3A_194] : memref<10240xf32, #tpu.memory_space<vmem_shared>> -> memref<640xf32, #tpu.memory_space<vmem_shared>>
      %dma_wait3A_228 = tpu.memref_slice %arg11[%mul3A_194] : memref<10240xf32, #tpu.memory_space<vmem_shared>> -> memref<640xf32, #tpu.memory_space<vmem_shared>>
      tpu.wait_dma2 semaphore(%run_scoped3A : memref<!tpu.dma_semaphore, #tpu.memory_space<semaphore_mem>>) src(%arg10 : memref<640xf32, #tpu.memory_space<vmem>>) dst(%dma_wait3A_228 : memref<640xf32, #tpu.memory_space<vmem_shared>>)
      tpu.yield
    }) : () -> ()
    %mul3A_195 = arith.constant 640 : i32
    %mul3A_196 = arith.muli %arg1, %mul3A_195 : i32
    "tpu.region"() ({
      %run_scoped3A = tpu.sem_alloc : memref<!tpu.dma_semaphore, #tpu.memory_space<semaphore_mem>>
      %dma_start3A = tpu.memref_slice %arg12[%mul3A_196] : memref<10240xf32, #tpu.memory_space<vmem_shared>> -> memref<640xf32, #tpu.memory_space<vmem_shared>>
      %dma_start3A_227 = tpu.memref_slice %arg12[%mul3A_196] : memref<10240xf32, #tpu.memory_space<vmem_shared>> -> memref<640xf32, #tpu.memory_space<vmem_shared>>
      tpu.enqueue_dma source(%arg10 : memref<640xf32, #tpu.memory_space<vmem>>) target(%dma_start3A_227 : memref<640xf32, #tpu.memory_space<vmem_shared>>) target_semaphore(%run_scoped3A : memref<!tpu.dma_semaphore, #tpu.memory_space<semaphore_mem>>)
      %dma_wait3A = tpu.memref_slice %arg12[%mul3A_196] : memref<10240xf32, #tpu.memory_space<vmem_shared>> -> memref<640xf32, #tpu.memory_space<vmem_shared>>
      %dma_wait3A_228 = tpu.memref_slice %arg12[%mul3A_196] : memref<10240xf32, #tpu.memory_space<vmem_shared>> -> memref<640xf32, #tpu.memory_space<vmem_shared>>
      tpu.wait_dma2 semaphore(%run_scoped3A : memref<!tpu.dma_semaphore, #tpu.memory_space<semaphore_mem>>) src(%arg10 : memref<640xf32, #tpu.memory_space<vmem>>) dst(%dma_wait3A_228 : memref<640xf32, #tpu.memory_space<vmem_shared>>)
      tpu.yield
    }) : () -> ()
    %barrier3A = arith.constant 0 : index
    tpu.barrier barrier_id(%barrier3A)
    %mul3A_197 = arith.constant 16 : i32
    %mul3A_198 = arith.muli %arg0, %mul3A_197 : i32
    %add3A = arith.addi %mul3A_198, %arg1 : i32
    %mul3A_199 = arith.constant 10240 : i32
    %mul3A_200 = arith.muli %add3A, %mul3A_199 : i32
    %scan3A = arith.constant 0 : i32
    %scan3A_201 = arith.constant 0 : i32
    %scan3A_202 = arith.constant 40 : i32
    %scan3A_203 = arith.addi %scan3A_201, %scan3A_202 : i32
    %scan3A_204 = arith.constant 1 : i32
    scf.for %scan3A_227 = %scan3A_201 to %scan3A_203 step %scan3A_204  : i32 {
      %mul3A_228 = arith.constant 256 : i32
      %mul3A_229 = arith.muli %scan3A_227, %mul3A_228 : i32
      %add3A_230 = arith.addi %mul3A_200, %mul3A_229 : i32
      %add3A_231 = arith.constant 0 : i32
      %add3A_232 = arith.addi %add3A_230, %add3A_231 : i32
      "tpu.region"() ({
        %run_scoped3A = tpu.sem_alloc : memref<!tpu.dma_semaphore, #tpu.memory_space<semaphore_mem>>
        %dma_start3A_253 = tpu.memref_slice %arg2[%add3A_232] : memref<327680xi32, #tpu.memory_space<hbm>> -> memref<128xi32, #tpu.memory_space<hbm>>
        %dma_start3A_254 = tpu.memref_slice %arg2[%add3A_232] : memref<327680xi32, #tpu.memory_space<hbm>> -> memref<128xi32, #tpu.memory_space<hbm>>
        tpu.enqueue_dma source(%dma_start3A_254 : memref<128xi32, #tpu.memory_space<hbm>>) target(%arg5 : memref<128xi32, #tpu.memory_space<vmem>>) target_semaphore(%run_scoped3A : memref<!tpu.dma_semaphore, #tpu.memory_space<semaphore_mem>>)
        %dma_wait3A_255 = tpu.memref_slice %arg2[%add3A_232] : memref<327680xi32, #tpu.memory_space<hbm>> -> memref<128xi32, #tpu.memory_space<hbm>>
        %dma_wait3A_256 = tpu.memref_slice %arg2[%add3A_232] : memref<327680xi32, #tpu.memory_space<hbm>> -> memref<128xi32, #tpu.memory_space<hbm>>
        tpu.wait_dma2 semaphore(%run_scoped3A : memref<!tpu.dma_semaphore, #tpu.memory_space<semaphore_mem>>) src(%dma_wait3A_256 : memref<128xi32, #tpu.memory_space<hbm>>) dst(%arg5 : memref<128xi32, #tpu.memory_space<vmem>>)
        tpu.yield
      }) : () -> ()
      %add3A_233 = arith.constant 0 : i32
      %add3A_234 = arith.addi %add3A_230, %add3A_233 : i32
      "tpu.region"() ({
        %run_scoped3A = tpu.sem_alloc : memref<!tpu.dma_semaphore, #tpu.memory_space<semaphore_mem>>
        %dma_start3A_253 = tpu.memref_slice %arg3[%add3A_234] : memref<327680xi32, #tpu.memory_space<hbm>> -> memref<128xi32, #tpu.memory_space<hbm>>
        %dma_start3A_254 = tpu.memref_slice %arg3[%add3A_234] : memref<327680xi32, #tpu.memory_space<hbm>> -> memref<128xi32, #tpu.memory_space<hbm>>
        tpu.enqueue_dma source(%dma_start3A_254 : memref<128xi32, #tpu.memory_space<hbm>>) target(%arg7 : memref<128xi32, #tpu.memory_space<vmem>>) target_semaphore(%run_scoped3A : memref<!tpu.dma_semaphore, #tpu.memory_space<semaphore_mem>>)
        %dma_wait3A_255 = tpu.memref_slice %arg3[%add3A_234] : memref<327680xi32, #tpu.memory_space<hbm>> -> memref<128xi32, #tpu.memory_space<hbm>>
        %dma_wait3A_256 = tpu.memref_slice %arg3[%add3A_234] : memref<327680xi32, #tpu.memory_space<hbm>> -> memref<128xi32, #tpu.memory_space<hbm>>
        tpu.wait_dma2 semaphore(%run_scoped3A : memref<!tpu.dma_semaphore, #tpu.memory_space<semaphore_mem>>) src(%dma_wait3A_256 : memref<128xi32, #tpu.memory_space<hbm>>) dst(%arg7 : memref<128xi32, #tpu.memory_space<vmem>>)
        tpu.yield
      }) : () -> ()
      %add3A_235 = arith.constant 128 : i32
      %add3A_236 = arith.addi %add3A_230, %add3A_235 : i32
      "tpu.region"() ({
        %run_scoped3A = tpu.sem_alloc : memref<!tpu.dma_semaphore, #tpu.memory_space<semaphore_mem>>
        %dma_start3A_253 = tpu.memref_slice %arg2[%add3A_236] : memref<327680xi32, #tpu.memory_space<hbm>> -> memref<128xi32, #tpu.memory_space<hbm>>
        %dma_start3A_254 = tpu.memref_slice %arg2[%add3A_236] : memref<327680xi32, #tpu.memory_space<hbm>> -> memref<128xi32, #tpu.memory_space<hbm>>
        tpu.enqueue_dma source(%dma_start3A_254 : memref<128xi32, #tpu.memory_space<hbm>>) target(%arg6 : memref<128xi32, #tpu.memory_space<vmem>>) target_semaphore(%run_scoped3A : memref<!tpu.dma_semaphore, #tpu.memory_space<semaphore_mem>>)
        %dma_wait3A_255 = tpu.memref_slice %arg2[%add3A_236] : memref<327680xi32, #tpu.memory_space<hbm>> -> memref<128xi32, #tpu.memory_space<hbm>>
        %dma_wait3A_256 = tpu.memref_slice %arg2[%add3A_236] : memref<327680xi32, #tpu.memory_space<hbm>> -> memref<128xi32, #tpu.memory_space<hbm>>
        tpu.wait_dma2 semaphore(%run_scoped3A : memref<!tpu.dma_semaphore, #tpu.memory_space<semaphore_mem>>) src(%dma_wait3A_256 : memref<128xi32, #tpu.memory_space<hbm>>) dst(%arg6 : memref<128xi32, #tpu.memory_space<vmem>>)
        tpu.yield
      }) : () -> ()
      %add3A_237 = arith.constant 128 : i32
      %add3A_238 = arith.addi %add3A_230, %add3A_237 : i32
      "tpu.region"() ({
        %run_scoped3A = tpu.sem_alloc : memref<!tpu.dma_semaphore, #tpu.memory_space<semaphore_mem>>
        %dma_start3A_253 = tpu.memref_slice %arg3[%add3A_238] : memref<327680xi32, #tpu.memory_space<hbm>> -> memref<128xi32, #tpu.memory_space<hbm>>
        %dma_start3A_254 = tpu.memref_slice %arg3[%add3A_238] : memref<327680xi32, #tpu.memory_space<hbm>> -> memref<128xi32, #tpu.memory_space<hbm>>
        tpu.enqueue_dma source(%dma_start3A_254 : memref<128xi32, #tpu.memory_space<hbm>>) target(%arg8 : memref<128xi32, #tpu.memory_space<vmem>>) target_semaphore(%run_scoped3A : memref<!tpu.dma_semaphore, #tpu.memory_space<semaphore_mem>>)
        %dma_wait3A_255 = tpu.memref_slice %arg3[%add3A_238] : memref<327680xi32, #tpu.memory_space<hbm>> -> memref<128xi32, #tpu.memory_space<hbm>>
        %dma_wait3A_256 = tpu.memref_slice %arg3[%add3A_238] : memref<327680xi32, #tpu.memory_space<hbm>> -> memref<128xi32, #tpu.memory_space<hbm>>
        tpu.wait_dma2 semaphore(%run_scoped3A : memref<!tpu.dma_semaphore, #tpu.memory_space<semaphore_mem>>) src(%dma_wait3A_256 : memref<128xi32, #tpu.memory_space<hbm>>) dst(%arg8 : memref<128xi32, #tpu.memory_space<vmem>>)
        tpu.yield
      }) : () -> ()
      %dma_start3A = arith.constant 0 : i32
      %dma_start3A_239 = tpu.memref_slice %arg11[%dma_start3A] : memref<10240xf32, #tpu.memory_space<vmem_shared>> -> memref<10240xf32, #tpu.memory_space<vmem_shared>>
      tpu.enqueue_indirect_dma source(%arg9 : memref<128xf32, #tpu.memory_space<vmem>>) target(%dma_start3A_239 : memref<10240xf32, #tpu.memory_space<vmem_shared>>) offsets(%arg5 : memref<128xi32, #tpu.memory_space<vmem>>) semaphore(%arg13 : memref<!tpu.dma_semaphore, #tpu.memory_space<semaphore_mem>>) {add = true}
      %dma_start3A_240 = arith.constant 0 : i32
      %dma_start3A_241 = tpu.memref_slice %arg12[%dma_start3A_240] : memref<10240xf32, #tpu.memory_space<vmem_shared>> -> memref<10240xf32, #tpu.memory_space<vmem_shared>>
      tpu.enqueue_indirect_dma source(%arg9 : memref<128xf32, #tpu.memory_space<vmem>>) target(%dma_start3A_241 : memref<10240xf32, #tpu.memory_space<vmem_shared>>) offsets(%arg7 : memref<128xi32, #tpu.memory_space<vmem>>) semaphore(%arg14 : memref<!tpu.dma_semaphore, #tpu.memory_space<semaphore_mem>>) {add = true}
      %dma_start3A_242 = arith.constant 0 : i32
      %dma_start3A_243 = tpu.memref_slice %arg11[%dma_start3A_242] : memref<10240xf32, #tpu.memory_space<vmem_shared>> -> memref<10240xf32, #tpu.memory_space<vmem_shared>>
      tpu.enqueue_indirect_dma source(%arg9 : memref<128xf32, #tpu.memory_space<vmem>>) target(%dma_start3A_243 : memref<10240xf32, #tpu.memory_space<vmem_shared>>) offsets(%arg6 : memref<128xi32, #tpu.memory_space<vmem>>) semaphore(%arg15 : memref<!tpu.dma_semaphore, #tpu.memory_space<semaphore_mem>>) {add = true}
      %dma_start3A_244 = arith.constant 0 : i32
      %dma_start3A_245 = tpu.memref_slice %arg12[%dma_start3A_244] : memref<10240xf32, #tpu.memory_space<vmem_shared>> -> memref<10240xf32, #tpu.memory_space<vmem_shared>>
      tpu.enqueue_indirect_dma source(%arg9 : memref<128xf32, #tpu.memory_space<vmem>>) target(%dma_start3A_245 : memref<10240xf32, #tpu.memory_space<vmem_shared>>) offsets(%arg8 : memref<128xi32, #tpu.memory_space<vmem>>) semaphore(%arg16 : memref<!tpu.dma_semaphore, #tpu.memory_space<semaphore_mem>>) {add = true}
      %dma_wait3A = arith.constant 0 : i32
      %dma_wait3A_246 = tpu.memref_slice %arg11[%dma_wait3A] : memref<10240xf32, #tpu.memory_space<vmem_shared>> -> memref<10240xf32, #tpu.memory_space<vmem_shared>>
      tpu.wait_indirect_dma semaphore(%arg13 : memref<!tpu.dma_semaphore, #tpu.memory_space<semaphore_mem>>) src(%arg9 : memref<128xf32, #tpu.memory_space<vmem>>) dst(%dma_wait3A_246 : memref<10240xf32, #tpu.memory_space<vmem_shared>>)
      %dma_wait3A_247 = arith.constant 0 : i32
      %dma_wait3A_248 = tpu.memref_slice %arg12[%dma_wait3A_247] : memref<10240xf32, #tpu.memory_space<vmem_shared>> -> memref<10240xf32, #tpu.memory_space<vmem_shared>>
      tpu.wait_indirect_dma semaphore(%arg14 : memref<!tpu.dma_semaphore, #tpu.memory_space<semaphore_mem>>) src(%arg9 : memref<128xf32, #tpu.memory_space<vmem>>) dst(%dma_wait3A_248 : memref<10240xf32, #tpu.memory_space<vmem_shared>>)
      %dma_wait3A_249 = arith.constant 0 : i32
      %dma_wait3A_250 = tpu.memref_slice %arg11[%dma_wait3A_249] : memref<10240xf32, #tpu.memory_space<vmem_shared>> -> memref<10240xf32, #tpu.memory_space<vmem_shared>>
      tpu.wait_indirect_dma semaphore(%arg15 : memref<!tpu.dma_semaphore, #tpu.memory_space<semaphore_mem>>) src(%arg9 : memref<128xf32, #tpu.memory_space<vmem>>) dst(%dma_wait3A_250 : memref<10240xf32, #tpu.memory_space<vmem_shared>>)
      %dma_wait3A_251 = arith.constant 0 : i32
      %dma_wait3A_252 = tpu.memref_slice %arg12[%dma_wait3A_251] : memref<10240xf32, #tpu.memory_space<vmem_shared>> -> memref<10240xf32, #tpu.memory_space<vmem_shared>>
      tpu.wait_indirect_dma semaphore(%arg16 : memref<!tpu.dma_semaphore, #tpu.memory_space<semaphore_mem>>) src(%arg9 : memref<128xf32, #tpu.memory_space<vmem>>) dst(%dma_wait3A_252 : memref<10240xf32, #tpu.memory_space<vmem_shared>>)
    }
    %scan3A_205 = arith.constant 40 : i32
    %barrier3A_206 = arith.constant 0 : index
    tpu.barrier barrier_id(%barrier3A_206)
    %mul3A_207 = arith.constant 640 : i32
    %mul3A_208 = arith.muli %arg1, %mul3A_207 : i32
    %mul3A_209 = arith.constant 2 : i32
    %mul3A_210 = arith.muli %arg0, %mul3A_209 : i32
    %mul3A_211 = arith.constant 10240 : i32
    %mul3A_212 = arith.muli %mul3A_210, %mul3A_211 : i32
    %mul3A_213 = arith.constant 640 : i32
    %mul3A_214 = arith.muli %arg1, %mul3A_213 : i32
    %add3A_215 = arith.addi %mul3A_212, %mul3A_214 : i32
    "tpu.region"() ({
      %run_scoped3A = tpu.sem_alloc : memref<!tpu.dma_semaphore, #tpu.memory_space<semaphore_mem>>
      %dma_start3A = tpu.memref_slice %arg4[%add3A_215] : memref<40960xf32, #tpu.memory_space<hbm>> -> memref<640xf32, #tpu.memory_space<hbm>>
      %dma_start3A_227 = tpu.memref_slice %arg11[%mul3A_208] : memref<10240xf32, #tpu.memory_space<vmem_shared>> -> memref<640xf32, #tpu.memory_space<vmem_shared>>
      tpu.enqueue_dma source(%dma_start3A_227 : memref<640xf32, #tpu.memory_space<vmem_shared>>) target(%dma_start3A : memref<640xf32, #tpu.memory_space<hbm>>) target_semaphore(%run_scoped3A : memref<!tpu.dma_semaphore, #tpu.memory_space<semaphore_mem>>)
      %dma_wait3A = tpu.memref_slice %arg4[%add3A_215] : memref<40960xf32, #tpu.memory_space<hbm>> -> memref<640xf32, #tpu.memory_space<hbm>>
      %dma_wait3A_228 = tpu.memref_slice %arg11[%mul3A_208] : memref<10240xf32, #tpu.memory_space<vmem_shared>> -> memref<640xf32, #tpu.memory_space<vmem_shared>>
      tpu.wait_dma2 semaphore(%run_scoped3A : memref<!tpu.dma_semaphore, #tpu.memory_space<semaphore_mem>>) src(%dma_wait3A_228 : memref<640xf32, #tpu.memory_space<vmem_shared>>) dst(%dma_wait3A : memref<640xf32, #tpu.memory_space<hbm>>)
      tpu.yield
    }) : () -> ()
    %mul3A_216 = arith.constant 640 : i32
    %mul3A_217 = arith.muli %arg1, %mul3A_216 : i32
    %mul3A_218 = arith.constant 2 : i32
    %mul3A_219 = arith.muli %arg0, %mul3A_218 : i32
    %mul3A_220 = arith.constant 10240 : i32
    %mul3A_221 = arith.muli %mul3A_219, %mul3A_220 : i32
    %add3A_222 = arith.constant 10240 : i32
    %add3A_223 = arith.addi %mul3A_221, %add3A_222 : i32
    %mul3A_224 = arith.constant 640 : i32
    %mul3A_225 = arith.muli %arg1, %mul3A_224 : i32
    %add3A_226 = arith.addi %add3A_223, %mul3A_225 : i32
    "tpu.region"() ({
      %run_scoped3A = tpu.sem_alloc : memref<!tpu.dma_semaphore, #tpu.memory_space<semaphore_mem>>
      %dma_start3A = tpu.memref_slice %arg4[%add3A_226] : memref<40960xf32, #tpu.memory_space<hbm>> -> memref<640xf32, #tpu.memory_space<hbm>>
      %dma_start3A_227 = tpu.memref_slice %arg12[%mul3A_217] : memref<10240xf32, #tpu.memory_space<vmem_shared>> -> memref<640xf32, #tpu.memory_space<vmem_shared>>
      tpu.enqueue_dma source(%dma_start3A_227 : memref<640xf32, #tpu.memory_space<vmem_shared>>) target(%dma_start3A : memref<640xf32, #tpu.memory_space<hbm>>) target_semaphore(%run_scoped3A : memref<!tpu.dma_semaphore, #tpu.memory_space<semaphore_mem>>)
      %dma_wait3A = tpu.memref_slice %arg4[%add3A_226] : memref<40960xf32, #tpu.memory_space<hbm>> -> memref<640xf32, #tpu.memory_space<hbm>>
      %dma_wait3A_228 = tpu.memref_slice %arg12[%mul3A_217] : memref<10240xf32, #tpu.memory_space<vmem_shared>> -> memref<640xf32, #tpu.memory_space<vmem_shared>>
      tpu.wait_dma2 semaphore(%run_scoped3A : memref<!tpu.dma_semaphore, #tpu.memory_space<semaphore_mem>>) src(%dma_wait3A_228 : memref<640xf32, #tpu.memory_space<vmem_shared>>) dst(%dma_wait3A : memref<640xf32, #tpu.memory_space<hbm>>)
      tpu.yield
    }) : () -> ()
    return
  }
}

#map = affine_map<(d0, d1) -> (0, 0)>
#map1 = affine_map<(d0, d1) -> (0)>
#map2 = affine_map<(d0, d1) -> (0, 0, 0)>
module attributes {stable_mosaic.version = 14 : i64} {
  func.func @agg_kernel(%arg0: i32, %arg1: i32, %arg2: memref<10000x128xf32, #tpu.memory_space<hbm>>, %arg3: memref<327680xi32, #tpu.memory_space<hbm>>, %arg4: memref<327680xi32, #tpu.memory_space<hbm>>, %arg5: memref<2x10240x128xf32, #tpu.memory_space<hbm>>, %arg6: memref<128xi32, #tpu.memory_space<vmem>>, %arg7: memref<128xi32, #tpu.memory_space<vmem>>, %arg8: memref<128xi32, #tpu.memory_space<vmem>>, %arg9: memref<128xi32, #tpu.memory_space<vmem>>, %arg10: memref<128x128xf32, #tpu.memory_space<vmem>>, %arg11: memref<128x128xf32, #tpu.memory_space<vmem>>, %arg12: memref<64x128xf32, #tpu.memory_space<vmem>>, %arg13: memref<10240x128xf32, #tpu.memory_space<vmem_shared>>, %arg14: memref<!tpu.dma_semaphore, #tpu.memory_space<semaphore_mem>>, %arg15: memref<!tpu.dma_semaphore, #tpu.memory_space<semaphore_mem>>, %arg16: memref<!tpu.dma_semaphore, #tpu.memory_space<semaphore_mem>>, %arg17: memref<!tpu.dma_semaphore, #tpu.memory_space<semaphore_mem>>) attributes {dimension_semantics = [#tpu.dimension_semantics<core_parallel>, #tpu.dimension_semantics<subcore_parallel>], iteration_bounds = array<i64: 2, 16>, scalar_prefetch = 0 : i64, scratch_operands = 12 : i64, tpu.core_type = #tpu.core_type<sc_vector_subcore>, window_params = [{transform_indices = #map}, {transform_indices = #map1}, {transform_indices = #map1}, {transform_indices = #map2}]} {
    %scan3A = arith.constant 0 : i32
    %scan3A_0 = arith.constant 0 : i32
    %scan3A_1 = arith.constant 64 : i32
    %scan3A_2 = arith.addi %scan3A_0, %scan3A_1 : i32
    %scan3A_3 = arith.constant 1 : i32
    scf.for %scan3A_59 = %scan3A_0 to %scan3A_2 step %scan3A_3  : i32 {
      %broadcast_in_dim3A = arith.constant 0.000000e+00 : f32
      %broadcast_in_dim3A_60 = vector.broadcast %broadcast_in_dim3A : f32 to vector<16xf32>
      %swap3A = arith.index_cast %scan3A_59 : i32 to index
      %swap3A_61 = arith.constant 0 : index
      %swap3A_62 = tpu.vector_load %arg12[%swap3A, %swap3A_61] {strides = array<i32>} : memref<64x128xf32, #tpu.memory_space<vmem>>, vector<1x16xf32>,
      %swap3A_63 = vector.shape_cast %swap3A_62 : vector<1x16xf32> to vector<16xf32>
      %swap3A_64 = vector.shape_cast %broadcast_in_dim3A_60 : vector<16xf32> to vector<1x16xf32>
      tpu.vector_store %arg12[%swap3A, %swap3A_61], %swap3A_64 {strides = array<i32>} : memref<64x128xf32, #tpu.memory_space<vmem>>, vector<1x16xf32>,
      %swap3A_65 = arith.index_cast %scan3A_59 : i32 to index
      %swap3A_66 = arith.constant 16 : index
      %swap3A_67 = tpu.vector_load %arg12[%swap3A_65, %swap3A_66] {strides = array<i32>} : memref<64x128xf32, #tpu.memory_space<vmem>>, vector<1x16xf32>,
      %swap3A_68 = vector.shape_cast %swap3A_67 : vector<1x16xf32> to vector<16xf32>
      %swap3A_69 = vector.shape_cast %broadcast_in_dim3A_60 : vector<16xf32> to vector<1x16xf32>
      tpu.vector_store %arg12[%swap3A_65, %swap3A_66], %swap3A_69 {strides = array<i32>} : memref<64x128xf32, #tpu.memory_space<vmem>>, vector<1x16xf32>,
      %swap3A_70 = arith.index_cast %scan3A_59 : i32 to index
      %swap3A_71 = arith.constant 32 : index
      %swap3A_72 = tpu.vector_load %arg12[%swap3A_70, %swap3A_71] {strides = array<i32>} : memref<64x128xf32, #tpu.memory_space<vmem>>, vector<1x16xf32>,
      %swap3A_73 = vector.shape_cast %swap3A_72 : vector<1x16xf32> to vector<16xf32>
      %swap3A_74 = vector.shape_cast %broadcast_in_dim3A_60 : vector<16xf32> to vector<1x16xf32>
      tpu.vector_store %arg12[%swap3A_70, %swap3A_71], %swap3A_74 {strides = array<i32>} : memref<64x128xf32, #tpu.memory_space<vmem>>, vector<1x16xf32>,
      %swap3A_75 = arith.index_cast %scan3A_59 : i32 to index
      %swap3A_76 = arith.constant 48 : index
      %swap3A_77 = tpu.vector_load %arg12[%swap3A_75, %swap3A_76] {strides = array<i32>} : memref<64x128xf32, #tpu.memory_space<vmem>>, vector<1x16xf32>,
      %swap3A_78 = vector.shape_cast %swap3A_77 : vector<1x16xf32> to vector<16xf32>
      %swap3A_79 = vector.shape_cast %broadcast_in_dim3A_60 : vector<16xf32> to vector<1x16xf32>
      tpu.vector_store %arg12[%swap3A_75, %swap3A_76], %swap3A_79 {strides = array<i32>} : memref<64x128xf32, #tpu.memory_space<vmem>>, vector<1x16xf32>,
      %swap3A_80 = arith.index_cast %scan3A_59 : i32 to index
      %swap3A_81 = arith.constant 64 : index
      %swap3A_82 = tpu.vector_load %arg12[%swap3A_80, %swap3A_81] {strides = array<i32>} : memref<64x128xf32, #tpu.memory_space<vmem>>, vector<1x16xf32>,
      %swap3A_83 = vector.shape_cast %swap3A_82 : vector<1x16xf32> to vector<16xf32>
      %swap3A_84 = vector.shape_cast %broadcast_in_dim3A_60 : vector<16xf32> to vector<1x16xf32>
      tpu.vector_store %arg12[%swap3A_80, %swap3A_81], %swap3A_84 {strides = array<i32>} : memref<64x128xf32, #tpu.memory_space<vmem>>, vector<1x16xf32>,
      %swap3A_85 = arith.index_cast %scan3A_59 : i32 to index
      %swap3A_86 = arith.constant 80 : index
      %swap3A_87 = tpu.vector_load %arg12[%swap3A_85, %swap3A_86] {strides = array<i32>} : memref<64x128xf32, #tpu.memory_space<vmem>>, vector<1x16xf32>,
      %swap3A_88 = vector.shape_cast %swap3A_87 : vector<1x16xf32> to vector<16xf32>
      %swap3A_89 = vector.shape_cast %broadcast_in_dim3A_60 : vector<16xf32> to vector<1x16xf32>
      tpu.vector_store %arg12[%swap3A_85, %swap3A_86], %swap3A_89 {strides = array<i32>} : memref<64x128xf32, #tpu.memory_space<vmem>>, vector<1x16xf32>,
      %swap3A_90 = arith.index_cast %scan3A_59 : i32 to index
      %swap3A_91 = arith.constant 96 : index
      %swap3A_92 = tpu.vector_load %arg12[%swap3A_90, %swap3A_91] {strides = array<i32>} : memref<64x128xf32, #tpu.memory_space<vmem>>, vector<1x16xf32>,
      %swap3A_93 = vector.shape_cast %swap3A_92 : vector<1x16xf32> to vector<16xf32>
      %swap3A_94 = vector.shape_cast %broadcast_in_dim3A_60 : vector<16xf32> to vector<1x16xf32>
      tpu.vector_store %arg12[%swap3A_90, %swap3A_91], %swap3A_94 {strides = array<i32>} : memref<64x128xf32, #tpu.memory_space<vmem>>, vector<1x16xf32>,
      %swap3A_95 = arith.index_cast %scan3A_59 : i32 to index
      %swap3A_96 = arith.constant 112 : index
      %swap3A_97 = tpu.vector_load %arg12[%swap3A_95, %swap3A_96] {strides = array<i32>} : memref<64x128xf32, #tpu.memory_space<vmem>>, vector<1x16xf32>,
      %swap3A_98 = vector.shape_cast %swap3A_97 : vector<1x16xf32> to vector<16xf32>
      %swap3A_99 = vector.shape_cast %broadcast_in_dim3A_60 : vector<16xf32> to vector<1x16xf32>
      tpu.vector_store %arg12[%swap3A_95, %swap3A_96], %swap3A_99 {strides = array<i32>} : memref<64x128xf32, #tpu.memory_space<vmem>>, vector<1x16xf32>,
    }
    %scan3A_4 = arith.constant 64 : i32
    %mul3A = arith.constant 640 : i32
    %mul3A_5 = arith.muli %arg1, %mul3A : i32
    %add3A = arith.constant 0 : i32
    %add3A_6 = arith.addi %mul3A_5, %add3A : i32
    "tpu.region"() ({
      %run_scoped3A = tpu.sem_alloc : memref<!tpu.dma_semaphore, #tpu.memory_space<semaphore_mem>>
      %dma_start3A = arith.constant 0 : i32
      %dma_start3A_59 = tpu.memref_slice %arg13[%add3A_6, %dma_start3A] : memref<10240x128xf32, #tpu.memory_space<vmem_shared>> -> memref<64x128xf32, #tpu.memory_space<vmem_shared>>
      %dma_start3A_60 = arith.constant 0 : i32
      %dma_start3A_61 = tpu.memref_slice %arg13[%add3A_6, %dma_start3A_60] : memref<10240x128xf32, #tpu.memory_space<vmem_shared>> -> memref<64x128xf32, #tpu.memory_space<vmem_shared>>
      tpu.enqueue_dma source(%arg12 : memref<64x128xf32, #tpu.memory_space<vmem>>) target(%dma_start3A_61 : memref<64x128xf32, #tpu.memory_space<vmem_shared>>) target_semaphore(%run_scoped3A : memref<!tpu.dma_semaphore, #tpu.memory_space<semaphore_mem>>)
      %dma_wait3A = arith.constant 0 : i32
      %dma_wait3A_62 = tpu.memref_slice %arg13[%add3A_6, %dma_wait3A] : memref<10240x128xf32, #tpu.memory_space<vmem_shared>> -> memref<64x128xf32, #tpu.memory_space<vmem_shared>>
      %dma_wait3A_63 = arith.constant 0 : i32
      %dma_wait3A_64 = tpu.memref_slice %arg13[%add3A_6, %dma_wait3A_63] : memref<10240x128xf32, #tpu.memory_space<vmem_shared>> -> memref<64x128xf32, #tpu.memory_space<vmem_shared>>
      tpu.wait_dma2 semaphore(%run_scoped3A : memref<!tpu.dma_semaphore, #tpu.memory_space<semaphore_mem>>) src(%arg12 : memref<64x128xf32, #tpu.memory_space<vmem>>) dst(%dma_wait3A_64 : memref<64x128xf32, #tpu.memory_space<vmem_shared>>)
      tpu.yield
    }) : () -> ()
    %mul3A_7 = arith.constant 640 : i32
    %mul3A_8 = arith.muli %arg1, %mul3A_7 : i32
    %add3A_9 = arith.constant 64 : i32
    %add3A_10 = arith.addi %mul3A_8, %add3A_9 : i32
    "tpu.region"() ({
      %run_scoped3A = tpu.sem_alloc : memref<!tpu.dma_semaphore, #tpu.memory_space<semaphore_mem>>
      %dma_start3A = arith.constant 0 : i32
      %dma_start3A_59 = tpu.memref_slice %arg13[%add3A_10, %dma_start3A] : memref<10240x128xf32, #tpu.memory_space<vmem_shared>> -> memref<64x128xf32, #tpu.memory_space<vmem_shared>>
      %dma_start3A_60 = arith.constant 0 : i32
      %dma_start3A_61 = tpu.memref_slice %arg13[%add3A_10, %dma_start3A_60] : memref<10240x128xf32, #tpu.memory_space<vmem_shared>> -> memref<64x128xf32, #tpu.memory_space<vmem_shared>>
      tpu.enqueue_dma source(%arg12 : memref<64x128xf32, #tpu.memory_space<vmem>>) target(%dma_start3A_61 : memref<64x128xf32, #tpu.memory_space<vmem_shared>>) target_semaphore(%run_scoped3A : memref<!tpu.dma_semaphore, #tpu.memory_space<semaphore_mem>>)
      %dma_wait3A = arith.constant 0 : i32
      %dma_wait3A_62 = tpu.memref_slice %arg13[%add3A_10, %dma_wait3A] : memref<10240x128xf32, #tpu.memory_space<vmem_shared>> -> memref<64x128xf32, #tpu.memory_space<vmem_shared>>
      %dma_wait3A_63 = arith.constant 0 : i32
      %dma_wait3A_64 = tpu.memref_slice %arg13[%add3A_10, %dma_wait3A_63] : memref<10240x128xf32, #tpu.memory_space<vmem_shared>> -> memref<64x128xf32, #tpu.memory_space<vmem_shared>>
      tpu.wait_dma2 semaphore(%run_scoped3A : memref<!tpu.dma_semaphore, #tpu.memory_space<semaphore_mem>>) src(%arg12 : memref<64x128xf32, #tpu.memory_space<vmem>>) dst(%dma_wait3A_64 : memref<64x128xf32, #tpu.memory_space<vmem_shared>>)
      tpu.yield
    }) : () -> ()
    %mul3A_11 = arith.constant 640 : i32
    %mul3A_12 = arith.muli %arg1, %mul3A_11 : i32
    %add3A_13 = arith.constant 128 : i32
    %add3A_14 = arith.addi %mul3A_12, %add3A_13 : i32
    "tpu.region"() ({
      %run_scoped3A = tpu.sem_alloc : memref<!tpu.dma_semaphore, #tpu.memory_space<semaphore_mem>>
      %dma_start3A = arith.constant 0 : i32
      %dma_start3A_59 = tpu.memref_slice %arg13[%add3A_14, %dma_start3A] : memref<10240x128xf32, #tpu.memory_space<vmem_shared>> -> memref<64x128xf32, #tpu.memory_space<vmem_shared>>
      %dma_start3A_60 = arith.constant 0 : i32
      %dma_start3A_61 = tpu.memref_slice %arg13[%add3A_14, %dma_start3A_60] : memref<10240x128xf32, #tpu.memory_space<vmem_shared>> -> memref<64x128xf32, #tpu.memory_space<vmem_shared>>
      tpu.enqueue_dma source(%arg12 : memref<64x128xf32, #tpu.memory_space<vmem>>) target(%dma_start3A_61 : memref<64x128xf32, #tpu.memory_space<vmem_shared>>) target_semaphore(%run_scoped3A : memref<!tpu.dma_semaphore, #tpu.memory_space<semaphore_mem>>)
      %dma_wait3A = arith.constant 0 : i32
      %dma_wait3A_62 = tpu.memref_slice %arg13[%add3A_14, %dma_wait3A] : memref<10240x128xf32, #tpu.memory_space<vmem_shared>> -> memref<64x128xf32, #tpu.memory_space<vmem_shared>>
      %dma_wait3A_63 = arith.constant 0 : i32
      %dma_wait3A_64 = tpu.memref_slice %arg13[%add3A_14, %dma_wait3A_63] : memref<10240x128xf32, #tpu.memory_space<vmem_shared>> -> memref<64x128xf32, #tpu.memory_space<vmem_shared>>
      tpu.wait_dma2 semaphore(%run_scoped3A : memref<!tpu.dma_semaphore, #tpu.memory_space<semaphore_mem>>) src(%arg12 : memref<64x128xf32, #tpu.memory_space<vmem>>) dst(%dma_wait3A_64 : memref<64x128xf32, #tpu.memory_space<vmem_shared>>)
      tpu.yield
    }) : () -> ()
    %mul3A_15 = arith.constant 640 : i32
    %mul3A_16 = arith.muli %arg1, %mul3A_15 : i32
    %add3A_17 = arith.constant 192 : i32
    %add3A_18 = arith.addi %mul3A_16, %add3A_17 : i32
    "tpu.region"() ({
      %run_scoped3A = tpu.sem_alloc : memref<!tpu.dma_semaphore, #tpu.memory_space<semaphore_mem>>
      %dma_start3A = arith.constant 0 : i32
      %dma_start3A_59 = tpu.memref_slice %arg13[%add3A_18, %dma_start3A] : memref<10240x128xf32, #tpu.memory_space<vmem_shared>> -> memref<64x128xf32, #tpu.memory_space<vmem_shared>>
      %dma_start3A_60 = arith.constant 0 : i32
      %dma_start3A_61 = tpu.memref_slice %arg13[%add3A_18, %dma_start3A_60] : memref<10240x128xf32, #tpu.memory_space<vmem_shared>> -> memref<64x128xf32, #tpu.memory_space<vmem_shared>>
      tpu.enqueue_dma source(%arg12 : memref<64x128xf32, #tpu.memory_space<vmem>>) target(%dma_start3A_61 : memref<64x128xf32, #tpu.memory_space<vmem_shared>>) target_semaphore(%run_scoped3A : memref<!tpu.dma_semaphore, #tpu.memory_space<semaphore_mem>>)
      %dma_wait3A = arith.constant 0 : i32
      %dma_wait3A_62 = tpu.memref_slice %arg13[%add3A_18, %dma_wait3A] : memref<10240x128xf32, #tpu.memory_space<vmem_shared>> -> memref<64x128xf32, #tpu.memory_space<vmem_shared>>
      %dma_wait3A_63 = arith.constant 0 : i32
      %dma_wait3A_64 = tpu.memref_slice %arg13[%add3A_18, %dma_wait3A_63] : memref<10240x128xf32, #tpu.memory_space<vmem_shared>> -> memref<64x128xf32, #tpu.memory_space<vmem_shared>>
      tpu.wait_dma2 semaphore(%run_scoped3A : memref<!tpu.dma_semaphore, #tpu.memory_space<semaphore_mem>>) src(%arg12 : memref<64x128xf32, #tpu.memory_space<vmem>>) dst(%dma_wait3A_64 : memref<64x128xf32, #tpu.memory_space<vmem_shared>>)
      tpu.yield
    }) : () -> ()
    %mul3A_19 = arith.constant 640 : i32
    %mul3A_20 = arith.muli %arg1, %mul3A_19 : i32
    %add3A_21 = arith.constant 256 : i32
    %add3A_22 = arith.addi %mul3A_20, %add3A_21 : i32
    "tpu.region"() ({
      %run_scoped3A = tpu.sem_alloc : memref<!tpu.dma_semaphore, #tpu.memory_space<semaphore_mem>>
      %dma_start3A = arith.constant 0 : i32
      %dma_start3A_59 = tpu.memref_slice %arg13[%add3A_22, %dma_start3A] : memref<10240x128xf32, #tpu.memory_space<vmem_shared>> -> memref<64x128xf32, #tpu.memory_space<vmem_shared>>
      %dma_start3A_60 = arith.constant 0 : i32
      %dma_start3A_61 = tpu.memref_slice %arg13[%add3A_22, %dma_start3A_60] : memref<10240x128xf32, #tpu.memory_space<vmem_shared>> -> memref<64x128xf32, #tpu.memory_space<vmem_shared>>
      tpu.enqueue_dma source(%arg12 : memref<64x128xf32, #tpu.memory_space<vmem>>) target(%dma_start3A_61 : memref<64x128xf32, #tpu.memory_space<vmem_shared>>) target_semaphore(%run_scoped3A : memref<!tpu.dma_semaphore, #tpu.memory_space<semaphore_mem>>)
      %dma_wait3A = arith.constant 0 : i32
      %dma_wait3A_62 = tpu.memref_slice %arg13[%add3A_22, %dma_wait3A] : memref<10240x128xf32, #tpu.memory_space<vmem_shared>> -> memref<64x128xf32, #tpu.memory_space<vmem_shared>>
      %dma_wait3A_63 = arith.constant 0 : i32
      %dma_wait3A_64 = tpu.memref_slice %arg13[%add3A_22, %dma_wait3A_63] : memref<10240x128xf32, #tpu.memory_space<vmem_shared>> -> memref<64x128xf32, #tpu.memory_space<vmem_shared>>
      tpu.wait_dma2 semaphore(%run_scoped3A : memref<!tpu.dma_semaphore, #tpu.memory_space<semaphore_mem>>) src(%arg12 : memref<64x128xf32, #tpu.memory_space<vmem>>) dst(%dma_wait3A_64 : memref<64x128xf32, #tpu.memory_space<vmem_shared>>)
      tpu.yield
    }) : () -> ()
    %mul3A_23 = arith.constant 640 : i32
    %mul3A_24 = arith.muli %arg1, %mul3A_23 : i32
    %add3A_25 = arith.constant 320 : i32
    %add3A_26 = arith.addi %mul3A_24, %add3A_25 : i32
    "tpu.region"() ({
      %run_scoped3A = tpu.sem_alloc : memref<!tpu.dma_semaphore, #tpu.memory_space<semaphore_mem>>
      %dma_start3A = arith.constant 0 : i32
      %dma_start3A_59 = tpu.memref_slice %arg13[%add3A_26, %dma_start3A] : memref<10240x128xf32, #tpu.memory_space<vmem_shared>> -> memref<64x128xf32, #tpu.memory_space<vmem_shared>>
      %dma_start3A_60 = arith.constant 0 : i32
      %dma_start3A_61 = tpu.memref_slice %arg13[%add3A_26, %dma_start3A_60] : memref<10240x128xf32, #tpu.memory_space<vmem_shared>> -> memref<64x128xf32, #tpu.memory_space<vmem_shared>>
      tpu.enqueue_dma source(%arg12 : memref<64x128xf32, #tpu.memory_space<vmem>>) target(%dma_start3A_61 : memref<64x128xf32, #tpu.memory_space<vmem_shared>>) target_semaphore(%run_scoped3A : memref<!tpu.dma_semaphore, #tpu.memory_space<semaphore_mem>>)
      %dma_wait3A = arith.constant 0 : i32
      %dma_wait3A_62 = tpu.memref_slice %arg13[%add3A_26, %dma_wait3A] : memref<10240x128xf32, #tpu.memory_space<vmem_shared>> -> memref<64x128xf32, #tpu.memory_space<vmem_shared>>
      %dma_wait3A_63 = arith.constant 0 : i32
      %dma_wait3A_64 = tpu.memref_slice %arg13[%add3A_26, %dma_wait3A_63] : memref<10240x128xf32, #tpu.memory_space<vmem_shared>> -> memref<64x128xf32, #tpu.memory_space<vmem_shared>>
      tpu.wait_dma2 semaphore(%run_scoped3A : memref<!tpu.dma_semaphore, #tpu.memory_space<semaphore_mem>>) src(%arg12 : memref<64x128xf32, #tpu.memory_space<vmem>>) dst(%dma_wait3A_64 : memref<64x128xf32, #tpu.memory_space<vmem_shared>>)
      tpu.yield
    }) : () -> ()
    %mul3A_27 = arith.constant 640 : i32
    %mul3A_28 = arith.muli %arg1, %mul3A_27 : i32
    %add3A_29 = arith.constant 384 : i32
    %add3A_30 = arith.addi %mul3A_28, %add3A_29 : i32
    "tpu.region"() ({
      %run_scoped3A = tpu.sem_alloc : memref<!tpu.dma_semaphore, #tpu.memory_space<semaphore_mem>>
      %dma_start3A = arith.constant 0 : i32
      %dma_start3A_59 = tpu.memref_slice %arg13[%add3A_30, %dma_start3A] : memref<10240x128xf32, #tpu.memory_space<vmem_shared>> -> memref<64x128xf32, #tpu.memory_space<vmem_shared>>
      %dma_start3A_60 = arith.constant 0 : i32
      %dma_start3A_61 = tpu.memref_slice %arg13[%add3A_30, %dma_start3A_60] : memref<10240x128xf32, #tpu.memory_space<vmem_shared>> -> memref<64x128xf32, #tpu.memory_space<vmem_shared>>
      tpu.enqueue_dma source(%arg12 : memref<64x128xf32, #tpu.memory_space<vmem>>) target(%dma_start3A_61 : memref<64x128xf32, #tpu.memory_space<vmem_shared>>) target_semaphore(%run_scoped3A : memref<!tpu.dma_semaphore, #tpu.memory_space<semaphore_mem>>)
      %dma_wait3A = arith.constant 0 : i32
      %dma_wait3A_62 = tpu.memref_slice %arg13[%add3A_30, %dma_wait3A] : memref<10240x128xf32, #tpu.memory_space<vmem_shared>> -> memref<64x128xf32, #tpu.memory_space<vmem_shared>>
      %dma_wait3A_63 = arith.constant 0 : i32
      %dma_wait3A_64 = tpu.memref_slice %arg13[%add3A_30, %dma_wait3A_63] : memref<10240x128xf32, #tpu.memory_space<vmem_shared>> -> memref<64x128xf32, #tpu.memory_space<vmem_shared>>
      tpu.wait_dma2 semaphore(%run_scoped3A : memref<!tpu.dma_semaphore, #tpu.memory_space<semaphore_mem>>) src(%arg12 : memref<64x128xf32, #tpu.memory_space<vmem>>) dst(%dma_wait3A_64 : memref<64x128xf32, #tpu.memory_space<vmem_shared>>)
      tpu.yield
    }) : () -> ()
    %mul3A_31 = arith.constant 640 : i32
    %mul3A_32 = arith.muli %arg1, %mul3A_31 : i32
    %add3A_33 = arith.constant 448 : i32
    %add3A_34 = arith.addi %mul3A_32, %add3A_33 : i32
    "tpu.region"() ({
      %run_scoped3A = tpu.sem_alloc : memref<!tpu.dma_semaphore, #tpu.memory_space<semaphore_mem>>
      %dma_start3A = arith.constant 0 : i32
      %dma_start3A_59 = tpu.memref_slice %arg13[%add3A_34, %dma_start3A] : memref<10240x128xf32, #tpu.memory_space<vmem_shared>> -> memref<64x128xf32, #tpu.memory_space<vmem_shared>>
      %dma_start3A_60 = arith.constant 0 : i32
      %dma_start3A_61 = tpu.memref_slice %arg13[%add3A_34, %dma_start3A_60] : memref<10240x128xf32, #tpu.memory_space<vmem_shared>> -> memref<64x128xf32, #tpu.memory_space<vmem_shared>>
      tpu.enqueue_dma source(%arg12 : memref<64x128xf32, #tpu.memory_space<vmem>>) target(%dma_start3A_61 : memref<64x128xf32, #tpu.memory_space<vmem_shared>>) target_semaphore(%run_scoped3A : memref<!tpu.dma_semaphore, #tpu.memory_space<semaphore_mem>>)
      %dma_wait3A = arith.constant 0 : i32
      %dma_wait3A_62 = tpu.memref_slice %arg13[%add3A_34, %dma_wait3A] : memref<10240x128xf32, #tpu.memory_space<vmem_shared>> -> memref<64x128xf32, #tpu.memory_space<vmem_shared>>
      %dma_wait3A_63 = arith.constant 0 : i32
      %dma_wait3A_64 = tpu.memref_slice %arg13[%add3A_34, %dma_wait3A_63] : memref<10240x128xf32, #tpu.memory_space<vmem_shared>> -> memref<64x128xf32, #tpu.memory_space<vmem_shared>>
      tpu.wait_dma2 semaphore(%run_scoped3A : memref<!tpu.dma_semaphore, #tpu.memory_space<semaphore_mem>>) src(%arg12 : memref<64x128xf32, #tpu.memory_space<vmem>>) dst(%dma_wait3A_64 : memref<64x128xf32, #tpu.memory_space<vmem_shared>>)
      tpu.yield
    }) : () -> ()
    %mul3A_35 = arith.constant 640 : i32
    %mul3A_36 = arith.muli %arg1, %mul3A_35 : i32
    %add3A_37 = arith.constant 512 : i32
    %add3A_38 = arith.addi %mul3A_36, %add3A_37 : i32
    "tpu.region"() ({
      %run_scoped3A = tpu.sem_alloc : memref<!tpu.dma_semaphore, #tpu.memory_space<semaphore_mem>>
      %dma_start3A = arith.constant 0 : i32
      %dma_start3A_59 = tpu.memref_slice %arg13[%add3A_38, %dma_start3A] : memref<10240x128xf32, #tpu.memory_space<vmem_shared>> -> memref<64x128xf32, #tpu.memory_space<vmem_shared>>
      %dma_start3A_60 = arith.constant 0 : i32
      %dma_start3A_61 = tpu.memref_slice %arg13[%add3A_38, %dma_start3A_60] : memref<10240x128xf32, #tpu.memory_space<vmem_shared>> -> memref<64x128xf32, #tpu.memory_space<vmem_shared>>
      tpu.enqueue_dma source(%arg12 : memref<64x128xf32, #tpu.memory_space<vmem>>) target(%dma_start3A_61 : memref<64x128xf32, #tpu.memory_space<vmem_shared>>) target_semaphore(%run_scoped3A : memref<!tpu.dma_semaphore, #tpu.memory_space<semaphore_mem>>)
      %dma_wait3A = arith.constant 0 : i32
      %dma_wait3A_62 = tpu.memref_slice %arg13[%add3A_38, %dma_wait3A] : memref<10240x128xf32, #tpu.memory_space<vmem_shared>> -> memref<64x128xf32, #tpu.memory_space<vmem_shared>>
      %dma_wait3A_63 = arith.constant 0 : i32
      %dma_wait3A_64 = tpu.memref_slice %arg13[%add3A_38, %dma_wait3A_63] : memref<10240x128xf32, #tpu.memory_space<vmem_shared>> -> memref<64x128xf32, #tpu.memory_space<vmem_shared>>
      tpu.wait_dma2 semaphore(%run_scoped3A : memref<!tpu.dma_semaphore, #tpu.memory_space<semaphore_mem>>) src(%arg12 : memref<64x128xf32, #tpu.memory_space<vmem>>) dst(%dma_wait3A_64 : memref<64x128xf32, #tpu.memory_space<vmem_shared>>)
      tpu.yield
    }) : () -> ()
    %mul3A_39 = arith.constant 640 : i32
    %mul3A_40 = arith.muli %arg1, %mul3A_39 : i32
    %add3A_41 = arith.constant 576 : i32
    %add3A_42 = arith.addi %mul3A_40, %add3A_41 : i32
    "tpu.region"() ({
      %run_scoped3A = tpu.sem_alloc : memref<!tpu.dma_semaphore, #tpu.memory_space<semaphore_mem>>
      %dma_start3A = arith.constant 0 : i32
      %dma_start3A_59 = tpu.memref_slice %arg13[%add3A_42, %dma_start3A] : memref<10240x128xf32, #tpu.memory_space<vmem_shared>> -> memref<64x128xf32, #tpu.memory_space<vmem_shared>>
      %dma_start3A_60 = arith.constant 0 : i32
      %dma_start3A_61 = tpu.memref_slice %arg13[%add3A_42, %dma_start3A_60] : memref<10240x128xf32, #tpu.memory_space<vmem_shared>> -> memref<64x128xf32, #tpu.memory_space<vmem_shared>>
      tpu.enqueue_dma source(%arg12 : memref<64x128xf32, #tpu.memory_space<vmem>>) target(%dma_start3A_61 : memref<64x128xf32, #tpu.memory_space<vmem_shared>>) target_semaphore(%run_scoped3A : memref<!tpu.dma_semaphore, #tpu.memory_space<semaphore_mem>>)
      %dma_wait3A = arith.constant 0 : i32
      %dma_wait3A_62 = tpu.memref_slice %arg13[%add3A_42, %dma_wait3A] : memref<10240x128xf32, #tpu.memory_space<vmem_shared>> -> memref<64x128xf32, #tpu.memory_space<vmem_shared>>
      %dma_wait3A_63 = arith.constant 0 : i32
      %dma_wait3A_64 = tpu.memref_slice %arg13[%add3A_42, %dma_wait3A_63] : memref<10240x128xf32, #tpu.memory_space<vmem_shared>> -> memref<64x128xf32, #tpu.memory_space<vmem_shared>>
      tpu.wait_dma2 semaphore(%run_scoped3A : memref<!tpu.dma_semaphore, #tpu.memory_space<semaphore_mem>>) src(%arg12 : memref<64x128xf32, #tpu.memory_space<vmem>>) dst(%dma_wait3A_64 : memref<64x128xf32, #tpu.memory_space<vmem_shared>>)
      tpu.yield
    }) : () -> ()
    %barrier3A = arith.constant 0 : index
    tpu.barrier barrier_id(%barrier3A)
    %mul3A_43 = arith.constant 16 : i32
    %mul3A_44 = arith.muli %arg0, %mul3A_43 : i32
    %add3A_45 = arith.addi %mul3A_44, %arg1 : i32
    %mul3A_46 = arith.constant 10240 : i32
    %mul3A_47 = arith.muli %add3A_45, %mul3A_46 : i32
    %scan3A_48 = arith.constant 0 : i32
    %scan3A_49 = arith.constant 0 : i32
    %scan3A_50 = arith.constant 40 : i32
    %scan3A_51 = arith.addi %scan3A_49, %scan3A_50 : i32
    %scan3A_52 = arith.constant 1 : i32
    scf.for %scan3A_59 = %scan3A_49 to %scan3A_51 step %scan3A_52  : i32 {
      %mul3A_60 = arith.constant 256 : i32
      %mul3A_61 = arith.muli %scan3A_59, %mul3A_60 : i32
      %add3A_62 = arith.addi %mul3A_47, %mul3A_61 : i32
      %add3A_63 = arith.constant 0 : i32
      %add3A_64 = arith.addi %add3A_62, %add3A_63 : i32
      "tpu.region"() ({
        %run_scoped3A = tpu.sem_alloc : memref<!tpu.dma_semaphore, #tpu.memory_space<semaphore_mem>>
        %dma_start3A_93 = tpu.memref_slice %arg3[%add3A_64] : memref<327680xi32, #tpu.memory_space<hbm>> -> memref<128xi32, #tpu.memory_space<hbm>>
        %dma_start3A_94 = tpu.memref_slice %arg3[%add3A_64] : memref<327680xi32, #tpu.memory_space<hbm>> -> memref<128xi32, #tpu.memory_space<hbm>>
        tpu.enqueue_dma source(%dma_start3A_94 : memref<128xi32, #tpu.memory_space<hbm>>) target(%arg6 : memref<128xi32, #tpu.memory_space<vmem>>) target_semaphore(%run_scoped3A : memref<!tpu.dma_semaphore, #tpu.memory_space<semaphore_mem>>)
        %dma_wait3A_95 = tpu.memref_slice %arg3[%add3A_64] : memref<327680xi32, #tpu.memory_space<hbm>> -> memref<128xi32, #tpu.memory_space<hbm>>
        %dma_wait3A_96 = tpu.memref_slice %arg3[%add3A_64] : memref<327680xi32, #tpu.memory_space<hbm>> -> memref<128xi32, #tpu.memory_space<hbm>>
        tpu.wait_dma2 semaphore(%run_scoped3A : memref<!tpu.dma_semaphore, #tpu.memory_space<semaphore_mem>>) src(%dma_wait3A_96 : memref<128xi32, #tpu.memory_space<hbm>>) dst(%arg6 : memref<128xi32, #tpu.memory_space<vmem>>)
        tpu.yield
      }) : () -> ()
      %dma_start3A = arith.constant 0 : i32
      %dma_start3A_65 = arith.constant 0 : i32
      %dma_start3A_66 = tpu.memref_slice %arg2[%dma_start3A, %dma_start3A_65] : memref<10000x128xf32, #tpu.memory_space<hbm>> -> memref<10000x128xf32, #tpu.memory_space<hbm>>
      tpu.enqueue_indirect_dma source(%dma_start3A_66 : memref<10000x128xf32, #tpu.memory_space<hbm>>) target(%arg10 : memref<128x128xf32, #tpu.memory_space<vmem>>) offsets(%arg6 : memref<128xi32, #tpu.memory_space<vmem>>) semaphore(%arg14 : memref<!tpu.dma_semaphore, #tpu.memory_space<semaphore_mem>>)
      %add3A_67 = arith.constant 128 : i32
      %add3A_68 = arith.addi %add3A_62, %add3A_67 : i32
      "tpu.region"() ({
        %run_scoped3A = tpu.sem_alloc : memref<!tpu.dma_semaphore, #tpu.memory_space<semaphore_mem>>
        %dma_start3A_93 = tpu.memref_slice %arg3[%add3A_68] : memref<327680xi32, #tpu.memory_space<hbm>> -> memref<128xi32, #tpu.memory_space<hbm>>
        %dma_start3A_94 = tpu.memref_slice %arg3[%add3A_68] : memref<327680xi32, #tpu.memory_space<hbm>> -> memref<128xi32, #tpu.memory_space<hbm>>
        tpu.enqueue_dma source(%dma_start3A_94 : memref<128xi32, #tpu.memory_space<hbm>>) target(%arg7 : memref<128xi32, #tpu.memory_space<vmem>>) target_semaphore(%run_scoped3A : memref<!tpu.dma_semaphore, #tpu.memory_space<semaphore_mem>>)
        %dma_wait3A_95 = tpu.memref_slice %arg3[%add3A_68] : memref<327680xi32, #tpu.memory_space<hbm>> -> memref<128xi32, #tpu.memory_space<hbm>>
        %dma_wait3A_96 = tpu.memref_slice %arg3[%add3A_68] : memref<327680xi32, #tpu.memory_space<hbm>> -> memref<128xi32, #tpu.memory_space<hbm>>
        tpu.wait_dma2 semaphore(%run_scoped3A : memref<!tpu.dma_semaphore, #tpu.memory_space<semaphore_mem>>) src(%dma_wait3A_96 : memref<128xi32, #tpu.memory_space<hbm>>) dst(%arg7 : memref<128xi32, #tpu.memory_space<vmem>>)
        tpu.yield
      }) : () -> ()
      %dma_start3A_69 = arith.constant 0 : i32
      %dma_start3A_70 = arith.constant 0 : i32
      %dma_start3A_71 = tpu.memref_slice %arg2[%dma_start3A_69, %dma_start3A_70] : memref<10000x128xf32, #tpu.memory_space<hbm>> -> memref<10000x128xf32, #tpu.memory_space<hbm>>
      tpu.enqueue_indirect_dma source(%dma_start3A_71 : memref<10000x128xf32, #tpu.memory_space<hbm>>) target(%arg11 : memref<128x128xf32, #tpu.memory_space<vmem>>) offsets(%arg7 : memref<128xi32, #tpu.memory_space<vmem>>) semaphore(%arg15 : memref<!tpu.dma_semaphore, #tpu.memory_space<semaphore_mem>>)
      %add3A_72 = arith.constant 0 : i32
      %add3A_73 = arith.addi %add3A_62, %add3A_72 : i32
      "tpu.region"() ({
        %run_scoped3A = tpu.sem_alloc : memref<!tpu.dma_semaphore, #tpu.memory_space<semaphore_mem>>
        %dma_start3A_93 = tpu.memref_slice %arg4[%add3A_73] : memref<327680xi32, #tpu.memory_space<hbm>> -> memref<128xi32, #tpu.memory_space<hbm>>
        %dma_start3A_94 = tpu.memref_slice %arg4[%add3A_73] : memref<327680xi32, #tpu.memory_space<hbm>> -> memref<128xi32, #tpu.memory_space<hbm>>
        tpu.enqueue_dma source(%dma_start3A_94 : memref<128xi32, #tpu.memory_space<hbm>>) target(%arg8 : memref<128xi32, #tpu.memory_space<vmem>>) target_semaphore(%run_scoped3A : memref<!tpu.dma_semaphore, #tpu.memory_space<semaphore_mem>>)
        %dma_wait3A_95 = tpu.memref_slice %arg4[%add3A_73] : memref<327680xi32, #tpu.memory_space<hbm>> -> memref<128xi32, #tpu.memory_space<hbm>>
        %dma_wait3A_96 = tpu.memref_slice %arg4[%add3A_73] : memref<327680xi32, #tpu.memory_space<hbm>> -> memref<128xi32, #tpu.memory_space<hbm>>
        tpu.wait_dma2 semaphore(%run_scoped3A : memref<!tpu.dma_semaphore, #tpu.memory_space<semaphore_mem>>) src(%dma_wait3A_96 : memref<128xi32, #tpu.memory_space<hbm>>) dst(%arg8 : memref<128xi32, #tpu.memory_space<vmem>>)
        tpu.yield
      }) : () -> ()
      %add3A_74 = arith.constant 128 : i32
      %add3A_75 = arith.addi %add3A_62, %add3A_74 : i32
      "tpu.region"() ({
        %run_scoped3A = tpu.sem_alloc : memref<!tpu.dma_semaphore, #tpu.memory_space<semaphore_mem>>
        %dma_start3A_93 = tpu.memref_slice %arg4[%add3A_75] : memref<327680xi32, #tpu.memory_space<hbm>> -> memref<128xi32, #tpu.memory_space<hbm>>
        %dma_start3A_94 = tpu.memref_slice %arg4[%add3A_75] : memref<327680xi32, #tpu.memory_space<hbm>> -> memref<128xi32, #tpu.memory_space<hbm>>
        tpu.enqueue_dma source(%dma_start3A_94 : memref<128xi32, #tpu.memory_space<hbm>>) target(%arg9 : memref<128xi32, #tpu.memory_space<vmem>>) target_semaphore(%run_scoped3A : memref<!tpu.dma_semaphore, #tpu.memory_space<semaphore_mem>>)
        %dma_wait3A_95 = tpu.memref_slice %arg4[%add3A_75] : memref<327680xi32, #tpu.memory_space<hbm>> -> memref<128xi32, #tpu.memory_space<hbm>>
        %dma_wait3A_96 = tpu.memref_slice %arg4[%add3A_75] : memref<327680xi32, #tpu.memory_space<hbm>> -> memref<128xi32, #tpu.memory_space<hbm>>
        tpu.wait_dma2 semaphore(%run_scoped3A : memref<!tpu.dma_semaphore, #tpu.memory_space<semaphore_mem>>) src(%dma_wait3A_96 : memref<128xi32, #tpu.memory_space<hbm>>) dst(%arg9 : memref<128xi32, #tpu.memory_space<vmem>>)
        tpu.yield
      }) : () -> ()
      %dma_wait3A = arith.constant 0 : i32
      %dma_wait3A_76 = arith.constant 0 : i32
      %dma_wait3A_77 = tpu.memref_slice %arg2[%dma_wait3A, %dma_wait3A_76] : memref<10000x128xf32, #tpu.memory_space<hbm>> -> memref<10000x128xf32, #tpu.memory_space<hbm>>
      tpu.wait_indirect_dma semaphore(%arg14 : memref<!tpu.dma_semaphore, #tpu.memory_space<semaphore_mem>>) src(%dma_wait3A_77 : memref<10000x128xf32, #tpu.memory_space<hbm>>) dst(%arg10 : memref<128x128xf32, #tpu.memory_space<vmem>>)
      %dma_start3A_78 = arith.constant 0 : i32
      %dma_start3A_79 = arith.constant 0 : i32
      %dma_start3A_80 = tpu.memref_slice %arg13[%dma_start3A_78, %dma_start3A_79] : memref<10240x128xf32, #tpu.memory_space<vmem_shared>> -> memref<10240x128xf32, #tpu.memory_space<vmem_shared>>
      tpu.enqueue_indirect_dma source(%arg10 : memref<128x128xf32, #tpu.memory_space<vmem>>) target(%dma_start3A_80 : memref<10240x128xf32, #tpu.memory_space<vmem_shared>>) offsets(%arg8 : memref<128xi32, #tpu.memory_space<vmem>>) semaphore(%arg16 : memref<!tpu.dma_semaphore, #tpu.memory_space<semaphore_mem>>) {add = true}
      %dma_wait3A_81 = arith.constant 0 : i32
      %dma_wait3A_82 = arith.constant 0 : i32
      %dma_wait3A_83 = tpu.memref_slice %arg2[%dma_wait3A_81, %dma_wait3A_82] : memref<10000x128xf32, #tpu.memory_space<hbm>> -> memref<10000x128xf32, #tpu.memory_space<hbm>>
      tpu.wait_indirect_dma semaphore(%arg15 : memref<!tpu.dma_semaphore, #tpu.memory_space<semaphore_mem>>) src(%dma_wait3A_83 : memref<10000x128xf32, #tpu.memory_space<hbm>>) dst(%arg11 : memref<128x128xf32, #tpu.memory_space<vmem>>)
      %dma_start3A_84 = arith.constant 0 : i32
      %dma_start3A_85 = arith.constant 0 : i32
      %dma_start3A_86 = tpu.memref_slice %arg13[%dma_start3A_84, %dma_start3A_85] : memref<10240x128xf32, #tpu.memory_space<vmem_shared>> -> memref<10240x128xf32, #tpu.memory_space<vmem_shared>>
      tpu.enqueue_indirect_dma source(%arg11 : memref<128x128xf32, #tpu.memory_space<vmem>>) target(%dma_start3A_86 : memref<10240x128xf32, #tpu.memory_space<vmem_shared>>) offsets(%arg9 : memref<128xi32, #tpu.memory_space<vmem>>) semaphore(%arg17 : memref<!tpu.dma_semaphore, #tpu.memory_space<semaphore_mem>>) {add = true}
      %dma_wait3A_87 = arith.constant 0 : i32
      %dma_wait3A_88 = arith.constant 0 : i32
      %dma_wait3A_89 = tpu.memref_slice %arg13[%dma_wait3A_87, %dma_wait3A_88] : memref<10240x128xf32, #tpu.memory_space<vmem_shared>> -> memref<10240x128xf32, #tpu.memory_space<vmem_shared>>
      tpu.wait_indirect_dma semaphore(%arg16 : memref<!tpu.dma_semaphore, #tpu.memory_space<semaphore_mem>>) src(%arg10 : memref<128x128xf32, #tpu.memory_space<vmem>>) dst(%dma_wait3A_89 : memref<10240x128xf32, #tpu.memory_space<vmem_shared>>)
      %dma_wait3A_90 = arith.constant 0 : i32
      %dma_wait3A_91 = arith.constant 0 : i32
      %dma_wait3A_92 = tpu.memref_slice %arg13[%dma_wait3A_90, %dma_wait3A_91] : memref<10240x128xf32, #tpu.memory_space<vmem_shared>> -> memref<10240x128xf32, #tpu.memory_space<vmem_shared>>
      tpu.wait_indirect_dma semaphore(%arg17 : memref<!tpu.dma_semaphore, #tpu.memory_space<semaphore_mem>>) src(%arg11 : memref<128x128xf32, #tpu.memory_space<vmem>>) dst(%dma_wait3A_92 : memref<10240x128xf32, #tpu.memory_space<vmem_shared>>)
    }
    %scan3A_53 = arith.constant 40 : i32
    %barrier3A_54 = arith.constant 0 : index
    tpu.barrier barrier_id(%barrier3A_54)
    %mul3A_55 = arith.constant 640 : i32
    %mul3A_56 = arith.muli %arg1, %mul3A_55 : i32
    %mul3A_57 = arith.constant 640 : i32
    %mul3A_58 = arith.muli %arg1, %mul3A_57 : i32
    "tpu.region"() ({
      %run_scoped3A = tpu.sem_alloc : memref<!tpu.dma_semaphore, #tpu.memory_space<semaphore_mem>>
      %dma_start3A = arith.constant 0 : i32
      %dma_start3A_59 = arith.constant 0 : i32
      %dma_start3A_60 = tpu.memref_slice %arg5[%arg0, %dma_start3A, %dma_start3A_59] : memref<2x10240x128xf32, #tpu.memory_space<hbm>> -> memref<1x10240x128xf32, #tpu.memory_space<hbm>>
      %dma_start3A_61 = tpu.memref_squeeze %dma_start3A_60 : memref<1x10240x128xf32, #tpu.memory_space<hbm>> -> memref<10240x128xf32, #tpu.memory_space<hbm>>
      %dma_start3A_62 = arith.constant 0 : i32
      %dma_start3A_63 = tpu.memref_slice %dma_start3A_61[%mul3A_58, %dma_start3A_62] : memref<10240x128xf32, #tpu.memory_space<hbm>> -> memref<640x128xf32, #tpu.memory_space<hbm>>
      %dma_start3A_64 = arith.constant 0 : i32
      %dma_start3A_65 = tpu.memref_slice %arg13[%mul3A_56, %dma_start3A_64] : memref<10240x128xf32, #tpu.memory_space<vmem_shared>> -> memref<640x128xf32, #tpu.memory_space<vmem_shared>>
      tpu.enqueue_dma source(%dma_start3A_65 : memref<640x128xf32, #tpu.memory_space<vmem_shared>>) target(%dma_start3A_63 : memref<640x128xf32, #tpu.memory_space<hbm>>) target_semaphore(%run_scoped3A : memref<!tpu.dma_semaphore, #tpu.memory_space<semaphore_mem>>)
      %dma_wait3A = arith.constant 0 : i32
      %dma_wait3A_66 = arith.constant 0 : i32
      %dma_wait3A_67 = tpu.memref_slice %arg5[%arg0, %dma_wait3A, %dma_wait3A_66] : memref<2x10240x128xf32, #tpu.memory_space<hbm>> -> memref<1x10240x128xf32, #tpu.memory_space<hbm>>
      %dma_wait3A_68 = tpu.memref_squeeze %dma_wait3A_67 : memref<1x10240x128xf32, #tpu.memory_space<hbm>> -> memref<10240x128xf32, #tpu.memory_space<hbm>>
      %dma_wait3A_69 = arith.constant 0 : i32
      %dma_wait3A_70 = tpu.memref_slice %dma_wait3A_68[%mul3A_58, %dma_wait3A_69] : memref<10240x128xf32, #tpu.memory_space<hbm>> -> memref<640x128xf32, #tpu.memory_space<hbm>>
      %dma_wait3A_71 = arith.constant 0 : i32
      %dma_wait3A_72 = tpu.memref_slice %arg13[%mul3A_56, %dma_wait3A_71] : memref<10240x128xf32, #tpu.memory_space<vmem_shared>> -> memref<640x128xf32, #tpu.memory_space<vmem_shared>>
      tpu.wait_dma2 semaphore(%run_scoped3A : memref<!tpu.dma_semaphore, #tpu.memory_space<semaphore_mem>>) src(%dma_wait3A_72 : memref<640x128xf32, #tpu.memory_space<vmem_shared>>) dst(%dma_wait3A_70 : memref<640x128xf32, #tpu.memory_space<hbm>>)
      tpu.yield
    }) : () -> ()
    return
  }
}

#map = affine_map<(d0, d1) -> (0, 0, 0)>
#map1 = affine_map<(d0, d1) -> (0)>
module attributes {stable_mosaic.version = 14 : i64} {
  func.func @agg_kernel(%arg0: i32, %arg1: i32, %arg2: memref<2x10000x128xf32, #tpu.memory_space<hbm>>, %arg3: memref<327680xi32, #tpu.memory_space<hbm>>, %arg4: memref<327680xi32, #tpu.memory_space<hbm>>, %arg5: memref<2x10240x128xf32, #tpu.memory_space<hbm>>, %arg6: memref<128xi32, #tpu.memory_space<vmem>>, %arg7: memref<128xi32, #tpu.memory_space<vmem>>, %arg8: memref<128xi32, #tpu.memory_space<vmem>>, %arg9: memref<128xi32, #tpu.memory_space<vmem>>, %arg10: memref<128x128xf32, #tpu.memory_space<vmem>>, %arg11: memref<128x128xf32, #tpu.memory_space<vmem>>, %arg12: memref<64x128xf32, #tpu.memory_space<vmem>>, %arg13: memref<10240x128xf32, #tpu.memory_space<vmem_shared>>, %arg14: memref<!tpu.dma_semaphore, #tpu.memory_space<semaphore_mem>>, %arg15: memref<!tpu.dma_semaphore, #tpu.memory_space<semaphore_mem>>, %arg16: memref<!tpu.dma_semaphore, #tpu.memory_space<semaphore_mem>>, %arg17: memref<!tpu.dma_semaphore, #tpu.memory_space<semaphore_mem>>) attributes {dimension_semantics = [#tpu.dimension_semantics<core_parallel>, #tpu.dimension_semantics<subcore_parallel>], iteration_bounds = array<i64: 2, 16>, scalar_prefetch = 0 : i64, scratch_operands = 12 : i64, tpu.core_type = #tpu.core_type<sc_vector_subcore>, window_params = [{transform_indices = #map}, {transform_indices = #map1}, {transform_indices = #map1}, {transform_indices = #map}]} {
    %scan3A = arith.constant 0 : i32
    %scan3A_0 = arith.constant 0 : i32
    %scan3A_1 = arith.constant 64 : i32
    %scan3A_2 = arith.addi %scan3A_0, %scan3A_1 : i32
    %scan3A_3 = arith.constant 1 : i32
    scf.for %scan3A_56 = %scan3A_0 to %scan3A_2 step %scan3A_3  : i32 {
      %broadcast_in_dim3A = arith.constant 0.000000e+00 : f32
      %broadcast_in_dim3A_57 = vector.broadcast %broadcast_in_dim3A : f32 to vector<16xf32>
      %swap3A = arith.index_cast %scan3A_56 : i32 to index
      %swap3A_58 = arith.constant 0 : index
      %swap3A_59 = tpu.vector_load %arg12[%swap3A, %swap3A_58] {strides = array<i32>} : memref<64x128xf32, #tpu.memory_space<vmem>>, vector<1x16xf32>,
      %swap3A_60 = vector.shape_cast %swap3A_59 : vector<1x16xf32> to vector<16xf32>
      %swap3A_61 = vector.shape_cast %broadcast_in_dim3A_57 : vector<16xf32> to vector<1x16xf32>
      tpu.vector_store %arg12[%swap3A, %swap3A_58], %swap3A_61 {strides = array<i32>} : memref<64x128xf32, #tpu.memory_space<vmem>>, vector<1x16xf32>,
      %swap3A_62 = arith.index_cast %scan3A_56 : i32 to index
      %swap3A_63 = arith.constant 16 : index
      %swap3A_64 = tpu.vector_load %arg12[%swap3A_62, %swap3A_63] {strides = array<i32>} : memref<64x128xf32, #tpu.memory_space<vmem>>, vector<1x16xf32>,
      %swap3A_65 = vector.shape_cast %swap3A_64 : vector<1x16xf32> to vector<16xf32>
      %swap3A_66 = vector.shape_cast %broadcast_in_dim3A_57 : vector<16xf32> to vector<1x16xf32>
      tpu.vector_store %arg12[%swap3A_62, %swap3A_63], %swap3A_66 {strides = array<i32>} : memref<64x128xf32, #tpu.memory_space<vmem>>, vector<1x16xf32>,
      %swap3A_67 = arith.index_cast %scan3A_56 : i32 to index
      %swap3A_68 = arith.constant 32 : index
      %swap3A_69 = tpu.vector_load %arg12[%swap3A_67, %swap3A_68] {strides = array<i32>} : memref<64x128xf32, #tpu.memory_space<vmem>>, vector<1x16xf32>,
      %swap3A_70 = vector.shape_cast %swap3A_69 : vector<1x16xf32> to vector<16xf32>
      %swap3A_71 = vector.shape_cast %broadcast_in_dim3A_57 : vector<16xf32> to vector<1x16xf32>
      tpu.vector_store %arg12[%swap3A_67, %swap3A_68], %swap3A_71 {strides = array<i32>} : memref<64x128xf32, #tpu.memory_space<vmem>>, vector<1x16xf32>,
      %swap3A_72 = arith.index_cast %scan3A_56 : i32 to index
      %swap3A_73 = arith.constant 48 : index
      %swap3A_74 = tpu.vector_load %arg12[%swap3A_72, %swap3A_73] {strides = array<i32>} : memref<64x128xf32, #tpu.memory_space<vmem>>, vector<1x16xf32>,
      %swap3A_75 = vector.shape_cast %swap3A_74 : vector<1x16xf32> to vector<16xf32>
      %swap3A_76 = vector.shape_cast %broadcast_in_dim3A_57 : vector<16xf32> to vector<1x16xf32>
      tpu.vector_store %arg12[%swap3A_72, %swap3A_73], %swap3A_76 {strides = array<i32>} : memref<64x128xf32, #tpu.memory_space<vmem>>, vector<1x16xf32>,
      %swap3A_77 = arith.index_cast %scan3A_56 : i32 to index
      %swap3A_78 = arith.constant 64 : index
      %swap3A_79 = tpu.vector_load %arg12[%swap3A_77, %swap3A_78] {strides = array<i32>} : memref<64x128xf32, #tpu.memory_space<vmem>>, vector<1x16xf32>,
      %swap3A_80 = vector.shape_cast %swap3A_79 : vector<1x16xf32> to vector<16xf32>
      %swap3A_81 = vector.shape_cast %broadcast_in_dim3A_57 : vector<16xf32> to vector<1x16xf32>
      tpu.vector_store %arg12[%swap3A_77, %swap3A_78], %swap3A_81 {strides = array<i32>} : memref<64x128xf32, #tpu.memory_space<vmem>>, vector<1x16xf32>,
      %swap3A_82 = arith.index_cast %scan3A_56 : i32 to index
      %swap3A_83 = arith.constant 80 : index
      %swap3A_84 = tpu.vector_load %arg12[%swap3A_82, %swap3A_83] {strides = array<i32>} : memref<64x128xf32, #tpu.memory_space<vmem>>, vector<1x16xf32>,
      %swap3A_85 = vector.shape_cast %swap3A_84 : vector<1x16xf32> to vector<16xf32>
      %swap3A_86 = vector.shape_cast %broadcast_in_dim3A_57 : vector<16xf32> to vector<1x16xf32>
      tpu.vector_store %arg12[%swap3A_82, %swap3A_83], %swap3A_86 {strides = array<i32>} : memref<64x128xf32, #tpu.memory_space<vmem>>, vector<1x16xf32>,
      %swap3A_87 = arith.index_cast %scan3A_56 : i32 to index
      %swap3A_88 = arith.constant 96 : index
      %swap3A_89 = tpu.vector_load %arg12[%swap3A_87, %swap3A_88] {strides = array<i32>} : memref<64x128xf32, #tpu.memory_space<vmem>>, vector<1x16xf32>,
      %swap3A_90 = vector.shape_cast %swap3A_89 : vector<1x16xf32> to vector<16xf32>
      %swap3A_91 = vector.shape_cast %broadcast_in_dim3A_57 : vector<16xf32> to vector<1x16xf32>
      tpu.vector_store %arg12[%swap3A_87, %swap3A_88], %swap3A_91 {strides = array<i32>} : memref<64x128xf32, #tpu.memory_space<vmem>>, vector<1x16xf32>,
      %swap3A_92 = arith.index_cast %scan3A_56 : i32 to index
      %swap3A_93 = arith.constant 112 : index
      %swap3A_94 = tpu.vector_load %arg12[%swap3A_92, %swap3A_93] {strides = array<i32>} : memref<64x128xf32, #tpu.memory_space<vmem>>, vector<1x16xf32>,
      %swap3A_95 = vector.shape_cast %swap3A_94 : vector<1x16xf32> to vector<16xf32>
      %swap3A_96 = vector.shape_cast %broadcast_in_dim3A_57 : vector<16xf32> to vector<1x16xf32>
      tpu.vector_store %arg12[%swap3A_92, %swap3A_93], %swap3A_96 {strides = array<i32>} : memref<64x128xf32, #tpu.memory_space<vmem>>, vector<1x16xf32>,
    }
    %scan3A_4 = arith.constant 64 : i32
    %mul3A = arith.constant 640 : i32
    %mul3A_5 = arith.muli %arg1, %mul3A : i32
    %add3A = arith.constant 0 : i32
    %add3A_6 = arith.addi %mul3A_5, %add3A : i32
    "tpu.region"() ({
      %run_scoped3A = tpu.sem_alloc : memref<!tpu.dma_semaphore, #tpu.memory_space<semaphore_mem>>
      %dma_start3A = arith.constant 0 : i32
      %dma_start3A_56 = tpu.memref_slice %arg13[%add3A_6, %dma_start3A] : memref<10240x128xf32, #tpu.memory_space<vmem_shared>> -> memref<64x128xf32, #tpu.memory_space<vmem_shared>>
      %dma_start3A_57 = arith.constant 0 : i32
      %dma_start3A_58 = tpu.memref_slice %arg13[%add3A_6, %dma_start3A_57] : memref<10240x128xf32, #tpu.memory_space<vmem_shared>> -> memref<64x128xf32, #tpu.memory_space<vmem_shared>>
      tpu.enqueue_dma source(%arg12 : memref<64x128xf32, #tpu.memory_space<vmem>>) target(%dma_start3A_58 : memref<64x128xf32, #tpu.memory_space<vmem_shared>>) target_semaphore(%run_scoped3A : memref<!tpu.dma_semaphore, #tpu.memory_space<semaphore_mem>>)
      %dma_wait3A = arith.constant 0 : i32
      %dma_wait3A_59 = tpu.memref_slice %arg13[%add3A_6, %dma_wait3A] : memref<10240x128xf32, #tpu.memory_space<vmem_shared>> -> memref<64x128xf32, #tpu.memory_space<vmem_shared>>
      %dma_wait3A_60 = arith.constant 0 : i32
      %dma_wait3A_61 = tpu.memref_slice %arg13[%add3A_6, %dma_wait3A_60] : memref<10240x128xf32, #tpu.memory_space<vmem_shared>> -> memref<64x128xf32, #tpu.memory_space<vmem_shared>>
      tpu.wait_dma2 semaphore(%run_scoped3A : memref<!tpu.dma_semaphore, #tpu.memory_space<semaphore_mem>>) src(%arg12 : memref<64x128xf32, #tpu.memory_space<vmem>>) dst(%dma_wait3A_61 : memref<64x128xf32, #tpu.memory_space<vmem_shared>>)
      tpu.yield
    }) : () -> ()
    %mul3A_7 = arith.constant 640 : i32
    %mul3A_8 = arith.muli %arg1, %mul3A_7 : i32
    %add3A_9 = arith.constant 64 : i32
    %add3A_10 = arith.addi %mul3A_8, %add3A_9 : i32
    "tpu.region"() ({
      %run_scoped3A = tpu.sem_alloc : memref<!tpu.dma_semaphore, #tpu.memory_space<semaphore_mem>>
      %dma_start3A = arith.constant 0 : i32
      %dma_start3A_56 = tpu.memref_slice %arg13[%add3A_10, %dma_start3A] : memref<10240x128xf32, #tpu.memory_space<vmem_shared>> -> memref<64x128xf32, #tpu.memory_space<vmem_shared>>
      %dma_start3A_57 = arith.constant 0 : i32
      %dma_start3A_58 = tpu.memref_slice %arg13[%add3A_10, %dma_start3A_57] : memref<10240x128xf32, #tpu.memory_space<vmem_shared>> -> memref<64x128xf32, #tpu.memory_space<vmem_shared>>
      tpu.enqueue_dma source(%arg12 : memref<64x128xf32, #tpu.memory_space<vmem>>) target(%dma_start3A_58 : memref<64x128xf32, #tpu.memory_space<vmem_shared>>) target_semaphore(%run_scoped3A : memref<!tpu.dma_semaphore, #tpu.memory_space<semaphore_mem>>)
      %dma_wait3A = arith.constant 0 : i32
      %dma_wait3A_59 = tpu.memref_slice %arg13[%add3A_10, %dma_wait3A] : memref<10240x128xf32, #tpu.memory_space<vmem_shared>> -> memref<64x128xf32, #tpu.memory_space<vmem_shared>>
      %dma_wait3A_60 = arith.constant 0 : i32
      %dma_wait3A_61 = tpu.memref_slice %arg13[%add3A_10, %dma_wait3A_60] : memref<10240x128xf32, #tpu.memory_space<vmem_shared>> -> memref<64x128xf32, #tpu.memory_space<vmem_shared>>
      tpu.wait_dma2 semaphore(%run_scoped3A : memref<!tpu.dma_semaphore, #tpu.memory_space<semaphore_mem>>) src(%arg12 : memref<64x128xf32, #tpu.memory_space<vmem>>) dst(%dma_wait3A_61 : memref<64x128xf32, #tpu.memory_space<vmem_shared>>)
      tpu.yield
    }) : () -> ()
    %mul3A_11 = arith.constant 640 : i32
    %mul3A_12 = arith.muli %arg1, %mul3A_11 : i32
    %add3A_13 = arith.constant 128 : i32
    %add3A_14 = arith.addi %mul3A_12, %add3A_13 : i32
    "tpu.region"() ({
      %run_scoped3A = tpu.sem_alloc : memref<!tpu.dma_semaphore, #tpu.memory_space<semaphore_mem>>
      %dma_start3A = arith.constant 0 : i32
      %dma_start3A_56 = tpu.memref_slice %arg13[%add3A_14, %dma_start3A] : memref<10240x128xf32, #tpu.memory_space<vmem_shared>> -> memref<64x128xf32, #tpu.memory_space<vmem_shared>>
      %dma_start3A_57 = arith.constant 0 : i32
      %dma_start3A_58 = tpu.memref_slice %arg13[%add3A_14, %dma_start3A_57] : memref<10240x128xf32, #tpu.memory_space<vmem_shared>> -> memref<64x128xf32, #tpu.memory_space<vmem_shared>>
      tpu.enqueue_dma source(%arg12 : memref<64x128xf32, #tpu.memory_space<vmem>>) target(%dma_start3A_58 : memref<64x128xf32, #tpu.memory_space<vmem_shared>>) target_semaphore(%run_scoped3A : memref<!tpu.dma_semaphore, #tpu.memory_space<semaphore_mem>>)
      %dma_wait3A = arith.constant 0 : i32
      %dma_wait3A_59 = tpu.memref_slice %arg13[%add3A_14, %dma_wait3A] : memref<10240x128xf32, #tpu.memory_space<vmem_shared>> -> memref<64x128xf32, #tpu.memory_space<vmem_shared>>
      %dma_wait3A_60 = arith.constant 0 : i32
      %dma_wait3A_61 = tpu.memref_slice %arg13[%add3A_14, %dma_wait3A_60] : memref<10240x128xf32, #tpu.memory_space<vmem_shared>> -> memref<64x128xf32, #tpu.memory_space<vmem_shared>>
      tpu.wait_dma2 semaphore(%run_scoped3A : memref<!tpu.dma_semaphore, #tpu.memory_space<semaphore_mem>>) src(%arg12 : memref<64x128xf32, #tpu.memory_space<vmem>>) dst(%dma_wait3A_61 : memref<64x128xf32, #tpu.memory_space<vmem_shared>>)
      tpu.yield
    }) : () -> ()
    %mul3A_15 = arith.constant 640 : i32
    %mul3A_16 = arith.muli %arg1, %mul3A_15 : i32
    %add3A_17 = arith.constant 192 : i32
    %add3A_18 = arith.addi %mul3A_16, %add3A_17 : i32
    "tpu.region"() ({
      %run_scoped3A = tpu.sem_alloc : memref<!tpu.dma_semaphore, #tpu.memory_space<semaphore_mem>>
      %dma_start3A = arith.constant 0 : i32
      %dma_start3A_56 = tpu.memref_slice %arg13[%add3A_18, %dma_start3A] : memref<10240x128xf32, #tpu.memory_space<vmem_shared>> -> memref<64x128xf32, #tpu.memory_space<vmem_shared>>
      %dma_start3A_57 = arith.constant 0 : i32
      %dma_start3A_58 = tpu.memref_slice %arg13[%add3A_18, %dma_start3A_57] : memref<10240x128xf32, #tpu.memory_space<vmem_shared>> -> memref<64x128xf32, #tpu.memory_space<vmem_shared>>
      tpu.enqueue_dma source(%arg12 : memref<64x128xf32, #tpu.memory_space<vmem>>) target(%dma_start3A_58 : memref<64x128xf32, #tpu.memory_space<vmem_shared>>) target_semaphore(%run_scoped3A : memref<!tpu.dma_semaphore, #tpu.memory_space<semaphore_mem>>)
      %dma_wait3A = arith.constant 0 : i32
      %dma_wait3A_59 = tpu.memref_slice %arg13[%add3A_18, %dma_wait3A] : memref<10240x128xf32, #tpu.memory_space<vmem_shared>> -> memref<64x128xf32, #tpu.memory_space<vmem_shared>>
      %dma_wait3A_60 = arith.constant 0 : i32
      %dma_wait3A_61 = tpu.memref_slice %arg13[%add3A_18, %dma_wait3A_60] : memref<10240x128xf32, #tpu.memory_space<vmem_shared>> -> memref<64x128xf32, #tpu.memory_space<vmem_shared>>
      tpu.wait_dma2 semaphore(%run_scoped3A : memref<!tpu.dma_semaphore, #tpu.memory_space<semaphore_mem>>) src(%arg12 : memref<64x128xf32, #tpu.memory_space<vmem>>) dst(%dma_wait3A_61 : memref<64x128xf32, #tpu.memory_space<vmem_shared>>)
      tpu.yield
    }) : () -> ()
    %mul3A_19 = arith.constant 640 : i32
    %mul3A_20 = arith.muli %arg1, %mul3A_19 : i32
    %add3A_21 = arith.constant 256 : i32
    %add3A_22 = arith.addi %mul3A_20, %add3A_21 : i32
    "tpu.region"() ({
      %run_scoped3A = tpu.sem_alloc : memref<!tpu.dma_semaphore, #tpu.memory_space<semaphore_mem>>
      %dma_start3A = arith.constant 0 : i32
      %dma_start3A_56 = tpu.memref_slice %arg13[%add3A_22, %dma_start3A] : memref<10240x128xf32, #tpu.memory_space<vmem_shared>> -> memref<64x128xf32, #tpu.memory_space<vmem_shared>>
      %dma_start3A_57 = arith.constant 0 : i32
      %dma_start3A_58 = tpu.memref_slice %arg13[%add3A_22, %dma_start3A_57] : memref<10240x128xf32, #tpu.memory_space<vmem_shared>> -> memref<64x128xf32, #tpu.memory_space<vmem_shared>>
      tpu.enqueue_dma source(%arg12 : memref<64x128xf32, #tpu.memory_space<vmem>>) target(%dma_start3A_58 : memref<64x128xf32, #tpu.memory_space<vmem_shared>>) target_semaphore(%run_scoped3A : memref<!tpu.dma_semaphore, #tpu.memory_space<semaphore_mem>>)
      %dma_wait3A = arith.constant 0 : i32
      %dma_wait3A_59 = tpu.memref_slice %arg13[%add3A_22, %dma_wait3A] : memref<10240x128xf32, #tpu.memory_space<vmem_shared>> -> memref<64x128xf32, #tpu.memory_space<vmem_shared>>
      %dma_wait3A_60 = arith.constant 0 : i32
      %dma_wait3A_61 = tpu.memref_slice %arg13[%add3A_22, %dma_wait3A_60] : memref<10240x128xf32, #tpu.memory_space<vmem_shared>> -> memref<64x128xf32, #tpu.memory_space<vmem_shared>>
      tpu.wait_dma2 semaphore(%run_scoped3A : memref<!tpu.dma_semaphore, #tpu.memory_space<semaphore_mem>>) src(%arg12 : memref<64x128xf32, #tpu.memory_space<vmem>>) dst(%dma_wait3A_61 : memref<64x128xf32, #tpu.memory_space<vmem_shared>>)
      tpu.yield
    }) : () -> ()
    %mul3A_23 = arith.constant 640 : i32
    %mul3A_24 = arith.muli %arg1, %mul3A_23 : i32
    %add3A_25 = arith.constant 320 : i32
    %add3A_26 = arith.addi %mul3A_24, %add3A_25 : i32
    "tpu.region"() ({
      %run_scoped3A = tpu.sem_alloc : memref<!tpu.dma_semaphore, #tpu.memory_space<semaphore_mem>>
      %dma_start3A = arith.constant 0 : i32
      %dma_start3A_56 = tpu.memref_slice %arg13[%add3A_26, %dma_start3A] : memref<10240x128xf32, #tpu.memory_space<vmem_shared>> -> memref<64x128xf32, #tpu.memory_space<vmem_shared>>
      %dma_start3A_57 = arith.constant 0 : i32
      %dma_start3A_58 = tpu.memref_slice %arg13[%add3A_26, %dma_start3A_57] : memref<10240x128xf32, #tpu.memory_space<vmem_shared>> -> memref<64x128xf32, #tpu.memory_space<vmem_shared>>
      tpu.enqueue_dma source(%arg12 : memref<64x128xf32, #tpu.memory_space<vmem>>) target(%dma_start3A_58 : memref<64x128xf32, #tpu.memory_space<vmem_shared>>) target_semaphore(%run_scoped3A : memref<!tpu.dma_semaphore, #tpu.memory_space<semaphore_mem>>)
      %dma_wait3A = arith.constant 0 : i32
      %dma_wait3A_59 = tpu.memref_slice %arg13[%add3A_26, %dma_wait3A] : memref<10240x128xf32, #tpu.memory_space<vmem_shared>> -> memref<64x128xf32, #tpu.memory_space<vmem_shared>>
      %dma_wait3A_60 = arith.constant 0 : i32
      %dma_wait3A_61 = tpu.memref_slice %arg13[%add3A_26, %dma_wait3A_60] : memref<10240x128xf32, #tpu.memory_space<vmem_shared>> -> memref<64x128xf32, #tpu.memory_space<vmem_shared>>
      tpu.wait_dma2 semaphore(%run_scoped3A : memref<!tpu.dma_semaphore, #tpu.memory_space<semaphore_mem>>) src(%arg12 : memref<64x128xf32, #tpu.memory_space<vmem>>) dst(%dma_wait3A_61 : memref<64x128xf32, #tpu.memory_space<vmem_shared>>)
      tpu.yield
    }) : () -> ()
    %mul3A_27 = arith.constant 640 : i32
    %mul3A_28 = arith.muli %arg1, %mul3A_27 : i32
    %add3A_29 = arith.constant 384 : i32
    %add3A_30 = arith.addi %mul3A_28, %add3A_29 : i32
    "tpu.region"() ({
      %run_scoped3A = tpu.sem_alloc : memref<!tpu.dma_semaphore, #tpu.memory_space<semaphore_mem>>
      %dma_start3A = arith.constant 0 : i32
      %dma_start3A_56 = tpu.memref_slice %arg13[%add3A_30, %dma_start3A] : memref<10240x128xf32, #tpu.memory_space<vmem_shared>> -> memref<64x128xf32, #tpu.memory_space<vmem_shared>>
      %dma_start3A_57 = arith.constant 0 : i32
      %dma_start3A_58 = tpu.memref_slice %arg13[%add3A_30, %dma_start3A_57] : memref<10240x128xf32, #tpu.memory_space<vmem_shared>> -> memref<64x128xf32, #tpu.memory_space<vmem_shared>>
      tpu.enqueue_dma source(%arg12 : memref<64x128xf32, #tpu.memory_space<vmem>>) target(%dma_start3A_58 : memref<64x128xf32, #tpu.memory_space<vmem_shared>>) target_semaphore(%run_scoped3A : memref<!tpu.dma_semaphore, #tpu.memory_space<semaphore_mem>>)
      %dma_wait3A = arith.constant 0 : i32
      %dma_wait3A_59 = tpu.memref_slice %arg13[%add3A_30, %dma_wait3A] : memref<10240x128xf32, #tpu.memory_space<vmem_shared>> -> memref<64x128xf32, #tpu.memory_space<vmem_shared>>
      %dma_wait3A_60 = arith.constant 0 : i32
      %dma_wait3A_61 = tpu.memref_slice %arg13[%add3A_30, %dma_wait3A_60] : memref<10240x128xf32, #tpu.memory_space<vmem_shared>> -> memref<64x128xf32, #tpu.memory_space<vmem_shared>>
      tpu.wait_dma2 semaphore(%run_scoped3A : memref<!tpu.dma_semaphore, #tpu.memory_space<semaphore_mem>>) src(%arg12 : memref<64x128xf32, #tpu.memory_space<vmem>>) dst(%dma_wait3A_61 : memref<64x128xf32, #tpu.memory_space<vmem_shared>>)
      tpu.yield
    }) : () -> ()
    %mul3A_31 = arith.constant 640 : i32
    %mul3A_32 = arith.muli %arg1, %mul3A_31 : i32
    %add3A_33 = arith.constant 448 : i32
    %add3A_34 = arith.addi %mul3A_32, %add3A_33 : i32
    "tpu.region"() ({
      %run_scoped3A = tpu.sem_alloc : memref<!tpu.dma_semaphore, #tpu.memory_space<semaphore_mem>>
      %dma_start3A = arith.constant 0 : i32
      %dma_start3A_56 = tpu.memref_slice %arg13[%add3A_34, %dma_start3A] : memref<10240x128xf32, #tpu.memory_space<vmem_shared>> -> memref<64x128xf32, #tpu.memory_space<vmem_shared>>
      %dma_start3A_57 = arith.constant 0 : i32
      %dma_start3A_58 = tpu.memref_slice %arg13[%add3A_34, %dma_start3A_57] : memref<10240x128xf32, #tpu.memory_space<vmem_shared>> -> memref<64x128xf32, #tpu.memory_space<vmem_shared>>
      tpu.enqueue_dma source(%arg12 : memref<64x128xf32, #tpu.memory_space<vmem>>) target(%dma_start3A_58 : memref<64x128xf32, #tpu.memory_space<vmem_shared>>) target_semaphore(%run_scoped3A : memref<!tpu.dma_semaphore, #tpu.memory_space<semaphore_mem>>)
      %dma_wait3A = arith.constant 0 : i32
      %dma_wait3A_59 = tpu.memref_slice %arg13[%add3A_34, %dma_wait3A] : memref<10240x128xf32, #tpu.memory_space<vmem_shared>> -> memref<64x128xf32, #tpu.memory_space<vmem_shared>>
      %dma_wait3A_60 = arith.constant 0 : i32
      %dma_wait3A_61 = tpu.memref_slice %arg13[%add3A_34, %dma_wait3A_60] : memref<10240x128xf32, #tpu.memory_space<vmem_shared>> -> memref<64x128xf32, #tpu.memory_space<vmem_shared>>
      tpu.wait_dma2 semaphore(%run_scoped3A : memref<!tpu.dma_semaphore, #tpu.memory_space<semaphore_mem>>) src(%arg12 : memref<64x128xf32, #tpu.memory_space<vmem>>) dst(%dma_wait3A_61 : memref<64x128xf32, #tpu.memory_space<vmem_shared>>)
      tpu.yield
    }) : () -> ()
    %mul3A_35 = arith.constant 640 : i32
    %mul3A_36 = arith.muli %arg1, %mul3A_35 : i32
    %add3A_37 = arith.constant 512 : i32
    %add3A_38 = arith.addi %mul3A_36, %add3A_37 : i32
    "tpu.region"() ({
      %run_scoped3A = tpu.sem_alloc : memref<!tpu.dma_semaphore, #tpu.memory_space<semaphore_mem>>
      %dma_start3A = arith.constant 0 : i32
      %dma_start3A_56 = tpu.memref_slice %arg13[%add3A_38, %dma_start3A] : memref<10240x128xf32, #tpu.memory_space<vmem_shared>> -> memref<64x128xf32, #tpu.memory_space<vmem_shared>>
      %dma_start3A_57 = arith.constant 0 : i32
      %dma_start3A_58 = tpu.memref_slice %arg13[%add3A_38, %dma_start3A_57] : memref<10240x128xf32, #tpu.memory_space<vmem_shared>> -> memref<64x128xf32, #tpu.memory_space<vmem_shared>>
      tpu.enqueue_dma source(%arg12 : memref<64x128xf32, #tpu.memory_space<vmem>>) target(%dma_start3A_58 : memref<64x128xf32, #tpu.memory_space<vmem_shared>>) target_semaphore(%run_scoped3A : memref<!tpu.dma_semaphore, #tpu.memory_space<semaphore_mem>>)
      %dma_wait3A = arith.constant 0 : i32
      %dma_wait3A_59 = tpu.memref_slice %arg13[%add3A_38, %dma_wait3A] : memref<10240x128xf32, #tpu.memory_space<vmem_shared>> -> memref<64x128xf32, #tpu.memory_space<vmem_shared>>
      %dma_wait3A_60 = arith.constant 0 : i32
      %dma_wait3A_61 = tpu.memref_slice %arg13[%add3A_38, %dma_wait3A_60] : memref<10240x128xf32, #tpu.memory_space<vmem_shared>> -> memref<64x128xf32, #tpu.memory_space<vmem_shared>>
      tpu.wait_dma2 semaphore(%run_scoped3A : memref<!tpu.dma_semaphore, #tpu.memory_space<semaphore_mem>>) src(%arg12 : memref<64x128xf32, #tpu.memory_space<vmem>>) dst(%dma_wait3A_61 : memref<64x128xf32, #tpu.memory_space<vmem_shared>>)
      tpu.yield
    }) : () -> ()
    %mul3A_39 = arith.constant 640 : i32
    %mul3A_40 = arith.muli %arg1, %mul3A_39 : i32
    %add3A_41 = arith.constant 576 : i32
    %add3A_42 = arith.addi %mul3A_40, %add3A_41 : i32
    "tpu.region"() ({
      %run_scoped3A = tpu.sem_alloc : memref<!tpu.dma_semaphore, #tpu.memory_space<semaphore_mem>>
      %dma_start3A = arith.constant 0 : i32
      %dma_start3A_56 = tpu.memref_slice %arg13[%add3A_42, %dma_start3A] : memref<10240x128xf32, #tpu.memory_space<vmem_shared>> -> memref<64x128xf32, #tpu.memory_space<vmem_shared>>
      %dma_start3A_57 = arith.constant 0 : i32
      %dma_start3A_58 = tpu.memref_slice %arg13[%add3A_42, %dma_start3A_57] : memref<10240x128xf32, #tpu.memory_space<vmem_shared>> -> memref<64x128xf32, #tpu.memory_space<vmem_shared>>
      tpu.enqueue_dma source(%arg12 : memref<64x128xf32, #tpu.memory_space<vmem>>) target(%dma_start3A_58 : memref<64x128xf32, #tpu.memory_space<vmem_shared>>) target_semaphore(%run_scoped3A : memref<!tpu.dma_semaphore, #tpu.memory_space<semaphore_mem>>)
      %dma_wait3A = arith.constant 0 : i32
      %dma_wait3A_59 = tpu.memref_slice %arg13[%add3A_42, %dma_wait3A] : memref<10240x128xf32, #tpu.memory_space<vmem_shared>> -> memref<64x128xf32, #tpu.memory_space<vmem_shared>>
      %dma_wait3A_60 = arith.constant 0 : i32
      %dma_wait3A_61 = tpu.memref_slice %arg13[%add3A_42, %dma_wait3A_60] : memref<10240x128xf32, #tpu.memory_space<vmem_shared>> -> memref<64x128xf32, #tpu.memory_space<vmem_shared>>
      tpu.wait_dma2 semaphore(%run_scoped3A : memref<!tpu.dma_semaphore, #tpu.memory_space<semaphore_mem>>) src(%arg12 : memref<64x128xf32, #tpu.memory_space<vmem>>) dst(%dma_wait3A_61 : memref<64x128xf32, #tpu.memory_space<vmem_shared>>)
      tpu.yield
    }) : () -> ()
    %barrier3A = arith.constant 0 : index
    tpu.barrier barrier_id(%barrier3A)
    %mul3A_43 = arith.constant 20480 : i32
    %mul3A_44 = arith.muli %arg1, %mul3A_43 : i32
    %scan3A_45 = arith.constant 0 : i32
    %scan3A_46 = arith.constant 0 : i32
    %scan3A_47 = arith.constant 80 : i32
    %scan3A_48 = arith.addi %scan3A_46, %scan3A_47 : i32
    %scan3A_49 = arith.constant 1 : i32
    scf.for %scan3A_56 = %scan3A_46 to %scan3A_48 step %scan3A_49  : i32 {
      %mul3A_57 = arith.constant 256 : i32
      %mul3A_58 = arith.muli %scan3A_56, %mul3A_57 : i32
      %add3A_59 = arith.addi %mul3A_44, %mul3A_58 : i32
      %add3A_60 = arith.constant 0 : i32
      %add3A_61 = arith.addi %add3A_59, %add3A_60 : i32
      "tpu.region"() ({
        %run_scoped3A = tpu.sem_alloc : memref<!tpu.dma_semaphore, #tpu.memory_space<semaphore_mem>>
        %dma_start3A_106 = tpu.memref_slice %arg3[%add3A_61] : memref<327680xi32, #tpu.memory_space<hbm>> -> memref<128xi32, #tpu.memory_space<hbm>>
        %dma_start3A_107 = tpu.memref_slice %arg3[%add3A_61] : memref<327680xi32, #tpu.memory_space<hbm>> -> memref<128xi32, #tpu.memory_space<hbm>>
        tpu.enqueue_dma source(%dma_start3A_107 : memref<128xi32, #tpu.memory_space<hbm>>) target(%arg6 : memref<128xi32, #tpu.memory_space<vmem>>) target_semaphore(%run_scoped3A : memref<!tpu.dma_semaphore, #tpu.memory_space<semaphore_mem>>)
        %dma_wait3A_108 = tpu.memref_slice %arg3[%add3A_61] : memref<327680xi32, #tpu.memory_space<hbm>> -> memref<128xi32, #tpu.memory_space<hbm>>
        %dma_wait3A_109 = tpu.memref_slice %arg3[%add3A_61] : memref<327680xi32, #tpu.memory_space<hbm>> -> memref<128xi32, #tpu.memory_space<hbm>>
        tpu.wait_dma2 semaphore(%run_scoped3A : memref<!tpu.dma_semaphore, #tpu.memory_space<semaphore_mem>>) src(%dma_wait3A_109 : memref<128xi32, #tpu.memory_space<hbm>>) dst(%arg6 : memref<128xi32, #tpu.memory_space<vmem>>)
        tpu.yield
      }) : () -> ()
      %dma_start3A = arith.constant 0 : i32
      %dma_start3A_62 = arith.constant 0 : i32
      %dma_start3A_63 = tpu.memref_slice %arg2[%arg0, %dma_start3A, %dma_start3A_62] : memref<2x10000x128xf32, #tpu.memory_space<hbm>> -> memref<1x10000x128xf32, #tpu.memory_space<hbm>>
      %dma_start3A_64 = tpu.memref_squeeze %dma_start3A_63 : memref<1x10000x128xf32, #tpu.memory_space<hbm>> -> memref<10000x128xf32, #tpu.memory_space<hbm>>
      %dma_start3A_65 = arith.constant 0 : i32
      %dma_start3A_66 = arith.constant 0 : i32
      %dma_start3A_67 = tpu.memref_slice %dma_start3A_64[%dma_start3A_65, %dma_start3A_66] : memref<10000x128xf32, #tpu.memory_space<hbm>> -> memref<10000x128xf32, #tpu.memory_space<hbm>>
      tpu.enqueue_indirect_dma source(%dma_start3A_67 : memref<10000x128xf32, #tpu.memory_space<hbm>>) target(%arg10 : memref<128x128xf32, #tpu.memory_space<vmem>>) offsets(%arg6 : memref<128xi32, #tpu.memory_space<vmem>>) semaphore(%arg14 : memref<!tpu.dma_semaphore, #tpu.memory_space<semaphore_mem>>)
      %add3A_68 = arith.constant 128 : i32
      %add3A_69 = arith.addi %add3A_59, %add3A_68 : i32
      "tpu.region"() ({
        %run_scoped3A = tpu.sem_alloc : memref<!tpu.dma_semaphore, #tpu.memory_space<semaphore_mem>>
        %dma_start3A_106 = tpu.memref_slice %arg3[%add3A_69] : memref<327680xi32, #tpu.memory_space<hbm>> -> memref<128xi32, #tpu.memory_space<hbm>>
        %dma_start3A_107 = tpu.memref_slice %arg3[%add3A_69] : memref<327680xi32, #tpu.memory_space<hbm>> -> memref<128xi32, #tpu.memory_space<hbm>>
        tpu.enqueue_dma source(%dma_start3A_107 : memref<128xi32, #tpu.memory_space<hbm>>) target(%arg7 : memref<128xi32, #tpu.memory_space<vmem>>) target_semaphore(%run_scoped3A : memref<!tpu.dma_semaphore, #tpu.memory_space<semaphore_mem>>)
        %dma_wait3A_108 = tpu.memref_slice %arg3[%add3A_69] : memref<327680xi32, #tpu.memory_space<hbm>> -> memref<128xi32, #tpu.memory_space<hbm>>
        %dma_wait3A_109 = tpu.memref_slice %arg3[%add3A_69] : memref<327680xi32, #tpu.memory_space<hbm>> -> memref<128xi32, #tpu.memory_space<hbm>>
        tpu.wait_dma2 semaphore(%run_scoped3A : memref<!tpu.dma_semaphore, #tpu.memory_space<semaphore_mem>>) src(%dma_wait3A_109 : memref<128xi32, #tpu.memory_space<hbm>>) dst(%arg7 : memref<128xi32, #tpu.memory_space<vmem>>)
        tpu.yield
      }) : () -> ()
      %dma_start3A_70 = arith.constant 0 : i32
      %dma_start3A_71 = arith.constant 0 : i32
      %dma_start3A_72 = tpu.memref_slice %arg2[%arg0, %dma_start3A_70, %dma_start3A_71] : memref<2x10000x128xf32, #tpu.memory_space<hbm>> -> memref<1x10000x128xf32, #tpu.memory_space<hbm>>
      %dma_start3A_73 = tpu.memref_squeeze %dma_start3A_72 : memref<1x10000x128xf32, #tpu.memory_space<hbm>> -> memref<10000x128xf32, #tpu.memory_space<hbm>>
      %dma_start3A_74 = arith.constant 0 : i32
      %dma_start3A_75 = arith.constant 0 : i32
      %dma_start3A_76 = tpu.memref_slice %dma_start3A_73[%dma_start3A_74, %dma_start3A_75] : memref<10000x128xf32, #tpu.memory_space<hbm>> -> memref<10000x128xf32, #tpu.memory_space<hbm>>
      tpu.enqueue_indirect_dma source(%dma_start3A_76 : memref<10000x128xf32, #tpu.memory_space<hbm>>) target(%arg11 : memref<128x128xf32, #tpu.memory_space<vmem>>) offsets(%arg7 : memref<128xi32, #tpu.memory_space<vmem>>) semaphore(%arg15 : memref<!tpu.dma_semaphore, #tpu.memory_space<semaphore_mem>>)
      %add3A_77 = arith.constant 0 : i32
      %add3A_78 = arith.addi %add3A_59, %add3A_77 : i32
      "tpu.region"() ({
        %run_scoped3A = tpu.sem_alloc : memref<!tpu.dma_semaphore, #tpu.memory_space<semaphore_mem>>
        %dma_start3A_106 = tpu.memref_slice %arg4[%add3A_78] : memref<327680xi32, #tpu.memory_space<hbm>> -> memref<128xi32, #tpu.memory_space<hbm>>
        %dma_start3A_107 = tpu.memref_slice %arg4[%add3A_78] : memref<327680xi32, #tpu.memory_space<hbm>> -> memref<128xi32, #tpu.memory_space<hbm>>
        tpu.enqueue_dma source(%dma_start3A_107 : memref<128xi32, #tpu.memory_space<hbm>>) target(%arg8 : memref<128xi32, #tpu.memory_space<vmem>>) target_semaphore(%run_scoped3A : memref<!tpu.dma_semaphore, #tpu.memory_space<semaphore_mem>>)
        %dma_wait3A_108 = tpu.memref_slice %arg4[%add3A_78] : memref<327680xi32, #tpu.memory_space<hbm>> -> memref<128xi32, #tpu.memory_space<hbm>>
        %dma_wait3A_109 = tpu.memref_slice %arg4[%add3A_78] : memref<327680xi32, #tpu.memory_space<hbm>> -> memref<128xi32, #tpu.memory_space<hbm>>
        tpu.wait_dma2 semaphore(%run_scoped3A : memref<!tpu.dma_semaphore, #tpu.memory_space<semaphore_mem>>) src(%dma_wait3A_109 : memref<128xi32, #tpu.memory_space<hbm>>) dst(%arg8 : memref<128xi32, #tpu.memory_space<vmem>>)
        tpu.yield
      }) : () -> ()
      %add3A_79 = arith.constant 128 : i32
      %add3A_80 = arith.addi %add3A_59, %add3A_79 : i32
      "tpu.region"() ({
        %run_scoped3A = tpu.sem_alloc : memref<!tpu.dma_semaphore, #tpu.memory_space<semaphore_mem>>
        %dma_start3A_106 = tpu.memref_slice %arg4[%add3A_80] : memref<327680xi32, #tpu.memory_space<hbm>> -> memref<128xi32, #tpu.memory_space<hbm>>
        %dma_start3A_107 = tpu.memref_slice %arg4[%add3A_80] : memref<327680xi32, #tpu.memory_space<hbm>> -> memref<128xi32, #tpu.memory_space<hbm>>
        tpu.enqueue_dma source(%dma_start3A_107 : memref<128xi32, #tpu.memory_space<hbm>>) target(%arg9 : memref<128xi32, #tpu.memory_space<vmem>>) target_semaphore(%run_scoped3A : memref<!tpu.dma_semaphore, #tpu.memory_space<semaphore_mem>>)
        %dma_wait3A_108 = tpu.memref_slice %arg4[%add3A_80] : memref<327680xi32, #tpu.memory_space<hbm>> -> memref<128xi32, #tpu.memory_space<hbm>>
        %dma_wait3A_109 = tpu.memref_slice %arg4[%add3A_80] : memref<327680xi32, #tpu.memory_space<hbm>> -> memref<128xi32, #tpu.memory_space<hbm>>
        tpu.wait_dma2 semaphore(%run_scoped3A : memref<!tpu.dma_semaphore, #tpu.memory_space<semaphore_mem>>) src(%dma_wait3A_109 : memref<128xi32, #tpu.memory_space<hbm>>) dst(%arg9 : memref<128xi32, #tpu.memory_space<vmem>>)
        tpu.yield
      }) : () -> ()
      %dma_wait3A = arith.constant 0 : i32
      %dma_wait3A_81 = arith.constant 0 : i32
      %dma_wait3A_82 = tpu.memref_slice %arg2[%arg0, %dma_wait3A, %dma_wait3A_81] : memref<2x10000x128xf32, #tpu.memory_space<hbm>> -> memref<1x10000x128xf32, #tpu.memory_space<hbm>>
      %dma_wait3A_83 = tpu.memref_squeeze %dma_wait3A_82 : memref<1x10000x128xf32, #tpu.memory_space<hbm>> -> memref<10000x128xf32, #tpu.memory_space<hbm>>
      %dma_wait3A_84 = arith.constant 0 : i32
      %dma_wait3A_85 = arith.constant 0 : i32
      %dma_wait3A_86 = tpu.memref_slice %dma_wait3A_83[%dma_wait3A_84, %dma_wait3A_85] : memref<10000x128xf32, #tpu.memory_space<hbm>> -> memref<10000x128xf32, #tpu.memory_space<hbm>>
      tpu.wait_indirect_dma semaphore(%arg14 : memref<!tpu.dma_semaphore, #tpu.memory_space<semaphore_mem>>) src(%dma_wait3A_86 : memref<10000x128xf32, #tpu.memory_space<hbm>>) dst(%arg10 : memref<128x128xf32, #tpu.memory_space<vmem>>)
      %dma_start3A_87 = arith.constant 0 : i32
      %dma_start3A_88 = arith.constant 0 : i32
      %dma_start3A_89 = tpu.memref_slice %arg13[%dma_start3A_87, %dma_start3A_88] : memref<10240x128xf32, #tpu.memory_space<vmem_shared>> -> memref<10240x128xf32, #tpu.memory_space<vmem_shared>>
      tpu.enqueue_indirect_dma source(%arg10 : memref<128x128xf32, #tpu.memory_space<vmem>>) target(%dma_start3A_89 : memref<10240x128xf32, #tpu.memory_space<vmem_shared>>) offsets(%arg8 : memref<128xi32, #tpu.memory_space<vmem>>) semaphore(%arg16 : memref<!tpu.dma_semaphore, #tpu.memory_space<semaphore_mem>>) {add = true}
      %dma_wait3A_90 = arith.constant 0 : i32
      %dma_wait3A_91 = arith.constant 0 : i32
      %dma_wait3A_92 = tpu.memref_slice %arg2[%arg0, %dma_wait3A_90, %dma_wait3A_91] : memref<2x10000x128xf32, #tpu.memory_space<hbm>> -> memref<1x10000x128xf32, #tpu.memory_space<hbm>>
      %dma_wait3A_93 = tpu.memref_squeeze %dma_wait3A_92 : memref<1x10000x128xf32, #tpu.memory_space<hbm>> -> memref<10000x128xf32, #tpu.memory_space<hbm>>
      %dma_wait3A_94 = arith.constant 0 : i32
      %dma_wait3A_95 = arith.constant 0 : i32
      %dma_wait3A_96 = tpu.memref_slice %dma_wait3A_93[%dma_wait3A_94, %dma_wait3A_95] : memref<10000x128xf32, #tpu.memory_space<hbm>> -> memref<10000x128xf32, #tpu.memory_space<hbm>>
      tpu.wait_indirect_dma semaphore(%arg15 : memref<!tpu.dma_semaphore, #tpu.memory_space<semaphore_mem>>) src(%dma_wait3A_96 : memref<10000x128xf32, #tpu.memory_space<hbm>>) dst(%arg11 : memref<128x128xf32, #tpu.memory_space<vmem>>)
      %dma_start3A_97 = arith.constant 0 : i32
      %dma_start3A_98 = arith.constant 0 : i32
      %dma_start3A_99 = tpu.memref_slice %arg13[%dma_start3A_97, %dma_start3A_98] : memref<10240x128xf32, #tpu.memory_space<vmem_shared>> -> memref<10240x128xf32, #tpu.memory_space<vmem_shared>>
      tpu.enqueue_indirect_dma source(%arg11 : memref<128x128xf32, #tpu.memory_space<vmem>>) target(%dma_start3A_99 : memref<10240x128xf32, #tpu.memory_space<vmem_shared>>) offsets(%arg9 : memref<128xi32, #tpu.memory_space<vmem>>) semaphore(%arg17 : memref<!tpu.dma_semaphore, #tpu.memory_space<semaphore_mem>>) {add = true}
      %dma_wait3A_100 = arith.constant 0 : i32
      %dma_wait3A_101 = arith.constant 0 : i32
      %dma_wait3A_102 = tpu.memref_slice %arg13[%dma_wait3A_100, %dma_wait3A_101] : memref<10240x128xf32, #tpu.memory_space<vmem_shared>> -> memref<10240x128xf32, #tpu.memory_space<vmem_shared>>
      tpu.wait_indirect_dma semaphore(%arg16 : memref<!tpu.dma_semaphore, #tpu.memory_space<semaphore_mem>>) src(%arg10 : memref<128x128xf32, #tpu.memory_space<vmem>>) dst(%dma_wait3A_102 : memref<10240x128xf32, #tpu.memory_space<vmem_shared>>)
      %dma_wait3A_103 = arith.constant 0 : i32
      %dma_wait3A_104 = arith.constant 0 : i32
      %dma_wait3A_105 = tpu.memref_slice %arg13[%dma_wait3A_103, %dma_wait3A_104] : memref<10240x128xf32, #tpu.memory_space<vmem_shared>> -> memref<10240x128xf32, #tpu.memory_space<vmem_shared>>
      tpu.wait_indirect_dma semaphore(%arg17 : memref<!tpu.dma_semaphore, #tpu.memory_space<semaphore_mem>>) src(%arg11 : memref<128x128xf32, #tpu.memory_space<vmem>>) dst(%dma_wait3A_105 : memref<10240x128xf32, #tpu.memory_space<vmem_shared>>)
    }
    %scan3A_50 = arith.constant 80 : i32
    %barrier3A_51 = arith.constant 0 : index
    tpu.barrier barrier_id(%barrier3A_51)
    %mul3A_52 = arith.constant 640 : i32
    %mul3A_53 = arith.muli %arg1, %mul3A_52 : i32
    %mul3A_54 = arith.constant 640 : i32
    %mul3A_55 = arith.muli %arg1, %mul3A_54 : i32
    "tpu.region"() ({
      %run_scoped3A = tpu.sem_alloc : memref<!tpu.dma_semaphore, #tpu.memory_space<semaphore_mem>>
      %dma_start3A = arith.constant 0 : i32
      %dma_start3A_56 = arith.constant 0 : i32
      %dma_start3A_57 = tpu.memref_slice %arg5[%arg0, %dma_start3A, %dma_start3A_56] : memref<2x10240x128xf32, #tpu.memory_space<hbm>> -> memref<1x10240x128xf32, #tpu.memory_space<hbm>>
      %dma_start3A_58 = tpu.memref_squeeze %dma_start3A_57 : memref<1x10240x128xf32, #tpu.memory_space<hbm>> -> memref<10240x128xf32, #tpu.memory_space<hbm>>
      %dma_start3A_59 = arith.constant 0 : i32
      %dma_start3A_60 = tpu.memref_slice %dma_start3A_58[%mul3A_55, %dma_start3A_59] : memref<10240x128xf32, #tpu.memory_space<hbm>> -> memref<640x128xf32, #tpu.memory_space<hbm>>
      %dma_start3A_61 = arith.constant 0 : i32
      %dma_start3A_62 = tpu.memref_slice %arg13[%mul3A_53, %dma_start3A_61] : memref<10240x128xf32, #tpu.memory_space<vmem_shared>> -> memref<640x128xf32, #tpu.memory_space<vmem_shared>>
      tpu.enqueue_dma source(%dma_start3A_62 : memref<640x128xf32, #tpu.memory_space<vmem_shared>>) target(%dma_start3A_60 : memref<640x128xf32, #tpu.memory_space<hbm>>) target_semaphore(%run_scoped3A : memref<!tpu.dma_semaphore, #tpu.memory_space<semaphore_mem>>)
      %dma_wait3A = arith.constant 0 : i32
      %dma_wait3A_63 = arith.constant 0 : i32
      %dma_wait3A_64 = tpu.memref_slice %arg5[%arg0, %dma_wait3A, %dma_wait3A_63] : memref<2x10240x128xf32, #tpu.memory_space<hbm>> -> memref<1x10240x128xf32, #tpu.memory_space<hbm>>
      %dma_wait3A_65 = tpu.memref_squeeze %dma_wait3A_64 : memref<1x10240x128xf32, #tpu.memory_space<hbm>> -> memref<10240x128xf32, #tpu.memory_space<hbm>>
      %dma_wait3A_66 = arith.constant 0 : i32
      %dma_wait3A_67 = tpu.memref_slice %dma_wait3A_65[%mul3A_55, %dma_wait3A_66] : memref<10240x128xf32, #tpu.memory_space<hbm>> -> memref<640x128xf32, #tpu.memory_space<hbm>>
      %dma_wait3A_68 = arith.constant 0 : i32
      %dma_wait3A_69 = tpu.memref_slice %arg13[%mul3A_53, %dma_wait3A_68] : memref<10240x128xf32, #tpu.memory_space<vmem_shared>> -> memref<640x128xf32, #tpu.memory_space<vmem_shared>>
      tpu.wait_dma2 semaphore(%run_scoped3A : memref<!tpu.dma_semaphore, #tpu.memory_space<semaphore_mem>>) src(%dma_wait3A_69 : memref<640x128xf32, #tpu.memory_space<vmem_shared>>) dst(%dma_wait3A_67 : memref<640x128xf32, #tpu.memory_space<hbm>>)
      tpu.yield
    }) : () -> ()
    return
  }
}

#map = affine_map<(d0, d1) -> (0, 0, 0)>
#map1 = affine_map<(d0, d1) -> (0)>
module attributes {stable_mosaic.version = 14 : i64} {
  func.func @agg_kernel(%arg0: i32, %arg1: i32, %arg2: memref<2x10000x128xf32, #tpu.memory_space<hbm>>, %arg3: memref<327680xi32, #tpu.memory_space<hbm>>, %arg4: memref<327680xi32, #tpu.memory_space<hbm>>, %arg5: memref<2x10240x128xf32, #tpu.memory_space<hbm>>, %arg6: memref<128xi32, #tpu.memory_space<vmem>>, %arg7: memref<128xi32, #tpu.memory_space<vmem>>, %arg8: memref<128xi32, #tpu.memory_space<vmem>>, %arg9: memref<128xi32, #tpu.memory_space<vmem>>, %arg10: memref<128x128xf32, #tpu.memory_space<vmem>>, %arg11: memref<128x128xf32, #tpu.memory_space<vmem>>, %arg12: memref<64x128xf32, #tpu.memory_space<vmem>>, %arg13: memref<10240x128xf32, #tpu.memory_space<vmem_shared>>, %arg14: memref<!tpu.dma_semaphore, #tpu.memory_space<semaphore_mem>>, %arg15: memref<!tpu.dma_semaphore, #tpu.memory_space<semaphore_mem>>, %arg16: memref<!tpu.dma_semaphore, #tpu.memory_space<semaphore_mem>>, %arg17: memref<!tpu.dma_semaphore, #tpu.memory_space<semaphore_mem>>) attributes {dimension_semantics = [#tpu.dimension_semantics<core_parallel>, #tpu.dimension_semantics<subcore_parallel>], iteration_bounds = array<i64: 2, 16>, scalar_prefetch = 0 : i64, scratch_operands = 12 : i64, tpu.core_type = #tpu.core_type<sc_vector_subcore>, window_params = [{transform_indices = #map}, {transform_indices = #map1}, {transform_indices = #map1}, {transform_indices = #map}]} {
    %scan3A = arith.constant 0 : i32
    %scan3A_0 = arith.constant 0 : i32
    %scan3A_1 = arith.constant 64 : i32
    %scan3A_2 = arith.addi %scan3A_0, %scan3A_1 : i32
    %scan3A_3 = arith.constant 1 : i32
    scf.for %scan3A_56 = %scan3A_0 to %scan3A_2 step %scan3A_3  : i32 {
      %broadcast_in_dim3A = arith.constant 0.000000e+00 : f32
      %broadcast_in_dim3A_57 = vector.broadcast %broadcast_in_dim3A : f32 to vector<16xf32>
      %swap3A = arith.index_cast %scan3A_56 : i32 to index
      %swap3A_58 = arith.constant 0 : index
      %swap3A_59 = tpu.vector_load %arg12[%swap3A, %swap3A_58] {strides = array<i32>} : memref<64x128xf32, #tpu.memory_space<vmem>>, vector<1x16xf32>,
      %swap3A_60 = vector.shape_cast %swap3A_59 : vector<1x16xf32> to vector<16xf32>
      %swap3A_61 = vector.shape_cast %broadcast_in_dim3A_57 : vector<16xf32> to vector<1x16xf32>
      tpu.vector_store %arg12[%swap3A, %swap3A_58], %swap3A_61 {strides = array<i32>} : memref<64x128xf32, #tpu.memory_space<vmem>>, vector<1x16xf32>,
      %swap3A_62 = arith.index_cast %scan3A_56 : i32 to index
      %swap3A_63 = arith.constant 16 : index
      %swap3A_64 = tpu.vector_load %arg12[%swap3A_62, %swap3A_63] {strides = array<i32>} : memref<64x128xf32, #tpu.memory_space<vmem>>, vector<1x16xf32>,
      %swap3A_65 = vector.shape_cast %swap3A_64 : vector<1x16xf32> to vector<16xf32>
      %swap3A_66 = vector.shape_cast %broadcast_in_dim3A_57 : vector<16xf32> to vector<1x16xf32>
      tpu.vector_store %arg12[%swap3A_62, %swap3A_63], %swap3A_66 {strides = array<i32>} : memref<64x128xf32, #tpu.memory_space<vmem>>, vector<1x16xf32>,
      %swap3A_67 = arith.index_cast %scan3A_56 : i32 to index
      %swap3A_68 = arith.constant 32 : index
      %swap3A_69 = tpu.vector_load %arg12[%swap3A_67, %swap3A_68] {strides = array<i32>} : memref<64x128xf32, #tpu.memory_space<vmem>>, vector<1x16xf32>,
      %swap3A_70 = vector.shape_cast %swap3A_69 : vector<1x16xf32> to vector<16xf32>
      %swap3A_71 = vector.shape_cast %broadcast_in_dim3A_57 : vector<16xf32> to vector<1x16xf32>
      tpu.vector_store %arg12[%swap3A_67, %swap3A_68], %swap3A_71 {strides = array<i32>} : memref<64x128xf32, #tpu.memory_space<vmem>>, vector<1x16xf32>,
      %swap3A_72 = arith.index_cast %scan3A_56 : i32 to index
      %swap3A_73 = arith.constant 48 : index
      %swap3A_74 = tpu.vector_load %arg12[%swap3A_72, %swap3A_73] {strides = array<i32>} : memref<64x128xf32, #tpu.memory_space<vmem>>, vector<1x16xf32>,
      %swap3A_75 = vector.shape_cast %swap3A_74 : vector<1x16xf32> to vector<16xf32>
      %swap3A_76 = vector.shape_cast %broadcast_in_dim3A_57 : vector<16xf32> to vector<1x16xf32>
      tpu.vector_store %arg12[%swap3A_72, %swap3A_73], %swap3A_76 {strides = array<i32>} : memref<64x128xf32, #tpu.memory_space<vmem>>, vector<1x16xf32>,
      %swap3A_77 = arith.index_cast %scan3A_56 : i32 to index
      %swap3A_78 = arith.constant 64 : index
      %swap3A_79 = tpu.vector_load %arg12[%swap3A_77, %swap3A_78] {strides = array<i32>} : memref<64x128xf32, #tpu.memory_space<vmem>>, vector<1x16xf32>,
      %swap3A_80 = vector.shape_cast %swap3A_79 : vector<1x16xf32> to vector<16xf32>
      %swap3A_81 = vector.shape_cast %broadcast_in_dim3A_57 : vector<16xf32> to vector<1x16xf32>
      tpu.vector_store %arg12[%swap3A_77, %swap3A_78], %swap3A_81 {strides = array<i32>} : memref<64x128xf32, #tpu.memory_space<vmem>>, vector<1x16xf32>,
      %swap3A_82 = arith.index_cast %scan3A_56 : i32 to index
      %swap3A_83 = arith.constant 80 : index
      %swap3A_84 = tpu.vector_load %arg12[%swap3A_82, %swap3A_83] {strides = array<i32>} : memref<64x128xf32, #tpu.memory_space<vmem>>, vector<1x16xf32>,
      %swap3A_85 = vector.shape_cast %swap3A_84 : vector<1x16xf32> to vector<16xf32>
      %swap3A_86 = vector.shape_cast %broadcast_in_dim3A_57 : vector<16xf32> to vector<1x16xf32>
      tpu.vector_store %arg12[%swap3A_82, %swap3A_83], %swap3A_86 {strides = array<i32>} : memref<64x128xf32, #tpu.memory_space<vmem>>, vector<1x16xf32>,
      %swap3A_87 = arith.index_cast %scan3A_56 : i32 to index
      %swap3A_88 = arith.constant 96 : index
      %swap3A_89 = tpu.vector_load %arg12[%swap3A_87, %swap3A_88] {strides = array<i32>} : memref<64x128xf32, #tpu.memory_space<vmem>>, vector<1x16xf32>,
      %swap3A_90 = vector.shape_cast %swap3A_89 : vector<1x16xf32> to vector<16xf32>
      %swap3A_91 = vector.shape_cast %broadcast_in_dim3A_57 : vector<16xf32> to vector<1x16xf32>
      tpu.vector_store %arg12[%swap3A_87, %swap3A_88], %swap3A_91 {strides = array<i32>} : memref<64x128xf32, #tpu.memory_space<vmem>>, vector<1x16xf32>,
      %swap3A_92 = arith.index_cast %scan3A_56 : i32 to index
      %swap3A_93 = arith.constant 112 : index
      %swap3A_94 = tpu.vector_load %arg12[%swap3A_92, %swap3A_93] {strides = array<i32>} : memref<64x128xf32, #tpu.memory_space<vmem>>, vector<1x16xf32>,
      %swap3A_95 = vector.shape_cast %swap3A_94 : vector<1x16xf32> to vector<16xf32>
      %swap3A_96 = vector.shape_cast %broadcast_in_dim3A_57 : vector<16xf32> to vector<1x16xf32>
      tpu.vector_store %arg12[%swap3A_92, %swap3A_93], %swap3A_96 {strides = array<i32>} : memref<64x128xf32, #tpu.memory_space<vmem>>, vector<1x16xf32>,
    }
    %scan3A_4 = arith.constant 64 : i32
    %mul3A = arith.constant 640 : i32
    %mul3A_5 = arith.muli %arg1, %mul3A : i32
    %add3A = arith.constant 0 : i32
    %add3A_6 = arith.addi %mul3A_5, %add3A : i32
    "tpu.region"() ({
      %run_scoped3A = tpu.sem_alloc : memref<!tpu.dma_semaphore, #tpu.memory_space<semaphore_mem>>
      %dma_start3A = arith.constant 0 : i32
      %dma_start3A_56 = tpu.memref_slice %arg13[%add3A_6, %dma_start3A] : memref<10240x128xf32, #tpu.memory_space<vmem_shared>> -> memref<64x128xf32, #tpu.memory_space<vmem_shared>>
      %dma_start3A_57 = arith.constant 0 : i32
      %dma_start3A_58 = tpu.memref_slice %arg13[%add3A_6, %dma_start3A_57] : memref<10240x128xf32, #tpu.memory_space<vmem_shared>> -> memref<64x128xf32, #tpu.memory_space<vmem_shared>>
      tpu.enqueue_dma source(%arg12 : memref<64x128xf32, #tpu.memory_space<vmem>>) target(%dma_start3A_58 : memref<64x128xf32, #tpu.memory_space<vmem_shared>>) target_semaphore(%run_scoped3A : memref<!tpu.dma_semaphore, #tpu.memory_space<semaphore_mem>>)
      %dma_wait3A = arith.constant 0 : i32
      %dma_wait3A_59 = tpu.memref_slice %arg13[%add3A_6, %dma_wait3A] : memref<10240x128xf32, #tpu.memory_space<vmem_shared>> -> memref<64x128xf32, #tpu.memory_space<vmem_shared>>
      %dma_wait3A_60 = arith.constant 0 : i32
      %dma_wait3A_61 = tpu.memref_slice %arg13[%add3A_6, %dma_wait3A_60] : memref<10240x128xf32, #tpu.memory_space<vmem_shared>> -> memref<64x128xf32, #tpu.memory_space<vmem_shared>>
      tpu.wait_dma2 semaphore(%run_scoped3A : memref<!tpu.dma_semaphore, #tpu.memory_space<semaphore_mem>>) src(%arg12 : memref<64x128xf32, #tpu.memory_space<vmem>>) dst(%dma_wait3A_61 : memref<64x128xf32, #tpu.memory_space<vmem_shared>>)
      tpu.yield
    }) : () -> ()
    %mul3A_7 = arith.constant 640 : i32
    %mul3A_8 = arith.muli %arg1, %mul3A_7 : i32
    %add3A_9 = arith.constant 64 : i32
    %add3A_10 = arith.addi %mul3A_8, %add3A_9 : i32
    "tpu.region"() ({
      %run_scoped3A = tpu.sem_alloc : memref<!tpu.dma_semaphore, #tpu.memory_space<semaphore_mem>>
      %dma_start3A = arith.constant 0 : i32
      %dma_start3A_56 = tpu.memref_slice %arg13[%add3A_10, %dma_start3A] : memref<10240x128xf32, #tpu.memory_space<vmem_shared>> -> memref<64x128xf32, #tpu.memory_space<vmem_shared>>
      %dma_start3A_57 = arith.constant 0 : i32
      %dma_start3A_58 = tpu.memref_slice %arg13[%add3A_10, %dma_start3A_57] : memref<10240x128xf32, #tpu.memory_space<vmem_shared>> -> memref<64x128xf32, #tpu.memory_space<vmem_shared>>
      tpu.enqueue_dma source(%arg12 : memref<64x128xf32, #tpu.memory_space<vmem>>) target(%dma_start3A_58 : memref<64x128xf32, #tpu.memory_space<vmem_shared>>) target_semaphore(%run_scoped3A : memref<!tpu.dma_semaphore, #tpu.memory_space<semaphore_mem>>)
      %dma_wait3A = arith.constant 0 : i32
      %dma_wait3A_59 = tpu.memref_slice %arg13[%add3A_10, %dma_wait3A] : memref<10240x128xf32, #tpu.memory_space<vmem_shared>> -> memref<64x128xf32, #tpu.memory_space<vmem_shared>>
      %dma_wait3A_60 = arith.constant 0 : i32
      %dma_wait3A_61 = tpu.memref_slice %arg13[%add3A_10, %dma_wait3A_60] : memref<10240x128xf32, #tpu.memory_space<vmem_shared>> -> memref<64x128xf32, #tpu.memory_space<vmem_shared>>
      tpu.wait_dma2 semaphore(%run_scoped3A : memref<!tpu.dma_semaphore, #tpu.memory_space<semaphore_mem>>) src(%arg12 : memref<64x128xf32, #tpu.memory_space<vmem>>) dst(%dma_wait3A_61 : memref<64x128xf32, #tpu.memory_space<vmem_shared>>)
      tpu.yield
    }) : () -> ()
    %mul3A_11 = arith.constant 640 : i32
    %mul3A_12 = arith.muli %arg1, %mul3A_11 : i32
    %add3A_13 = arith.constant 128 : i32
    %add3A_14 = arith.addi %mul3A_12, %add3A_13 : i32
    "tpu.region"() ({
      %run_scoped3A = tpu.sem_alloc : memref<!tpu.dma_semaphore, #tpu.memory_space<semaphore_mem>>
      %dma_start3A = arith.constant 0 : i32
      %dma_start3A_56 = tpu.memref_slice %arg13[%add3A_14, %dma_start3A] : memref<10240x128xf32, #tpu.memory_space<vmem_shared>> -> memref<64x128xf32, #tpu.memory_space<vmem_shared>>
      %dma_start3A_57 = arith.constant 0 : i32
      %dma_start3A_58 = tpu.memref_slice %arg13[%add3A_14, %dma_start3A_57] : memref<10240x128xf32, #tpu.memory_space<vmem_shared>> -> memref<64x128xf32, #tpu.memory_space<vmem_shared>>
      tpu.enqueue_dma source(%arg12 : memref<64x128xf32, #tpu.memory_space<vmem>>) target(%dma_start3A_58 : memref<64x128xf32, #tpu.memory_space<vmem_shared>>) target_semaphore(%run_scoped3A : memref<!tpu.dma_semaphore, #tpu.memory_space<semaphore_mem>>)
      %dma_wait3A = arith.constant 0 : i32
      %dma_wait3A_59 = tpu.memref_slice %arg13[%add3A_14, %dma_wait3A] : memref<10240x128xf32, #tpu.memory_space<vmem_shared>> -> memref<64x128xf32, #tpu.memory_space<vmem_shared>>
      %dma_wait3A_60 = arith.constant 0 : i32
      %dma_wait3A_61 = tpu.memref_slice %arg13[%add3A_14, %dma_wait3A_60] : memref<10240x128xf32, #tpu.memory_space<vmem_shared>> -> memref<64x128xf32, #tpu.memory_space<vmem_shared>>
      tpu.wait_dma2 semaphore(%run_scoped3A : memref<!tpu.dma_semaphore, #tpu.memory_space<semaphore_mem>>) src(%arg12 : memref<64x128xf32, #tpu.memory_space<vmem>>) dst(%dma_wait3A_61 : memref<64x128xf32, #tpu.memory_space<vmem_shared>>)
      tpu.yield
    }) : () -> ()
    %mul3A_15 = arith.constant 640 : i32
    %mul3A_16 = arith.muli %arg1, %mul3A_15 : i32
    %add3A_17 = arith.constant 192 : i32
    %add3A_18 = arith.addi %mul3A_16, %add3A_17 : i32
    "tpu.region"() ({
      %run_scoped3A = tpu.sem_alloc : memref<!tpu.dma_semaphore, #tpu.memory_space<semaphore_mem>>
      %dma_start3A = arith.constant 0 : i32
      %dma_start3A_56 = tpu.memref_slice %arg13[%add3A_18, %dma_start3A] : memref<10240x128xf32, #tpu.memory_space<vmem_shared>> -> memref<64x128xf32, #tpu.memory_space<vmem_shared>>
      %dma_start3A_57 = arith.constant 0 : i32
      %dma_start3A_58 = tpu.memref_slice %arg13[%add3A_18, %dma_start3A_57] : memref<10240x128xf32, #tpu.memory_space<vmem_shared>> -> memref<64x128xf32, #tpu.memory_space<vmem_shared>>
      tpu.enqueue_dma source(%arg12 : memref<64x128xf32, #tpu.memory_space<vmem>>) target(%dma_start3A_58 : memref<64x128xf32, #tpu.memory_space<vmem_shared>>) target_semaphore(%run_scoped3A : memref<!tpu.dma_semaphore, #tpu.memory_space<semaphore_mem>>)
      %dma_wait3A = arith.constant 0 : i32
      %dma_wait3A_59 = tpu.memref_slice %arg13[%add3A_18, %dma_wait3A] : memref<10240x128xf32, #tpu.memory_space<vmem_shared>> -> memref<64x128xf32, #tpu.memory_space<vmem_shared>>
      %dma_wait3A_60 = arith.constant 0 : i32
      %dma_wait3A_61 = tpu.memref_slice %arg13[%add3A_18, %dma_wait3A_60] : memref<10240x128xf32, #tpu.memory_space<vmem_shared>> -> memref<64x128xf32, #tpu.memory_space<vmem_shared>>
      tpu.wait_dma2 semaphore(%run_scoped3A : memref<!tpu.dma_semaphore, #tpu.memory_space<semaphore_mem>>) src(%arg12 : memref<64x128xf32, #tpu.memory_space<vmem>>) dst(%dma_wait3A_61 : memref<64x128xf32, #tpu.memory_space<vmem_shared>>)
      tpu.yield
    }) : () -> ()
    %mul3A_19 = arith.constant 640 : i32
    %mul3A_20 = arith.muli %arg1, %mul3A_19 : i32
    %add3A_21 = arith.constant 256 : i32
    %add3A_22 = arith.addi %mul3A_20, %add3A_21 : i32
    "tpu.region"() ({
      %run_scoped3A = tpu.sem_alloc : memref<!tpu.dma_semaphore, #tpu.memory_space<semaphore_mem>>
      %dma_start3A = arith.constant 0 : i32
      %dma_start3A_56 = tpu.memref_slice %arg13[%add3A_22, %dma_start3A] : memref<10240x128xf32, #tpu.memory_space<vmem_shared>> -> memref<64x128xf32, #tpu.memory_space<vmem_shared>>
      %dma_start3A_57 = arith.constant 0 : i32
      %dma_start3A_58 = tpu.memref_slice %arg13[%add3A_22, %dma_start3A_57] : memref<10240x128xf32, #tpu.memory_space<vmem_shared>> -> memref<64x128xf32, #tpu.memory_space<vmem_shared>>
      tpu.enqueue_dma source(%arg12 : memref<64x128xf32, #tpu.memory_space<vmem>>) target(%dma_start3A_58 : memref<64x128xf32, #tpu.memory_space<vmem_shared>>) target_semaphore(%run_scoped3A : memref<!tpu.dma_semaphore, #tpu.memory_space<semaphore_mem>>)
      %dma_wait3A = arith.constant 0 : i32
      %dma_wait3A_59 = tpu.memref_slice %arg13[%add3A_22, %dma_wait3A] : memref<10240x128xf32, #tpu.memory_space<vmem_shared>> -> memref<64x128xf32, #tpu.memory_space<vmem_shared>>
      %dma_wait3A_60 = arith.constant 0 : i32
      %dma_wait3A_61 = tpu.memref_slice %arg13[%add3A_22, %dma_wait3A_60] : memref<10240x128xf32, #tpu.memory_space<vmem_shared>> -> memref<64x128xf32, #tpu.memory_space<vmem_shared>>
      tpu.wait_dma2 semaphore(%run_scoped3A : memref<!tpu.dma_semaphore, #tpu.memory_space<semaphore_mem>>) src(%arg12 : memref<64x128xf32, #tpu.memory_space<vmem>>) dst(%dma_wait3A_61 : memref<64x128xf32, #tpu.memory_space<vmem_shared>>)
      tpu.yield
    }) : () -> ()
    %mul3A_23 = arith.constant 640 : i32
    %mul3A_24 = arith.muli %arg1, %mul3A_23 : i32
    %add3A_25 = arith.constant 320 : i32
    %add3A_26 = arith.addi %mul3A_24, %add3A_25 : i32
    "tpu.region"() ({
      %run_scoped3A = tpu.sem_alloc : memref<!tpu.dma_semaphore, #tpu.memory_space<semaphore_mem>>
      %dma_start3A = arith.constant 0 : i32
      %dma_start3A_56 = tpu.memref_slice %arg13[%add3A_26, %dma_start3A] : memref<10240x128xf32, #tpu.memory_space<vmem_shared>> -> memref<64x128xf32, #tpu.memory_space<vmem_shared>>
      %dma_start3A_57 = arith.constant 0 : i32
      %dma_start3A_58 = tpu.memref_slice %arg13[%add3A_26, %dma_start3A_57] : memref<10240x128xf32, #tpu.memory_space<vmem_shared>> -> memref<64x128xf32, #tpu.memory_space<vmem_shared>>
      tpu.enqueue_dma source(%arg12 : memref<64x128xf32, #tpu.memory_space<vmem>>) target(%dma_start3A_58 : memref<64x128xf32, #tpu.memory_space<vmem_shared>>) target_semaphore(%run_scoped3A : memref<!tpu.dma_semaphore, #tpu.memory_space<semaphore_mem>>)
      %dma_wait3A = arith.constant 0 : i32
      %dma_wait3A_59 = tpu.memref_slice %arg13[%add3A_26, %dma_wait3A] : memref<10240x128xf32, #tpu.memory_space<vmem_shared>> -> memref<64x128xf32, #tpu.memory_space<vmem_shared>>
      %dma_wait3A_60 = arith.constant 0 : i32
      %dma_wait3A_61 = tpu.memref_slice %arg13[%add3A_26, %dma_wait3A_60] : memref<10240x128xf32, #tpu.memory_space<vmem_shared>> -> memref<64x128xf32, #tpu.memory_space<vmem_shared>>
      tpu.wait_dma2 semaphore(%run_scoped3A : memref<!tpu.dma_semaphore, #tpu.memory_space<semaphore_mem>>) src(%arg12 : memref<64x128xf32, #tpu.memory_space<vmem>>) dst(%dma_wait3A_61 : memref<64x128xf32, #tpu.memory_space<vmem_shared>>)
      tpu.yield
    }) : () -> ()
    %mul3A_27 = arith.constant 640 : i32
    %mul3A_28 = arith.muli %arg1, %mul3A_27 : i32
    %add3A_29 = arith.constant 384 : i32
    %add3A_30 = arith.addi %mul3A_28, %add3A_29 : i32
    "tpu.region"() ({
      %run_scoped3A = tpu.sem_alloc : memref<!tpu.dma_semaphore, #tpu.memory_space<semaphore_mem>>
      %dma_start3A = arith.constant 0 : i32
      %dma_start3A_56 = tpu.memref_slice %arg13[%add3A_30, %dma_start3A] : memref<10240x128xf32, #tpu.memory_space<vmem_shared>> -> memref<64x128xf32, #tpu.memory_space<vmem_shared>>
      %dma_start3A_57 = arith.constant 0 : i32
      %dma_start3A_58 = tpu.memref_slice %arg13[%add3A_30, %dma_start3A_57] : memref<10240x128xf32, #tpu.memory_space<vmem_shared>> -> memref<64x128xf32, #tpu.memory_space<vmem_shared>>
      tpu.enqueue_dma source(%arg12 : memref<64x128xf32, #tpu.memory_space<vmem>>) target(%dma_start3A_58 : memref<64x128xf32, #tpu.memory_space<vmem_shared>>) target_semaphore(%run_scoped3A : memref<!tpu.dma_semaphore, #tpu.memory_space<semaphore_mem>>)
      %dma_wait3A = arith.constant 0 : i32
      %dma_wait3A_59 = tpu.memref_slice %arg13[%add3A_30, %dma_wait3A] : memref<10240x128xf32, #tpu.memory_space<vmem_shared>> -> memref<64x128xf32, #tpu.memory_space<vmem_shared>>
      %dma_wait3A_60 = arith.constant 0 : i32
      %dma_wait3A_61 = tpu.memref_slice %arg13[%add3A_30, %dma_wait3A_60] : memref<10240x128xf32, #tpu.memory_space<vmem_shared>> -> memref<64x128xf32, #tpu.memory_space<vmem_shared>>
      tpu.wait_dma2 semaphore(%run_scoped3A : memref<!tpu.dma_semaphore, #tpu.memory_space<semaphore_mem>>) src(%arg12 : memref<64x128xf32, #tpu.memory_space<vmem>>) dst(%dma_wait3A_61 : memref<64x128xf32, #tpu.memory_space<vmem_shared>>)
      tpu.yield
    }) : () -> ()
    %mul3A_31 = arith.constant 640 : i32
    %mul3A_32 = arith.muli %arg1, %mul3A_31 : i32
    %add3A_33 = arith.constant 448 : i32
    %add3A_34 = arith.addi %mul3A_32, %add3A_33 : i32
    "tpu.region"() ({
      %run_scoped3A = tpu.sem_alloc : memref<!tpu.dma_semaphore, #tpu.memory_space<semaphore_mem>>
      %dma_start3A = arith.constant 0 : i32
      %dma_start3A_56 = tpu.memref_slice %arg13[%add3A_34, %dma_start3A] : memref<10240x128xf32, #tpu.memory_space<vmem_shared>> -> memref<64x128xf32, #tpu.memory_space<vmem_shared>>
      %dma_start3A_57 = arith.constant 0 : i32
      %dma_start3A_58 = tpu.memref_slice %arg13[%add3A_34, %dma_start3A_57] : memref<10240x128xf32, #tpu.memory_space<vmem_shared>> -> memref<64x128xf32, #tpu.memory_space<vmem_shared>>
      tpu.enqueue_dma source(%arg12 : memref<64x128xf32, #tpu.memory_space<vmem>>) target(%dma_start3A_58 : memref<64x128xf32, #tpu.memory_space<vmem_shared>>) target_semaphore(%run_scoped3A : memref<!tpu.dma_semaphore, #tpu.memory_space<semaphore_mem>>)
      %dma_wait3A = arith.constant 0 : i32
      %dma_wait3A_59 = tpu.memref_slice %arg13[%add3A_34, %dma_wait3A] : memref<10240x128xf32, #tpu.memory_space<vmem_shared>> -> memref<64x128xf32, #tpu.memory_space<vmem_shared>>
      %dma_wait3A_60 = arith.constant 0 : i32
      %dma_wait3A_61 = tpu.memref_slice %arg13[%add3A_34, %dma_wait3A_60] : memref<10240x128xf32, #tpu.memory_space<vmem_shared>> -> memref<64x128xf32, #tpu.memory_space<vmem_shared>>
      tpu.wait_dma2 semaphore(%run_scoped3A : memref<!tpu.dma_semaphore, #tpu.memory_space<semaphore_mem>>) src(%arg12 : memref<64x128xf32, #tpu.memory_space<vmem>>) dst(%dma_wait3A_61 : memref<64x128xf32, #tpu.memory_space<vmem_shared>>)
      tpu.yield
    }) : () -> ()
    %mul3A_35 = arith.constant 640 : i32
    %mul3A_36 = arith.muli %arg1, %mul3A_35 : i32
    %add3A_37 = arith.constant 512 : i32
    %add3A_38 = arith.addi %mul3A_36, %add3A_37 : i32
    "tpu.region"() ({
      %run_scoped3A = tpu.sem_alloc : memref<!tpu.dma_semaphore, #tpu.memory_space<semaphore_mem>>
      %dma_start3A = arith.constant 0 : i32
      %dma_start3A_56 = tpu.memref_slice %arg13[%add3A_38, %dma_start3A] : memref<10240x128xf32, #tpu.memory_space<vmem_shared>> -> memref<64x128xf32, #tpu.memory_space<vmem_shared>>
      %dma_start3A_57 = arith.constant 0 : i32
      %dma_start3A_58 = tpu.memref_slice %arg13[%add3A_38, %dma_start3A_57] : memref<10240x128xf32, #tpu.memory_space<vmem_shared>> -> memref<64x128xf32, #tpu.memory_space<vmem_shared>>
      tpu.enqueue_dma source(%arg12 : memref<64x128xf32, #tpu.memory_space<vmem>>) target(%dma_start3A_58 : memref<64x128xf32, #tpu.memory_space<vmem_shared>>) target_semaphore(%run_scoped3A : memref<!tpu.dma_semaphore, #tpu.memory_space<semaphore_mem>>)
      %dma_wait3A = arith.constant 0 : i32
      %dma_wait3A_59 = tpu.memref_slice %arg13[%add3A_38, %dma_wait3A] : memref<10240x128xf32, #tpu.memory_space<vmem_shared>> -> memref<64x128xf32, #tpu.memory_space<vmem_shared>>
      %dma_wait3A_60 = arith.constant 0 : i32
      %dma_wait3A_61 = tpu.memref_slice %arg13[%add3A_38, %dma_wait3A_60] : memref<10240x128xf32, #tpu.memory_space<vmem_shared>> -> memref<64x128xf32, #tpu.memory_space<vmem_shared>>
      tpu.wait_dma2 semaphore(%run_scoped3A : memref<!tpu.dma_semaphore, #tpu.memory_space<semaphore_mem>>) src(%arg12 : memref<64x128xf32, #tpu.memory_space<vmem>>) dst(%dma_wait3A_61 : memref<64x128xf32, #tpu.memory_space<vmem_shared>>)
      tpu.yield
    }) : () -> ()
    %mul3A_39 = arith.constant 640 : i32
    %mul3A_40 = arith.muli %arg1, %mul3A_39 : i32
    %add3A_41 = arith.constant 576 : i32
    %add3A_42 = arith.addi %mul3A_40, %add3A_41 : i32
    "tpu.region"() ({
      %run_scoped3A = tpu.sem_alloc : memref<!tpu.dma_semaphore, #tpu.memory_space<semaphore_mem>>
      %dma_start3A = arith.constant 0 : i32
      %dma_start3A_56 = tpu.memref_slice %arg13[%add3A_42, %dma_start3A] : memref<10240x128xf32, #tpu.memory_space<vmem_shared>> -> memref<64x128xf32, #tpu.memory_space<vmem_shared>>
      %dma_start3A_57 = arith.constant 0 : i32
      %dma_start3A_58 = tpu.memref_slice %arg13[%add3A_42, %dma_start3A_57] : memref<10240x128xf32, #tpu.memory_space<vmem_shared>> -> memref<64x128xf32, #tpu.memory_space<vmem_shared>>
      tpu.enqueue_dma source(%arg12 : memref<64x128xf32, #tpu.memory_space<vmem>>) target(%dma_start3A_58 : memref<64x128xf32, #tpu.memory_space<vmem_shared>>) target_semaphore(%run_scoped3A : memref<!tpu.dma_semaphore, #tpu.memory_space<semaphore_mem>>)
      %dma_wait3A = arith.constant 0 : i32
      %dma_wait3A_59 = tpu.memref_slice %arg13[%add3A_42, %dma_wait3A] : memref<10240x128xf32, #tpu.memory_space<vmem_shared>> -> memref<64x128xf32, #tpu.memory_space<vmem_shared>>
      %dma_wait3A_60 = arith.constant 0 : i32
      %dma_wait3A_61 = tpu.memref_slice %arg13[%add3A_42, %dma_wait3A_60] : memref<10240x128xf32, #tpu.memory_space<vmem_shared>> -> memref<64x128xf32, #tpu.memory_space<vmem_shared>>
      tpu.wait_dma2 semaphore(%run_scoped3A : memref<!tpu.dma_semaphore, #tpu.memory_space<semaphore_mem>>) src(%arg12 : memref<64x128xf32, #tpu.memory_space<vmem>>) dst(%dma_wait3A_61 : memref<64x128xf32, #tpu.memory_space<vmem_shared>>)
      tpu.yield
    }) : () -> ()
    %barrier3A = arith.constant 0 : index
    tpu.barrier barrier_id(%barrier3A)
    %mul3A_43 = arith.constant 20480 : i32
    %mul3A_44 = arith.muli %arg1, %mul3A_43 : i32
    %scan3A_45 = arith.constant 0 : i32
    %scan3A_46 = arith.constant 0 : i32
    %scan3A_47 = arith.constant 80 : i32
    %scan3A_48 = arith.addi %scan3A_46, %scan3A_47 : i32
    %scan3A_49 = arith.constant 1 : i32
    scf.for %scan3A_56 = %scan3A_46 to %scan3A_48 step %scan3A_49  : i32 {
      %mul3A_57 = arith.constant 256 : i32
      %mul3A_58 = arith.muli %scan3A_56, %mul3A_57 : i32
      %add3A_59 = arith.addi %mul3A_44, %mul3A_58 : i32
      %add3A_60 = arith.constant 0 : i32
      %add3A_61 = arith.addi %add3A_59, %add3A_60 : i32
      "tpu.region"() ({
        %run_scoped3A = tpu.sem_alloc : memref<!tpu.dma_semaphore, #tpu.memory_space<semaphore_mem>>
        %dma_start3A_106 = tpu.memref_slice %arg3[%add3A_61] : memref<327680xi32, #tpu.memory_space<hbm>> -> memref<128xi32, #tpu.memory_space<hbm>>
        %dma_start3A_107 = tpu.memref_slice %arg3[%add3A_61] : memref<327680xi32, #tpu.memory_space<hbm>> -> memref<128xi32, #tpu.memory_space<hbm>>
        tpu.enqueue_dma source(%dma_start3A_107 : memref<128xi32, #tpu.memory_space<hbm>>) target(%arg6 : memref<128xi32, #tpu.memory_space<vmem>>) target_semaphore(%run_scoped3A : memref<!tpu.dma_semaphore, #tpu.memory_space<semaphore_mem>>)
        %dma_wait3A_108 = tpu.memref_slice %arg3[%add3A_61] : memref<327680xi32, #tpu.memory_space<hbm>> -> memref<128xi32, #tpu.memory_space<hbm>>
        %dma_wait3A_109 = tpu.memref_slice %arg3[%add3A_61] : memref<327680xi32, #tpu.memory_space<hbm>> -> memref<128xi32, #tpu.memory_space<hbm>>
        tpu.wait_dma2 semaphore(%run_scoped3A : memref<!tpu.dma_semaphore, #tpu.memory_space<semaphore_mem>>) src(%dma_wait3A_109 : memref<128xi32, #tpu.memory_space<hbm>>) dst(%arg6 : memref<128xi32, #tpu.memory_space<vmem>>)
        tpu.yield
      }) : () -> ()
      %dma_start3A = arith.constant 0 : i32
      %dma_start3A_62 = arith.constant 0 : i32
      %dma_start3A_63 = tpu.memref_slice %arg2[%arg0, %dma_start3A, %dma_start3A_62] : memref<2x10000x128xf32, #tpu.memory_space<hbm>> -> memref<1x10000x128xf32, #tpu.memory_space<hbm>>
      %dma_start3A_64 = tpu.memref_squeeze %dma_start3A_63 : memref<1x10000x128xf32, #tpu.memory_space<hbm>> -> memref<10000x128xf32, #tpu.memory_space<hbm>>
      %dma_start3A_65 = arith.constant 0 : i32
      %dma_start3A_66 = arith.constant 0 : i32
      %dma_start3A_67 = tpu.memref_slice %dma_start3A_64[%dma_start3A_65, %dma_start3A_66] : memref<10000x128xf32, #tpu.memory_space<hbm>> -> memref<10000x128xf32, #tpu.memory_space<hbm>>
      tpu.enqueue_indirect_dma source(%dma_start3A_67 : memref<10000x128xf32, #tpu.memory_space<hbm>>) target(%arg10 : memref<128x128xf32, #tpu.memory_space<vmem>>) offsets(%arg6 : memref<128xi32, #tpu.memory_space<vmem>>) semaphore(%arg14 : memref<!tpu.dma_semaphore, #tpu.memory_space<semaphore_mem>>)
      %add3A_68 = arith.constant 128 : i32
      %add3A_69 = arith.addi %add3A_59, %add3A_68 : i32
      "tpu.region"() ({
        %run_scoped3A = tpu.sem_alloc : memref<!tpu.dma_semaphore, #tpu.memory_space<semaphore_mem>>
        %dma_start3A_106 = tpu.memref_slice %arg3[%add3A_69] : memref<327680xi32, #tpu.memory_space<hbm>> -> memref<128xi32, #tpu.memory_space<hbm>>
        %dma_start3A_107 = tpu.memref_slice %arg3[%add3A_69] : memref<327680xi32, #tpu.memory_space<hbm>> -> memref<128xi32, #tpu.memory_space<hbm>>
        tpu.enqueue_dma source(%dma_start3A_107 : memref<128xi32, #tpu.memory_space<hbm>>) target(%arg7 : memref<128xi32, #tpu.memory_space<vmem>>) target_semaphore(%run_scoped3A : memref<!tpu.dma_semaphore, #tpu.memory_space<semaphore_mem>>)
        %dma_wait3A_108 = tpu.memref_slice %arg3[%add3A_69] : memref<327680xi32, #tpu.memory_space<hbm>> -> memref<128xi32, #tpu.memory_space<hbm>>
        %dma_wait3A_109 = tpu.memref_slice %arg3[%add3A_69] : memref<327680xi32, #tpu.memory_space<hbm>> -> memref<128xi32, #tpu.memory_space<hbm>>
        tpu.wait_dma2 semaphore(%run_scoped3A : memref<!tpu.dma_semaphore, #tpu.memory_space<semaphore_mem>>) src(%dma_wait3A_109 : memref<128xi32, #tpu.memory_space<hbm>>) dst(%arg7 : memref<128xi32, #tpu.memory_space<vmem>>)
        tpu.yield
      }) : () -> ()
      %dma_start3A_70 = arith.constant 0 : i32
      %dma_start3A_71 = arith.constant 0 : i32
      %dma_start3A_72 = tpu.memref_slice %arg2[%arg0, %dma_start3A_70, %dma_start3A_71] : memref<2x10000x128xf32, #tpu.memory_space<hbm>> -> memref<1x10000x128xf32, #tpu.memory_space<hbm>>
      %dma_start3A_73 = tpu.memref_squeeze %dma_start3A_72 : memref<1x10000x128xf32, #tpu.memory_space<hbm>> -> memref<10000x128xf32, #tpu.memory_space<hbm>>
      %dma_start3A_74 = arith.constant 0 : i32
      %dma_start3A_75 = arith.constant 0 : i32
      %dma_start3A_76 = tpu.memref_slice %dma_start3A_73[%dma_start3A_74, %dma_start3A_75] : memref<10000x128xf32, #tpu.memory_space<hbm>> -> memref<10000x128xf32, #tpu.memory_space<hbm>>
      tpu.enqueue_indirect_dma source(%dma_start3A_76 : memref<10000x128xf32, #tpu.memory_space<hbm>>) target(%arg11 : memref<128x128xf32, #tpu.memory_space<vmem>>) offsets(%arg7 : memref<128xi32, #tpu.memory_space<vmem>>) semaphore(%arg15 : memref<!tpu.dma_semaphore, #tpu.memory_space<semaphore_mem>>)
      %add3A_77 = arith.constant 0 : i32
      %add3A_78 = arith.addi %add3A_59, %add3A_77 : i32
      "tpu.region"() ({
        %run_scoped3A = tpu.sem_alloc : memref<!tpu.dma_semaphore, #tpu.memory_space<semaphore_mem>>
        %dma_start3A_106 = tpu.memref_slice %arg4[%add3A_78] : memref<327680xi32, #tpu.memory_space<hbm>> -> memref<128xi32, #tpu.memory_space<hbm>>
        %dma_start3A_107 = tpu.memref_slice %arg4[%add3A_78] : memref<327680xi32, #tpu.memory_space<hbm>> -> memref<128xi32, #tpu.memory_space<hbm>>
        tpu.enqueue_dma source(%dma_start3A_107 : memref<128xi32, #tpu.memory_space<hbm>>) target(%arg8 : memref<128xi32, #tpu.memory_space<vmem>>) target_semaphore(%run_scoped3A : memref<!tpu.dma_semaphore, #tpu.memory_space<semaphore_mem>>)
        %dma_wait3A_108 = tpu.memref_slice %arg4[%add3A_78] : memref<327680xi32, #tpu.memory_space<hbm>> -> memref<128xi32, #tpu.memory_space<hbm>>
        %dma_wait3A_109 = tpu.memref_slice %arg4[%add3A_78] : memref<327680xi32, #tpu.memory_space<hbm>> -> memref<128xi32, #tpu.memory_space<hbm>>
        tpu.wait_dma2 semaphore(%run_scoped3A : memref<!tpu.dma_semaphore, #tpu.memory_space<semaphore_mem>>) src(%dma_wait3A_109 : memref<128xi32, #tpu.memory_space<hbm>>) dst(%arg8 : memref<128xi32, #tpu.memory_space<vmem>>)
        tpu.yield
      }) : () -> ()
      %add3A_79 = arith.constant 128 : i32
      %add3A_80 = arith.addi %add3A_59, %add3A_79 : i32
      "tpu.region"() ({
        %run_scoped3A = tpu.sem_alloc : memref<!tpu.dma_semaphore, #tpu.memory_space<semaphore_mem>>
        %dma_start3A_106 = tpu.memref_slice %arg4[%add3A_80] : memref<327680xi32, #tpu.memory_space<hbm>> -> memref<128xi32, #tpu.memory_space<hbm>>
        %dma_start3A_107 = tpu.memref_slice %arg4[%add3A_80] : memref<327680xi32, #tpu.memory_space<hbm>> -> memref<128xi32, #tpu.memory_space<hbm>>
        tpu.enqueue_dma source(%dma_start3A_107 : memref<128xi32, #tpu.memory_space<hbm>>) target(%arg9 : memref<128xi32, #tpu.memory_space<vmem>>) target_semaphore(%run_scoped3A : memref<!tpu.dma_semaphore, #tpu.memory_space<semaphore_mem>>)
        %dma_wait3A_108 = tpu.memref_slice %arg4[%add3A_80] : memref<327680xi32, #tpu.memory_space<hbm>> -> memref<128xi32, #tpu.memory_space<hbm>>
        %dma_wait3A_109 = tpu.memref_slice %arg4[%add3A_80] : memref<327680xi32, #tpu.memory_space<hbm>> -> memref<128xi32, #tpu.memory_space<hbm>>
        tpu.wait_dma2 semaphore(%run_scoped3A : memref<!tpu.dma_semaphore, #tpu.memory_space<semaphore_mem>>) src(%dma_wait3A_109 : memref<128xi32, #tpu.memory_space<hbm>>) dst(%arg9 : memref<128xi32, #tpu.memory_space<vmem>>)
        tpu.yield
      }) : () -> ()
      %dma_wait3A = arith.constant 0 : i32
      %dma_wait3A_81 = arith.constant 0 : i32
      %dma_wait3A_82 = tpu.memref_slice %arg2[%arg0, %dma_wait3A, %dma_wait3A_81] : memref<2x10000x128xf32, #tpu.memory_space<hbm>> -> memref<1x10000x128xf32, #tpu.memory_space<hbm>>
      %dma_wait3A_83 = tpu.memref_squeeze %dma_wait3A_82 : memref<1x10000x128xf32, #tpu.memory_space<hbm>> -> memref<10000x128xf32, #tpu.memory_space<hbm>>
      %dma_wait3A_84 = arith.constant 0 : i32
      %dma_wait3A_85 = arith.constant 0 : i32
      %dma_wait3A_86 = tpu.memref_slice %dma_wait3A_83[%dma_wait3A_84, %dma_wait3A_85] : memref<10000x128xf32, #tpu.memory_space<hbm>> -> memref<10000x128xf32, #tpu.memory_space<hbm>>
      tpu.wait_indirect_dma semaphore(%arg14 : memref<!tpu.dma_semaphore, #tpu.memory_space<semaphore_mem>>) src(%dma_wait3A_86 : memref<10000x128xf32, #tpu.memory_space<hbm>>) dst(%arg10 : memref<128x128xf32, #tpu.memory_space<vmem>>)
      %dma_start3A_87 = arith.constant 0 : i32
      %dma_start3A_88 = arith.constant 0 : i32
      %dma_start3A_89 = tpu.memref_slice %arg13[%dma_start3A_87, %dma_start3A_88] : memref<10240x128xf32, #tpu.memory_space<vmem_shared>> -> memref<10240x128xf32, #tpu.memory_space<vmem_shared>>
      tpu.enqueue_indirect_dma source(%arg10 : memref<128x128xf32, #tpu.memory_space<vmem>>) target(%dma_start3A_89 : memref<10240x128xf32, #tpu.memory_space<vmem_shared>>) offsets(%arg8 : memref<128xi32, #tpu.memory_space<vmem>>) semaphore(%arg16 : memref<!tpu.dma_semaphore, #tpu.memory_space<semaphore_mem>>) {add = true}
      %dma_wait3A_90 = arith.constant 0 : i32
      %dma_wait3A_91 = arith.constant 0 : i32
      %dma_wait3A_92 = tpu.memref_slice %arg2[%arg0, %dma_wait3A_90, %dma_wait3A_91] : memref<2x10000x128xf32, #tpu.memory_space<hbm>> -> memref<1x10000x128xf32, #tpu.memory_space<hbm>>
      %dma_wait3A_93 = tpu.memref_squeeze %dma_wait3A_92 : memref<1x10000x128xf32, #tpu.memory_space<hbm>> -> memref<10000x128xf32, #tpu.memory_space<hbm>>
      %dma_wait3A_94 = arith.constant 0 : i32
      %dma_wait3A_95 = arith.constant 0 : i32
      %dma_wait3A_96 = tpu.memref_slice %dma_wait3A_93[%dma_wait3A_94, %dma_wait3A_95] : memref<10000x128xf32, #tpu.memory_space<hbm>> -> memref<10000x128xf32, #tpu.memory_space<hbm>>
      tpu.wait_indirect_dma semaphore(%arg15 : memref<!tpu.dma_semaphore, #tpu.memory_space<semaphore_mem>>) src(%dma_wait3A_96 : memref<10000x128xf32, #tpu.memory_space<hbm>>) dst(%arg11 : memref<128x128xf32, #tpu.memory_space<vmem>>)
      %dma_start3A_97 = arith.constant 0 : i32
      %dma_start3A_98 = arith.constant 0 : i32
      %dma_start3A_99 = tpu.memref_slice %arg13[%dma_start3A_97, %dma_start3A_98] : memref<10240x128xf32, #tpu.memory_space<vmem_shared>> -> memref<10240x128xf32, #tpu.memory_space<vmem_shared>>
      tpu.enqueue_indirect_dma source(%arg11 : memref<128x128xf32, #tpu.memory_space<vmem>>) target(%dma_start3A_99 : memref<10240x128xf32, #tpu.memory_space<vmem_shared>>) offsets(%arg9 : memref<128xi32, #tpu.memory_space<vmem>>) semaphore(%arg17 : memref<!tpu.dma_semaphore, #tpu.memory_space<semaphore_mem>>) {add = true}
      %dma_wait3A_100 = arith.constant 0 : i32
      %dma_wait3A_101 = arith.constant 0 : i32
      %dma_wait3A_102 = tpu.memref_slice %arg13[%dma_wait3A_100, %dma_wait3A_101] : memref<10240x128xf32, #tpu.memory_space<vmem_shared>> -> memref<10240x128xf32, #tpu.memory_space<vmem_shared>>
      tpu.wait_indirect_dma semaphore(%arg16 : memref<!tpu.dma_semaphore, #tpu.memory_space<semaphore_mem>>) src(%arg10 : memref<128x128xf32, #tpu.memory_space<vmem>>) dst(%dma_wait3A_102 : memref<10240x128xf32, #tpu.memory_space<vmem_shared>>)
      %dma_wait3A_103 = arith.constant 0 : i32
      %dma_wait3A_104 = arith.constant 0 : i32
      %dma_wait3A_105 = tpu.memref_slice %arg13[%dma_wait3A_103, %dma_wait3A_104] : memref<10240x128xf32, #tpu.memory_space<vmem_shared>> -> memref<10240x128xf32, #tpu.memory_space<vmem_shared>>
      tpu.wait_indirect_dma semaphore(%arg17 : memref<!tpu.dma_semaphore, #tpu.memory_space<semaphore_mem>>) src(%arg11 : memref<128x128xf32, #tpu.memory_space<vmem>>) dst(%dma_wait3A_105 : memref<10240x128xf32, #tpu.memory_space<vmem_shared>>)
    }
    %scan3A_50 = arith.constant 80 : i32
    %barrier3A_51 = arith.constant 0 : index
    tpu.barrier barrier_id(%barrier3A_51)
    %mul3A_52 = arith.constant 640 : i32
    %mul3A_53 = arith.muli %arg1, %mul3A_52 : i32
    %mul3A_54 = arith.constant 640 : i32
    %mul3A_55 = arith.muli %arg1, %mul3A_54 : i32
    "tpu.region"() ({
      %run_scoped3A = tpu.sem_alloc : memref<!tpu.dma_semaphore, #tpu.memory_space<semaphore_mem>>
      %dma_start3A = arith.constant 0 : i32
      %dma_start3A_56 = arith.constant 0 : i32
      %dma_start3A_57 = tpu.memref_slice %arg5[%arg0, %dma_start3A, %dma_start3A_56] : memref<2x10240x128xf32, #tpu.memory_space<hbm>> -> memref<1x10240x128xf32, #tpu.memory_space<hbm>>
      %dma_start3A_58 = tpu.memref_squeeze %dma_start3A_57 : memref<1x10240x128xf32, #tpu.memory_space<hbm>> -> memref<10240x128xf32, #tpu.memory_space<hbm>>
      %dma_start3A_59 = arith.constant 0 : i32
      %dma_start3A_60 = tpu.memref_slice %dma_start3A_58[%mul3A_55, %dma_start3A_59] : memref<10240x128xf32, #tpu.memory_space<hbm>> -> memref<640x128xf32, #tpu.memory_space<hbm>>
      %dma_start3A_61 = arith.constant 0 : i32
      %dma_start3A_62 = tpu.memref_slice %arg13[%mul3A_53, %dma_start3A_61] : memref<10240x128xf32, #tpu.memory_space<vmem_shared>> -> memref<640x128xf32, #tpu.memory_space<vmem_shared>>
      tpu.enqueue_dma source(%dma_start3A_62 : memref<640x128xf32, #tpu.memory_space<vmem_shared>>) target(%dma_start3A_60 : memref<640x128xf32, #tpu.memory_space<hbm>>) target_semaphore(%run_scoped3A : memref<!tpu.dma_semaphore, #tpu.memory_space<semaphore_mem>>)
      %dma_wait3A = arith.constant 0 : i32
      %dma_wait3A_63 = arith.constant 0 : i32
      %dma_wait3A_64 = tpu.memref_slice %arg5[%arg0, %dma_wait3A, %dma_wait3A_63] : memref<2x10240x128xf32, #tpu.memory_space<hbm>> -> memref<1x10240x128xf32, #tpu.memory_space<hbm>>
      %dma_wait3A_65 = tpu.memref_squeeze %dma_wait3A_64 : memref<1x10240x128xf32, #tpu.memory_space<hbm>> -> memref<10240x128xf32, #tpu.memory_space<hbm>>
      %dma_wait3A_66 = arith.constant 0 : i32
      %dma_wait3A_67 = tpu.memref_slice %dma_wait3A_65[%mul3A_55, %dma_wait3A_66] : memref<10240x128xf32, #tpu.memory_space<hbm>> -> memref<640x128xf32, #tpu.memory_space<hbm>>
      %dma_wait3A_68 = arith.constant 0 : i32
      %dma_wait3A_69 = tpu.memref_slice %arg13[%mul3A_53, %dma_wait3A_68] : memref<10240x128xf32, #tpu.memory_space<vmem_shared>> -> memref<640x128xf32, #tpu.memory_space<vmem_shared>>
      tpu.wait_dma2 semaphore(%run_scoped3A : memref<!tpu.dma_semaphore, #tpu.memory_space<semaphore_mem>>) src(%dma_wait3A_69 : memref<640x128xf32, #tpu.memory_space<vmem_shared>>) dst(%dma_wait3A_67 : memref<640x128xf32, #tpu.memory_space<hbm>>)
      tpu.yield
    }) : () -> ()
    return
  }
}

#map = affine_map<(d0, d1) -> (0, 0, 0)>
#map1 = affine_map<(d0, d1) -> (0)>
module attributes {stable_mosaic.version = 14 : i64} {
  func.func @agg_kernel(%arg0: i32, %arg1: i32, %arg2: memref<2x10000x128xf32, #tpu.memory_space<hbm>>, %arg3: memref<327680xi32, #tpu.memory_space<hbm>>, %arg4: memref<327680xi32, #tpu.memory_space<hbm>>, %arg5: memref<2x10240x128xf32, #tpu.memory_space<hbm>>, %arg6: memref<128xi32, #tpu.memory_space<vmem>>, %arg7: memref<128xi32, #tpu.memory_space<vmem>>, %arg8: memref<128xi32, #tpu.memory_space<vmem>>, %arg9: memref<128xi32, #tpu.memory_space<vmem>>, %arg10: memref<128x128xf32, #tpu.memory_space<vmem>>, %arg11: memref<128x128xf32, #tpu.memory_space<vmem>>, %arg12: memref<64x128xf32, #tpu.memory_space<vmem>>, %arg13: memref<10240x128xf32, #tpu.memory_space<vmem_shared>>, %arg14: memref<!tpu.dma_semaphore, #tpu.memory_space<semaphore_mem>>, %arg15: memref<!tpu.dma_semaphore, #tpu.memory_space<semaphore_mem>>, %arg16: memref<!tpu.dma_semaphore, #tpu.memory_space<semaphore_mem>>, %arg17: memref<!tpu.dma_semaphore, #tpu.memory_space<semaphore_mem>>) attributes {dimension_semantics = [#tpu.dimension_semantics<core_parallel>, #tpu.dimension_semantics<subcore_parallel>], iteration_bounds = array<i64: 2, 16>, scalar_prefetch = 0 : i64, scratch_operands = 12 : i64, tpu.core_type = #tpu.core_type<sc_vector_subcore>, window_params = [{transform_indices = #map}, {transform_indices = #map1}, {transform_indices = #map1}, {transform_indices = #map}]} {
    %scan3A = arith.constant 0 : i32
    %scan3A_0 = arith.constant 0 : i32
    %scan3A_1 = arith.constant 64 : i32
    %scan3A_2 = arith.addi %scan3A_0, %scan3A_1 : i32
    %scan3A_3 = arith.constant 1 : i32
    scf.for %scan3A_56 = %scan3A_0 to %scan3A_2 step %scan3A_3  : i32 {
      %broadcast_in_dim3A = arith.constant 0.000000e+00 : f32
      %broadcast_in_dim3A_57 = vector.broadcast %broadcast_in_dim3A : f32 to vector<16xf32>
      %swap3A = arith.index_cast %scan3A_56 : i32 to index
      %swap3A_58 = arith.constant 0 : index
      %swap3A_59 = tpu.vector_load %arg12[%swap3A, %swap3A_58] {strides = array<i32>} : memref<64x128xf32, #tpu.memory_space<vmem>>, vector<1x16xf32>,
      %swap3A_60 = vector.shape_cast %swap3A_59 : vector<1x16xf32> to vector<16xf32>
      %swap3A_61 = vector.shape_cast %broadcast_in_dim3A_57 : vector<16xf32> to vector<1x16xf32>
      tpu.vector_store %arg12[%swap3A, %swap3A_58], %swap3A_61 {strides = array<i32>} : memref<64x128xf32, #tpu.memory_space<vmem>>, vector<1x16xf32>,
      %swap3A_62 = arith.index_cast %scan3A_56 : i32 to index
      %swap3A_63 = arith.constant 16 : index
      %swap3A_64 = tpu.vector_load %arg12[%swap3A_62, %swap3A_63] {strides = array<i32>} : memref<64x128xf32, #tpu.memory_space<vmem>>, vector<1x16xf32>,
      %swap3A_65 = vector.shape_cast %swap3A_64 : vector<1x16xf32> to vector<16xf32>
      %swap3A_66 = vector.shape_cast %broadcast_in_dim3A_57 : vector<16xf32> to vector<1x16xf32>
      tpu.vector_store %arg12[%swap3A_62, %swap3A_63], %swap3A_66 {strides = array<i32>} : memref<64x128xf32, #tpu.memory_space<vmem>>, vector<1x16xf32>,
      %swap3A_67 = arith.index_cast %scan3A_56 : i32 to index
      %swap3A_68 = arith.constant 32 : index
      %swap3A_69 = tpu.vector_load %arg12[%swap3A_67, %swap3A_68] {strides = array<i32>} : memref<64x128xf32, #tpu.memory_space<vmem>>, vector<1x16xf32>,
      %swap3A_70 = vector.shape_cast %swap3A_69 : vector<1x16xf32> to vector<16xf32>
      %swap3A_71 = vector.shape_cast %broadcast_in_dim3A_57 : vector<16xf32> to vector<1x16xf32>
      tpu.vector_store %arg12[%swap3A_67, %swap3A_68], %swap3A_71 {strides = array<i32>} : memref<64x128xf32, #tpu.memory_space<vmem>>, vector<1x16xf32>,
      %swap3A_72 = arith.index_cast %scan3A_56 : i32 to index
      %swap3A_73 = arith.constant 48 : index
      %swap3A_74 = tpu.vector_load %arg12[%swap3A_72, %swap3A_73] {strides = array<i32>} : memref<64x128xf32, #tpu.memory_space<vmem>>, vector<1x16xf32>,
      %swap3A_75 = vector.shape_cast %swap3A_74 : vector<1x16xf32> to vector<16xf32>
      %swap3A_76 = vector.shape_cast %broadcast_in_dim3A_57 : vector<16xf32> to vector<1x16xf32>
      tpu.vector_store %arg12[%swap3A_72, %swap3A_73], %swap3A_76 {strides = array<i32>} : memref<64x128xf32, #tpu.memory_space<vmem>>, vector<1x16xf32>,
      %swap3A_77 = arith.index_cast %scan3A_56 : i32 to index
      %swap3A_78 = arith.constant 64 : index
      %swap3A_79 = tpu.vector_load %arg12[%swap3A_77, %swap3A_78] {strides = array<i32>} : memref<64x128xf32, #tpu.memory_space<vmem>>, vector<1x16xf32>,
      %swap3A_80 = vector.shape_cast %swap3A_79 : vector<1x16xf32> to vector<16xf32>
      %swap3A_81 = vector.shape_cast %broadcast_in_dim3A_57 : vector<16xf32> to vector<1x16xf32>
      tpu.vector_store %arg12[%swap3A_77, %swap3A_78], %swap3A_81 {strides = array<i32>} : memref<64x128xf32, #tpu.memory_space<vmem>>, vector<1x16xf32>,
      %swap3A_82 = arith.index_cast %scan3A_56 : i32 to index
      %swap3A_83 = arith.constant 80 : index
      %swap3A_84 = tpu.vector_load %arg12[%swap3A_82, %swap3A_83] {strides = array<i32>} : memref<64x128xf32, #tpu.memory_space<vmem>>, vector<1x16xf32>,
      %swap3A_85 = vector.shape_cast %swap3A_84 : vector<1x16xf32> to vector<16xf32>
      %swap3A_86 = vector.shape_cast %broadcast_in_dim3A_57 : vector<16xf32> to vector<1x16xf32>
      tpu.vector_store %arg12[%swap3A_82, %swap3A_83], %swap3A_86 {strides = array<i32>} : memref<64x128xf32, #tpu.memory_space<vmem>>, vector<1x16xf32>,
      %swap3A_87 = arith.index_cast %scan3A_56 : i32 to index
      %swap3A_88 = arith.constant 96 : index
      %swap3A_89 = tpu.vector_load %arg12[%swap3A_87, %swap3A_88] {strides = array<i32>} : memref<64x128xf32, #tpu.memory_space<vmem>>, vector<1x16xf32>,
      %swap3A_90 = vector.shape_cast %swap3A_89 : vector<1x16xf32> to vector<16xf32>
      %swap3A_91 = vector.shape_cast %broadcast_in_dim3A_57 : vector<16xf32> to vector<1x16xf32>
      tpu.vector_store %arg12[%swap3A_87, %swap3A_88], %swap3A_91 {strides = array<i32>} : memref<64x128xf32, #tpu.memory_space<vmem>>, vector<1x16xf32>,
      %swap3A_92 = arith.index_cast %scan3A_56 : i32 to index
      %swap3A_93 = arith.constant 112 : index
      %swap3A_94 = tpu.vector_load %arg12[%swap3A_92, %swap3A_93] {strides = array<i32>} : memref<64x128xf32, #tpu.memory_space<vmem>>, vector<1x16xf32>,
      %swap3A_95 = vector.shape_cast %swap3A_94 : vector<1x16xf32> to vector<16xf32>
      %swap3A_96 = vector.shape_cast %broadcast_in_dim3A_57 : vector<16xf32> to vector<1x16xf32>
      tpu.vector_store %arg12[%swap3A_92, %swap3A_93], %swap3A_96 {strides = array<i32>} : memref<64x128xf32, #tpu.memory_space<vmem>>, vector<1x16xf32>,
    }
    %scan3A_4 = arith.constant 64 : i32
    %mul3A = arith.constant 640 : i32
    %mul3A_5 = arith.muli %arg1, %mul3A : i32
    %add3A = arith.constant 0 : i32
    %add3A_6 = arith.addi %mul3A_5, %add3A : i32
    "tpu.region"() ({
      %run_scoped3A = tpu.sem_alloc : memref<!tpu.dma_semaphore, #tpu.memory_space<semaphore_mem>>
      %dma_start3A = arith.constant 0 : i32
      %dma_start3A_56 = tpu.memref_slice %arg13[%add3A_6, %dma_start3A] : memref<10240x128xf32, #tpu.memory_space<vmem_shared>> -> memref<64x128xf32, #tpu.memory_space<vmem_shared>>
      %dma_start3A_57 = arith.constant 0 : i32
      %dma_start3A_58 = tpu.memref_slice %arg13[%add3A_6, %dma_start3A_57] : memref<10240x128xf32, #tpu.memory_space<vmem_shared>> -> memref<64x128xf32, #tpu.memory_space<vmem_shared>>
      tpu.enqueue_dma source(%arg12 : memref<64x128xf32, #tpu.memory_space<vmem>>) target(%dma_start3A_58 : memref<64x128xf32, #tpu.memory_space<vmem_shared>>) target_semaphore(%run_scoped3A : memref<!tpu.dma_semaphore, #tpu.memory_space<semaphore_mem>>)
      %dma_wait3A = arith.constant 0 : i32
      %dma_wait3A_59 = tpu.memref_slice %arg13[%add3A_6, %dma_wait3A] : memref<10240x128xf32, #tpu.memory_space<vmem_shared>> -> memref<64x128xf32, #tpu.memory_space<vmem_shared>>
      %dma_wait3A_60 = arith.constant 0 : i32
      %dma_wait3A_61 = tpu.memref_slice %arg13[%add3A_6, %dma_wait3A_60] : memref<10240x128xf32, #tpu.memory_space<vmem_shared>> -> memref<64x128xf32, #tpu.memory_space<vmem_shared>>
      tpu.wait_dma2 semaphore(%run_scoped3A : memref<!tpu.dma_semaphore, #tpu.memory_space<semaphore_mem>>) src(%arg12 : memref<64x128xf32, #tpu.memory_space<vmem>>) dst(%dma_wait3A_61 : memref<64x128xf32, #tpu.memory_space<vmem_shared>>)
      tpu.yield
    }) : () -> ()
    %mul3A_7 = arith.constant 640 : i32
    %mul3A_8 = arith.muli %arg1, %mul3A_7 : i32
    %add3A_9 = arith.constant 64 : i32
    %add3A_10 = arith.addi %mul3A_8, %add3A_9 : i32
    "tpu.region"() ({
      %run_scoped3A = tpu.sem_alloc : memref<!tpu.dma_semaphore, #tpu.memory_space<semaphore_mem>>
      %dma_start3A = arith.constant 0 : i32
      %dma_start3A_56 = tpu.memref_slice %arg13[%add3A_10, %dma_start3A] : memref<10240x128xf32, #tpu.memory_space<vmem_shared>> -> memref<64x128xf32, #tpu.memory_space<vmem_shared>>
      %dma_start3A_57 = arith.constant 0 : i32
      %dma_start3A_58 = tpu.memref_slice %arg13[%add3A_10, %dma_start3A_57] : memref<10240x128xf32, #tpu.memory_space<vmem_shared>> -> memref<64x128xf32, #tpu.memory_space<vmem_shared>>
      tpu.enqueue_dma source(%arg12 : memref<64x128xf32, #tpu.memory_space<vmem>>) target(%dma_start3A_58 : memref<64x128xf32, #tpu.memory_space<vmem_shared>>) target_semaphore(%run_scoped3A : memref<!tpu.dma_semaphore, #tpu.memory_space<semaphore_mem>>)
      %dma_wait3A = arith.constant 0 : i32
      %dma_wait3A_59 = tpu.memref_slice %arg13[%add3A_10, %dma_wait3A] : memref<10240x128xf32, #tpu.memory_space<vmem_shared>> -> memref<64x128xf32, #tpu.memory_space<vmem_shared>>
      %dma_wait3A_60 = arith.constant 0 : i32
      %dma_wait3A_61 = tpu.memref_slice %arg13[%add3A_10, %dma_wait3A_60] : memref<10240x128xf32, #tpu.memory_space<vmem_shared>> -> memref<64x128xf32, #tpu.memory_space<vmem_shared>>
      tpu.wait_dma2 semaphore(%run_scoped3A : memref<!tpu.dma_semaphore, #tpu.memory_space<semaphore_mem>>) src(%arg12 : memref<64x128xf32, #tpu.memory_space<vmem>>) dst(%dma_wait3A_61 : memref<64x128xf32, #tpu.memory_space<vmem_shared>>)
      tpu.yield
    }) : () -> ()
    %mul3A_11 = arith.constant 640 : i32
    %mul3A_12 = arith.muli %arg1, %mul3A_11 : i32
    %add3A_13 = arith.constant 128 : i32
    %add3A_14 = arith.addi %mul3A_12, %add3A_13 : i32
    "tpu.region"() ({
      %run_scoped3A = tpu.sem_alloc : memref<!tpu.dma_semaphore, #tpu.memory_space<semaphore_mem>>
      %dma_start3A = arith.constant 0 : i32
      %dma_start3A_56 = tpu.memref_slice %arg13[%add3A_14, %dma_start3A] : memref<10240x128xf32, #tpu.memory_space<vmem_shared>> -> memref<64x128xf32, #tpu.memory_space<vmem_shared>>
      %dma_start3A_57 = arith.constant 0 : i32
      %dma_start3A_58 = tpu.memref_slice %arg13[%add3A_14, %dma_start3A_57] : memref<10240x128xf32, #tpu.memory_space<vmem_shared>> -> memref<64x128xf32, #tpu.memory_space<vmem_shared>>
      tpu.enqueue_dma source(%arg12 : memref<64x128xf32, #tpu.memory_space<vmem>>) target(%dma_start3A_58 : memref<64x128xf32, #tpu.memory_space<vmem_shared>>) target_semaphore(%run_scoped3A : memref<!tpu.dma_semaphore, #tpu.memory_space<semaphore_mem>>)
      %dma_wait3A = arith.constant 0 : i32
      %dma_wait3A_59 = tpu.memref_slice %arg13[%add3A_14, %dma_wait3A] : memref<10240x128xf32, #tpu.memory_space<vmem_shared>> -> memref<64x128xf32, #tpu.memory_space<vmem_shared>>
      %dma_wait3A_60 = arith.constant 0 : i32
      %dma_wait3A_61 = tpu.memref_slice %arg13[%add3A_14, %dma_wait3A_60] : memref<10240x128xf32, #tpu.memory_space<vmem_shared>> -> memref<64x128xf32, #tpu.memory_space<vmem_shared>>
      tpu.wait_dma2 semaphore(%run_scoped3A : memref<!tpu.dma_semaphore, #tpu.memory_space<semaphore_mem>>) src(%arg12 : memref<64x128xf32, #tpu.memory_space<vmem>>) dst(%dma_wait3A_61 : memref<64x128xf32, #tpu.memory_space<vmem_shared>>)
      tpu.yield
    }) : () -> ()
    %mul3A_15 = arith.constant 640 : i32
    %mul3A_16 = arith.muli %arg1, %mul3A_15 : i32
    %add3A_17 = arith.constant 192 : i32
    %add3A_18 = arith.addi %mul3A_16, %add3A_17 : i32
    "tpu.region"() ({
      %run_scoped3A = tpu.sem_alloc : memref<!tpu.dma_semaphore, #tpu.memory_space<semaphore_mem>>
      %dma_start3A = arith.constant 0 : i32
      %dma_start3A_56 = tpu.memref_slice %arg13[%add3A_18, %dma_start3A] : memref<10240x128xf32, #tpu.memory_space<vmem_shared>> -> memref<64x128xf32, #tpu.memory_space<vmem_shared>>
      %dma_start3A_57 = arith.constant 0 : i32
      %dma_start3A_58 = tpu.memref_slice %arg13[%add3A_18, %dma_start3A_57] : memref<10240x128xf32, #tpu.memory_space<vmem_shared>> -> memref<64x128xf32, #tpu.memory_space<vmem_shared>>
      tpu.enqueue_dma source(%arg12 : memref<64x128xf32, #tpu.memory_space<vmem>>) target(%dma_start3A_58 : memref<64x128xf32, #tpu.memory_space<vmem_shared>>) target_semaphore(%run_scoped3A : memref<!tpu.dma_semaphore, #tpu.memory_space<semaphore_mem>>)
      %dma_wait3A = arith.constant 0 : i32
      %dma_wait3A_59 = tpu.memref_slice %arg13[%add3A_18, %dma_wait3A] : memref<10240x128xf32, #tpu.memory_space<vmem_shared>> -> memref<64x128xf32, #tpu.memory_space<vmem_shared>>
      %dma_wait3A_60 = arith.constant 0 : i32
      %dma_wait3A_61 = tpu.memref_slice %arg13[%add3A_18, %dma_wait3A_60] : memref<10240x128xf32, #tpu.memory_space<vmem_shared>> -> memref<64x128xf32, #tpu.memory_space<vmem_shared>>
      tpu.wait_dma2 semaphore(%run_scoped3A : memref<!tpu.dma_semaphore, #tpu.memory_space<semaphore_mem>>) src(%arg12 : memref<64x128xf32, #tpu.memory_space<vmem>>) dst(%dma_wait3A_61 : memref<64x128xf32, #tpu.memory_space<vmem_shared>>)
      tpu.yield
    }) : () -> ()
    %mul3A_19 = arith.constant 640 : i32
    %mul3A_20 = arith.muli %arg1, %mul3A_19 : i32
    %add3A_21 = arith.constant 256 : i32
    %add3A_22 = arith.addi %mul3A_20, %add3A_21 : i32
    "tpu.region"() ({
      %run_scoped3A = tpu.sem_alloc : memref<!tpu.dma_semaphore, #tpu.memory_space<semaphore_mem>>
      %dma_start3A = arith.constant 0 : i32
      %dma_start3A_56 = tpu.memref_slice %arg13[%add3A_22, %dma_start3A] : memref<10240x128xf32, #tpu.memory_space<vmem_shared>> -> memref<64x128xf32, #tpu.memory_space<vmem_shared>>
      %dma_start3A_57 = arith.constant 0 : i32
      %dma_start3A_58 = tpu.memref_slice %arg13[%add3A_22, %dma_start3A_57] : memref<10240x128xf32, #tpu.memory_space<vmem_shared>> -> memref<64x128xf32, #tpu.memory_space<vmem_shared>>
      tpu.enqueue_dma source(%arg12 : memref<64x128xf32, #tpu.memory_space<vmem>>) target(%dma_start3A_58 : memref<64x128xf32, #tpu.memory_space<vmem_shared>>) target_semaphore(%run_scoped3A : memref<!tpu.dma_semaphore, #tpu.memory_space<semaphore_mem>>)
      %dma_wait3A = arith.constant 0 : i32
      %dma_wait3A_59 = tpu.memref_slice %arg13[%add3A_22, %dma_wait3A] : memref<10240x128xf32, #tpu.memory_space<vmem_shared>> -> memref<64x128xf32, #tpu.memory_space<vmem_shared>>
      %dma_wait3A_60 = arith.constant 0 : i32
      %dma_wait3A_61 = tpu.memref_slice %arg13[%add3A_22, %dma_wait3A_60] : memref<10240x128xf32, #tpu.memory_space<vmem_shared>> -> memref<64x128xf32, #tpu.memory_space<vmem_shared>>
      tpu.wait_dma2 semaphore(%run_scoped3A : memref<!tpu.dma_semaphore, #tpu.memory_space<semaphore_mem>>) src(%arg12 : memref<64x128xf32, #tpu.memory_space<vmem>>) dst(%dma_wait3A_61 : memref<64x128xf32, #tpu.memory_space<vmem_shared>>)
      tpu.yield
    }) : () -> ()
    %mul3A_23 = arith.constant 640 : i32
    %mul3A_24 = arith.muli %arg1, %mul3A_23 : i32
    %add3A_25 = arith.constant 320 : i32
    %add3A_26 = arith.addi %mul3A_24, %add3A_25 : i32
    "tpu.region"() ({
      %run_scoped3A = tpu.sem_alloc : memref<!tpu.dma_semaphore, #tpu.memory_space<semaphore_mem>>
      %dma_start3A = arith.constant 0 : i32
      %dma_start3A_56 = tpu.memref_slice %arg13[%add3A_26, %dma_start3A] : memref<10240x128xf32, #tpu.memory_space<vmem_shared>> -> memref<64x128xf32, #tpu.memory_space<vmem_shared>>
      %dma_start3A_57 = arith.constant 0 : i32
      %dma_start3A_58 = tpu.memref_slice %arg13[%add3A_26, %dma_start3A_57] : memref<10240x128xf32, #tpu.memory_space<vmem_shared>> -> memref<64x128xf32, #tpu.memory_space<vmem_shared>>
      tpu.enqueue_dma source(%arg12 : memref<64x128xf32, #tpu.memory_space<vmem>>) target(%dma_start3A_58 : memref<64x128xf32, #tpu.memory_space<vmem_shared>>) target_semaphore(%run_scoped3A : memref<!tpu.dma_semaphore, #tpu.memory_space<semaphore_mem>>)
      %dma_wait3A = arith.constant 0 : i32
      %dma_wait3A_59 = tpu.memref_slice %arg13[%add3A_26, %dma_wait3A] : memref<10240x128xf32, #tpu.memory_space<vmem_shared>> -> memref<64x128xf32, #tpu.memory_space<vmem_shared>>
      %dma_wait3A_60 = arith.constant 0 : i32
      %dma_wait3A_61 = tpu.memref_slice %arg13[%add3A_26, %dma_wait3A_60] : memref<10240x128xf32, #tpu.memory_space<vmem_shared>> -> memref<64x128xf32, #tpu.memory_space<vmem_shared>>
      tpu.wait_dma2 semaphore(%run_scoped3A : memref<!tpu.dma_semaphore, #tpu.memory_space<semaphore_mem>>) src(%arg12 : memref<64x128xf32, #tpu.memory_space<vmem>>) dst(%dma_wait3A_61 : memref<64x128xf32, #tpu.memory_space<vmem_shared>>)
      tpu.yield
    }) : () -> ()
    %mul3A_27 = arith.constant 640 : i32
    %mul3A_28 = arith.muli %arg1, %mul3A_27 : i32
    %add3A_29 = arith.constant 384 : i32
    %add3A_30 = arith.addi %mul3A_28, %add3A_29 : i32
    "tpu.region"() ({
      %run_scoped3A = tpu.sem_alloc : memref<!tpu.dma_semaphore, #tpu.memory_space<semaphore_mem>>
      %dma_start3A = arith.constant 0 : i32
      %dma_start3A_56 = tpu.memref_slice %arg13[%add3A_30, %dma_start3A] : memref<10240x128xf32, #tpu.memory_space<vmem_shared>> -> memref<64x128xf32, #tpu.memory_space<vmem_shared>>
      %dma_start3A_57 = arith.constant 0 : i32
      %dma_start3A_58 = tpu.memref_slice %arg13[%add3A_30, %dma_start3A_57] : memref<10240x128xf32, #tpu.memory_space<vmem_shared>> -> memref<64x128xf32, #tpu.memory_space<vmem_shared>>
      tpu.enqueue_dma source(%arg12 : memref<64x128xf32, #tpu.memory_space<vmem>>) target(%dma_start3A_58 : memref<64x128xf32, #tpu.memory_space<vmem_shared>>) target_semaphore(%run_scoped3A : memref<!tpu.dma_semaphore, #tpu.memory_space<semaphore_mem>>)
      %dma_wait3A = arith.constant 0 : i32
      %dma_wait3A_59 = tpu.memref_slice %arg13[%add3A_30, %dma_wait3A] : memref<10240x128xf32, #tpu.memory_space<vmem_shared>> -> memref<64x128xf32, #tpu.memory_space<vmem_shared>>
      %dma_wait3A_60 = arith.constant 0 : i32
      %dma_wait3A_61 = tpu.memref_slice %arg13[%add3A_30, %dma_wait3A_60] : memref<10240x128xf32, #tpu.memory_space<vmem_shared>> -> memref<64x128xf32, #tpu.memory_space<vmem_shared>>
      tpu.wait_dma2 semaphore(%run_scoped3A : memref<!tpu.dma_semaphore, #tpu.memory_space<semaphore_mem>>) src(%arg12 : memref<64x128xf32, #tpu.memory_space<vmem>>) dst(%dma_wait3A_61 : memref<64x128xf32, #tpu.memory_space<vmem_shared>>)
      tpu.yield
    }) : () -> ()
    %mul3A_31 = arith.constant 640 : i32
    %mul3A_32 = arith.muli %arg1, %mul3A_31 : i32
    %add3A_33 = arith.constant 448 : i32
    %add3A_34 = arith.addi %mul3A_32, %add3A_33 : i32
    "tpu.region"() ({
      %run_scoped3A = tpu.sem_alloc : memref<!tpu.dma_semaphore, #tpu.memory_space<semaphore_mem>>
      %dma_start3A = arith.constant 0 : i32
      %dma_start3A_56 = tpu.memref_slice %arg13[%add3A_34, %dma_start3A] : memref<10240x128xf32, #tpu.memory_space<vmem_shared>> -> memref<64x128xf32, #tpu.memory_space<vmem_shared>>
      %dma_start3A_57 = arith.constant 0 : i32
      %dma_start3A_58 = tpu.memref_slice %arg13[%add3A_34, %dma_start3A_57] : memref<10240x128xf32, #tpu.memory_space<vmem_shared>> -> memref<64x128xf32, #tpu.memory_space<vmem_shared>>
      tpu.enqueue_dma source(%arg12 : memref<64x128xf32, #tpu.memory_space<vmem>>) target(%dma_start3A_58 : memref<64x128xf32, #tpu.memory_space<vmem_shared>>) target_semaphore(%run_scoped3A : memref<!tpu.dma_semaphore, #tpu.memory_space<semaphore_mem>>)
      %dma_wait3A = arith.constant 0 : i32
      %dma_wait3A_59 = tpu.memref_slice %arg13[%add3A_34, %dma_wait3A] : memref<10240x128xf32, #tpu.memory_space<vmem_shared>> -> memref<64x128xf32, #tpu.memory_space<vmem_shared>>
      %dma_wait3A_60 = arith.constant 0 : i32
      %dma_wait3A_61 = tpu.memref_slice %arg13[%add3A_34, %dma_wait3A_60] : memref<10240x128xf32, #tpu.memory_space<vmem_shared>> -> memref<64x128xf32, #tpu.memory_space<vmem_shared>>
      tpu.wait_dma2 semaphore(%run_scoped3A : memref<!tpu.dma_semaphore, #tpu.memory_space<semaphore_mem>>) src(%arg12 : memref<64x128xf32, #tpu.memory_space<vmem>>) dst(%dma_wait3A_61 : memref<64x128xf32, #tpu.memory_space<vmem_shared>>)
      tpu.yield
    }) : () -> ()
    %mul3A_35 = arith.constant 640 : i32
    %mul3A_36 = arith.muli %arg1, %mul3A_35 : i32
    %add3A_37 = arith.constant 512 : i32
    %add3A_38 = arith.addi %mul3A_36, %add3A_37 : i32
    "tpu.region"() ({
      %run_scoped3A = tpu.sem_alloc : memref<!tpu.dma_semaphore, #tpu.memory_space<semaphore_mem>>
      %dma_start3A = arith.constant 0 : i32
      %dma_start3A_56 = tpu.memref_slice %arg13[%add3A_38, %dma_start3A] : memref<10240x128xf32, #tpu.memory_space<vmem_shared>> -> memref<64x128xf32, #tpu.memory_space<vmem_shared>>
      %dma_start3A_57 = arith.constant 0 : i32
      %dma_start3A_58 = tpu.memref_slice %arg13[%add3A_38, %dma_start3A_57] : memref<10240x128xf32, #tpu.memory_space<vmem_shared>> -> memref<64x128xf32, #tpu.memory_space<vmem_shared>>
      tpu.enqueue_dma source(%arg12 : memref<64x128xf32, #tpu.memory_space<vmem>>) target(%dma_start3A_58 : memref<64x128xf32, #tpu.memory_space<vmem_shared>>) target_semaphore(%run_scoped3A : memref<!tpu.dma_semaphore, #tpu.memory_space<semaphore_mem>>)
      %dma_wait3A = arith.constant 0 : i32
      %dma_wait3A_59 = tpu.memref_slice %arg13[%add3A_38, %dma_wait3A] : memref<10240x128xf32, #tpu.memory_space<vmem_shared>> -> memref<64x128xf32, #tpu.memory_space<vmem_shared>>
      %dma_wait3A_60 = arith.constant 0 : i32
      %dma_wait3A_61 = tpu.memref_slice %arg13[%add3A_38, %dma_wait3A_60] : memref<10240x128xf32, #tpu.memory_space<vmem_shared>> -> memref<64x128xf32, #tpu.memory_space<vmem_shared>>
      tpu.wait_dma2 semaphore(%run_scoped3A : memref<!tpu.dma_semaphore, #tpu.memory_space<semaphore_mem>>) src(%arg12 : memref<64x128xf32, #tpu.memory_space<vmem>>) dst(%dma_wait3A_61 : memref<64x128xf32, #tpu.memory_space<vmem_shared>>)
      tpu.yield
    }) : () -> ()
    %mul3A_39 = arith.constant 640 : i32
    %mul3A_40 = arith.muli %arg1, %mul3A_39 : i32
    %add3A_41 = arith.constant 576 : i32
    %add3A_42 = arith.addi %mul3A_40, %add3A_41 : i32
    "tpu.region"() ({
      %run_scoped3A = tpu.sem_alloc : memref<!tpu.dma_semaphore, #tpu.memory_space<semaphore_mem>>
      %dma_start3A = arith.constant 0 : i32
      %dma_start3A_56 = tpu.memref_slice %arg13[%add3A_42, %dma_start3A] : memref<10240x128xf32, #tpu.memory_space<vmem_shared>> -> memref<64x128xf32, #tpu.memory_space<vmem_shared>>
      %dma_start3A_57 = arith.constant 0 : i32
      %dma_start3A_58 = tpu.memref_slice %arg13[%add3A_42, %dma_start3A_57] : memref<10240x128xf32, #tpu.memory_space<vmem_shared>> -> memref<64x128xf32, #tpu.memory_space<vmem_shared>>
      tpu.enqueue_dma source(%arg12 : memref<64x128xf32, #tpu.memory_space<vmem>>) target(%dma_start3A_58 : memref<64x128xf32, #tpu.memory_space<vmem_shared>>) target_semaphore(%run_scoped3A : memref<!tpu.dma_semaphore, #tpu.memory_space<semaphore_mem>>)
      %dma_wait3A = arith.constant 0 : i32
      %dma_wait3A_59 = tpu.memref_slice %arg13[%add3A_42, %dma_wait3A] : memref<10240x128xf32, #tpu.memory_space<vmem_shared>> -> memref<64x128xf32, #tpu.memory_space<vmem_shared>>
      %dma_wait3A_60 = arith.constant 0 : i32
      %dma_wait3A_61 = tpu.memref_slice %arg13[%add3A_42, %dma_wait3A_60] : memref<10240x128xf32, #tpu.memory_space<vmem_shared>> -> memref<64x128xf32, #tpu.memory_space<vmem_shared>>
      tpu.wait_dma2 semaphore(%run_scoped3A : memref<!tpu.dma_semaphore, #tpu.memory_space<semaphore_mem>>) src(%arg12 : memref<64x128xf32, #tpu.memory_space<vmem>>) dst(%dma_wait3A_61 : memref<64x128xf32, #tpu.memory_space<vmem_shared>>)
      tpu.yield
    }) : () -> ()
    %barrier3A = arith.constant 0 : index
    tpu.barrier barrier_id(%barrier3A)
    %mul3A_43 = arith.constant 20480 : i32
    %mul3A_44 = arith.muli %arg1, %mul3A_43 : i32
    %scan3A_45 = arith.constant 0 : i32
    %scan3A_46 = arith.constant 0 : i32
    %scan3A_47 = arith.constant 80 : i32
    %scan3A_48 = arith.addi %scan3A_46, %scan3A_47 : i32
    %scan3A_49 = arith.constant 1 : i32
    scf.for %scan3A_56 = %scan3A_46 to %scan3A_48 step %scan3A_49  : i32 {
      %mul3A_57 = arith.constant 256 : i32
      %mul3A_58 = arith.muli %scan3A_56, %mul3A_57 : i32
      %add3A_59 = arith.addi %mul3A_44, %mul3A_58 : i32
      %add3A_60 = arith.constant 0 : i32
      %add3A_61 = arith.addi %add3A_59, %add3A_60 : i32
      "tpu.region"() ({
        %run_scoped3A = tpu.sem_alloc : memref<!tpu.dma_semaphore, #tpu.memory_space<semaphore_mem>>
        %dma_start3A_106 = tpu.memref_slice %arg3[%add3A_61] : memref<327680xi32, #tpu.memory_space<hbm>> -> memref<128xi32, #tpu.memory_space<hbm>>
        %dma_start3A_107 = tpu.memref_slice %arg3[%add3A_61] : memref<327680xi32, #tpu.memory_space<hbm>> -> memref<128xi32, #tpu.memory_space<hbm>>
        tpu.enqueue_dma source(%dma_start3A_107 : memref<128xi32, #tpu.memory_space<hbm>>) target(%arg6 : memref<128xi32, #tpu.memory_space<vmem>>) target_semaphore(%run_scoped3A : memref<!tpu.dma_semaphore, #tpu.memory_space<semaphore_mem>>)
        %dma_wait3A_108 = tpu.memref_slice %arg3[%add3A_61] : memref<327680xi32, #tpu.memory_space<hbm>> -> memref<128xi32, #tpu.memory_space<hbm>>
        %dma_wait3A_109 = tpu.memref_slice %arg3[%add3A_61] : memref<327680xi32, #tpu.memory_space<hbm>> -> memref<128xi32, #tpu.memory_space<hbm>>
        tpu.wait_dma2 semaphore(%run_scoped3A : memref<!tpu.dma_semaphore, #tpu.memory_space<semaphore_mem>>) src(%dma_wait3A_109 : memref<128xi32, #tpu.memory_space<hbm>>) dst(%arg6 : memref<128xi32, #tpu.memory_space<vmem>>)
        tpu.yield
      }) : () -> ()
      %dma_start3A = arith.constant 0 : i32
      %dma_start3A_62 = arith.constant 0 : i32
      %dma_start3A_63 = tpu.memref_slice %arg2[%arg0, %dma_start3A, %dma_start3A_62] : memref<2x10000x128xf32, #tpu.memory_space<hbm>> -> memref<1x10000x128xf32, #tpu.memory_space<hbm>>
      %dma_start3A_64 = tpu.memref_squeeze %dma_start3A_63 : memref<1x10000x128xf32, #tpu.memory_space<hbm>> -> memref<10000x128xf32, #tpu.memory_space<hbm>>
      %dma_start3A_65 = arith.constant 0 : i32
      %dma_start3A_66 = arith.constant 0 : i32
      %dma_start3A_67 = tpu.memref_slice %dma_start3A_64[%dma_start3A_65, %dma_start3A_66] : memref<10000x128xf32, #tpu.memory_space<hbm>> -> memref<10000x128xf32, #tpu.memory_space<hbm>>
      tpu.enqueue_indirect_dma source(%dma_start3A_67 : memref<10000x128xf32, #tpu.memory_space<hbm>>) target(%arg10 : memref<128x128xf32, #tpu.memory_space<vmem>>) offsets(%arg6 : memref<128xi32, #tpu.memory_space<vmem>>) semaphore(%arg14 : memref<!tpu.dma_semaphore, #tpu.memory_space<semaphore_mem>>)
      %add3A_68 = arith.constant 128 : i32
      %add3A_69 = arith.addi %add3A_59, %add3A_68 : i32
      "tpu.region"() ({
        %run_scoped3A = tpu.sem_alloc : memref<!tpu.dma_semaphore, #tpu.memory_space<semaphore_mem>>
        %dma_start3A_106 = tpu.memref_slice %arg3[%add3A_69] : memref<327680xi32, #tpu.memory_space<hbm>> -> memref<128xi32, #tpu.memory_space<hbm>>
        %dma_start3A_107 = tpu.memref_slice %arg3[%add3A_69] : memref<327680xi32, #tpu.memory_space<hbm>> -> memref<128xi32, #tpu.memory_space<hbm>>
        tpu.enqueue_dma source(%dma_start3A_107 : memref<128xi32, #tpu.memory_space<hbm>>) target(%arg7 : memref<128xi32, #tpu.memory_space<vmem>>) target_semaphore(%run_scoped3A : memref<!tpu.dma_semaphore, #tpu.memory_space<semaphore_mem>>)
        %dma_wait3A_108 = tpu.memref_slice %arg3[%add3A_69] : memref<327680xi32, #tpu.memory_space<hbm>> -> memref<128xi32, #tpu.memory_space<hbm>>
        %dma_wait3A_109 = tpu.memref_slice %arg3[%add3A_69] : memref<327680xi32, #tpu.memory_space<hbm>> -> memref<128xi32, #tpu.memory_space<hbm>>
        tpu.wait_dma2 semaphore(%run_scoped3A : memref<!tpu.dma_semaphore, #tpu.memory_space<semaphore_mem>>) src(%dma_wait3A_109 : memref<128xi32, #tpu.memory_space<hbm>>) dst(%arg7 : memref<128xi32, #tpu.memory_space<vmem>>)
        tpu.yield
      }) : () -> ()
      %dma_start3A_70 = arith.constant 0 : i32
      %dma_start3A_71 = arith.constant 0 : i32
      %dma_start3A_72 = tpu.memref_slice %arg2[%arg0, %dma_start3A_70, %dma_start3A_71] : memref<2x10000x128xf32, #tpu.memory_space<hbm>> -> memref<1x10000x128xf32, #tpu.memory_space<hbm>>
      %dma_start3A_73 = tpu.memref_squeeze %dma_start3A_72 : memref<1x10000x128xf32, #tpu.memory_space<hbm>> -> memref<10000x128xf32, #tpu.memory_space<hbm>>
      %dma_start3A_74 = arith.constant 0 : i32
      %dma_start3A_75 = arith.constant 0 : i32
      %dma_start3A_76 = tpu.memref_slice %dma_start3A_73[%dma_start3A_74, %dma_start3A_75] : memref<10000x128xf32, #tpu.memory_space<hbm>> -> memref<10000x128xf32, #tpu.memory_space<hbm>>
      tpu.enqueue_indirect_dma source(%dma_start3A_76 : memref<10000x128xf32, #tpu.memory_space<hbm>>) target(%arg11 : memref<128x128xf32, #tpu.memory_space<vmem>>) offsets(%arg7 : memref<128xi32, #tpu.memory_space<vmem>>) semaphore(%arg15 : memref<!tpu.dma_semaphore, #tpu.memory_space<semaphore_mem>>)
      %add3A_77 = arith.constant 0 : i32
      %add3A_78 = arith.addi %add3A_59, %add3A_77 : i32
      "tpu.region"() ({
        %run_scoped3A = tpu.sem_alloc : memref<!tpu.dma_semaphore, #tpu.memory_space<semaphore_mem>>
        %dma_start3A_106 = tpu.memref_slice %arg4[%add3A_78] : memref<327680xi32, #tpu.memory_space<hbm>> -> memref<128xi32, #tpu.memory_space<hbm>>
        %dma_start3A_107 = tpu.memref_slice %arg4[%add3A_78] : memref<327680xi32, #tpu.memory_space<hbm>> -> memref<128xi32, #tpu.memory_space<hbm>>
        tpu.enqueue_dma source(%dma_start3A_107 : memref<128xi32, #tpu.memory_space<hbm>>) target(%arg8 : memref<128xi32, #tpu.memory_space<vmem>>) target_semaphore(%run_scoped3A : memref<!tpu.dma_semaphore, #tpu.memory_space<semaphore_mem>>)
        %dma_wait3A_108 = tpu.memref_slice %arg4[%add3A_78] : memref<327680xi32, #tpu.memory_space<hbm>> -> memref<128xi32, #tpu.memory_space<hbm>>
        %dma_wait3A_109 = tpu.memref_slice %arg4[%add3A_78] : memref<327680xi32, #tpu.memory_space<hbm>> -> memref<128xi32, #tpu.memory_space<hbm>>
        tpu.wait_dma2 semaphore(%run_scoped3A : memref<!tpu.dma_semaphore, #tpu.memory_space<semaphore_mem>>) src(%dma_wait3A_109 : memref<128xi32, #tpu.memory_space<hbm>>) dst(%arg8 : memref<128xi32, #tpu.memory_space<vmem>>)
        tpu.yield
      }) : () -> ()
      %add3A_79 = arith.constant 128 : i32
      %add3A_80 = arith.addi %add3A_59, %add3A_79 : i32
      "tpu.region"() ({
        %run_scoped3A = tpu.sem_alloc : memref<!tpu.dma_semaphore, #tpu.memory_space<semaphore_mem>>
        %dma_start3A_106 = tpu.memref_slice %arg4[%add3A_80] : memref<327680xi32, #tpu.memory_space<hbm>> -> memref<128xi32, #tpu.memory_space<hbm>>
        %dma_start3A_107 = tpu.memref_slice %arg4[%add3A_80] : memref<327680xi32, #tpu.memory_space<hbm>> -> memref<128xi32, #tpu.memory_space<hbm>>
        tpu.enqueue_dma source(%dma_start3A_107 : memref<128xi32, #tpu.memory_space<hbm>>) target(%arg9 : memref<128xi32, #tpu.memory_space<vmem>>) target_semaphore(%run_scoped3A : memref<!tpu.dma_semaphore, #tpu.memory_space<semaphore_mem>>)
        %dma_wait3A_108 = tpu.memref_slice %arg4[%add3A_80] : memref<327680xi32, #tpu.memory_space<hbm>> -> memref<128xi32, #tpu.memory_space<hbm>>
        %dma_wait3A_109 = tpu.memref_slice %arg4[%add3A_80] : memref<327680xi32, #tpu.memory_space<hbm>> -> memref<128xi32, #tpu.memory_space<hbm>>
        tpu.wait_dma2 semaphore(%run_scoped3A : memref<!tpu.dma_semaphore, #tpu.memory_space<semaphore_mem>>) src(%dma_wait3A_109 : memref<128xi32, #tpu.memory_space<hbm>>) dst(%arg9 : memref<128xi32, #tpu.memory_space<vmem>>)
        tpu.yield
      }) : () -> ()
      %dma_wait3A = arith.constant 0 : i32
      %dma_wait3A_81 = arith.constant 0 : i32
      %dma_wait3A_82 = tpu.memref_slice %arg2[%arg0, %dma_wait3A, %dma_wait3A_81] : memref<2x10000x128xf32, #tpu.memory_space<hbm>> -> memref<1x10000x128xf32, #tpu.memory_space<hbm>>
      %dma_wait3A_83 = tpu.memref_squeeze %dma_wait3A_82 : memref<1x10000x128xf32, #tpu.memory_space<hbm>> -> memref<10000x128xf32, #tpu.memory_space<hbm>>
      %dma_wait3A_84 = arith.constant 0 : i32
      %dma_wait3A_85 = arith.constant 0 : i32
      %dma_wait3A_86 = tpu.memref_slice %dma_wait3A_83[%dma_wait3A_84, %dma_wait3A_85] : memref<10000x128xf32, #tpu.memory_space<hbm>> -> memref<10000x128xf32, #tpu.memory_space<hbm>>
      tpu.wait_indirect_dma semaphore(%arg14 : memref<!tpu.dma_semaphore, #tpu.memory_space<semaphore_mem>>) src(%dma_wait3A_86 : memref<10000x128xf32, #tpu.memory_space<hbm>>) dst(%arg10 : memref<128x128xf32, #tpu.memory_space<vmem>>)
      %dma_start3A_87 = arith.constant 0 : i32
      %dma_start3A_88 = arith.constant 0 : i32
      %dma_start3A_89 = tpu.memref_slice %arg13[%dma_start3A_87, %dma_start3A_88] : memref<10240x128xf32, #tpu.memory_space<vmem_shared>> -> memref<10240x128xf32, #tpu.memory_space<vmem_shared>>
      tpu.enqueue_indirect_dma source(%arg10 : memref<128x128xf32, #tpu.memory_space<vmem>>) target(%dma_start3A_89 : memref<10240x128xf32, #tpu.memory_space<vmem_shared>>) offsets(%arg8 : memref<128xi32, #tpu.memory_space<vmem>>) semaphore(%arg16 : memref<!tpu.dma_semaphore, #tpu.memory_space<semaphore_mem>>) {add = true}
      %dma_wait3A_90 = arith.constant 0 : i32
      %dma_wait3A_91 = arith.constant 0 : i32
      %dma_wait3A_92 = tpu.memref_slice %arg2[%arg0, %dma_wait3A_90, %dma_wait3A_91] : memref<2x10000x128xf32, #tpu.memory_space<hbm>> -> memref<1x10000x128xf32, #tpu.memory_space<hbm>>
      %dma_wait3A_93 = tpu.memref_squeeze %dma_wait3A_92 : memref<1x10000x128xf32, #tpu.memory_space<hbm>> -> memref<10000x128xf32, #tpu.memory_space<hbm>>
      %dma_wait3A_94 = arith.constant 0 : i32
      %dma_wait3A_95 = arith.constant 0 : i32
      %dma_wait3A_96 = tpu.memref_slice %dma_wait3A_93[%dma_wait3A_94, %dma_wait3A_95] : memref<10000x128xf32, #tpu.memory_space<hbm>> -> memref<10000x128xf32, #tpu.memory_space<hbm>>
      tpu.wait_indirect_dma semaphore(%arg15 : memref<!tpu.dma_semaphore, #tpu.memory_space<semaphore_mem>>) src(%dma_wait3A_96 : memref<10000x128xf32, #tpu.memory_space<hbm>>) dst(%arg11 : memref<128x128xf32, #tpu.memory_space<vmem>>)
      %dma_start3A_97 = arith.constant 0 : i32
      %dma_start3A_98 = arith.constant 0 : i32
      %dma_start3A_99 = tpu.memref_slice %arg13[%dma_start3A_97, %dma_start3A_98] : memref<10240x128xf32, #tpu.memory_space<vmem_shared>> -> memref<10240x128xf32, #tpu.memory_space<vmem_shared>>
      tpu.enqueue_indirect_dma source(%arg11 : memref<128x128xf32, #tpu.memory_space<vmem>>) target(%dma_start3A_99 : memref<10240x128xf32, #tpu.memory_space<vmem_shared>>) offsets(%arg9 : memref<128xi32, #tpu.memory_space<vmem>>) semaphore(%arg17 : memref<!tpu.dma_semaphore, #tpu.memory_space<semaphore_mem>>) {add = true}
      %dma_wait3A_100 = arith.constant 0 : i32
      %dma_wait3A_101 = arith.constant 0 : i32
      %dma_wait3A_102 = tpu.memref_slice %arg13[%dma_wait3A_100, %dma_wait3A_101] : memref<10240x128xf32, #tpu.memory_space<vmem_shared>> -> memref<10240x128xf32, #tpu.memory_space<vmem_shared>>
      tpu.wait_indirect_dma semaphore(%arg16 : memref<!tpu.dma_semaphore, #tpu.memory_space<semaphore_mem>>) src(%arg10 : memref<128x128xf32, #tpu.memory_space<vmem>>) dst(%dma_wait3A_102 : memref<10240x128xf32, #tpu.memory_space<vmem_shared>>)
      %dma_wait3A_103 = arith.constant 0 : i32
      %dma_wait3A_104 = arith.constant 0 : i32
      %dma_wait3A_105 = tpu.memref_slice %arg13[%dma_wait3A_103, %dma_wait3A_104] : memref<10240x128xf32, #tpu.memory_space<vmem_shared>> -> memref<10240x128xf32, #tpu.memory_space<vmem_shared>>
      tpu.wait_indirect_dma semaphore(%arg17 : memref<!tpu.dma_semaphore, #tpu.memory_space<semaphore_mem>>) src(%arg11 : memref<128x128xf32, #tpu.memory_space<vmem>>) dst(%dma_wait3A_105 : memref<10240x128xf32, #tpu.memory_space<vmem_shared>>)
    }
    %scan3A_50 = arith.constant 80 : i32
    %barrier3A_51 = arith.constant 0 : index
    tpu.barrier barrier_id(%barrier3A_51)
    %mul3A_52 = arith.constant 640 : i32
    %mul3A_53 = arith.muli %arg1, %mul3A_52 : i32
    %mul3A_54 = arith.constant 640 : i32
    %mul3A_55 = arith.muli %arg1, %mul3A_54 : i32
    "tpu.region"() ({
      %run_scoped3A = tpu.sem_alloc : memref<!tpu.dma_semaphore, #tpu.memory_space<semaphore_mem>>
      %dma_start3A = arith.constant 0 : i32
      %dma_start3A_56 = arith.constant 0 : i32
      %dma_start3A_57 = tpu.memref_slice %arg5[%arg0, %dma_start3A, %dma_start3A_56] : memref<2x10240x128xf32, #tpu.memory_space<hbm>> -> memref<1x10240x128xf32, #tpu.memory_space<hbm>>
      %dma_start3A_58 = tpu.memref_squeeze %dma_start3A_57 : memref<1x10240x128xf32, #tpu.memory_space<hbm>> -> memref<10240x128xf32, #tpu.memory_space<hbm>>
      %dma_start3A_59 = arith.constant 0 : i32
      %dma_start3A_60 = tpu.memref_slice %dma_start3A_58[%mul3A_55, %dma_start3A_59] : memref<10240x128xf32, #tpu.memory_space<hbm>> -> memref<640x128xf32, #tpu.memory_space<hbm>>
      %dma_start3A_61 = arith.constant 0 : i32
      %dma_start3A_62 = tpu.memref_slice %arg13[%mul3A_53, %dma_start3A_61] : memref<10240x128xf32, #tpu.memory_space<vmem_shared>> -> memref<640x128xf32, #tpu.memory_space<vmem_shared>>
      tpu.enqueue_dma source(%dma_start3A_62 : memref<640x128xf32, #tpu.memory_space<vmem_shared>>) target(%dma_start3A_60 : memref<640x128xf32, #tpu.memory_space<hbm>>) target_semaphore(%run_scoped3A : memref<!tpu.dma_semaphore, #tpu.memory_space<semaphore_mem>>)
      %dma_wait3A = arith.constant 0 : i32
      %dma_wait3A_63 = arith.constant 0 : i32
      %dma_wait3A_64 = tpu.memref_slice %arg5[%arg0, %dma_wait3A, %dma_wait3A_63] : memref<2x10240x128xf32, #tpu.memory_space<hbm>> -> memref<1x10240x128xf32, #tpu.memory_space<hbm>>
      %dma_wait3A_65 = tpu.memref_squeeze %dma_wait3A_64 : memref<1x10240x128xf32, #tpu.memory_space<hbm>> -> memref<10240x128xf32, #tpu.memory_space<hbm>>
      %dma_wait3A_66 = arith.constant 0 : i32
      %dma_wait3A_67 = tpu.memref_slice %dma_wait3A_65[%mul3A_55, %dma_wait3A_66] : memref<10240x128xf32, #tpu.memory_space<hbm>> -> memref<640x128xf32, #tpu.memory_space<hbm>>
      %dma_wait3A_68 = arith.constant 0 : i32
      %dma_wait3A_69 = tpu.memref_slice %arg13[%mul3A_53, %dma_wait3A_68] : memref<10240x128xf32, #tpu.memory_space<vmem_shared>> -> memref<640x128xf32, #tpu.memory_space<vmem_shared>>
      tpu.wait_dma2 semaphore(%run_scoped3A : memref<!tpu.dma_semaphore, #tpu.memory_space<semaphore_mem>>) src(%dma_wait3A_69 : memref<640x128xf32, #tpu.memory_space<vmem_shared>>) dst(%dma_wait3A_67 : memref<640x128xf32, #tpu.memory_space<hbm>>)
      tpu.yield
    }) : () -> ()
    return
  }
}

module attributes {stable_mosaic.version = 14 : i64} {
  func.func @_prep_body(%arg0: memref<10240x4xf32, #tpu.memory_space<vmem>>, %arg1: memref<10000x128xf32, #tpu.memory_space<vmem>>, %arg2: memref<10240x2xf32, #tpu.memory_space<vmem>>, %arg3: memref<10000x128xf32, #tpu.memory_space<vmem>>) attributes {dimension_semantics = [], scalar_prefetch = 0 : i64, scratch_operands = 0 : i64, tpu.core_type = #tpu.core_type<tc>} {
    %get3A = arith.constant 0 : index
    %get3A_0 = arith.constant 0 : index
    %get3A_1 = vector.load %arg0[%get3A, %get3A_0] : memref<10240x4xf32, #tpu.memory_space<vmem>>, vector<10240x2xf32>
    %get3A_2 = arith.constant 0 : index
    %get3A_3 = arith.constant 2 : index
    %get3A_4 = vector.load %arg0[%get3A_2, %get3A_3] : memref<10240x4xf32, #tpu.memory_space<vmem>>, vector<10240x2xf32>
    %add3A = arith.addf %get3A_1, %get3A_4 : vector<10240x2xf32>
    %gt3A = arith.constant 0.000000e+00 : f32
    %gt3A_5 = vector.broadcast %gt3A : f32 to vector<10240x2xf32>
    %gt3A_6 = arith.cmpf ogt, %add3A, %gt3A_5 : vector<10240x2xf32>
    %max3A = arith.constant 1.000000e-30 : f32
    %max3A_7 = vector.broadcast %max3A : f32 to vector<10240x2xf32>
    %max3A_8 = arith.maximumf %add3A, %max3A_7 : vector<10240x2xf32>
    %rsqrt3A = math.rsqrt %max3A_8 : vector<10240x2xf32>
    %jit3A = arith.constant 0.000000e+00 : f32
    %broadcast_in_dim3A = vector.broadcast %jit3A : f32 to vector<10240x2xf32>
    %select_n3A = arith.select %gt3A_6, %rsqrt3A, %broadcast_in_dim3A : vector<10240x2xi1>, vector<10240x2xf32>
    %swap3A = arith.constant 0 : index
    %swap3A_9 = arith.constant 0 : index
    %swap3A_10 = vector.load %arg2[%swap3A, %swap3A_9] : memref<10240x2xf32, #tpu.memory_space<vmem>>, vector<10240x2xf32>
    tpu.vector_store %arg2[%swap3A, %swap3A_9], %select_n3A {strides = array<i32>} : memref<10240x2xf32, #tpu.memory_space<vmem>>, vector<10240x2xf32>,
    %get3A_11 = arith.constant 0 : index
    %get3A_12 = arith.constant 0 : index
    %get3A_13 = vector.load %arg1[%get3A_11, %get3A_12] : memref<10000x128xf32, #tpu.memory_space<vmem>>, vector<10000x128xf32>
    %slice3A = vector.extract_strided_slice %select_n3A {offsets = [0, 0], sizes = [10000, 1], strides = [1, 1]} : vector<10240x2xf32> to vector<10000x1xf32>
    %mul3A = vector.broadcast %slice3A : vector<10000x1xf32> to vector<10000x128xf32>
    %mul3A_14 = arith.mulf %get3A_13, %mul3A : vector<10000x128xf32>
    %swap3A_15 = arith.constant 0 : index
    %swap3A_16 = arith.constant 0 : index
    %swap3A_17 = vector.load %arg3[%swap3A_15, %swap3A_16] : memref<10000x128xf32, #tpu.memory_space<vmem>>, vector<10000x128xf32>
    tpu.vector_store %arg3[%swap3A_15, %swap3A_16], %mul3A_14 {strides = array<i32>} : memref<10000x128xf32, #tpu.memory_space<vmem>>, vector<10000x128xf32>,
    return
  }
}

module attributes {stable_mosaic.version = 14 : i64} {
  func.func @_layer_body(%arg0: memref<2x10240x128xf32, #tpu.memory_space<vmem>>, %arg1: memref<10000x2xf32, #tpu.memory_space<vmem>>, %arg2: memref<128x256xf32, #tpu.memory_space<vmem>>, %arg3: memref<256xf32, #tpu.memory_space<vmem>>, %arg4: memref<256xf32, #tpu.memory_space<vmem>>, %arg5: memref<256xf32, #tpu.memory_space<vmem>>, %arg6: memref<2x10000x128xf32, #tpu.memory_space<vmem>>) attributes {dimension_semantics = [], scalar_prefetch = 0 : i64, scratch_operands = 0 : i64, tpu.core_type = #tpu.core_type<tc>} {
    %get3A = arith.constant 0 : index
    %get3A_0 = arith.constant 0 : index
    %get3A_1 = arith.constant 0 : index
    %get3A_2 = vector.load %arg0[%get3A, %get3A_0, %get3A_1] : memref<2x10240x128xf32, #tpu.memory_space<vmem>>, vector<1x10240x128xf32>
    %get3A_3 = vector.shape_cast %get3A_2 : vector<1x10240x128xf32> to vector<10240x128xf32>
    %get3A_4 = arith.constant 1 : index
    %get3A_5 = arith.constant 0 : index
    %get3A_6 = arith.constant 0 : index
    %get3A_7 = vector.load %arg0[%get3A_4, %get3A_5, %get3A_6] : memref<2x10240x128xf32, #tpu.memory_space<vmem>>, vector<1x10240x128xf32>
    %get3A_8 = vector.shape_cast %get3A_7 : vector<1x10240x128xf32> to vector<10240x128xf32>
    %add3A = arith.addf %get3A_3, %get3A_8 : vector<10240x128xf32>
    %slice3A = vector.extract_strided_slice %add3A {offsets = [0, 0], sizes = [10000, 128], strides = [1, 1]} : vector<10240x128xf32> to vector<10000x128xf32>
    %get3A_9 = arith.constant 0 : index
    %get3A_10 = arith.constant 1 : index
    %get3A_11 = vector.load %arg1[%get3A_9, %get3A_10] : memref<10000x2xf32, #tpu.memory_space<vmem>>, vector<10000x1xf32>
    %mul3A = vector.broadcast %get3A_11 : vector<10000x1xf32> to vector<10000x128xf32>
    %mul3A_12 = arith.mulf %slice3A, %mul3A : vector<10000x128xf32>
    %get3A_13 = arith.constant 0 : index
    %get3A_14 = arith.constant 0 : index
    %get3A_15 = vector.load %arg2[%get3A_13, %get3A_14] : memref<128x256xf32, #tpu.memory_space<vmem>>, vector<128x256xf32>
    %dot_general3A = arith.constant dense<0.000000e+00> : vector<10000x256xf32>
    %dot_general3A_16 = tpu.matmul %mul3A_12, %get3A_15, %dot_general3A {dimension_numbers = #tpu.dot_dimension_numbers<[1], [0], [0], [1], [0, 0, 1, 1], [], []>, transpose_lhs_hint = false} : vector<10000x128xf32>, vector<128x256xf32>, vector<10000x256xf32> -> vector<10000x256xf32>
    %get3A_17 = arith.constant 0 : index
    %get3A_18 = vector.load %arg3[%get3A_17] : memref<256xf32, #tpu.memory_space<vmem>>, vector<256xf32>
    %broadcast_in_dim3A = vector.shape_cast %get3A_18 : vector<256xf32> to vector<1x256xf32>
    %add3A_19 = vector.broadcast %broadcast_in_dim3A : vector<1x256xf32> to vector<10000x256xf32>
    %add3A_20 = arith.addf %dot_general3A_16, %add3A_19 : vector<10000x256xf32>
    %reduce_sum3A = arith.constant dense<0.000000e+00> : vector<256xf32>
    %reduce_sum3A_21 = vector.multi_reduction <add>, %add3A_20, %reduce_sum3A [0] : vector<10000x256xf32> to vector<256xf32>
    %broadcast_in_dim3A_22 = vector.shape_cast %reduce_sum3A_21 : vector<256xf32> to vector<1x256xf32>
    %div3A = arith.constant 1.000000e+04 : f32
    %div3A_23 = vector.broadcast %div3A : f32 to vector<1x256xf32>
    %div3A_24 = arith.divf %broadcast_in_dim3A_22, %div3A_23 : vector<1x256xf32>
    %sub3A = vector.broadcast %div3A_24 : vector<1x256xf32> to vector<10000x256xf32>
    %sub3A_25 = arith.subf %add3A_20, %sub3A : vector<10000x256xf32>
    %mul3A_26 = arith.mulf %sub3A_25, %sub3A_25 : vector<10000x256xf32>
    %reduce_sum3A_27 = arith.constant dense<0.000000e+00> : vector<256xf32>
    %reduce_sum3A_28 = vector.multi_reduction <add>, %mul3A_26, %reduce_sum3A_27 [0] : vector<10000x256xf32> to vector<256xf32>
    %broadcast_in_dim3A_29 = vector.shape_cast %reduce_sum3A_28 : vector<256xf32> to vector<1x256xf32>
    %div3A_30 = arith.constant 1.000000e+04 : f32
    %div3A_31 = vector.broadcast %div3A_30 : f32 to vector<1x256xf32>
    %div3A_32 = arith.divf %broadcast_in_dim3A_29, %div3A_31 : vector<1x256xf32>
    %get3A_33 = arith.constant 0 : index
    %get3A_34 = vector.load %arg4[%get3A_33] : memref<256xf32, #tpu.memory_space<vmem>>, vector<256xf32>
    %broadcast_in_dim3A_35 = vector.shape_cast %get3A_34 : vector<256xf32> to vector<1x256xf32>
    %mul3A_36 = vector.broadcast %broadcast_in_dim3A_35 : vector<1x256xf32> to vector<10000x256xf32>
    %mul3A_37 = arith.mulf %mul3A_36, %sub3A_25 : vector<10000x256xf32>
    %add3A_38 = arith.constant 9.99999974E-6 : f32
    %add3A_39 = vector.broadcast %add3A_38 : f32 to vector<1x256xf32>
    %add3A_40 = arith.addf %div3A_32, %add3A_39 : vector<1x256xf32>
    %rsqrt3A = math.rsqrt %add3A_40 : vector<1x256xf32>
    %mul3A_41 = vector.broadcast %rsqrt3A : vector<1x256xf32> to vector<10000x256xf32>
    %mul3A_42 = arith.mulf %mul3A_37, %mul3A_41 : vector<10000x256xf32>
    %get3A_43 = arith.constant 0 : index
    %get3A_44 = vector.load %arg5[%get3A_43] : memref<256xf32, #tpu.memory_space<vmem>>, vector<256xf32>
    %broadcast_in_dim3A_45 = vector.shape_cast %get3A_44 : vector<256xf32> to vector<1x256xf32>
    %add3A_46 = vector.broadcast %broadcast_in_dim3A_45 : vector<1x256xf32> to vector<10000x256xf32>
    %add3A_47 = arith.addf %mul3A_42, %add3A_46 : vector<10000x256xf32>
    %max3A = arith.constant 0.000000e+00 : f32
    %max3A_48 = vector.broadcast %max3A : f32 to vector<10000x256xf32>
    %max3A_49 = arith.maximumf %add3A_47, %max3A_48 : vector<10000x256xf32>
    %get3A_50 = arith.constant 0 : index
    %get3A_51 = arith.constant 0 : index
    %get3A_52 = vector.load %arg1[%get3A_50, %get3A_51] : memref<10000x2xf32, #tpu.memory_space<vmem>>, vector<10000x1xf32>
    %mul3A_53 = vector.broadcast %get3A_52 : vector<10000x1xf32> to vector<10000x256xf32>
    %mul3A_54 = arith.mulf %max3A_49, %mul3A_53 : vector<10000x256xf32>
    %slice3A_55 = vector.extract_strided_slice %mul3A_54 {offsets = [0, 0], sizes = [10000, 128], strides = [1, 1]} : vector<10000x256xf32> to vector<10000x128xf32>
    %swap3A = arith.constant 0 : index
    %swap3A_56 = arith.constant 0 : index
    %swap3A_57 = arith.constant 0 : index
    %swap3A_58 = vector.load %arg6[%swap3A, %swap3A_56, %swap3A_57] : memref<2x10000x128xf32, #tpu.memory_space<vmem>>, vector<1x10000x128xf32>
    %swap3A_59 = vector.shape_cast %swap3A_58 : vector<1x10000x128xf32> to vector<10000x128xf32>
    %swap3A_60 = vector.shape_cast %slice3A_55 : vector<10000x128xf32> to vector<1x10000x128xf32>
    tpu.vector_store %arg6[%swap3A, %swap3A_56, %swap3A_57], %swap3A_60 {strides = array<i32>} : memref<2x10000x128xf32, #tpu.memory_space<vmem>>, vector<1x10000x128xf32>,
    %slice3A_61 = vector.extract_strided_slice %mul3A_54 {offsets = [0, 128], sizes = [10000, 128], strides = [1, 1]} : vector<10000x256xf32> to vector<10000x128xf32>
    %swap3A_62 = arith.constant 1 : index
    %swap3A_63 = arith.constant 0 : index
    %swap3A_64 = arith.constant 0 : index
    %swap3A_65 = vector.load %arg6[%swap3A_62, %swap3A_63, %swap3A_64] : memref<2x10000x128xf32, #tpu.memory_space<vmem>>, vector<1x10000x128xf32>
    %swap3A_66 = vector.shape_cast %swap3A_65 : vector<1x10000x128xf32> to vector<10000x128xf32>
    %swap3A_67 = vector.shape_cast %slice3A_61 : vector<10000x128xf32> to vector<1x10000x128xf32>
    tpu.vector_store %arg6[%swap3A_62, %swap3A_63, %swap3A_64], %swap3A_67 {strides = array<i32>} : memref<2x10000x128xf32, #tpu.memory_space<vmem>>, vector<1x10000x128xf32>,
    return
  }
}

module attributes {stable_mosaic.version = 14 : i64} {
  func.func @_layer_body(%arg0: memref<2x10240x128xf32, #tpu.memory_space<vmem>>, %arg1: memref<10000x2xf32, #tpu.memory_space<vmem>>, %arg2: memref<256x256xf32, #tpu.memory_space<vmem>>, %arg3: memref<256xf32, #tpu.memory_space<vmem>>, %arg4: memref<256xf32, #tpu.memory_space<vmem>>, %arg5: memref<256xf32, #tpu.memory_space<vmem>>, %arg6: memref<2x10000x128xf32, #tpu.memory_space<vmem>>) attributes {dimension_semantics = [], scalar_prefetch = 0 : i64, scratch_operands = 0 : i64, tpu.core_type = #tpu.core_type<tc>} {
    %get3A = arith.constant 0 : index
    %get3A_0 = arith.constant 0 : index
    %get3A_1 = arith.constant 0 : index
    %get3A_2 = vector.load %arg0[%get3A, %get3A_0, %get3A_1] : memref<2x10240x128xf32, #tpu.memory_space<vmem>>, vector<1x10240x128xf32>
    %get3A_3 = vector.shape_cast %get3A_2 : vector<1x10240x128xf32> to vector<10240x128xf32>
    %get3A_4 = arith.constant 1 : index
    %get3A_5 = arith.constant 0 : index
    %get3A_6 = arith.constant 0 : index
    %get3A_7 = vector.load %arg0[%get3A_4, %get3A_5, %get3A_6] : memref<2x10240x128xf32, #tpu.memory_space<vmem>>, vector<1x10240x128xf32>
    %get3A_8 = vector.shape_cast %get3A_7 : vector<1x10240x128xf32> to vector<10240x128xf32>
    %concatenate3A = tpu.concatenate %get3A_3, %get3A_8 in 1 : vector<10240x128xf32>, vector<10240x128xf32> -> vector<10240x256xf32>
    %slice3A = vector.extract_strided_slice %concatenate3A {offsets = [0, 0], sizes = [10000, 256], strides = [1, 1]} : vector<10240x256xf32> to vector<10000x256xf32>
    %get3A_9 = arith.constant 0 : index
    %get3A_10 = arith.constant 1 : index
    %get3A_11 = vector.load %arg1[%get3A_9, %get3A_10] : memref<10000x2xf32, #tpu.memory_space<vmem>>, vector<10000x1xf32>
    %mul3A = vector.broadcast %get3A_11 : vector<10000x1xf32> to vector<10000x256xf32>
    %mul3A_12 = arith.mulf %slice3A, %mul3A : vector<10000x256xf32>
    %get3A_13 = arith.constant 0 : index
    %get3A_14 = arith.constant 0 : index
    %get3A_15 = vector.load %arg2[%get3A_13, %get3A_14] : memref<256x256xf32, #tpu.memory_space<vmem>>, vector<256x256xf32>
    %dot_general3A = arith.constant dense<0.000000e+00> : vector<10000x256xf32>
    %dot_general3A_16 = tpu.matmul %mul3A_12, %get3A_15, %dot_general3A {dimension_numbers = #tpu.dot_dimension_numbers<[1], [0], [0], [1], [0, 0, 1, 1], [], []>, transpose_lhs_hint = false} : vector<10000x256xf32>, vector<256x256xf32>, vector<10000x256xf32> -> vector<10000x256xf32>
    %get3A_17 = arith.constant 0 : index
    %get3A_18 = vector.load %arg3[%get3A_17] : memref<256xf32, #tpu.memory_space<vmem>>, vector<256xf32>
    %broadcast_in_dim3A = vector.shape_cast %get3A_18 : vector<256xf32> to vector<1x256xf32>
    %add3A = vector.broadcast %broadcast_in_dim3A : vector<1x256xf32> to vector<10000x256xf32>
    %add3A_19 = arith.addf %dot_general3A_16, %add3A : vector<10000x256xf32>
    %reduce_sum3A = arith.constant dense<0.000000e+00> : vector<256xf32>
    %reduce_sum3A_20 = vector.multi_reduction <add>, %add3A_19, %reduce_sum3A [0] : vector<10000x256xf32> to vector<256xf32>
    %broadcast_in_dim3A_21 = vector.shape_cast %reduce_sum3A_20 : vector<256xf32> to vector<1x256xf32>
    %div3A = arith.constant 1.000000e+04 : f32
    %div3A_22 = vector.broadcast %div3A : f32 to vector<1x256xf32>
    %div3A_23 = arith.divf %broadcast_in_dim3A_21, %div3A_22 : vector<1x256xf32>
    %sub3A = vector.broadcast %div3A_23 : vector<1x256xf32> to vector<10000x256xf32>
    %sub3A_24 = arith.subf %add3A_19, %sub3A : vector<10000x256xf32>
    %mul3A_25 = arith.mulf %sub3A_24, %sub3A_24 : vector<10000x256xf32>
    %reduce_sum3A_26 = arith.constant dense<0.000000e+00> : vector<256xf32>
    %reduce_sum3A_27 = vector.multi_reduction <add>, %mul3A_25, %reduce_sum3A_26 [0] : vector<10000x256xf32> to vector<256xf32>
    %broadcast_in_dim3A_28 = vector.shape_cast %reduce_sum3A_27 : vector<256xf32> to vector<1x256xf32>
    %div3A_29 = arith.constant 1.000000e+04 : f32
    %div3A_30 = vector.broadcast %div3A_29 : f32 to vector<1x256xf32>
    %div3A_31 = arith.divf %broadcast_in_dim3A_28, %div3A_30 : vector<1x256xf32>
    %get3A_32 = arith.constant 0 : index
    %get3A_33 = vector.load %arg4[%get3A_32] : memref<256xf32, #tpu.memory_space<vmem>>, vector<256xf32>
    %broadcast_in_dim3A_34 = vector.shape_cast %get3A_33 : vector<256xf32> to vector<1x256xf32>
    %mul3A_35 = vector.broadcast %broadcast_in_dim3A_34 : vector<1x256xf32> to vector<10000x256xf32>
    %mul3A_36 = arith.mulf %mul3A_35, %sub3A_24 : vector<10000x256xf32>
    %add3A_37 = arith.constant 9.99999974E-6 : f32
    %add3A_38 = vector.broadcast %add3A_37 : f32 to vector<1x256xf32>
    %add3A_39 = arith.addf %div3A_31, %add3A_38 : vector<1x256xf32>
    %rsqrt3A = math.rsqrt %add3A_39 : vector<1x256xf32>
    %mul3A_40 = vector.broadcast %rsqrt3A : vector<1x256xf32> to vector<10000x256xf32>
    %mul3A_41 = arith.mulf %mul3A_36, %mul3A_40 : vector<10000x256xf32>
    %get3A_42 = arith.constant 0 : index
    %get3A_43 = vector.load %arg5[%get3A_42] : memref<256xf32, #tpu.memory_space<vmem>>, vector<256xf32>
    %broadcast_in_dim3A_44 = vector.shape_cast %get3A_43 : vector<256xf32> to vector<1x256xf32>
    %add3A_45 = vector.broadcast %broadcast_in_dim3A_44 : vector<1x256xf32> to vector<10000x256xf32>
    %add3A_46 = arith.addf %mul3A_41, %add3A_45 : vector<10000x256xf32>
    %max3A = arith.constant 0.000000e+00 : f32
    %max3A_47 = vector.broadcast %max3A : f32 to vector<10000x256xf32>
    %max3A_48 = arith.maximumf %add3A_46, %max3A_47 : vector<10000x256xf32>
    %get3A_49 = arith.constant 0 : index
    %get3A_50 = arith.constant 0 : index
    %get3A_51 = vector.load %arg1[%get3A_49, %get3A_50] : memref<10000x2xf32, #tpu.memory_space<vmem>>, vector<10000x1xf32>
    %mul3A_52 = vector.broadcast %get3A_51 : vector<10000x1xf32> to vector<10000x256xf32>
    %mul3A_53 = arith.mulf %max3A_48, %mul3A_52 : vector<10000x256xf32>
    %slice3A_54 = vector.extract_strided_slice %mul3A_53 {offsets = [0, 0], sizes = [10000, 128], strides = [1, 1]} : vector<10000x256xf32> to vector<10000x128xf32>
    %swap3A = arith.constant 0 : index
    %swap3A_55 = arith.constant 0 : index
    %swap3A_56 = arith.constant 0 : index
    %swap3A_57 = vector.load %arg6[%swap3A, %swap3A_55, %swap3A_56] : memref<2x10000x128xf32, #tpu.memory_space<vmem>>, vector<1x10000x128xf32>
    %swap3A_58 = vector.shape_cast %swap3A_57 : vector<1x10000x128xf32> to vector<10000x128xf32>
    %swap3A_59 = vector.shape_cast %slice3A_54 : vector<10000x128xf32> to vector<1x10000x128xf32>
    tpu.vector_store %arg6[%swap3A, %swap3A_55, %swap3A_56], %swap3A_59 {strides = array<i32>} : memref<2x10000x128xf32, #tpu.memory_space<vmem>>, vector<1x10000x128xf32>,
    %slice3A_60 = vector.extract_strided_slice %mul3A_53 {offsets = [0, 128], sizes = [10000, 128], strides = [1, 1]} : vector<10000x256xf32> to vector<10000x128xf32>
    %swap3A_61 = arith.constant 1 : index
    %swap3A_62 = arith.constant 0 : index
    %swap3A_63 = arith.constant 0 : index
    %swap3A_64 = vector.load %arg6[%swap3A_61, %swap3A_62, %swap3A_63] : memref<2x10000x128xf32, #tpu.memory_space<vmem>>, vector<1x10000x128xf32>
    %swap3A_65 = vector.shape_cast %swap3A_64 : vector<1x10000x128xf32> to vector<10000x128xf32>
    %swap3A_66 = vector.shape_cast %slice3A_60 : vector<10000x128xf32> to vector<1x10000x128xf32>
    tpu.vector_store %arg6[%swap3A_61, %swap3A_62, %swap3A_63], %swap3A_66 {strides = array<i32>} : memref<2x10000x128xf32, #tpu.memory_space<vmem>>, vector<1x10000x128xf32>,
    return
  }
}

module attributes {stable_mosaic.version = 14 : i64} {
  func.func @_final_body(%arg0: memref<2x10240x128xf32, #tpu.memory_space<vmem>>, %arg1: memref<10000x2xf32, #tpu.memory_space<vmem>>, %arg2: memref<256x256xf32, #tpu.memory_space<vmem>>, %arg3: memref<256xf32, #tpu.memory_space<vmem>>, %arg4: memref<256xf32, #tpu.memory_space<vmem>>, %arg5: memref<256xf32, #tpu.memory_space<vmem>>, %arg6: memref<256x128xf32, #tpu.memory_space<vmem>>, %arg7: memref<128xf32, #tpu.memory_space<vmem>>, %arg8: memref<128x64xf32, #tpu.memory_space<vmem>>, %arg9: memref<64xf32, #tpu.memory_space<vmem>>, %arg10: memref<64x10xf32, #tpu.memory_space<vmem>>, %arg11: memref<10xf32, #tpu.memory_space<vmem>>, %arg12: memref<1x10xf32, #tpu.memory_space<vmem>>) attributes {dimension_semantics = [], scalar_prefetch = 0 : i64, scratch_operands = 0 : i64, tpu.core_type = #tpu.core_type<tc>} {
    %get3A = arith.constant 0 : index
    %get3A_0 = arith.constant 0 : index
    %get3A_1 = arith.constant 0 : index
    %get3A_2 = vector.load %arg0[%get3A, %get3A_0, %get3A_1] : memref<2x10240x128xf32, #tpu.memory_space<vmem>>, vector<1x10240x128xf32>
    %get3A_3 = vector.shape_cast %get3A_2 : vector<1x10240x128xf32> to vector<10240x128xf32>
    %get3A_4 = arith.constant 1 : index
    %get3A_5 = arith.constant 0 : index
    %get3A_6 = arith.constant 0 : index
    %get3A_7 = vector.load %arg0[%get3A_4, %get3A_5, %get3A_6] : memref<2x10240x128xf32, #tpu.memory_space<vmem>>, vector<1x10240x128xf32>
    %get3A_8 = vector.shape_cast %get3A_7 : vector<1x10240x128xf32> to vector<10240x128xf32>
    %concatenate3A = tpu.concatenate %get3A_3, %get3A_8 in 1 : vector<10240x128xf32>, vector<10240x128xf32> -> vector<10240x256xf32>
    %slice3A = vector.extract_strided_slice %concatenate3A {offsets = [0, 0], sizes = [10000, 256], strides = [1, 1]} : vector<10240x256xf32> to vector<10000x256xf32>
    %get3A_9 = arith.constant 0 : index
    %get3A_10 = arith.constant 1 : index
    %get3A_11 = vector.load %arg1[%get3A_9, %get3A_10] : memref<10000x2xf32, #tpu.memory_space<vmem>>, vector<10000x1xf32>
    %mul3A = vector.broadcast %get3A_11 : vector<10000x1xf32> to vector<10000x256xf32>
    %mul3A_12 = arith.mulf %slice3A, %mul3A : vector<10000x256xf32>
    %get3A_13 = arith.constant 0 : index
    %get3A_14 = arith.constant 0 : index
    %get3A_15 = vector.load %arg2[%get3A_13, %get3A_14] : memref<256x256xf32, #tpu.memory_space<vmem>>, vector<256x256xf32>
    %dot_general3A = arith.constant dense<0.000000e+00> : vector<10000x256xf32>
    %dot_general3A_16 = tpu.matmul %mul3A_12, %get3A_15, %dot_general3A {dimension_numbers = #tpu.dot_dimension_numbers<[1], [0], [0], [1], [0, 0, 1, 1], [], []>, transpose_lhs_hint = false} : vector<10000x256xf32>, vector<256x256xf32>, vector<10000x256xf32> -> vector<10000x256xf32>
    %get3A_17 = arith.constant 0 : index
    %get3A_18 = vector.load %arg3[%get3A_17] : memref<256xf32, #tpu.memory_space<vmem>>, vector<256xf32>
    %broadcast_in_dim3A = vector.shape_cast %get3A_18 : vector<256xf32> to vector<1x256xf32>
    %add3A = vector.broadcast %broadcast_in_dim3A : vector<1x256xf32> to vector<10000x256xf32>
    %add3A_19 = arith.addf %dot_general3A_16, %add3A : vector<10000x256xf32>
    %reduce_sum3A = arith.constant dense<0.000000e+00> : vector<256xf32>
    %reduce_sum3A_20 = vector.multi_reduction <add>, %add3A_19, %reduce_sum3A [0] : vector<10000x256xf32> to vector<256xf32>
    %broadcast_in_dim3A_21 = vector.shape_cast %reduce_sum3A_20 : vector<256xf32> to vector<1x256xf32>
    %div3A = arith.constant 1.000000e+04 : f32
    %div3A_22 = vector.broadcast %div3A : f32 to vector<1x256xf32>
    %div3A_23 = arith.divf %broadcast_in_dim3A_21, %div3A_22 : vector<1x256xf32>
    %sub3A = vector.broadcast %div3A_23 : vector<1x256xf32> to vector<10000x256xf32>
    %sub3A_24 = arith.subf %add3A_19, %sub3A : vector<10000x256xf32>
    %mul3A_25 = arith.mulf %sub3A_24, %sub3A_24 : vector<10000x256xf32>
    %reduce_sum3A_26 = arith.constant dense<0.000000e+00> : vector<256xf32>
    %reduce_sum3A_27 = vector.multi_reduction <add>, %mul3A_25, %reduce_sum3A_26 [0] : vector<10000x256xf32> to vector<256xf32>
    %broadcast_in_dim3A_28 = vector.shape_cast %reduce_sum3A_27 : vector<256xf32> to vector<1x256xf32>
    %div3A_29 = arith.constant 1.000000e+04 : f32
    %div3A_30 = vector.broadcast %div3A_29 : f32 to vector<1x256xf32>
    %div3A_31 = arith.divf %broadcast_in_dim3A_28, %div3A_30 : vector<1x256xf32>
    %get3A_32 = arith.constant 0 : index
    %get3A_33 = vector.load %arg4[%get3A_32] : memref<256xf32, #tpu.memory_space<vmem>>, vector<256xf32>
    %broadcast_in_dim3A_34 = vector.shape_cast %get3A_33 : vector<256xf32> to vector<1x256xf32>
    %mul3A_35 = vector.broadcast %broadcast_in_dim3A_34 : vector<1x256xf32> to vector<10000x256xf32>
    %mul3A_36 = arith.mulf %mul3A_35, %sub3A_24 : vector<10000x256xf32>
    %add3A_37 = arith.constant 9.99999974E-6 : f32
    %add3A_38 = vector.broadcast %add3A_37 : f32 to vector<1x256xf32>
    %add3A_39 = arith.addf %div3A_31, %add3A_38 : vector<1x256xf32>
    %rsqrt3A = math.rsqrt %add3A_39 : vector<1x256xf32>
    %mul3A_40 = vector.broadcast %rsqrt3A : vector<1x256xf32> to vector<10000x256xf32>
    %mul3A_41 = arith.mulf %mul3A_36, %mul3A_40 : vector<10000x256xf32>
    %get3A_42 = arith.constant 0 : index
    %get3A_43 = vector.load %arg5[%get3A_42] : memref<256xf32, #tpu.memory_space<vmem>>, vector<256xf32>
    %broadcast_in_dim3A_44 = vector.shape_cast %get3A_43 : vector<256xf32> to vector<1x256xf32>
    %add3A_45 = vector.broadcast %broadcast_in_dim3A_44 : vector<1x256xf32> to vector<10000x256xf32>
    %add3A_46 = arith.addf %mul3A_41, %add3A_45 : vector<10000x256xf32>
    %max3A = arith.constant 0.000000e+00 : f32
    %max3A_47 = vector.broadcast %max3A : f32 to vector<10000x256xf32>
    %max3A_48 = arith.maximumf %add3A_46, %max3A_47 : vector<10000x256xf32>
    %reduce_sum3A_49 = arith.constant dense<0.000000e+00> : vector<256xf32>
    %reduce_sum3A_50 = vector.multi_reduction <add>, %max3A_48, %reduce_sum3A_49 [0] : vector<10000x256xf32> to vector<256xf32>
    %broadcast_in_dim3A_51 = vector.shape_cast %reduce_sum3A_50 : vector<256xf32> to vector<1x256xf32>
    %div3A_52 = arith.constant 1.000000e+04 : f32
    %div3A_53 = vector.broadcast %div3A_52 : f32 to vector<1x256xf32>
    %div3A_54 = arith.divf %broadcast_in_dim3A_51, %div3A_53 : vector<1x256xf32>
    %get3A_55 = arith.constant 0 : index
    %get3A_56 = arith.constant 0 : index
    %get3A_57 = vector.load %arg6[%get3A_55, %get3A_56] : memref<256x128xf32, #tpu.memory_space<vmem>>, vector<256x128xf32>
    %dot_general3A_58 = arith.constant dense<0.000000e+00> : vector<1x128xf32>
    %dot_general3A_59 = tpu.matmul %div3A_54, %get3A_57, %dot_general3A_58 {dimension_numbers = #tpu.dot_dimension_numbers<[1], [0], [0], [1], [0, 0, 1, 1], [], []>, transpose_lhs_hint = false} : vector<1x256xf32>, vector<256x128xf32>, vector<1x128xf32> -> vector<1x128xf32>
    %get3A_60 = arith.constant 0 : index
    %get3A_61 = vector.load %arg7[%get3A_60] : memref<128xf32, #tpu.memory_space<vmem>>, vector<128xf32>
    %broadcast_in_dim3A_62 = vector.shape_cast %get3A_61 : vector<128xf32> to vector<1x128xf32>
    %add3A_63 = arith.addf %dot_general3A_59, %broadcast_in_dim3A_62 : vector<1x128xf32>
    %max3A_64 = arith.constant 0.000000e+00 : f32
    %max3A_65 = vector.broadcast %max3A_64 : f32 to vector<1x128xf32>
    %max3A_66 = arith.maximumf %add3A_63, %max3A_65 : vector<1x128xf32>
    %get3A_67 = arith.constant 0 : index
    %get3A_68 = arith.constant 0 : index
    %get3A_69 = vector.load %arg8[%get3A_67, %get3A_68] : memref<128x64xf32, #tpu.memory_space<vmem>>, vector<128x64xf32>
    %dot_general3A_70 = arith.constant dense<0.000000e+00> : vector<1x64xf32>
    %dot_general3A_71 = tpu.matmul %max3A_66, %get3A_69, %dot_general3A_70 {dimension_numbers = #tpu.dot_dimension_numbers<[1], [0], [0], [1], [0, 0, 1, 1], [], []>, transpose_lhs_hint = false} : vector<1x128xf32>, vector<128x64xf32>, vector<1x64xf32> -> vector<1x64xf32>
    %get3A_72 = arith.constant 0 : index
    %get3A_73 = vector.load %arg9[%get3A_72] : memref<64xf32, #tpu.memory_space<vmem>>, vector<64xf32>
    %broadcast_in_dim3A_74 = vector.shape_cast %get3A_73 : vector<64xf32> to vector<1x64xf32>
    %add3A_75 = arith.addf %dot_general3A_71, %broadcast_in_dim3A_74 : vector<1x64xf32>
    %max3A_76 = arith.constant 0.000000e+00 : f32
    %max3A_77 = vector.broadcast %max3A_76 : f32 to vector<1x64xf32>
    %max3A_78 = arith.maximumf %add3A_75, %max3A_77 : vector<1x64xf32>
    %get3A_79 = arith.constant 0 : index
    %get3A_80 = arith.constant 0 : index
    %get3A_81 = vector.load %arg10[%get3A_79, %get3A_80] : memref<64x10xf32, #tpu.memory_space<vmem>>, vector<64x10xf32>
    %dot_general3A_82 = arith.constant dense<0.000000e+00> : vector<1x10xf32>
    %dot_general3A_83 = tpu.matmul %max3A_78, %get3A_81, %dot_general3A_82 {dimension_numbers = #tpu.dot_dimension_numbers<[1], [0], [0], [1], [0, 0, 1, 1], [], []>, transpose_lhs_hint = false} : vector<1x64xf32>, vector<64x10xf32>, vector<1x10xf32> -> vector<1x10xf32>
    %get3A_84 = arith.constant 0 : index
    %get3A_85 = vector.load %arg11[%get3A_84] : memref<10xf32, #tpu.memory_space<vmem>>, vector<10xf32>
    %broadcast_in_dim3A_86 = vector.shape_cast %get3A_85 : vector<10xf32> to vector<1x10xf32>
    %add3A_87 = arith.addf %dot_general3A_83, %broadcast_in_dim3A_86 : vector<1x10xf32>
    %reduce_max3A = arith.constant dense<0xFF800000> : vector<10xf32>
    %reduce_max3A_88 = vector.multi_reduction <maximumf>, %add3A_87, %reduce_max3A [0] : vector<1x10xf32> to vector<10xf32>
    %broadcast_in_dim3A_89 = vector.shape_cast %reduce_max3A_88 : vector<10xf32> to vector<1x10xf32>
    %sub3A_90 = arith.subf %add3A_87, %broadcast_in_dim3A_89 : vector<1x10xf32>
    %exp3A = math.exp %sub3A_90 : vector<1x10xf32>
    %reduce_sum3A_91 = arith.constant dense<0.000000e+00> : vector<10xf32>
    %reduce_sum3A_92 = vector.multi_reduction <add>, %exp3A, %reduce_sum3A_91 [0] : vector<1x10xf32> to vector<10xf32>
    %broadcast_in_dim3A_93 = vector.shape_cast %reduce_sum3A_92 : vector<10xf32> to vector<1x10xf32>
    %log3A = math.log %broadcast_in_dim3A_93 : vector<1x10xf32>
    %add3A_94 = arith.addf %broadcast_in_dim3A_89, %log3A : vector<1x10xf32>
    %sub3A_95 = arith.subf %add3A_87, %add3A_94 : vector<1x10xf32>
    %swap3A = arith.constant 0 : index
    %swap3A_96 = arith.constant 0 : index
    %swap3A_97 = vector.load %arg12[%swap3A, %swap3A_96] : memref<1x10xf32, #tpu.memory_space<vmem>>, vector<1x10xf32>
    tpu.vector_store %arg12[%swap3A, %swap3A_96], %sub3A_95 {strides = array<i32>} : memref<1x10xf32, #tpu.memory_space<vmem>>, vector<1x10xf32>,
    return
  }
}

</mosaic_0001>

<sc_bundles>
// kernel: kernel.12.cloned.1.call-start
scs
__scs_entry_jumppad:
0x0: {  	(pc) =	sbr.rel $0x88, $3  }
0x1: {  	(tag) =	ssettag $0x0;
	lr =	simm.s32 $0x1  }
0x2: {  	[smem:$0x3F8F] =	sst lr;
	_ =	strace $0xD0000000  }
0x3: {  	_ = 	snop  }
0x4: {  	_ = 	snop  }
0x5: {  	_ = 	snop  }
0x6: {  	_ = 	snop  }
0x7: {  	_ = 	snop  }
__scs_overlays_trampoline_lowered:
0x8: {  	[smem:$0x3F9E] =	sst s0  }
0x9: {  	[smem:$0x3F9F] =	sst s1  }
0xa: {  	[smem:$0x3FA0] =	sst s2  }
0xb: {  	[smem:$0x3FA1] =	sst s3  }
0xc: {  	[smem:$0x3FA2] =	sst s4  }
0xd: {  	[smem:$0x3FA3] =	sst s5  }
0xe: {  	[smem:$0x3FA4] =	sst s6  }
0xf: {  	[smem:$0x3FA5] =	sst s7  }
0x10: {  	[smem:$0x3FA6] =	sst s8  }
0x11: {  	[smem:$0x3FA7] =	sst s9;
	s0 =	simm.s32 @!p0 $0x0  }
0x12: {  	s1 =	sld [smem:$0x3F8D];
	s0 =	simm.s32 @p0 $0x1  }
0x13: {  	[smem:$0x3FA8] =	sst s0;
	s0 =	simm.s32 @!p1 $0x0  }
0x14: {  	s2 =	sld [smem:$0x3F8C];
	s0 =	simm.s32 @p1 $0x1  }
0x15: {  	[smem:$0x3FA9] =	sst s0;
	s0 =	simm.s32 @!p2 $0x0  }
0x16: {  	s3 =	sld [smem:$0x3FDB];
	s0 =	simm.s32 @p2 $0x1  }
0x17: {  	s4 =	simm.s32 $0x1BF5;
	[smem:$0x3FAB] =	sst s0  }
0x18: {  	s0 =	sld [smem:$0x3F8E];
	_ =	swait.ge [sflag:s4], $0x0  }
0x19: {  	s7 =	sld [smem:$0x3F8F]  }
0x1a: {  	s8 =	sadd.s32 $0xFFFFE003, lr  }
0x1b: {  	s9 =	sadd.s32 $0xFFFFFEF7, lr;
	s5 =	simm.s32 $0xFFFFFFFF;
	p2 =	slt.u32 s8, $0xFFFFF086  }
0x1c: {  	p1 =	slt.u32 s9, $0xF7A;
	s5 =	simm.s32 @!p2 $0x0  }
0x1d: {  	s5 =	simm.s32 @p1 $0x1;
	p0 =	seq.s32 s7, s2  }
0x1e: {  	s7 =	smul.u32 @!p0 $0xF7A, s2;
	p2 =	seq.s32 @!p0 s5, $0x0  }
0x1f: {  	s9 =	smul.u32 $0xF7A, s1;
	s8 =	simm.s32 @!p0 $0x1BF5;
	p2 =	por !p2, p0  }
0x20: {  	[sflag:s8] =	ssyncset.s32 @!p0 $0xFFFFF086;
	s6 =	sadd.s32 @!p0 s3, s7;
	s7 =	simm.s32 @!p0 $0x108  }
0x21: {  	s3 =	sadd.s32 s3, s9;
	s6 =	sadd.s32 @!p0 $0x88, s6;
	s7 =	simm.s32 @p2 $0x1082  }
0x22: {  	[simem:s7], [sflag:s8] =	dma.local @!p0 [hbm:s6], $0xF7A  }
0x23: {  	s9 =	sor.u32 $0xD0000000, s2;
	s6 =	simm.s32 $0x108;
	_ =	swait.ge @!p0 [sflag:s8], $0x0  }
0x24: {  	s3 =	sadd.s32 $0x88, s3;
	s6 =	simm.s32 @!p1 $0x1082;
	[sflag:s4] =	ssyncset.s32 $0xFFFFF086  }
0x25: {  	[simem:s6], [sflag:s4] =	dma.local [hbm:s3], $0xF7A  }
0x26: {  	[smem:$0x3F8F] =	sst s1;
	(tag) =	ssettag s2;
	_ =	strace s9  }
0x27: {  	s1 =	sld [smem:$0x3F9F]  }
0x28: {  	s2 =	sld [smem:$0x3FA0]  }
0x29: {  	s4 =	sld [smem:$0x3FA2]  }
0x2a: {  	p0 =	seq.s32 s5, $0x0;
	s5 =	sld [smem:$0x3FA3]  }
0x2b: {  	s6 =	sld [smem:$0x3FA4]  }
0x2c: {  	s7 =	sld [smem:$0x3FA5]  }
0x2d: {  	s3 =	simm.s32 $0x108;
	s8 =	sld [smem:$0x3FA6]  }
0x2e: {  	s3 =	simm.s32 @!p0 $0x1082;
	s9 =	sld [smem:$0x3FA7]  }
0x2f: {  	lr =	sadd.s32 s0, s3;
	s0 =	sld [smem:$0x3F9E]  }
0x30: {  	s3 =	sld [smem:$0x3FA1]  }
0x31: {  	[smem:$0x3FAA] =	sst s10  }
0x32: {  	s10 =	sld [smem:$0x3FA8];
	_ =	sdelay $0x3  }
0x33: {  	p0 =	seq.s32 s10, $0x1;
	s10 =	sld [smem:$0x3FAA];
	_ =	sdelay $0x3  }
0x34: {  	[smem:$0x3FAA] =	sst s10  }
0x35: {  	s10 =	sld [smem:$0x3FA9];
	_ =	sdelay $0x3  }
0x36: {  	p1 =	seq.s32 s10, $0x1;
	s10 =	sld [smem:$0x3FAA];
	_ =	sdelay $0x3  }
0x37: {  	[smem:$0x3FAA] =	sst s10  }
0x38: {  	s10 =	sld [smem:$0x3FAB]  }
0x39: {  	_ = 	snop;
	(pc) =	sbr.ind lr, $3  }
0x3a: {  	_ = 	snop  }
0x3b: {  	_ = 	snop  }
0x3c: {  	p2 =	seq.s32 s10, $0x1;
	s10 =	sld [smem:$0x3FAA]  }
0x3d: {  	_ =	shalt  }
0x3e: {  	_ =	shalt  }
0x3f: {  	_ =	shalt  }
0x40: {  	_ =	shalt  }
0x41: {  	_ =	shalt  }
0x42: {  	_ =	shalt  }
0x43: {  	_ =	shalt  }
0x44: {  	_ =	shalt  }
0x45: {  	_ =	shalt  }
0x46: {  	_ =	shalt  }
0x47: {  	_ =	shalt  }
0x48: {  	_ =	shalt  }
0x49: {  	_ =	shalt  }
0x4a: {  	_ =	shalt  }
0x4b: {  	_ =	shalt  }
0x4c: {  	_ =	shalt  }
0x4d: {  	_ =	shalt  }
0x4e: {  	_ =	shalt  }
0x4f: {  	_ =	shalt  }
0x50: {  	_ =	shalt  }
0x51: {  	_ =	shalt  }
0x52: {  	_ =	shalt  }
0x53: {  	_ =	shalt  }
0x54: {  	_ =	shalt  }
0x55: {  	_ =	shalt  }
0x56: {  	_ =	shalt  }
0x57: {  	_ =	shalt  }
0x58: {  	_ =	shalt  }
0x59: {  	_ =	shalt  }
0x5a: {  	_ =	shalt  }
0x5b: {  	_ =	shalt  }
0x5c: {  	_ =	shalt  }
0x5d: {  	_ =	shalt  }
0x5e: {  	_ =	shalt  }
0x5f: {  	_ =	shalt  }
0x60: {  	_ =	shalt  }
0x61: {  	_ =	shalt  }
0x62: {  	_ =	shalt  }
0x63: {  	_ =	shalt  }
0x64: {  	_ =	shalt  }
0x65: {  	_ =	shalt  }
0x66: {  	_ =	shalt  }
0x67: {  	_ =	shalt  }
0x68: {  	_ =	shalt  }
0x69: {  	_ =	shalt  }
0x6a: {  	_ =	shalt  }
0x6b: {  	_ =	shalt  }
0x6c: {  	_ =	shalt  }
0x6d: {  	_ =	shalt  }
0x6e: {  	_ =	shalt  }
0x6f: {  	_ =	shalt  }
0x70: {  	_ =	shalt  }
0x71: {  	_ =	shalt  }
0x72: {  	_ =	shalt  }
0x73: {  	_ =	shalt  }
0x74: {  	_ =	shalt  }
0x75: {  	_ =	shalt  }
0x76: {  	_ =	shalt  }
0x77: {  	_ =	shalt  }
0x78: {  	_ =	shalt  }
0x79: {  	_ =	shalt  }
0x7a: {  	_ =	shalt  }
0x7b: {  	_ =	shalt  }
0x7c: {  	_ =	shalt  }
0x7d: {  	_ =	shalt  }
0x7e: {  	_ =	shalt  }
0x7f: {  	_ =	shalt  }
0x80: {  	_ =	shalt  }
0x81: {  	_ =	shalt  }
0x82: {  	_ =	shalt  }
0x83: {  	_ =	shalt  }
0x84: {  	_ =	shalt  }
0x85: {  	_ =	shalt  }
0x86: {  	_ =	shalt  }
0x87: {  	_ =	shalt  }
.Lfunc_end0:
.L_simem_size_0:
called_computation_lowered:
.L_overlay_start_0:
0x88: {  	s2 =	sld [smem:$0x3FD9]  }
0x89: {  	s3 =	sld [smem:$0x3FFE];
	_ =	sdelay $0x1  }
0x8a: {  	s1 =	srdreg.scid  }
0x8b: {  	s0 =	sand.u32 $0x1, s1  }
0x8c: {  	s16 =	sshll.u32 s0, $0xA;
	s2 =	sadd.s32 s3, s2  }
0x8d: {  	s2 =	sadd.s32 s2, s16  }
0x8e: {  	[smem:$0x3FB6] =	sst s2  }
0x8f: {  	_ = 	snop  }
0x90: {  	(tm) =	ssettm $0x1  }
0x91: {  	s17 =	sld [smem:$0x3FFB];
	_ =	sdelay $0x3  }
0x92: {  	_ =	strace s17  }
0x93: {  	s2 =	sld [smem:$0x3FFC];
	_ =	sdelay $0x3  }
0x94: {  	_ =	strace s2  }
0x95: {  	s2 =	sld [smem:$0x3FFD];
	_ =	sdelay $0x3  }
0x96: {  	_ =	strace s2  }
0x97: {  	_ =	strace $0x8FFFFFFF  }
0x98: {  	s18 =	sld [smem:$0x3FDB];
	_ =	sdelay $0x1  }
0x99: {  	s19 =	simm.s32 $_scs_section_size  }
0x9a: {  	s4 =	simm.s32 $_size__tile_overlayer_lowered;
	s5 =	simm.s32 $_tile_overlayer_lowered  }
0x9b: {  	s22 =	simm.s32 $0x1BFF;
	s21 =	sshll.u32 s5, $0x1;
	s2 =	sadd.s32 s19, s18  }
0x9c: {  	s6 =	simm.s32 $0x0;
	s20 =	sshll.u32 s4, $0x1;
	s4 =	sadd.s32 s21, s2  }
0x9d: {  	[timem:s6], [sflag:s22] =	dma.local [hbm:s4], s20  }
0x9e: {  	_ =	swait.ge [sflag:s22], s20  }
0x9f: {  	s3 =	ssub.s32 $0x0, s20;
	[sflag:s22] =	ssyncset.done $0x0  }
0xa0: {  	[sflag:s22] =	ssyncadd.s32 s3;
	_ =	sdelay $0x1  }
0xa1: {  	s23 =	simm.s32 $0x1B8B  }
0xa2: {  	_ =	swait.ge [sflag:s23], $0x1  }
0xa3: {  	[sflag:s23] =	ssyncset.done $0x0  }
0xa4: {  	s25 =	simm.s32 $0x1B8E;
	s24 =	sld [smem:$0x3FFE];
	[sflag:s23] =	ssyncadd.s32 $0xFFFFFFFF  }
0xa5: {  	s26 =	simm.s32 $execute0_lowered;
	[smem:$0x3FD2] =	sst s25  }
0xa6: {  	s4 =	sshll.u32 s26, $0x1;
	_ =	strace $0x80000046;
	[dreg:$0x1] =	wrdreg $0xFFFFFFFF  }
0xa7: {  	s28 =	simm.s32 $_size_execute0_lowered;
	s2 =	sadd.s32 s2, s4;
	[dreg:$0x0] =	wrdreg $0x0  }
0xa8: {  	s4 =	sshll.u32 s28, $0x1;
	[dreg:$0x2] =	wrdreg s2  }
0xa9: {  	[dreg:$0x3] =	wrdreg s4  }
0xaa: {  	[dreg:$0x4] =	wrdreg $0xC0  }
0xab: {  	_ =	task [dreg:s6], $0x5FFFF  }
0xac: {  	[dreg:$0x1] =	wrdreg $0xFFFFFFFF  }
0xad: {  	[dreg:$0x0] =	wrdreg $0x60  }
0xae: {  	[dreg:$0x2] =	wrdreg s24  }
0xaf: {  	[dreg:$0x3] =	wrdreg $0x5000  }
0xb0: {  	[dreg:$0x4] =	wrdreg $0x7800  }
0xb1: {  	[dreg:$0x5] =	wrdreg $0x9  }
0xb2: {  	_ =	task.clear_ibuf [dreg:s6], $0x6FFFF;
	_ =	strace $0x90000046  }
0xb3: {  	s29 =	simm.s32 $0x9;
	_ =	strace $0x80000048  }
0xb4: {  	_ =	swait.ge [sflag:s29], $0x1  }
0xb5: {  	[sflag:s29] =	ssyncadd.s32 $0xFFFFFFFF  }
0xb6: {  	_ =	strace $0x90000048  }
0xb7: {  	_ =	sfence  }
0xb8: {  	s30 =	sld [smem:$0x0];
	_ =	sdelay $0x2  }
0xb9: {  	s31 =	sshll.u32 s1, $0xD;
	s1 =	sshrl.u32 s1, $0x2  }
0xba: {  	s3 =	sand.u32 $0x4000, s31;
	s1 =	sadd.s32 s1, s30  }
0xbb: {  	s0 =	sor.u32 s3, s0;
	s1 =	sshll.u32 s1, $0x11  }
0xbc: {  	s0 =	sor.u32 s1, s0  }
0xbd: {  	s0 =	sadd.s32 $0x8F2B, s0  }
0xbe: {  	[sflag:s0] =	ssyncadd.remote.s32 $0x1  }
0xbf: {  	_ =	sfence.sel $0xFFFF  }
0xc0: {  	[dreg:$0x0] =	wrdreg $0xFFFFFFFF;
	(pc) =	sbr.abs _section_cstart, $3  }
0xc1: {  	[dreg:$0x1] =	wrdreg $0xFFFFFFFF  }
0xc2: {  	_ =	task.clear_ibuf [dreg:s6], $0x2FFFF;
	_ =	strace $0x9FFFFFFF  }
0xc3: {  	(tm) =	ssettm $0x7FFFFFFF  }
tec
execute0_lowered:
.L_overlay_start_1:
0x0: {  	(tag) =	ssettag $0x1  }
0x1: {  	s5 =	rddreg [dreg:$0x0]  }
0x2: {  	s2 =	rddreg [dreg:$0x1]  }
0x3: {  	s3 =	rddreg [dreg:$0x2]  }
0x4: {  	s0 =	srdreg.scid;
	s1 =	rddreg [dreg:$0x3]  }
0x5: {  	s4 =	simm.s32 $0x0;
	s12 =	simm.s32 $0x280;
	s13 =	simm.s32 $0x5  }
0x6: {  	s14 =	simm.s32 $0x100;
	s15 =	simm.s32 $0x80;
	s6 =	sand.u32 $0x1, s0  }
0x7: {  	s16 =	simm.s32 $0x180;
	s0 =	stileid.u32;
	s7 =	smul.u32 $0x28000, s6  }
0x8: {  	s17 =	simm.s32 $0x200;
	s18 =	simm.s32 $0x1;
	s8 =	smul.u32 $0x2800, s0  }
0x9: {  	s19 =	simm.s32 $0x2;
	s20 =	simm.s32 $0x3;
	s9 =	smul.u32 $0x280, s0  }
0xa: {  	s21 =	simm.s32 $0x4;
	[smem:$0x7FF] =	sst s4;
	s10 =	smul.u32 $0x5000, s6  }
0xb: {  	s22 =	simm.s32 $0x0;
	_ =	strace $0x80000047;
	s6 =	ssub.s32 $0x2, s6  }
0xc: {  	s31 =	sshrl.u32 s6, $0x1;
	s7 =	sadd.s32 s8, s7;
	s30 =	sadd.s32 s9, s10  }
0xd: {  	s10 =	ssub.s32 s6, s31;
	s7 =	sshrl.u32 s7, $0x3;
	s8 =	sshrl.u32 s30, $0x3  }
0xe: {  	s6 =	sadd.s32 s9, s3;
	s11 =	sadd.s32 s7, s5;
	s8 =	sadd.s32 s8, s5  }
0xf: {  	s5 =	sadd.s32 s9, s2;
	s9 =	smax.u32 s10, $0x1;
	s7 =	sadd.s32 $0x22400, s8  }
0x10: {  	v0 =	vimm.f32 $1.000000000e+00;
	v1 =	vimm.f32 $0.0e+00;
	s8 =	sadd.s32 $0x22900, s8;
	s10 =	sadd.s32 $0x4400, s11;
	s11 =	sadd.s32 $0x18400, s11  }
.LBB2_1:
0x11: {  	[tilespmem:$0x200] =	vst v0  }
0x12: {  	[tilespmem:$0x210] =	vst v0  }
0x13: {  	[tilespmem:$0x220] =	vst v0  }
0x14: {  	[tilespmem:$0x230] =	vst v0  }
0x15: {  	[tilespmem:$0x240] =	vst v0  }
0x16: {  	[tilespmem:$0x250] =	vst v0  }
0x17: {  	[tilespmem:$0x260] =	vst v0  }
0x18: {  	[tilespmem:$0x270] =	vst v0  }
0x19: {  	[tilespmem:$0x280] =	vst v1  }
0x1a: {  	[tilespmem:$0x290] =	vst v1  }
0x1b: {  	[tilespmem:$0x2A0] =	vst v1  }
0x1c: {  	[tilespmem:$0x2B0] =	vst v1  }
0x1d: {  	[tilespmem:$0x2C0] =	vst v1  }
0x1e: {  	[tilespmem:$0x2D0] =	vst v1  }
0x1f: {  	[tilespmem:$0x2E0] =	vst v1  }
0x20: {  	[tilespmem:$0x2F0] =	vst v1  }
0x21: {  	[tilespmem:$0x300] =	vst v1  }
0x22: {  	[tilespmem:$0x310] =	vst v1  }
0x23: {  	[tilespmem:$0x320] =	vst v1  }
0x24: {  	[tilespmem:$0x330] =	vst v1  }
0x25: {  	[tilespmem:$0x340] =	vst v1  }
0x26: {  	[tilespmem:$0x350] =	vst v1  }
0x27: {  	[tilespmem:$0x360] =	vst v1  }
0x28: {  	[tilespmem:$0x370] =	vst v1  }
0x29: {  	[tilespmem:$0x380] =	vst v1  }
0x2a: {  	[tilespmem:$0x390] =	vst v1  }
0x2b: {  	[tilespmem:$0x3A0] =	vst v1  }
0x2c: {  	[tilespmem:$0x3B0] =	vst v1  }
0x2d: {  	[tilespmem:$0x3C0] =	vst v1  }
0x2e: {  	[tilespmem:$0x3D0] =	vst v1  }
0x2f: {  	[tilespmem:$0x3E0] =	vst v1  }
0x30: {  	[tilespmem:$0x3F0] =	vst v1  }
0x31: {  	[tilespmem:$0x400] =	vst v1  }
0x32: {  	[tilespmem:$0x410] =	vst v1  }
0x33: {  	[tilespmem:$0x420] =	vst v1  }
0x34: {  	[tilespmem:$0x430] =	vst v1  }
0x35: {  	[tilespmem:$0x440] =	vst v1  }
0x36: {  	[tilespmem:$0x450] =	vst v1  }
0x37: {  	[tilespmem:$0x460] =	vst v1  }
0x38: {  	[tilespmem:$0x470] =	vst v1  }
0x39: {  	[tilespmem:$0x480] =	vst v1  }
0x3a: {  	[tilespmem:$0x490] =	vst v1  }
0x3b: {  	[tilespmem:$0x4A0] =	vst v1  }
0x3c: {  	[tilespmem:$0x4B0] =	vst v1  }
0x3d: {  	[tilespmem:$0x4C0] =	vst v1  }
0x3e: {  	[tilespmem:$0x4D0] =	vst v1  }
0x3f: {  	[tilespmem:$0x4E0] =	vst v1  }
0x40: {  	[tilespmem:$0x4F0] =	vst v1  }
0x41: {  	[spmem:s5] =	stream.linear.scatter [tilespmem:s12], [sflag:$0x5], $0x280, $0x38;
	[tilespmem:$0xA00] =	vst v63  }
0x42: {  	_ =	swait.ge [sflag:s13], $0x280  }
0x43: {  	[sflag:s13] =	ssyncset.done $0x0  }
0x44: {  	[sflag:s13] =	ssyncadd.s32 $0xFFFFFD80  }
0x45: {  	[spmem:s6] =	stream.linear.scatter [tilespmem:s12], [sflag:$0x5], $0x280, $0x38;
	[tilespmem:$0xA00] =	vst v63  }
0x46: {  	_ =	swait.ge [sflag:s13], $0x280  }
0x47: {  	[sflag:s13] =	ssyncset.done $0x0  }
0x48: {  	[sflag:s13] =	ssyncadd.s32 $0xFFFFFD80  }
0x49: {  	s23 =	sadd.s32 $0x0, s10;
	[bflag:$0x0] =	sbarrier.arrive $0xFFFF  }
0x4a: {  	[tilespmem:s4], [sflag:$0x5] =	stream.linear.gather [hbm4b:s23+s4], $0x80, $0x38;
	[tilespmem:$0xA00] =	vst v63  }
0x4b: {  	_ =	swait.ge [sflag:s13], $0x80  }
0x4c: {  	[sflag:s13] =	ssyncset.done $0x0  }
0x4d: {  	s24 =	sadd.s32 $0x0, s11;
	[sflag:s13] =	ssyncadd.s32 $0xFFFFFF80  }
0x4e: {  	[tilespmem:s14], [sflag:$0x5] =	stream.linear.gather [hbm4b:s24+s4], $0x80, $0x38;
	[tilespmem:$0xA00] =	vst v63  }
0x4f: {  	_ =	swait.ge [sflag:s13], $0x80  }
0x50: {  	[sflag:s13] =	ssyncset.done $0x0  }
0x51: {  	s23 =	sadd.s32 $0x10, s23;
	[sflag:s13] =	ssyncadd.s32 $0xFFFFFF80  }
0x52: {  	[tilespmem:s15], [sflag:$0x5] =	stream.linear.gather [hbm4b:s23+s4], $0x80, $0x38;
	[tilespmem:$0xA00] =	vst v63  }
0x53: {  	_ =	swait.ge [sflag:s13], $0x80  }
0x54: {  	[sflag:s13] =	ssyncset.done $0x0  }
0x55: {  	s31 =	sadd.s32 $0x10, s24;
	[sflag:s13] =	ssyncadd.s32 $0xFFFFFF80  }
0x56: {  	[tilespmem:s16], [sflag:$0x5] =	stream.linear.gather [hbm4b:s31+s4], $0x80, $0x38;
	[tilespmem:$0xA00] =	vst v63  }
0x57: {  	_ =	swait.ge [sflag:s13], $0x80  }
0x58: {  	[sflag:s13] =	ssyncset.done $0x0  }
0x59: {  	[sflag:s13] =	ssyncadd.s32 $0xFFFFFF80  }
0x5a: {  	[spmem:s2] =	stream.indirect.scatter.add.f32 [tilespmem:s17], [sflag:$0x1], $0x1, s4, s15, $0xb8;
	[tilespmem:$0xA00] =	vst v63  }
0x5b: {  	_ = 	snop  }
0x5c: {  	[spmem:s3] =	stream.indirect.scatter.add.f32 [tilespmem:s17], [sflag:$0x2], $0x1, s14, s15, $0xb8;
	[tilespmem:$0xA00] =	vst v63  }
0x5d: {  	_ = 	snop  }
0x5e: {  	[spmem:s2] =	stream.indirect.scatter.add.f32 [tilespmem:s17], [sflag:$0x3], $0x1, s15, s15, $0xb8;
	[tilespmem:$0xA00] =	vst v63  }
0x5f: {  	_ = 	snop  }
0x60: {  	[spmem:s3] =	stream.indirect.scatter.add.f32 [tilespmem:s17], [sflag:$0x4], $0x1, s16, s15, $0xb8;
	[tilespmem:$0xA00] =	vst v63  }
0x61: {  	_ =	swait.ge [sflag:s18], $0x80  }
0x62: {  	[sflag:s18] =	ssyncset.done $0x0  }
0x63: {  	[sflag:s18] =	ssyncadd.s32 $0xFFFFFF80  }
0x64: {  	_ =	swait.ge [sflag:s19], $0x80  }
0x65: {  	[sflag:s19] =	ssyncset.done $0x0  }
0x66: {  	[sflag:s19] =	ssyncadd.s32 $0xFFFFFF80  }
0x67: {  	_ =	swait.ge [sflag:s20], $0x80  }
0x68: {  	[sflag:s20] =	ssyncset.done $0x0  }
0x69: {  	[sflag:s20] =	ssyncadd.s32 $0xFFFFFF80  }
0x6a: {  	_ =	swait.ge [sflag:s21], $0x80  }
0x6b: {  	s25 =	simm.s32 $0x40;
	s23 =	simm.s32 $0x20;
	[sflag:s21] =	ssyncset.done $0x0  }
.LBB2_2:
0x6c: {  	s26 =	sadd.s32 s23, s10  }
0x6d: {  	[sflag:s21] =	ssyncadd.s32 $0xFFFFFF80;
	s28 =	smov.u32 s25;
	s24 =	sadd.s32 $0x20, s25  }
0x6e: {  	[tilespmem:s4], [sflag:$0x5] =	stream.linear.gather [hbm4b:s26+s4], $0x80, $0x38;
	[tilespmem:$0xA00] =	vst v63  }
0x6f: {  	p0 =	sne.s32 s25, $0x4E0;
	_ =	swait.ge [sflag:s13], $0x80  }
0x70: {  	[sflag:s13] =	ssyncset.done $0x0  }
0x71: {  	s25 =	sadd.s32 s23, s11;
	s23 =	smov.u32 s28;
	[sflag:s13] =	ssyncadd.s32 $0xFFFFFF80  }
0x72: {  	[tilespmem:s14], [sflag:$0x5] =	stream.linear.gather [hbm4b:s25+s4], $0x80, $0x38;
	[tilespmem:$0xA00] =	vst v63  }
0x73: {  	_ =	swait.ge [sflag:s13], $0x80  }
0x74: {  	[sflag:s13] =	ssyncset.done $0x0  }
0x75: {  	s26 =	sadd.s32 $0x10, s26;
	[sflag:s13] =	ssyncadd.s32 $0xFFFFFF80  }
0x76: {  	[tilespmem:s15], [sflag:$0x5] =	stream.linear.gather [hbm4b:s26+s4], $0x80, $0x38;
	[tilespmem:$0xA00] =	vst v63  }
0x77: {  	_ =	swait.ge [sflag:s13], $0x80  }
0x78: {  	[sflag:s13] =	ssyncset.done $0x0  }
0x79: {  	s25 =	sadd.s32 $0x10, s25;
	[sflag:s13] =	ssyncadd.s32 $0xFFFFFF80  }
0x7a: {  	[tilespmem:s16], [sflag:$0x5] =	stream.linear.gather [hbm4b:s25+s4], $0x80, $0x38;
	[tilespmem:$0xA00] =	vst v63  }
0x7b: {  	_ =	swait.ge [sflag:s13], $0x80  }
0x7c: {  	[sflag:s13] =	ssyncset.done $0x0  }
0x7d: {  	[sflag:s13] =	ssyncadd.s32 $0xFFFFFF80  }
0x7e: {  	[spmem:s2] =	stream.indirect.scatter.add.f32 [tilespmem:s17], [sflag:$0x1], $0x1, s4, s15, $0xb8;
	[tilespmem:$0xA00] =	vst v63  }
0x7f: {  	_ = 	snop  }
0x80: {  	[spmem:s3] =	stream.indirect.scatter.add.f32 [tilespmem:s17], [sflag:$0x2], $0x1, s14, s15, $0xb8;
	[tilespmem:$0xA00] =	vst v63  }
0x81: {  	_ = 	snop  }
0x82: {  	[spmem:s2] =	stream.indirect.scatter.add.f32 [tilespmem:s17], [sflag:$0x3], $0x1, s15, s15, $0xb8;
	[tilespmem:$0xA00] =	vst v63  }
0x83: {  	_ = 	snop  }
0x84: {  	[spmem:s3] =	stream.indirect.scatter.add.f32 [tilespmem:s17], [sflag:$0x4], $0x1, s16, s15, $0xb8;
	[tilespmem:$0xA00] =	vst v63  }
0x85: {  	_ =	swait.ge [sflag:s18], $0x80  }
0x86: {  	[sflag:s18] =	ssyncset.done $0x0  }
0x87: {  	[sflag:s18] =	ssyncadd.s32 $0xFFFFFF80  }
0x88: {  	_ =	swait.ge [sflag:s19], $0x80  }
0x89: {  	[sflag:s19] =	ssyncset.done $0x0  }
0x8a: {  	[sflag:s19] =	ssyncadd.s32 $0xFFFFFF80  }
.Ltmp0:
0x8b: {  	_ =	swait.ge [sflag:s20], $0x80;
	(pc) =	sbr.rel @p0 .LBB2_2-.Ltmp0, $4  }
0x8c: {  	[sflag:s20] =	ssyncset.done $0x0  }
0x8d: {  	[sflag:s20] =	ssyncadd.s32 $0xFFFFFF80  }
0x8e: {  	_ =	swait.ge [sflag:s21], $0x80  }
0x8f: {  	s25 =	smov.u32 s24;
	[sflag:s21] =	ssyncset.done $0x0  }
0x90: {  	s24 =	sadd.s32 s23, s10;
	[sflag:s21] =	ssyncadd.s32 $0xFFFFFF80  }
0x91: {  	[tilespmem:s4], [sflag:$0x5] =	stream.linear.gather [hbm4b:s24+s4], $0x80, $0x38;
	[tilespmem:$0xA00] =	vst v63  }
0x92: {  	_ =	swait.ge [sflag:s13], $0x80  }
0x93: {  	[sflag:s13] =	ssyncset.done $0x0  }
0x94: {  	s28 =	sadd.s32 s23, s11;
	[sflag:s13] =	ssyncadd.s32 $0xFFFFFF80  }
0x95: {  	[tilespmem:s14], [sflag:$0x5] =	stream.linear.gather [hbm4b:s28+s4], $0x80, $0x38;
	[tilespmem:$0xA00] =	vst v63  }
0x96: {  	_ =	swait.ge [sflag:s13], $0x80  }
0x97: {  	[sflag:s13] =	ssyncset.done $0x0  }
0x98: {  	s24 =	sadd.s32 $0x10, s24;
	[sflag:s13] =	ssyncadd.s32 $0xFFFFFF80  }
0x99: {  	[tilespmem:s15], [sflag:$0x5] =	stream.linear.gather [hbm4b:s24+s4], $0x80, $0x38;
	[tilespmem:$0xA00] =	vst v63  }
0x9a: {  	_ =	swait.ge [sflag:s13], $0x80  }
0x9b: {  	[sflag:s13] =	ssyncset.done $0x0  }
0x9c: {  	s23 =	sadd.s32 $0x10, s28;
	[sflag:s13] =	ssyncadd.s32 $0xFFFFFF80  }
0x9d: {  	[tilespmem:s16], [sflag:$0x5] =	stream.linear.gather [hbm4b:s23+s4], $0x80, $0x38;
	[tilespmem:$0xA00] =	vst v63  }
0x9e: {  	_ =	swait.ge [sflag:s13], $0x80  }
0x9f: {  	[sflag:s13] =	ssyncset.done $0x0  }
0xa0: {  	[sflag:s13] =	ssyncadd.s32 $0xFFFFFF80  }
0xa1: {  	[spmem:s2] =	stream.indirect.scatter.add.f32 [tilespmem:s17], [sflag:$0x1], $0x1, s4, s15, $0xb8;
	[tilespmem:$0xA00] =	vst v63  }
0xa2: {  	_ = 	snop  }
0xa3: {  	[spmem:s3] =	stream.indirect.scatter.add.f32 [tilespmem:s17], [sflag:$0x2], $0x1, s14, s15, $0xb8;
	[tilespmem:$0xA00] =	vst v63  }
0xa4: {  	_ = 	snop  }
0xa5: {  	[spmem:s2] =	stream.indirect.scatter.add.f32 [tilespmem:s17], [sflag:$0x3], $0x1, s15, s15, $0xb8;
	[tilespmem:$0xA00] =	vst v63  }
0xa6: {  	_ = 	snop  }
0xa7: {  	[spmem:s3] =	stream.indirect.scatter.add.f32 [tilespmem:s17], [sflag:$0x4], $0x1, s16, s15, $0xb8;
	[tilespmem:$0xA00] =	vst v63  }
0xa8: {  	_ =	swait.ge [sflag:s18], $0x80  }
0xa9: {  	[sflag:s18] =	ssyncset.done $0x0  }
0xaa: {  	[sflag:s18] =	ssyncadd.s32 $0xFFFFFF80  }
0xab: {  	_ =	swait.ge [sflag:s19], $0x80  }
0xac: {  	[sflag:s19] =	ssyncset.done $0x0  }
0xad: {  	[sflag:s19] =	ssyncadd.s32 $0xFFFFFF80  }
0xae: {  	_ =	swait.ge [sflag:s20], $0x80  }
0xaf: {  	[sflag:s20] =	ssyncset.done $0x0  }
0xb0: {  	[sflag:s20] =	ssyncadd.s32 $0xFFFFFF80  }
0xb1: {  	_ =	swait.ge [sflag:s21], $0x80  }
0xb2: {  	[sflag:s21] =	ssyncset.done $0x0  }
0xb3: {  	s29 =	sshll.u32 s0, $0x6;
	[sflag:s21] =	ssyncadd.s32 $0xFFFFFF80  }
0xb4: {  	s30 =	sshrl.u32 s5, $0x3;
	s23 =	sor.u32 $0x1C05, s29;
	[bflag:$0x0] =	sbarrier.arrive $0xFFFF  }
0xb5: {  	[hbm:s7], [sflag:s23] =	dma.local [spmem:s30], $0x50  }
0xb6: {  	s22 =	sadd.s32 $0x1, s22;
	_ =	swait.ge [sflag:s13], $0x50  }
0xb7: {  	p0 =	sne.s32 s22, s9;
	[sflag:s13] =	ssyncset.done $0x0  }
.Ltmp1:
0xb8: {  	s31 =	sshrl.u32 s6, $0x3;
	[sflag:s13] =	ssyncadd.s32 $0xFFFFFFB0;
	(pc) =	sbr.rel @p0 .LBB2_1-.Ltmp1, $4  }
0xb9: {  	[hbm:s8], [sflag:s23] =	dma.local [spmem:s31], $0x50  }
0xba: {  	_ =	swait.ge [sflag:s13], $0x50  }
0xbb: {  	[sflag:s13] =	ssyncset.done $0x0  }
0xbc: {  	[sflag:s13] =	ssyncadd.s32 $0xFFFFFFB0  }
0xbd: {  	_ =	sfence.sel $0x180000  }
0xbe: {  	[bflag:$0x0] =	sbarrier.arrive $0xFFFF  }
0xbf: {  	p0 =	sne.s32 s0, $0x0;
	_ =	strace $0x90000047  }
0xc0: {  	s0 =	sadd.s32 @!p0 $0x100000, s1;
	[bflag:$0x2] =	sbarrier.arrive $0xFFFF  }
0xc1: {  	[sflag:s0] =	ssyncadd.tile.s32 @!p0 $0x1;
	_ =	shalt  }
.Lfunc_end2:
_tile_overlayer_lowered:
.L_overlay_start_2:
0xc2: {  	(tag) =	ssettag $0x2  }
0xc3: {  	s0 =	rddreg [dreg:$0x0];
	s2 =	stileid.u32  }
0xc4: {  	s1 =	rddreg [dreg:$0x1];
	p0 =	sne.s32 s2, $0x0  }
0xc5: {  	s3 =	rddreg [dreg:$0x2];
	[bflag:$0x3] =	sbarrier.arrive $0xFFFF;
	s2 =	simm.s32 @!p0 $0x1C05  }
0xc6: {  	[timem:s3], [sflag:s2] =	dma.local @!p0 [hbm:s0], s1  }
0xc7: {  	s0 =	simm.s32 @!p0 $0x5  }
0xc8: {  	_ =	swait.ge @!p0 [sflag:s0], s1  }
0xc9: {  	s1 =	ssub.s32 @!p0 $0x0, s1;
	[sflag:s0] =	ssyncset.done @!p0 $0x0  }
0xca: {  	[sflag:s0] =	ssyncadd.s32 @!p0 s1  }
0xcb: {  	[bflag:$0x3] =	sbarrier.arrive $0xFFFF  }
0xcc: {  	_ =	shalt  }

// kernel: kernel.15.cloned.1.call-start
scs
__scs_entry_jumppad:
0x0: {  	(pc) =	sbr.rel $0x88, $3  }
0x1: {  	(tag) =	ssettag $0x0;
	lr =	simm.s32 $0x1  }
0x2: {  	[smem:$0x3F8F] =	sst lr;
	_ =	strace $0xD0000000  }
0x3: {  	_ = 	snop  }
0x4: {  	_ = 	snop  }
0x5: {  	_ = 	snop  }
0x6: {  	_ = 	snop  }
0x7: {  	_ = 	snop  }
__scs_overlays_trampoline_lowered:
0x8: {  	[smem:$0x3F9E] =	sst s0  }
0x9: {  	[smem:$0x3F9F] =	sst s1  }
0xa: {  	[smem:$0x3FA0] =	sst s2  }
0xb: {  	[smem:$0x3FA1] =	sst s3  }
0xc: {  	[smem:$0x3FA2] =	sst s4  }
0xd: {  	[smem:$0x3FA3] =	sst s5  }
0xe: {  	[smem:$0x3FA4] =	sst s6  }
0xf: {  	[smem:$0x3FA5] =	sst s7  }
0x10: {  	[smem:$0x3FA6] =	sst s8  }
0x11: {  	[smem:$0x3FA7] =	sst s9;
	s0 =	simm.s32 @!p0 $0x0  }
0x12: {  	s1 =	sld [smem:$0x3F8D];
	s0 =	simm.s32 @p0 $0x1  }
0x13: {  	[smem:$0x3FA8] =	sst s0;
	s0 =	simm.s32 @!p1 $0x0  }
0x14: {  	s2 =	sld [smem:$0x3F8C];
	s0 =	simm.s32 @p1 $0x1  }
0x15: {  	[smem:$0x3FA9] =	sst s0;
	s0 =	simm.s32 @!p2 $0x0  }
0x16: {  	s3 =	sld [smem:$0x3FDB];
	s0 =	simm.s32 @p2 $0x1  }
0x17: {  	s4 =	simm.s32 $0x1BF5;
	[smem:$0x3FAB] =	sst s0  }
0x18: {  	s0 =	sld [smem:$0x3F8E];
	_ =	swait.ge [sflag:s4], $0x0  }
0x19: {  	s7 =	sld [smem:$0x3F8F]  }
0x1a: {  	s8 =	sadd.s32 $0xFFFFE003, lr  }
0x1b: {  	s9 =	sadd.s32 $0xFFFFFEF7, lr;
	s5 =	simm.s32 $0xFFFFFFFF;
	p2 =	slt.u32 s8, $0xFFFFF086  }
0x1c: {  	p1 =	slt.u32 s9, $0xF7A;
	s5 =	simm.s32 @!p2 $0x0  }
0x1d: {  	s5 =	simm.s32 @p1 $0x1;
	p0 =	seq.s32 s7, s2  }
0x1e: {  	s7 =	smul.u32 @!p0 $0xF7A, s2;
	p2 =	seq.s32 @!p0 s5, $0x0  }
0x1f: {  	s9 =	smul.u32 $0xF7A, s1;
	s8 =	simm.s32 @!p0 $0x1BF5;
	p2 =	por !p2, p0  }
0x20: {  	[sflag:s8] =	ssyncset.s32 @!p0 $0xFFFFF086;
	s6 =	sadd.s32 @!p0 s3, s7;
	s7 =	simm.s32 @!p0 $0x108  }
0x21: {  	s3 =	sadd.s32 s3, s9;
	s6 =	sadd.s32 @!p0 $0x88, s6;
	s7 =	simm.s32 @p2 $0x1082  }
0x22: {  	[simem:s7], [sflag:s8] =	dma.local @!p0 [hbm:s6], $0xF7A  }
0x23: {  	s9 =	sor.u32 $0xD0000000, s2;
	s6 =	simm.s32 $0x108;
	_ =	swait.ge @!p0 [sflag:s8], $0x0  }
0x24: {  	s3 =	sadd.s32 $0x88, s3;
	s6 =	simm.s32 @!p1 $0x1082;
	[sflag:s4] =	ssyncset.s32 $0xFFFFF086  }
0x25: {  	[simem:s6], [sflag:s4] =	dma.local [hbm:s3], $0xF7A  }
0x26: {  	[smem:$0x3F8F] =	sst s1;
	(tag) =	ssettag s2;
	_ =	strace s9  }
0x27: {  	s1 =	sld [smem:$0x3F9F]  }
0x28: {  	s2 =	sld [smem:$0x3FA0]  }
0x29: {  	s4 =	sld [smem:$0x3FA2]  }
0x2a: {  	p0 =	seq.s32 s5, $0x0;
	s5 =	sld [smem:$0x3FA3]  }
0x2b: {  	s6 =	sld [smem:$0x3FA4]  }
0x2c: {  	s7 =	sld [smem:$0x3FA5]  }
0x2d: {  	s3 =	simm.s32 $0x108;
	s8 =	sld [smem:$0x3FA6]  }
0x2e: {  	s3 =	simm.s32 @!p0 $0x1082;
	s9 =	sld [smem:$0x3FA7]  }
0x2f: {  	lr =	sadd.s32 s0, s3;
	s0 =	sld [smem:$0x3F9E]  }
0x30: {  	s3 =	sld [smem:$0x3FA1]  }
0x31: {  	[smem:$0x3FAA] =	sst s10  }
0x32: {  	s10 =	sld [smem:$0x3FA8];
	_ =	sdelay $0x3  }
0x33: {  	p0 =	seq.s32 s10, $0x1;
	s10 =	sld [smem:$0x3FAA];
	_ =	sdelay $0x3  }
0x34: {  	[smem:$0x3FAA] =	sst s10  }
0x35: {  	s10 =	sld [smem:$0x3FA9];
	_ =	sdelay $0x3  }
0x36: {  	p1 =	seq.s32 s10, $0x1;
	s10 =	sld [smem:$0x3FAA];
	_ =	sdelay $0x3  }
0x37: {  	[smem:$0x3FAA] =	sst s10  }
0x38: {  	s10 =	sld [smem:$0x3FAB]  }
0x39: {  	_ = 	snop;
	(pc) =	sbr.ind lr, $3  }
0x3a: {  	_ = 	snop  }
0x3b: {  	_ = 	snop  }
0x3c: {  	p2 =	seq.s32 s10, $0x1;
	s10 =	sld [smem:$0x3FAA]  }
0x3d: {  	_ =	shalt  }
0x3e: {  	_ =	shalt  }
0x3f: {  	_ =	shalt  }
0x40: {  	_ =	shalt  }
0x41: {  	_ =	shalt  }
0x42: {  	_ =	shalt  }
0x43: {  	_ =	shalt  }
0x44: {  	_ =	shalt  }
0x45: {  	_ =	shalt  }
0x46: {  	_ =	shalt  }
0x47: {  	_ =	shalt  }
0x48: {  	_ =	shalt  }
0x49: {  	_ =	shalt  }
0x4a: {  	_ =	shalt  }
0x4b: {  	_ =	shalt  }
0x4c: {  	_ =	shalt  }
0x4d: {  	_ =	shalt  }
0x4e: {  	_ =	shalt  }
0x4f: {  	_ =	shalt  }
0x50: {  	_ =	shalt  }
0x51: {  	_ =	shalt  }
0x52: {  	_ =	shalt  }
0x53: {  	_ =	shalt  }
0x54: {  	_ =	shalt  }
0x55: {  	_ =	shalt  }
0x56: {  	_ =	shalt  }
0x57: {  	_ =	shalt  }
0x58: {  	_ =	shalt  }
0x59: {  	_ =	shalt  }
0x5a: {  	_ =	shalt  }
0x5b: {  	_ =	shalt  }
0x5c: {  	_ =	shalt  }
0x5d: {  	_ =	shalt  }
0x5e: {  	_ =	shalt  }
0x5f: {  	_ =	shalt  }
0x60: {  	_ =	shalt  }
0x61: {  	_ =	shalt  }
0x62: {  	_ =	shalt  }
0x63: {  	_ =	shalt  }
0x64: {  	_ =	shalt  }
0x65: {  	_ =	shalt  }
0x66: {  	_ =	shalt  }
0x67: {  	_ =	shalt  }
0x68: {  	_ =	shalt  }
0x69: {  	_ =	shalt  }
0x6a: {  	_ =	shalt  }
0x6b: {  	_ =	shalt  }
0x6c: {  	_ =	shalt  }
0x6d: {  	_ =	shalt  }
0x6e: {  	_ =	shalt  }
0x6f: {  	_ =	shalt  }
0x70: {  	_ =	shalt  }
0x71: {  	_ =	shalt  }
0x72: {  	_ =	shalt  }
0x73: {  	_ =	shalt  }
0x74: {  	_ =	shalt  }
0x75: {  	_ =	shalt  }
0x76: {  	_ =	shalt  }
0x77: {  	_ =	shalt  }
0x78: {  	_ =	shalt  }
0x79: {  	_ =	shalt  }
0x7a: {  	_ =	shalt  }
0x7b: {  	_ =	shalt  }
0x7c: {  	_ =	shalt  }
0x7d: {  	_ =	shalt  }
0x7e: {  	_ =	shalt  }
0x7f: {  	_ =	shalt  }
0x80: {  	_ =	shalt  }
0x81: {  	_ =	shalt  }
0x82: {  	_ =	shalt  }
0x83: {  	_ =	shalt  }
0x84: {  	_ =	shalt  }
0x85: {  	_ =	shalt  }
0x86: {  	_ =	shalt  }
0x87: {  	_ =	shalt  }
.Lfunc_end0:
.L_simem_size_0:
called_computation.1_lowered:
.L_overlay_start_0:
0x88: {  	s2 =	sld [smem:$0x3FD9]  }
0x89: {  	s3 =	sld [smem:$0x3FFE];
	_ =	sdelay $0x1  }
0x8a: {  	s1 =	srdreg.scid  }
0x8b: {  	s0 =	sand.u32 $0x1, s1  }
0x8c: {  	s16 =	sshll.u32 s0, $0xA;
	s2 =	sadd.s32 s3, s2  }
0x8d: {  	s2 =	sadd.s32 s2, s16  }
0x8e: {  	[smem:$0x3FB6] =	sst s2  }
0x8f: {  	_ = 	snop  }
0x90: {  	(tm) =	ssettm $0x1  }
0x91: {  	s17 =	sld [smem:$0x3FFB];
	_ =	sdelay $0x3  }
0x92: {  	_ =	strace s17  }
0x93: {  	s2 =	sld [smem:$0x3FFC];
	_ =	sdelay $0x3  }
0x94: {  	_ =	strace s2  }
0x95: {  	s2 =	sld [smem:$0x3FFD];
	_ =	sdelay $0x3  }
0x96: {  	_ =	strace s2  }
0x97: {  	_ =	strace $0x8FFFFFFF  }
0x98: {  	s18 =	sld [smem:$0x3FDB];
	_ =	sdelay $0x1  }
0x99: {  	s19 =	simm.s32 $_scs_section_size  }
0x9a: {  	s4 =	simm.s32 $_size__tile_overlayer_lowered;
	s5 =	simm.s32 $_tile_overlayer_lowered  }
0x9b: {  	s22 =	simm.s32 $0x1BFF;
	s21 =	sshll.u32 s5, $0x1;
	s2 =	sadd.s32 s19, s18  }
0x9c: {  	s6 =	simm.s32 $0x0;
	s20 =	sshll.u32 s4, $0x1;
	s4 =	sadd.s32 s21, s2  }
0x9d: {  	[timem:s6], [sflag:s22] =	dma.local [hbm:s4], s20  }
0x9e: {  	_ =	swait.ge [sflag:s22], s20  }
0x9f: {  	s3 =	ssub.s32 $0x0, s20;
	[sflag:s22] =	ssyncset.done $0x0  }
0xa0: {  	[sflag:s22] =	ssyncadd.s32 s3;
	_ =	sdelay $0x1  }
0xa1: {  	s23 =	simm.s32 $0x1B8B  }
0xa2: {  	_ =	swait.ge [sflag:s23], $0x1  }
0xa3: {  	[sflag:s23] =	ssyncset.done $0x0  }
0xa4: {  	s25 =	simm.s32 $0x1B8E;
	s24 =	sld [smem:$0x3FFE];
	[sflag:s23] =	ssyncadd.s32 $0xFFFFFFFF  }
0xa5: {  	s26 =	simm.s32 $execute0_lowered;
	[smem:$0x3FD2] =	sst s25  }
0xa6: {  	s4 =	sshll.u32 s26, $0x1;
	_ =	strace $0x80000049;
	[dreg:$0x1] =	wrdreg $0xFFFFFFFF  }
0xa7: {  	s28 =	simm.s32 $_size_execute0_lowered;
	s2 =	sadd.s32 s2, s4;
	[dreg:$0x0] =	wrdreg $0x0  }
0xa8: {  	s4 =	sshll.u32 s28, $0x1;
	[dreg:$0x2] =	wrdreg s2  }
0xa9: {  	[dreg:$0x3] =	wrdreg s4  }
0xaa: {  	[dreg:$0x4] =	wrdreg $0xC0  }
0xab: {  	_ =	task [dreg:s6], $0x5FFFF  }
0xac: {  	[dreg:$0x1] =	wrdreg $0xFFFFFFFF  }
0xad: {  	[dreg:$0x0] =	wrdreg $0x60  }
0xae: {  	[dreg:$0x2] =	wrdreg s24  }
0xaf: {  	[dreg:$0x3] =	wrdreg $0xA2000  }
0xb0: {  	[dreg:$0x4] =	wrdreg $0x9  }
0xb1: {  	_ =	task.clear_ibuf [dreg:s6], $0x5FFFF;
	_ =	strace $0x90000049  }
0xb2: {  	s29 =	simm.s32 $0x9;
	_ =	strace $0x8000004B  }
0xb3: {  	_ =	swait.ge [sflag:s29], $0x1  }
0xb4: {  	[sflag:s29] =	ssyncadd.s32 $0xFFFFFFFF  }
0xb5: {  	_ =	strace $0x9000004B  }
0xb6: {  	_ =	sfence  }
0xb7: {  	s30 =	sld [smem:$0x0];
	_ =	sdelay $0x2  }
0xb8: {  	s31 =	sshll.u32 s1, $0xD;
	s1 =	sshrl.u32 s1, $0x2  }
0xb9: {  	s3 =	sand.u32 $0x4000, s31;
	s1 =	sadd.s32 s1, s30  }
0xba: {  	s0 =	sor.u32 s3, s0;
	s1 =	sshll.u32 s1, $0x11  }
0xbb: {  	s0 =	sor.u32 s1, s0  }
0xbc: {  	s0 =	sadd.s32 $0x8F2B, s0  }
0xbd: {  	[sflag:s0] =	ssyncadd.remote.s32 $0x1  }
0xbe: {  	_ =	sfence.sel $0xFFFF  }
0xbf: {  	[dreg:$0x0] =	wrdreg $0xFFFFFFFF;
	(pc) =	sbr.abs _section_cstart, $3  }
0xc0: {  	[dreg:$0x1] =	wrdreg $0xFFFFFFFF  }
0xc1: {  	_ =	task.clear_ibuf [dreg:s6], $0x2FFFF;
	_ =	strace $0x9FFFFFFF  }
0xc2: {  	(tm) =	ssettm $0x7FFFFFFF  }
0xc3: {  	_ =	shalt  }
tec
execute0_lowered:
.L_overlay_start_1:
0x0: {  	(tag) =	ssettag $0x1  }
0x1: {  	s0 =	srdreg.scid;
	s1 =	rddreg [dreg:$0x0]  }
0x2: {  	s4 =	stileid.u32;
	s2 =	rddreg [dreg:$0x1];
	s3 =	simm.s32 $0x0  }
0x3: {  	s18 =	simm.s32 $0x8200;
	s19 =	simm.s32 $0x5;
	s20 =	simm.s32 $0x80  }
0x4: {  	s21 =	simm.s32 $0x200;
	s22 =	simm.s32 $0x4200;
	s28 =	simm.s32 $0x2  }
0x5: {  	s29 =	simm.s32 $0x3;
	s0 =	sand.u32 $0x1, s0;
	s6 =	smul.u32 $0x2800, s4  }
0x6: {  	s30 =	simm.s32 $0x4;
	s31 =	simm.s32 $0x0;
	s5 =	smul.u32 $0x28000, s0  }
0x7: {  	[smem:$0x7FF] =	sst s3;
	s8 =	smul.u32 $0x50000, s4;
	s0 =	ssub.s32 $0x2, s0  }
0x8: {  	s4 =	sadd.s32 $0x22400, s1;
	s24 =	sshrl.u32 s0, $0x1;
	s7 =	sadd.s32 s6, s5  }
0x9: {  	_ =	strace $0x8000004A;
	s0 =	ssub.s32 s0, s24;
	s7 =	sshrl.u32 s7, $0x3  }
0xa: {  	s23 =	sshrl.u32 s8, $0x2;
	s15 =	smax.u32 s0, $0x1;
	s17 =	sadd.s32 s7, s1  }
0xb: {  	s1 =	sadd.s32 s5, s1;
	s5 =	sadd.s32 s23, s2;
	s23 =	simm.s32 $0x100  }
0xc: {  	s7 =	sadd.s32 $0x2000, s5;
	s25 =	sadd.s32 $0x4000, s5;
	s26 =	sadd.s32 $0x6000, s5  }
0xd: {  	s9 =	sadd.s32 $0x8000, s5;
	s10 =	sadd.s32 $0xA000, s5;
	s11 =	sadd.s32 $0xC000, s5  }
0xe: {  	s12 =	sadd.s32 $0xE000, s5;
	s13 =	sadd.s32 $0x10000, s5;
	[dreg:$0x3] =	wrdreg s7  }
0xf: {  	s14 =	sadd.s32 $0x12000, s5;
	s1 =	sadd.s32 $0x49600, s1;
	[dreg:$0x4] =	wrdreg s25  }
0x10: {  	s16 =	sadd.s32 $0xE400, s17;
	s17 =	sadd.s32 $0x18400, s17;
	[dreg:$0x5] =	wrdreg s26  }
0x11: {  	v0 =	vimm.f32 $0.0e+00;
	s24 =	sadd.s32 s6, s1;
	s25 =	simm.s32 $0x180;
	s26 =	simm.s32 $0x1  }
.LBB2_1:
0x12: {  	s0 =	simm.s32 $0x0;
	s1 =	simm.s32 $0x200  }
.LBB2_2:
0x13: {  	p0 =	sne.s32 s1, $0x7E00;
	[tilespmem:s0+$0x8270] =	vst v0  }
0x14: {  	[tilespmem:s0+$0x8200] =	vst v0  }
0x15: {  	[tilespmem:s0+$0x8210] =	vst v0  }
.Ltmp0:
0x16: {  	[tilespmem:s0+$0x8220] =	vst v0;
	(pc) =	sbr.rel @p0 .LBB2_2-.Ltmp0, $4  }
0x17: {  	[tilespmem:s0+$0x8230] =	vst v0  }
0x18: {  	[tilespmem:s0+$0x8240] =	vst v0  }
0x19: {  	[tilespmem:s0+$0x8250] =	vst v0  }
0x1a: {  	[tilespmem:s0+$0x8260] =	vst v0;
	s0 =	sshra.s32 s1, $0x2;
	s1 =	sadd.s32 $0x200, s1  }
0x1b: {  	[tilespmem:s0+$0x8270] =	vst v0  }
0x1c: {  	[tilespmem:s0+$0x8200] =	vst v0  }
0x1d: {  	[tilespmem:s0+$0x8210] =	vst v0  }
0x1e: {  	[tilespmem:s0+$0x8220] =	vst v0  }
0x1f: {  	[tilespmem:s0+$0x8230] =	vst v0  }
0x20: {  	[tilespmem:s0+$0x8240] =	vst v0  }
0x21: {  	[tilespmem:s0+$0x8250] =	vst v0  }
0x22: {  	[tilespmem:s0+$0x8260] =	vst v0  }
0x23: {  	[spmem:s5] =	stream.linear.scatter [tilespmem:s18], [sflag:$0x5], $0x2000, $0x38;
	[tilespmem:$0x1E200] =	vst v63  }
0x24: {  	_ =	swait.ge [sflag:s19], $0x2000  }
0x25: {  	[sflag:s19] =	ssyncset.done $0x0  }
0x26: {  	s8 =	rddreg [dreg:$0x3];
	[sflag:s19] =	ssyncadd.s32 $0xFFFFE000  }
0x27: {  	[spmem:s8] =	stream.linear.scatter [tilespmem:s18], [sflag:$0x5], $0x2000, $0x38;
	[tilespmem:$0x1E200] =	vst v63  }
0x28: {  	_ =	swait.ge [sflag:s19], $0x2000  }
0x29: {  	[sflag:s19] =	ssyncset.done $0x0  }
0x2a: {  	s1 =	rddreg [dreg:$0x4];
	[sflag:s19] =	ssyncadd.s32 $0xFFFFE000  }
0x2b: {  	[spmem:s1] =	stream.linear.scatter [tilespmem:s18], [sflag:$0x5], $0x2000, $0x38;
	[tilespmem:$0x1E200] =	vst v63  }
0x2c: {  	_ =	swait.ge [sflag:s19], $0x2000  }
0x2d: {  	[sflag:s19] =	ssyncset.done $0x0  }
0x2e: {  	s6 =	rddreg [dreg:$0x5];
	[sflag:s19] =	ssyncadd.s32 $0xFFFFE000  }
0x2f: {  	[spmem:s6] =	stream.linear.scatter [tilespmem:s18], [sflag:$0x5], $0x2000, $0x38;
	[tilespmem:$0x1E200] =	vst v63  }
0x30: {  	_ =	swait.ge [sflag:s19], $0x2000  }
0x31: {  	[sflag:s19] =	ssyncset.done $0x0  }
0x32: {  	[sflag:s19] =	ssyncadd.s32 $0xFFFFE000  }
0x33: {  	[spmem:s9] =	stream.linear.scatter [tilespmem:s18], [sflag:$0x5], $0x2000, $0x38;
	[tilespmem:$0x1E200] =	vst v63  }
0x34: {  	_ =	swait.ge [sflag:s19], $0x2000  }
0x35: {  	[sflag:s19] =	ssyncset.done $0x0  }
0x36: {  	[sflag:s19] =	ssyncadd.s32 $0xFFFFE000  }
0x37: {  	[spmem:s10] =	stream.linear.scatter [tilespmem:s18], [sflag:$0x5], $0x2000, $0x38;
	[tilespmem:$0x1E200] =	vst v63  }
0x38: {  	_ =	swait.ge [sflag:s19], $0x2000  }
0x39: {  	[sflag:s19] =	ssyncset.done $0x0  }
0x3a: {  	[sflag:s19] =	ssyncadd.s32 $0xFFFFE000  }
0x3b: {  	[spmem:s11] =	stream.linear.scatter [tilespmem:s18], [sflag:$0x5], $0x2000, $0x38;
	[tilespmem:$0x1E200] =	vst v63  }
0x3c: {  	_ =	swait.ge [sflag:s19], $0x2000  }
0x3d: {  	[sflag:s19] =	ssyncset.done $0x0  }
0x3e: {  	[sflag:s19] =	ssyncadd.s32 $0xFFFFE000  }
0x3f: {  	[spmem:s12] =	stream.linear.scatter [tilespmem:s18], [sflag:$0x5], $0x2000, $0x38;
	[tilespmem:$0x1E200] =	vst v63  }
0x40: {  	_ =	swait.ge [sflag:s19], $0x2000  }
0x41: {  	[sflag:s19] =	ssyncset.done $0x0  }
0x42: {  	[sflag:s19] =	ssyncadd.s32 $0xFFFFE000  }
0x43: {  	[spmem:s13] =	stream.linear.scatter [tilespmem:s18], [sflag:$0x5], $0x2000, $0x38;
	[tilespmem:$0x1E200] =	vst v63  }
0x44: {  	_ =	swait.ge [sflag:s19], $0x2000  }
0x45: {  	[sflag:s19] =	ssyncset.done $0x0  }
0x46: {  	[sflag:s19] =	ssyncadd.s32 $0xFFFFE000  }
0x47: {  	[spmem:s14] =	stream.linear.scatter [tilespmem:s18], [sflag:$0x5], $0x2000, $0x38;
	[tilespmem:$0x1E200] =	vst v63  }
0x48: {  	_ =	swait.ge [sflag:s19], $0x2000  }
0x49: {  	[sflag:s19] =	ssyncset.done $0x0  }
0x4a: {  	[sflag:s19] =	ssyncadd.s32 $0xFFFFE000  }
0x4b: {  	s7 =	sadd.s32 $0x0, s16;
	[bflag:$0x0] =	sbarrier.arrive $0xFFFF  }
0x4c: {  	[tilespmem:s3], [sflag:$0x5] =	stream.linear.gather [hbm4b:s7+s3], $0x80, $0x38;
	[tilespmem:$0x1E200] =	vst v63  }
0x4d: {  	_ =	swait.ge [sflag:s19], $0x80  }
0x4e: {  	[sflag:s19] =	ssyncset.done $0x0  }
0x4f: {  	[sflag:s19] =	ssyncadd.s32 $0xFFFFFF80  }
0x50: {  	[tilespmem:s21], [sflag:$0x1] =	stream.indirect.gather [hbm4b:s4+s20], $0x80, s3, s20, $0xb8;
	[tilespmem:$0x1E200] =	vst v63  }
0x51: {  	s0 =	sadd.s32 $0x10, s7  }
0x52: {  	[tilespmem:s20], [sflag:$0x5] =	stream.linear.gather [hbm4b:s0+s3], $0x80, $0x38;
	[tilespmem:$0x1E200] =	vst v63  }
0x53: {  	_ =	swait.ge [sflag:s19], $0x80  }
0x54: {  	[sflag:s19] =	ssyncset.done $0x0  }
0x55: {  	[sflag:s19] =	ssyncadd.s32 $0xFFFFFF80  }
0x56: {  	[tilespmem:s22], [sflag:$0x2] =	stream.indirect.gather [hbm4b:s4+s20], $0x80, s20, s20, $0xb8;
	[tilespmem:$0x1E200] =	vst v63  }
0x57: {  	s8 =	sadd.s32 $0x0, s17  }
0x58: {  	[tilespmem:s23], [sflag:$0x5] =	stream.linear.gather [hbm4b:s8+s3], $0x80, $0x38;
	[tilespmem:$0x1E200] =	vst v63  }
0x59: {  	_ =	swait.ge [sflag:s19], $0x80  }
0x5a: {  	[sflag:s19] =	ssyncset.done $0x0  }
0x5b: {  	s0 =	sadd.s32 $0x10, s8;
	[sflag:s19] =	ssyncadd.s32 $0xFFFFFF80  }
0x5c: {  	[tilespmem:s25], [sflag:$0x5] =	stream.linear.gather [hbm4b:s0+s3], $0x80, $0x38;
	[tilespmem:$0x1E200] =	vst v63  }
0x5d: {  	_ =	swait.ge [sflag:s19], $0x80  }
0x5e: {  	[sflag:s19] =	ssyncset.done $0x0  }
0x5f: {  	[sflag:s19] =	ssyncadd.s32 $0xFFFFFF80  }
0x60: {  	_ =	swait.ge [sflag:s26], $0x4000  }
0x61: {  	[sflag:s26] =	ssyncset.done $0x0  }
0x62: {  	[sflag:s26] =	ssyncadd.s32 $0xFFFFC000  }
0x63: {  	[spmem:s2] =	stream.indirect.scatter.add.f32 [tilespmem:s21], [sflag:$0x3], $0x80, s23, s20, $0xb8;
	[tilespmem:$0x1E200] =	vst v63  }
0x64: {  	_ =	swait.ge [sflag:s28], $0x4000  }
0x65: {  	[sflag:s28] =	ssyncset.done $0x0  }
0x66: {  	[sflag:s28] =	ssyncadd.s32 $0xFFFFC000  }
0x67: {  	[spmem:s2] =	stream.indirect.scatter.add.f32 [tilespmem:s22], [sflag:$0x4], $0x80, s25, s20, $0xb8;
	[tilespmem:$0x1E200] =	vst v63  }
0x68: {  	_ =	swait.ge [sflag:s29], $0x4000  }
0x69: {  	[sflag:s29] =	ssyncset.done $0x0  }
0x6a: {  	[sflag:s29] =	ssyncadd.s32 $0xFFFFC000  }
0x6b: {  	_ =	swait.ge [sflag:s30], $0x4000  }
0x6c: {  	s1 =	simm.s32 $0x20;
	s0 =	simm.s32 $0x40;
	[sflag:s30] =	ssyncset.done $0x0  }
.LBB2_4:
0x6d: {  	s7 =	sadd.s32 s1, s16  }
0x6e: {  	[sflag:s30] =	ssyncadd.s32 $0xFFFFC000;
	s8 =	smov.u32 s0;
	s6 =	sadd.s32 $0x20, s0  }
0x6f: {  	[tilespmem:s3], [sflag:$0x5] =	stream.linear.gather [hbm4b:s7+s3], $0x80, $0x38;
	[tilespmem:$0x1E200] =	vst v63  }
0x70: {  	p0 =	sne.s32 s0, $0x4E0;
	_ =	swait.ge [sflag:s19], $0x80  }
0x71: {  	[sflag:s19] =	ssyncset.done $0x0  }
0x72: {  	[sflag:s19] =	ssyncadd.s32 $0xFFFFFF80  }
0x73: {  	[tilespmem:s21], [sflag:$0x1] =	stream.indirect.gather [hbm4b:s4+s20], $0x80, s3, s20, $0xb8;
	[tilespmem:$0x1E200] =	vst v63  }
0x74: {  	s0 =	sadd.s32 $0x10, s7  }
0x75: {  	[tilespmem:s20], [sflag:$0x5] =	stream.linear.gather [hbm4b:s0+s3], $0x80, $0x38;
	[tilespmem:$0x1E200] =	vst v63  }
0x76: {  	_ =	swait.ge [sflag:s19], $0x80  }
0x77: {  	[sflag:s19] =	ssyncset.done $0x0  }
0x78: {  	[sflag:s19] =	ssyncadd.s32 $0xFFFFFF80  }
0x79: {  	[tilespmem:s22], [sflag:$0x2] =	stream.indirect.gather [hbm4b:s4+s20], $0x80, s20, s20, $0xb8;
	[tilespmem:$0x1E200] =	vst v63  }
0x7a: {  	s0 =	sadd.s32 s1, s17;
	s1 =	smov.u32 s8  }
0x7b: {  	[tilespmem:s23], [sflag:$0x5] =	stream.linear.gather [hbm4b:s0+s3], $0x80, $0x38;
	[tilespmem:$0x1E200] =	vst v63  }
0x7c: {  	_ =	swait.ge [sflag:s19], $0x80  }
0x7d: {  	[sflag:s19] =	ssyncset.done $0x0  }
0x7e: {  	s0 =	sadd.s32 $0x10, s0;
	[sflag:s19] =	ssyncadd.s32 $0xFFFFFF80  }
0x7f: {  	[tilespmem:s25], [sflag:$0x5] =	stream.linear.gather [hbm4b:s0+s3], $0x80, $0x38;
	[tilespmem:$0x1E200] =	vst v63  }
0x80: {  	_ =	swait.ge [sflag:s19], $0x80  }
0x81: {  	[sflag:s19] =	ssyncset.done $0x0  }
0x82: {  	[sflag:s19] =	ssyncadd.s32 $0xFFFFFF80  }
0x83: {  	_ =	swait.ge [sflag:s26], $0x4000  }
0x84: {  	[sflag:s26] =	ssyncset.done $0x0  }
0x85: {  	[sflag:s26] =	ssyncadd.s32 $0xFFFFC000  }
0x86: {  	[spmem:s2] =	stream.indirect.scatter.add.f32 [tilespmem:s21], [sflag:$0x3], $0x80, s23, s20, $0xb8;
	[tilespmem:$0x1E200] =	vst v63  }
0x87: {  	_ =	swait.ge [sflag:s28], $0x4000  }
0x88: {  	[sflag:s28] =	ssyncset.done $0x0  }
0x89: {  	[sflag:s28] =	ssyncadd.s32 $0xFFFFC000  }
0x8a: {  	[spmem:s2] =	stream.indirect.scatter.add.f32 [tilespmem:s22], [sflag:$0x4], $0x80, s25, s20, $0xb8;
	[tilespmem:$0x1E200] =	vst v63  }
.Ltmp1:
0x8b: {  	_ =	swait.ge [sflag:s29], $0x4000;
	(pc) =	sbr.rel @p0 .LBB2_4-.Ltmp1, $4  }
0x8c: {  	[sflag:s29] =	ssyncset.done $0x0  }
0x8d: {  	[sflag:s29] =	ssyncadd.s32 $0xFFFFC000  }
0x8e: {  	_ =	swait.ge [sflag:s30], $0x4000  }
0x8f: {  	s0 =	smov.u32 s6;
	[sflag:s30] =	ssyncset.done $0x0  }
0x90: {  	s0 =	sadd.s32 s1, s16;
	[sflag:s30] =	ssyncadd.s32 $0xFFFFC000  }
0x91: {  	[tilespmem:s3], [sflag:$0x5] =	stream.linear.gather [hbm4b:s0+s3], $0x80, $0x38;
	[tilespmem:$0x1E200] =	vst v63  }
0x92: {  	_ =	swait.ge [sflag:s19], $0x80  }
0x93: {  	[sflag:s19] =	ssyncset.done $0x0  }
0x94: {  	[sflag:s19] =	ssyncadd.s32 $0xFFFFFF80  }
0x95: {  	[tilespmem:s21], [sflag:$0x1] =	stream.indirect.gather [hbm4b:s4+s20], $0x80, s3, s20, $0xb8;
	[tilespmem:$0x1E200] =	vst v63  }
0x96: {  	s0 =	sadd.s32 $0x10, s0  }
0x97: {  	[tilespmem:s20], [sflag:$0x5] =	stream.linear.gather [hbm4b:s0+s3], $0x80, $0x38;
	[tilespmem:$0x1E200] =	vst v63  }
0x98: {  	_ =	swait.ge [sflag:s19], $0x80  }
0x99: {  	[sflag:s19] =	ssyncset.done $0x0  }
0x9a: {  	[sflag:s19] =	ssyncadd.s32 $0xFFFFFF80  }
0x9b: {  	[tilespmem:s22], [sflag:$0x2] =	stream.indirect.gather [hbm4b:s4+s20], $0x80, s20, s20, $0xb8;
	[tilespmem:$0x1E200] =	vst v63  }
0x9c: {  	s6 =	sadd.s32 s1, s17  }
0x9d: {  	[tilespmem:s23], [sflag:$0x5] =	stream.linear.gather [hbm4b:s6+s3], $0x80, $0x38;
	[tilespmem:$0x1E200] =	vst v63  }
0x9e: {  	_ =	swait.ge [sflag:s19], $0x80  }
0x9f: {  	[sflag:s19] =	ssyncset.done $0x0  }
0xa0: {  	s0 =	sadd.s32 $0x10, s6;
	[sflag:s19] =	ssyncadd.s32 $0xFFFFFF80  }
0xa1: {  	[tilespmem:s25], [sflag:$0x5] =	stream.linear.gather [hbm4b:s0+s3], $0x80, $0x38;
	[tilespmem:$0x1E200] =	vst v63  }
0xa2: {  	_ =	swait.ge [sflag:s19], $0x80  }
0xa3: {  	[sflag:s19] =	ssyncset.done $0x0  }
0xa4: {  	[sflag:s19] =	ssyncadd.s32 $0xFFFFFF80  }
0xa5: {  	_ =	swait.ge [sflag:s26], $0x4000  }
0xa6: {  	[sflag:s26] =	ssyncset.done $0x0  }
0xa7: {  	[sflag:s26] =	ssyncadd.s32 $0xFFFFC000  }
0xa8: {  	[spmem:s2] =	stream.indirect.scatter.add.f32 [tilespmem:s21], [sflag:$0x3], $0x80, s23, s20, $0xb8;
	[tilespmem:$0x1E200] =	vst v63  }
0xa9: {  	_ =	swait.ge [sflag:s28], $0x4000  }
0xaa: {  	[sflag:s28] =	ssyncset.done $0x0  }
0xab: {  	[sflag:s28] =	ssyncadd.s32 $0xFFFFC000  }
0xac: {  	[spmem:s2] =	stream.indirect.scatter.add.f32 [tilespmem:s22], [sflag:$0x4], $0x80, s25, s20, $0xb8;
	[tilespmem:$0x1E200] =	vst v63  }
0xad: {  	_ =	swait.ge [sflag:s29], $0x4000  }
0xae: {  	[sflag:s29] =	ssyncset.done $0x0  }
0xaf: {  	[sflag:s29] =	ssyncadd.s32 $0xFFFFC000  }
0xb0: {  	s7 =	stileid.u32;
	_ =	swait.ge [sflag:s30], $0x4000  }
0xb1: {  	s8 =	sshrl.u32 s5, $0x3;
	s31 =	sadd.s32 $0x1, s31;
	[sflag:s30] =	ssyncset.done $0x0  }
0xb2: {  	p0 =	sne.s32 s31, s15;
	s0 =	sshll.u32 s7, $0x6;
	[sflag:s30] =	ssyncadd.s32 $0xFFFFC000  }
.Ltmp2:
0xb3: {  	s0 =	sor.u32 $0x1C05, s0;
	[bflag:$0x0] =	sbarrier.arrive $0xFFFF;
	(pc) =	sbr.rel @p0 .LBB2_1-.Ltmp2, $4  }
0xb4: {  	[hbm:s24], [sflag:s0] =	dma.local [spmem:s8], $0x2800  }
0xb5: {  	_ =	swait.ge [sflag:s19], $0x2800  }
0xb6: {  	[sflag:s19] =	ssyncset.done $0x0  }
0xb7: {  	[sflag:s19] =	ssyncadd.s32 $0xFFFFD800  }
0xb8: {  	_ =	sfence.sel $0x180000  }
0xb9: {  	[bflag:$0x0] =	sbarrier.arrive $0xFFFF  }
0xba: {  	_ =	strace $0x9000004A  }
0xbb: {  	s0 =	stileid.u32;
	[bflag:$0x2] =	sbarrier.arrive $0xFFFF  }
0xbc: {  	p0 =	sne.s32 s0, $0x0;
	s0 =	rddreg [dreg:$0x2]  }
0xbd: {  	s0 =	sadd.s32 @!p0 $0x100000, s0  }
0xbe: {  	[sflag:s0] =	ssyncadd.tile.s32 @!p0 $0x1;
	_ =	shalt  }
.Lfunc_end2:
_tile_overlayer_lowered:
.L_overlay_start_2:
0xbf: {  	(tag) =	ssettag $0x2  }
0xc0: {  	s0 =	rddreg [dreg:$0x0];
	s2 =	stileid.u32  }
0xc1: {  	s1 =	rddreg [dreg:$0x1];
	p0 =	sne.s32 s2, $0x0  }
0xc2: {  	s3 =	rddreg [dreg:$0x2];
	[bflag:$0x3] =	sbarrier.arrive $0xFFFF;
	s2 =	simm.s32 @!p0 $0x1C05  }
0xc3: {  	[timem:s3], [sflag:s2] =	dma.local @!p0 [hbm:s0], s1  }
0xc4: {  	s0 =	simm.s32 @!p0 $0x5  }
0xc5: {  	_ =	swait.ge @!p0 [sflag:s0], s1  }
0xc6: {  	s1 =	ssub.s32 @!p0 $0x0, s1;
	[sflag:s0] =	ssyncset.done @!p0 $0x0  }
0xc7: {  	[sflag:s0] =	ssyncadd.s32 @!p0 s1  }
0xc8: {  	[bflag:$0x3] =	sbarrier.arrive $0xFFFF  }
0xc9: {  	_ =	shalt  }

// kernel: kernel.18.cloned.1.call-start
scs
__scs_entry_jumppad:
0x0: {  	(pc) =	sbr.rel $0x88, $3  }
0x1: {  	(tag) =	ssettag $0x0;
	lr =	simm.s32 $0x1  }
0x2: {  	[smem:$0x3F8F] =	sst lr;
	_ =	strace $0xD0000000  }
0x3: {  	_ = 	snop  }
0x4: {  	_ = 	snop  }
0x5: {  	_ = 	snop  }
0x6: {  	_ = 	snop  }
0x7: {  	_ = 	snop  }
__scs_overlays_trampoline_lowered:
0x8: {  	[smem:$0x3F9E] =	sst s0  }
0x9: {  	[smem:$0x3F9F] =	sst s1  }
0xa: {  	[smem:$0x3FA0] =	sst s2  }
0xb: {  	[smem:$0x3FA1] =	sst s3  }
0xc: {  	[smem:$0x3FA2] =	sst s4  }
0xd: {  	[smem:$0x3FA3] =	sst s5  }
0xe: {  	[smem:$0x3FA4] =	sst s6  }
0xf: {  	[smem:$0x3FA5] =	sst s7  }
0x10: {  	[smem:$0x3FA6] =	sst s8  }
0x11: {  	[smem:$0x3FA7] =	sst s9;
	s0 =	simm.s32 @!p0 $0x0  }
0x12: {  	s1 =	sld [smem:$0x3F8D];
	s0 =	simm.s32 @p0 $0x1  }
0x13: {  	[smem:$0x3FA8] =	sst s0;
	s0 =	simm.s32 @!p1 $0x0  }
0x14: {  	s2 =	sld [smem:$0x3F8C];
	s0 =	simm.s32 @p1 $0x1  }
0x15: {  	[smem:$0x3FA9] =	sst s0;
	s0 =	simm.s32 @!p2 $0x0  }
0x16: {  	s3 =	sld [smem:$0x3FDB];
	s0 =	simm.s32 @p2 $0x1  }
0x17: {  	s4 =	simm.s32 $0x1BF5;
	[smem:$0x3FAB] =	sst s0  }
0x18: {  	s0 =	sld [smem:$0x3F8E];
	_ =	swait.ge [sflag:s4], $0x0  }
0x19: {  	s7 =	sld [smem:$0x3F8F]  }
0x1a: {  	s8 =	sadd.s32 $0xFFFFE003, lr  }
0x1b: {  	s9 =	sadd.s32 $0xFFFFFEF7, lr;
	s5 =	simm.s32 $0xFFFFFFFF;
	p2 =	slt.u32 s8, $0xFFFFF086  }
0x1c: {  	p1 =	slt.u32 s9, $0xF7A;
	s5 =	simm.s32 @!p2 $0x0  }
0x1d: {  	s5 =	simm.s32 @p1 $0x1;
	p0 =	seq.s32 s7, s2  }
0x1e: {  	s7 =	smul.u32 @!p0 $0xF7A, s2;
	p2 =	seq.s32 @!p0 s5, $0x0  }
0x1f: {  	s9 =	smul.u32 $0xF7A, s1;
	s8 =	simm.s32 @!p0 $0x1BF5;
	p2 =	por !p2, p0  }
0x20: {  	[sflag:s8] =	ssyncset.s32 @!p0 $0xFFFFF086;
	s6 =	sadd.s32 @!p0 s3, s7;
	s7 =	simm.s32 @!p0 $0x108  }
0x21: {  	s3 =	sadd.s32 s3, s9;
	s6 =	sadd.s32 @!p0 $0x88, s6;
	s7 =	simm.s32 @p2 $0x1082  }
0x22: {  	[simem:s7], [sflag:s8] =	dma.local @!p0 [hbm:s6], $0xF7A  }
0x23: {  	s9 =	sor.u32 $0xD0000000, s2;
	s6 =	simm.s32 $0x108;
	_ =	swait.ge @!p0 [sflag:s8], $0x0  }
0x24: {  	s3 =	sadd.s32 $0x88, s3;
	s6 =	simm.s32 @!p1 $0x1082;
	[sflag:s4] =	ssyncset.s32 $0xFFFFF086  }
0x25: {  	[simem:s6], [sflag:s4] =	dma.local [hbm:s3], $0xF7A  }
0x26: {  	[smem:$0x3F8F] =	sst s1;
	(tag) =	ssettag s2;
	_ =	strace s9  }
0x27: {  	s1 =	sld [smem:$0x3F9F]  }
0x28: {  	s2 =	sld [smem:$0x3FA0]  }
0x29: {  	s4 =	sld [smem:$0x3FA2]  }
0x2a: {  	p0 =	seq.s32 s5, $0x0;
	s5 =	sld [smem:$0x3FA3]  }
0x2b: {  	s6 =	sld [smem:$0x3FA4]  }
0x2c: {  	s7 =	sld [smem:$0x3FA5]  }
0x2d: {  	s3 =	simm.s32 $0x108;
	s8 =	sld [smem:$0x3FA6]  }
0x2e: {  	s3 =	simm.s32 @!p0 $0x1082;
	s9 =	sld [smem:$0x3FA7]  }
0x2f: {  	lr =	sadd.s32 s0, s3;
	s0 =	sld [smem:$0x3F9E]  }
0x30: {  	s3 =	sld [smem:$0x3FA1]  }
0x31: {  	[smem:$0x3FAA] =	sst s10  }
0x32: {  	s10 =	sld [smem:$0x3FA8];
	_ =	sdelay $0x3  }
0x33: {  	p0 =	seq.s32 s10, $0x1;
	s10 =	sld [smem:$0x3FAA];
	_ =	sdelay $0x3  }
0x34: {  	[smem:$0x3FAA] =	sst s10  }
0x35: {  	s10 =	sld [smem:$0x3FA9];
	_ =	sdelay $0x3  }
0x36: {  	p1 =	seq.s32 s10, $0x1;
	s10 =	sld [smem:$0x3FAA];
	_ =	sdelay $0x3  }
0x37: {  	[smem:$0x3FAA] =	sst s10  }
0x38: {  	s10 =	sld [smem:$0x3FAB]  }
0x39: {  	_ = 	snop;
	(pc) =	sbr.ind lr, $3  }
0x3a: {  	_ = 	snop  }
0x3b: {  	_ = 	snop  }
0x3c: {  	p2 =	seq.s32 s10, $0x1;
	s10 =	sld [smem:$0x3FAA]  }
0x3d: {  	_ =	shalt  }
0x3e: {  	_ =	shalt  }
0x3f: {  	_ =	shalt  }
0x40: {  	_ =	shalt  }
0x41: {  	_ =	shalt  }
0x42: {  	_ =	shalt  }
0x43: {  	_ =	shalt  }
0x44: {  	_ =	shalt  }
0x45: {  	_ =	shalt  }
0x46: {  	_ =	shalt  }
0x47: {  	_ =	shalt  }
0x48: {  	_ =	shalt  }
0x49: {  	_ =	shalt  }
0x4a: {  	_ =	shalt  }
0x4b: {  	_ =	shalt  }
0x4c: {  	_ =	shalt  }
0x4d: {  	_ =	shalt  }
0x4e: {  	_ =	shalt  }
0x4f: {  	_ =	shalt  }
0x50: {  	_ =	shalt  }
0x51: {  	_ =	shalt  }
0x52: {  	_ =	shalt  }
0x53: {  	_ =	shalt  }
0x54: {  	_ =	shalt  }
0x55: {  	_ =	shalt  }
0x56: {  	_ =	shalt  }
0x57: {  	_ =	shalt  }
0x58: {  	_ =	shalt  }
0x59: {  	_ =	shalt  }
0x5a: {  	_ =	shalt  }
0x5b: {  	_ =	shalt  }
0x5c: {  	_ =	shalt  }
0x5d: {  	_ =	shalt  }
0x5e: {  	_ =	shalt  }
0x5f: {  	_ =	shalt  }
0x60: {  	_ =	shalt  }
0x61: {  	_ =	shalt  }
0x62: {  	_ =	shalt  }
0x63: {  	_ =	shalt  }
0x64: {  	_ =	shalt  }
0x65: {  	_ =	shalt  }
0x66: {  	_ =	shalt  }
0x67: {  	_ =	shalt  }
0x68: {  	_ =	shalt  }
0x69: {  	_ =	shalt  }
0x6a: {  	_ =	shalt  }
0x6b: {  	_ =	shalt  }
0x6c: {  	_ =	shalt  }
0x6d: {  	_ =	shalt  }
0x6e: {  	_ =	shalt  }
0x6f: {  	_ =	shalt  }
0x70: {  	_ =	shalt  }
0x71: {  	_ =	shalt  }
0x72: {  	_ =	shalt  }
0x73: {  	_ =	shalt  }
0x74: {  	_ =	shalt  }
0x75: {  	_ =	shalt  }
0x76: {  	_ =	shalt  }
0x77: {  	_ =	shalt  }
0x78: {  	_ =	shalt  }
0x79: {  	_ =	shalt  }
0x7a: {  	_ =	shalt  }
0x7b: {  	_ =	shalt  }
0x7c: {  	_ =	shalt  }
0x7d: {  	_ =	shalt  }
0x7e: {  	_ =	shalt  }
0x7f: {  	_ =	shalt  }
0x80: {  	_ =	shalt  }
0x81: {  	_ =	shalt  }
0x82: {  	_ =	shalt  }
0x83: {  	_ =	shalt  }
0x84: {  	_ =	shalt  }
0x85: {  	_ =	shalt  }
0x86: {  	_ =	shalt  }
0x87: {  	_ =	shalt  }
.Lfunc_end0:
.L_simem_size_0:
called_computation.2_lowered:
.L_overlay_start_0:
0x88: {  	s2 =	sld [smem:$0x3FD9]  }
0x89: {  	s3 =	sld [smem:$0x3FFE];
	_ =	sdelay $0x1  }
0x8a: {  	s1 =	srdreg.scid  }
0x8b: {  	s0 =	sand.u32 $0x1, s1  }
0x8c: {  	s16 =	sshll.u32 s0, $0xA;
	s2 =	sadd.s32 s3, s2  }
0x8d: {  	s2 =	sadd.s32 s2, s16  }
0x8e: {  	[smem:$0x3FB6] =	sst s2  }
0x8f: {  	_ = 	snop  }
0x90: {  	(tm) =	ssettm $0x1  }
0x91: {  	s17 =	sld [smem:$0x3FFB];
	_ =	sdelay $0x3  }
0x92: {  	_ =	strace s17  }
0x93: {  	s2 =	sld [smem:$0x3FFC];
	_ =	sdelay $0x3  }
0x94: {  	_ =	strace s2  }
0x95: {  	s2 =	sld [smem:$0x3FFD];
	_ =	sdelay $0x3  }
0x96: {  	_ =	strace s2  }
0x97: {  	_ =	strace $0x8FFFFFFF  }
0x98: {  	s18 =	sld [smem:$0x3FDB];
	_ =	sdelay $0x1  }
0x99: {  	s19 =	simm.s32 $_scs_section_size  }
0x9a: {  	s4 =	simm.s32 $_size__tile_overlayer_lowered;
	s5 =	simm.s32 $_tile_overlayer_lowered  }
0x9b: {  	s22 =	simm.s32 $0x1BFF;
	s21 =	sshll.u32 s5, $0x1;
	s2 =	sadd.s32 s19, s18  }
0x9c: {  	s6 =	simm.s32 $0x0;
	s20 =	sshll.u32 s4, $0x1;
	s4 =	sadd.s32 s21, s2  }
0x9d: {  	[timem:s6], [sflag:s22] =	dma.local [hbm:s4], s20  }
0x9e: {  	_ =	swait.ge [sflag:s22], s20  }
0x9f: {  	s3 =	ssub.s32 $0x0, s20;
	[sflag:s22] =	ssyncset.done $0x0  }
0xa0: {  	[sflag:s22] =	ssyncadd.s32 s3;
	_ =	sdelay $0x1  }
0xa1: {  	s23 =	simm.s32 $0x1B8B  }
0xa2: {  	_ =	swait.ge [sflag:s23], $0x1  }
0xa3: {  	[sflag:s23] =	ssyncset.done $0x0  }
0xa4: {  	s25 =	simm.s32 $0x1B8E;
	s24 =	sld [smem:$0x3FFE];
	[sflag:s23] =	ssyncadd.s32 $0xFFFFFFFF  }
0xa5: {  	s26 =	simm.s32 $execute0_lowered;
	[smem:$0x3FD2] =	sst s25  }
0xa6: {  	s4 =	sshll.u32 s26, $0x1;
	_ =	strace $0x8000004C;
	[dreg:$0x1] =	wrdreg $0xFFFFFFFF  }
0xa7: {  	s28 =	simm.s32 $_size_execute0_lowered;
	s2 =	sadd.s32 s2, s4;
	[dreg:$0x0] =	wrdreg $0x0  }
0xa8: {  	s4 =	sshll.u32 s28, $0x1;
	[dreg:$0x2] =	wrdreg s2  }
0xa9: {  	[dreg:$0x3] =	wrdreg s4  }
0xaa: {  	[dreg:$0x4] =	wrdreg $0xC0  }
0xab: {  	_ =	task [dreg:s6], $0x5FFFF  }
0xac: {  	[dreg:$0x1] =	wrdreg $0xFFFFFFFF  }
0xad: {  	[dreg:$0x0] =	wrdreg $0x60  }
0xae: {  	[dreg:$0x2] =	wrdreg s24  }
0xaf: {  	[dreg:$0x3] =	wrdreg $0xA2000  }
0xb0: {  	[dreg:$0x4] =	wrdreg $0x9  }
0xb1: {  	_ =	task.clear_ibuf [dreg:s6], $0x5FFFF;
	_ =	strace $0x9000004C  }
0xb2: {  	s29 =	simm.s32 $0x9;
	_ =	strace $0x8000004E  }
0xb3: {  	_ =	swait.ge [sflag:s29], $0x1  }
0xb4: {  	[sflag:s29] =	ssyncadd.s32 $0xFFFFFFFF  }
0xb5: {  	_ =	strace $0x9000004E  }
0xb6: {  	_ =	sfence  }
0xb7: {  	s30 =	sld [smem:$0x0];
	_ =	sdelay $0x2  }
0xb8: {  	s31 =	sshll.u32 s1, $0xD;
	s1 =	sshrl.u32 s1, $0x2  }
0xb9: {  	s3 =	sand.u32 $0x4000, s31;
	s1 =	sadd.s32 s1, s30  }
0xba: {  	s0 =	sor.u32 s3, s0;
	s1 =	sshll.u32 s1, $0x11  }
0xbb: {  	s0 =	sor.u32 s1, s0  }
0xbc: {  	s0 =	sadd.s32 $0x8F2B, s0  }
0xbd: {  	[sflag:s0] =	ssyncadd.remote.s32 $0x1  }
0xbe: {  	_ =	sfence.sel $0xFFFF  }
0xbf: {  	[dreg:$0x0] =	wrdreg $0xFFFFFFFF;
	(pc) =	sbr.abs _section_cstart, $3  }
0xc0: {  	[dreg:$0x1] =	wrdreg $0xFFFFFFFF  }
0xc1: {  	_ =	task.clear_ibuf [dreg:s6], $0x2FFFF;
	_ =	strace $0x9FFFFFFF  }
0xc2: {  	(tm) =	ssettm $0x7FFFFFFF  }
0xc3: {  	_ =	shalt  }
tec
execute0_lowered:
.L_overlay_start_1:
0x0: {  	(tag) =	ssettag $0x1  }
0x1: {  	s0 =	rddreg [dreg:$0x0]  }
0x2: {  	s1 =	rddreg [dreg:$0x1];
	s2 =	srdreg.scid  }
0x3: {  	s3 =	simm.s32 $0x0;
	s15 =	stileid.u32;
	s18 =	simm.s32 $0x8200  }
0x4: {  	s19 =	simm.s32 $0x5;
	s20 =	simm.s32 $0x80;
	s21 =	simm.s32 $0x200  }
0x5: {  	s22 =	simm.s32 $0x4200;
	s28 =	simm.s32 $0x2;
	s5 =	smul.u32 $0x50000, s15  }
0x6: {  	s29 =	simm.s32 $0x3;
	s30 =	simm.s32 $0x4;
	s23 =	smul.u32 $0xA00, s15  }
0x7: {  	s2 =	sand.u32 $0x1, s2;
	[smem:$0x7FF] =	sst s3;
	s26 =	smul.u32 $0x2800, s15  }
0x8: {  	s31 =	simm.s32 $0x0;
	s4 =	smul.u32 $0x27100, s2;
	_ =	strace $0x8000004D  }
0x9: {  	s6 =	smul.u32 $0x28000, s2;
	s2 =	ssub.s32 $0x2, s2;
	s5 =	sshrl.u32 s5, $0x2  }
0xa: {  	s17 =	sadd.s32 s23, s0;
	s7 =	sshrl.u32 s2, $0x1;
	s23 =	simm.s32 $0x100  }
0xb: {  	s14 =	sadd.s32 s4, s0;
	s4 =	sadd.s32 s5, s1;
	s0 =	sadd.s32 s6, s0  }
0xc: {  	s2 =	ssub.s32 s2, s7;
	s16 =	sadd.s32 $0xE400, s17;
	s17 =	sadd.s32 $0x18400, s17  }
0xd: {  	s5 =	sadd.s32 $0x2000, s4;
	s24 =	sadd.s32 $0x4000, s4;
	s25 =	sadd.s32 $0x6000, s4  }
0xe: {  	s8 =	sadd.s32 $0x8000, s4;
	s9 =	sadd.s32 $0xA000, s4;
	s10 =	sadd.s32 $0xC000, s4  }
0xf: {  	s11 =	sadd.s32 $0xE000, s4;
	s12 =	sadd.s32 $0x10000, s4;
	[dreg:$0x3] =	wrdreg s5  }
0x10: {  	s13 =	sadd.s32 $0x12000, s4;
	s14 =	sadd.s32 $0x22400, s14;
	[dreg:$0x4] =	wrdreg s24  }
0x11: {  	s0 =	sadd.s32 $0x70600, s0;
	s15 =	smax.u32 s2, $0x1;
	[dreg:$0x5] =	wrdreg s25  }
0x12: {  	v0 =	vimm.f32 $0.0e+00;
	s24 =	sadd.s32 s26, s0;
	s25 =	simm.s32 $0x180;
	s26 =	simm.s32 $0x1  }
.LBB2_1:
0x13: {  	s0 =	simm.s32 $0x0;
	s2 =	simm.s32 $0x200  }
.LBB2_2:
0x14: {  	p0 =	sne.s32 s2, $0x7E00;
	[tilespmem:s0+$0x8270] =	vst v0  }
0x15: {  	[tilespmem:s0+$0x8200] =	vst v0  }
0x16: {  	[tilespmem:s0+$0x8210] =	vst v0  }
.Ltmp0:
0x17: {  	[tilespmem:s0+$0x8220] =	vst v0;
	(pc) =	sbr.rel @p0 .LBB2_2-.Ltmp0, $4  }
0x18: {  	[tilespmem:s0+$0x8230] =	vst v0  }
0x19: {  	[tilespmem:s0+$0x8240] =	vst v0  }
0x1a: {  	[tilespmem:s0+$0x8250] =	vst v0  }
0x1b: {  	[tilespmem:s0+$0x8260] =	vst v0;
	s0 =	sshra.s32 s2, $0x2;
	s2 =	sadd.s32 $0x200, s2  }
0x1c: {  	[tilespmem:s0+$0x8270] =	vst v0  }
0x1d: {  	[tilespmem:s0+$0x8200] =	vst v0  }
0x1e: {  	[tilespmem:s0+$0x8210] =	vst v0  }
0x1f: {  	[tilespmem:s0+$0x8220] =	vst v0  }
0x20: {  	[tilespmem:s0+$0x8230] =	vst v0  }
0x21: {  	[tilespmem:s0+$0x8240] =	vst v0  }
0x22: {  	[tilespmem:s0+$0x8250] =	vst v0  }
0x23: {  	[tilespmem:s0+$0x8260] =	vst v0  }
0x24: {  	[spmem:s4] =	stream.linear.scatter [tilespmem:s18], [sflag:$0x5], $0x2000, $0x38;
	[tilespmem:$0x1E200] =	vst v63  }
0x25: {  	_ =	swait.ge [sflag:s19], $0x2000  }
0x26: {  	[sflag:s19] =	ssyncset.done $0x0  }
0x27: {  	s7 =	rddreg [dreg:$0x3];
	[sflag:s19] =	ssyncadd.s32 $0xFFFFE000  }
0x28: {  	[spmem:s7] =	stream.linear.scatter [tilespmem:s18], [sflag:$0x5], $0x2000, $0x38;
	[tilespmem:$0x1E200] =	vst v63  }
0x29: {  	_ =	swait.ge [sflag:s19], $0x2000  }
0x2a: {  	[sflag:s19] =	ssyncset.done $0x0  }
0x2b: {  	s2 =	rddreg [dreg:$0x4];
	[sflag:s19] =	ssyncadd.s32 $0xFFFFE000  }
0x2c: {  	[spmem:s2] =	stream.linear.scatter [tilespmem:s18], [sflag:$0x5], $0x2000, $0x38;
	[tilespmem:$0x1E200] =	vst v63  }
0x2d: {  	_ =	swait.ge [sflag:s19], $0x2000  }
0x2e: {  	[sflag:s19] =	ssyncset.done $0x0  }
0x2f: {  	s5 =	rddreg [dreg:$0x5];
	[sflag:s19] =	ssyncadd.s32 $0xFFFFE000  }
0x30: {  	[spmem:s5] =	stream.linear.scatter [tilespmem:s18], [sflag:$0x5], $0x2000, $0x38;
	[tilespmem:$0x1E200] =	vst v63  }
0x31: {  	_ =	swait.ge [sflag:s19], $0x2000  }
0x32: {  	[sflag:s19] =	ssyncset.done $0x0  }
0x33: {  	[sflag:s19] =	ssyncadd.s32 $0xFFFFE000  }
0x34: {  	[spmem:s8] =	stream.linear.scatter [tilespmem:s18], [sflag:$0x5], $0x2000, $0x38;
	[tilespmem:$0x1E200] =	vst v63  }
0x35: {  	_ =	swait.ge [sflag:s19], $0x2000  }
0x36: {  	[sflag:s19] =	ssyncset.done $0x0  }
0x37: {  	[sflag:s19] =	ssyncadd.s32 $0xFFFFE000  }
0x38: {  	[spmem:s9] =	stream.linear.scatter [tilespmem:s18], [sflag:$0x5], $0x2000, $0x38;
	[tilespmem:$0x1E200] =	vst v63  }
0x39: {  	_ =	swait.ge [sflag:s19], $0x2000  }
0x3a: {  	[sflag:s19] =	ssyncset.done $0x0  }
0x3b: {  	[sflag:s19] =	ssyncadd.s32 $0xFFFFE000  }
0x3c: {  	[spmem:s10] =	stream.linear.scatter [tilespmem:s18], [sflag:$0x5], $0x2000, $0x38;
	[tilespmem:$0x1E200] =	vst v63  }
0x3d: {  	_ =	swait.ge [sflag:s19], $0x2000  }
0x3e: {  	[sflag:s19] =	ssyncset.done $0x0  }
0x3f: {  	[sflag:s19] =	ssyncadd.s32 $0xFFFFE000  }
0x40: {  	[spmem:s11] =	stream.linear.scatter [tilespmem:s18], [sflag:$0x5], $0x2000, $0x38;
	[tilespmem:$0x1E200] =	vst v63  }
0x41: {  	_ =	swait.ge [sflag:s19], $0x2000  }
0x42: {  	[sflag:s19] =	ssyncset.done $0x0  }
0x43: {  	[sflag:s19] =	ssyncadd.s32 $0xFFFFE000  }
0x44: {  	[spmem:s12] =	stream.linear.scatter [tilespmem:s18], [sflag:$0x5], $0x2000, $0x38;
	[tilespmem:$0x1E200] =	vst v63  }
0x45: {  	_ =	swait.ge [sflag:s19], $0x2000  }
0x46: {  	[sflag:s19] =	ssyncset.done $0x0  }
0x47: {  	[sflag:s19] =	ssyncadd.s32 $0xFFFFE000  }
0x48: {  	[spmem:s13] =	stream.linear.scatter [tilespmem:s18], [sflag:$0x5], $0x2000, $0x38;
	[tilespmem:$0x1E200] =	vst v63  }
0x49: {  	_ =	swait.ge [sflag:s19], $0x2000  }
0x4a: {  	[sflag:s19] =	ssyncset.done $0x0  }
0x4b: {  	[sflag:s19] =	ssyncadd.s32 $0xFFFFE000  }
0x4c: {  	s6 =	sadd.s32 $0x0, s16;
	[bflag:$0x0] =	sbarrier.arrive $0xFFFF  }
0x4d: {  	[tilespmem:s3], [sflag:$0x5] =	stream.linear.gather [hbm4b:s6+s3], $0x80, $0x38;
	[tilespmem:$0x1E200] =	vst v63  }
0x4e: {  	_ =	swait.ge [sflag:s19], $0x80  }
0x4f: {  	[sflag:s19] =	ssyncset.done $0x0  }
0x50: {  	[sflag:s19] =	ssyncadd.s32 $0xFFFFFF80  }
0x51: {  	[tilespmem:s21], [sflag:$0x1] =	stream.indirect.gather [hbm4b:s14+s20], $0x80, s3, s20, $0xb8;
	[tilespmem:$0x1E200] =	vst v63  }
0x52: {  	s0 =	sadd.s32 $0x10, s6  }
0x53: {  	[tilespmem:s20], [sflag:$0x5] =	stream.linear.gather [hbm4b:s0+s3], $0x80, $0x38;
	[tilespmem:$0x1E200] =	vst v63  }
0x54: {  	_ =	swait.ge [sflag:s19], $0x80  }
0x55: {  	[sflag:s19] =	ssyncset.done $0x0  }
0x56: {  	[sflag:s19] =	ssyncadd.s32 $0xFFFFFF80  }
0x57: {  	[tilespmem:s22], [sflag:$0x2] =	stream.indirect.gather [hbm4b:s14+s20], $0x80, s20, s20, $0xb8;
	[tilespmem:$0x1E200] =	vst v63  }
0x58: {  	s7 =	sadd.s32 $0x0, s17  }
0x59: {  	[tilespmem:s23], [sflag:$0x5] =	stream.linear.gather [hbm4b:s7+s3], $0x80, $0x38;
	[tilespmem:$0x1E200] =	vst v63  }
0x5a: {  	_ =	swait.ge [sflag:s19], $0x80  }
0x5b: {  	[sflag:s19] =	ssyncset.done $0x0  }
0x5c: {  	s0 =	sadd.s32 $0x10, s7;
	[sflag:s19] =	ssyncadd.s32 $0xFFFFFF80  }
0x5d: {  	[tilespmem:s25], [sflag:$0x5] =	stream.linear.gather [hbm4b:s0+s3], $0x80, $0x38;
	[tilespmem:$0x1E200] =	vst v63  }
0x5e: {  	_ =	swait.ge [sflag:s19], $0x80  }
0x5f: {  	[sflag:s19] =	ssyncset.done $0x0  }
0x60: {  	[sflag:s19] =	ssyncadd.s32 $0xFFFFFF80  }
0x61: {  	_ =	swait.ge [sflag:s26], $0x4000  }
0x62: {  	[sflag:s26] =	ssyncset.done $0x0  }
0x63: {  	[sflag:s26] =	ssyncadd.s32 $0xFFFFC000  }
0x64: {  	[spmem:s1] =	stream.indirect.scatter.add.f32 [tilespmem:s21], [sflag:$0x3], $0x80, s23, s20, $0xb8;
	[tilespmem:$0x1E200] =	vst v63  }
0x65: {  	_ =	swait.ge [sflag:s28], $0x4000  }
0x66: {  	[sflag:s28] =	ssyncset.done $0x0  }
0x67: {  	[sflag:s28] =	ssyncadd.s32 $0xFFFFC000  }
0x68: {  	[spmem:s1] =	stream.indirect.scatter.add.f32 [tilespmem:s22], [sflag:$0x4], $0x80, s25, s20, $0xb8;
	[tilespmem:$0x1E200] =	vst v63  }
0x69: {  	_ =	swait.ge [sflag:s29], $0x4000  }
0x6a: {  	[sflag:s29] =	ssyncset.done $0x0  }
0x6b: {  	[sflag:s29] =	ssyncadd.s32 $0xFFFFC000  }
0x6c: {  	_ =	swait.ge [sflag:s30], $0x4000  }
0x6d: {  	s2 =	simm.s32 $0x40;
	s0 =	simm.s32 $0x20;
	[sflag:s30] =	ssyncset.done $0x0  }
.LBB2_4:
0x6e: {  	s6 =	sadd.s32 s0, s16  }
0x6f: {  	[sflag:s30] =	ssyncadd.s32 $0xFFFFC000;
	s7 =	smov.u32 s2;
	s5 =	sadd.s32 $0x20, s2  }
0x70: {  	[tilespmem:s3], [sflag:$0x5] =	stream.linear.gather [hbm4b:s6+s3], $0x80, $0x38;
	[tilespmem:$0x1E200] =	vst v63  }
0x71: {  	p0 =	sne.s32 s2, $0x9E0;
	_ =	swait.ge [sflag:s19], $0x80  }
0x72: {  	[sflag:s19] =	ssyncset.done $0x0  }
0x73: {  	[sflag:s19] =	ssyncadd.s32 $0xFFFFFF80  }
0x74: {  	[tilespmem:s21], [sflag:$0x1] =	stream.indirect.gather [hbm4b:s14+s20], $0x80, s3, s20, $0xb8;
	[tilespmem:$0x1E200] =	vst v63  }
0x75: {  	s2 =	sadd.s32 $0x10, s6  }
0x76: {  	[tilespmem:s20], [sflag:$0x5] =	stream.linear.gather [hbm4b:s2+s3], $0x80, $0x38;
	[tilespmem:$0x1E200] =	vst v63  }
0x77: {  	_ =	swait.ge [sflag:s19], $0x80  }
0x78: {  	[sflag:s19] =	ssyncset.done $0x0  }
0x79: {  	[sflag:s19] =	ssyncadd.s32 $0xFFFFFF80  }
0x7a: {  	[tilespmem:s22], [sflag:$0x2] =	stream.indirect.gather [hbm4b:s14+s20], $0x80, s20, s20, $0xb8;
	[tilespmem:$0x1E200] =	vst v63  }
0x7b: {  	s2 =	sadd.s32 s0, s17;
	s0 =	smov.u32 s7  }
0x7c: {  	[tilespmem:s23], [sflag:$0x5] =	stream.linear.gather [hbm4b:s2+s3], $0x80, $0x38;
	[tilespmem:$0x1E200] =	vst v63  }
0x7d: {  	_ =	swait.ge [sflag:s19], $0x80  }
0x7e: {  	[sflag:s19] =	ssyncset.done $0x0  }
0x7f: {  	s2 =	sadd.s32 $0x10, s2;
	[sflag:s19] =	ssyncadd.s32 $0xFFFFFF80  }
0x80: {  	[tilespmem:s25], [sflag:$0x5] =	stream.linear.gather [hbm4b:s2+s3], $0x80, $0x38;
	[tilespmem:$0x1E200] =	vst v63  }
0x81: {  	_ =	swait.ge [sflag:s19], $0x80  }
0x82: {  	[sflag:s19] =	ssyncset.done $0x0  }
0x83: {  	[sflag:s19] =	ssyncadd.s32 $0xFFFFFF80  }
0x84: {  	_ =	swait.ge [sflag:s26], $0x4000  }
0x85: {  	[sflag:s26] =	ssyncset.done $0x0  }
0x86: {  	[sflag:s26] =	ssyncadd.s32 $0xFFFFC000  }
0x87: {  	[spmem:s1] =	stream.indirect.scatter.add.f32 [tilespmem:s21], [sflag:$0x3], $0x80, s23, s20, $0xb8;
	[tilespmem:$0x1E200] =	vst v63  }
0x88: {  	_ =	swait.ge [sflag:s28], $0x4000  }
0x89: {  	[sflag:s28] =	ssyncset.done $0x0  }
0x8a: {  	[sflag:s28] =	ssyncadd.s32 $0xFFFFC000  }
0x8b: {  	[spmem:s1] =	stream.indirect.scatter.add.f32 [tilespmem:s22], [sflag:$0x4], $0x80, s25, s20, $0xb8;
	[tilespmem:$0x1E200] =	vst v63  }
.Ltmp1:
0x8c: {  	_ =	swait.ge [sflag:s29], $0x4000;
	(pc) =	sbr.rel @p0 .LBB2_4-.Ltmp1, $4  }
0x8d: {  	[sflag:s29] =	ssyncset.done $0x0  }
0x8e: {  	[sflag:s29] =	ssyncadd.s32 $0xFFFFC000  }
0x8f: {  	_ =	swait.ge [sflag:s30], $0x4000  }
0x90: {  	s2 =	smov.u32 s5;
	[sflag:s30] =	ssyncset.done $0x0  }
0x91: {  	s2 =	sadd.s32 s0, s16;
	[sflag:s30] =	ssyncadd.s32 $0xFFFFC000  }
0x92: {  	[tilespmem:s3], [sflag:$0x5] =	stream.linear.gather [hbm4b:s2+s3], $0x80, $0x38;
	[tilespmem:$0x1E200] =	vst v63  }
0x93: {  	_ =	swait.ge [sflag:s19], $0x80  }
0x94: {  	[sflag:s19] =	ssyncset.done $0x0  }
0x95: {  	[sflag:s19] =	ssyncadd.s32 $0xFFFFFF80  }
0x96: {  	[tilespmem:s21], [sflag:$0x1] =	stream.indirect.gather [hbm4b:s14+s20], $0x80, s3, s20, $0xb8;
	[tilespmem:$0x1E200] =	vst v63  }
0x97: {  	s2 =	sadd.s32 $0x10, s2  }
0x98: {  	[tilespmem:s20], [sflag:$0x5] =	stream.linear.gather [hbm4b:s2+s3], $0x80, $0x38;
	[tilespmem:$0x1E200] =	vst v63  }
0x99: {  	_ =	swait.ge [sflag:s19], $0x80  }
0x9a: {  	[sflag:s19] =	ssyncset.done $0x0  }
0x9b: {  	[sflag:s19] =	ssyncadd.s32 $0xFFFFFF80  }
0x9c: {  	[tilespmem:s22], [sflag:$0x2] =	stream.indirect.gather [hbm4b:s14+s20], $0x80, s20, s20, $0xb8;
	[tilespmem:$0x1E200] =	vst v63  }
0x9d: {  	s5 =	sadd.s32 s0, s17  }
0x9e: {  	[tilespmem:s23], [sflag:$0x5] =	stream.linear.gather [hbm4b:s5+s3], $0x80, $0x38;
	[tilespmem:$0x1E200] =	vst v63  }
0x9f: {  	_ =	swait.ge [sflag:s19], $0x80  }
0xa0: {  	[sflag:s19] =	ssyncset.done $0x0  }
0xa1: {  	s0 =	sadd.s32 $0x10, s5;
	[sflag:s19] =	ssyncadd.s32 $0xFFFFFF80  }
0xa2: {  	[tilespmem:s25], [sflag:$0x5] =	stream.linear.gather [hbm4b:s0+s3], $0x80, $0x38;
	[tilespmem:$0x1E200] =	vst v63  }
0xa3: {  	_ =	swait.ge [sflag:s19], $0x80  }
0xa4: {  	[sflag:s19] =	ssyncset.done $0x0  }
0xa5: {  	[sflag:s19] =	ssyncadd.s32 $0xFFFFFF80  }
0xa6: {  	_ =	swait.ge [sflag:s26], $0x4000  }
0xa7: {  	[sflag:s26] =	ssyncset.done $0x0  }
0xa8: {  	[sflag:s26] =	ssyncadd.s32 $0xFFFFC000  }
0xa9: {  	[spmem:s1] =	stream.indirect.scatter.add.f32 [tilespmem:s21], [sflag:$0x3], $0x80, s23, s20, $0xb8;
	[tilespmem:$0x1E200] =	vst v63  }
0xaa: {  	_ =	swait.ge [sflag:s28], $0x4000  }
0xab: {  	[sflag:s28] =	ssyncset.done $0x0  }
0xac: {  	[sflag:s28] =	ssyncadd.s32 $0xFFFFC000  }
0xad: {  	[spmem:s1] =	stream.indirect.scatter.add.f32 [tilespmem:s22], [sflag:$0x4], $0x80, s25, s20, $0xb8;
	[tilespmem:$0x1E200] =	vst v63  }
0xae: {  	_ =	swait.ge [sflag:s29], $0x4000  }
0xaf: {  	[sflag:s29] =	ssyncset.done $0x0  }
0xb0: {  	[sflag:s29] =	ssyncadd.s32 $0xFFFFC000  }
0xb1: {  	s6 =	stileid.u32;
	_ =	swait.ge [sflag:s30], $0x4000  }
0xb2: {  	s7 =	sshrl.u32 s4, $0x3;
	s31 =	sadd.s32 $0x1, s31;
	[sflag:s30] =	ssyncset.done $0x0  }
0xb3: {  	p0 =	sne.s32 s31, s15;
	s0 =	sshll.u32 s6, $0x6;
	[sflag:s30] =	ssyncadd.s32 $0xFFFFC000  }
.Ltmp2:
0xb4: {  	s0 =	sor.u32 $0x1C05, s0;
	[bflag:$0x0] =	sbarrier.arrive $0xFFFF;
	(pc) =	sbr.rel @p0 .LBB2_1-.Ltmp2, $4  }
0xb5: {  	[hbm:s24], [sflag:s0] =	dma.local [spmem:s7], $0x2800  }
0xb6: {  	_ =	swait.ge [sflag:s19], $0x2800  }
0xb7: {  	[sflag:s19] =	ssyncset.done $0x0  }
0xb8: {  	[sflag:s19] =	ssyncadd.s32 $0xFFFFD800  }
0xb9: {  	_ =	sfence.sel $0x180000  }
0xba: {  	[bflag:$0x0] =	sbarrier.arrive $0xFFFF  }
0xbb: {  	_ =	strace $0x9000004D  }
0xbc: {  	s0 =	stileid.u32;
	[bflag:$0x2] =	sbarrier.arrive $0xFFFF  }
0xbd: {  	p0 =	sne.s32 s0, $0x0;
	s0 =	rddreg [dreg:$0x2]  }
0xbe: {  	s0 =	sadd.s32 @!p0 $0x100000, s0  }
0xbf: {  	[sflag:s0] =	ssyncadd.tile.s32 @!p0 $0x1;
	_ =	shalt  }
.Lfunc_end2:
_tile_overlayer_lowered:
.L_overlay_start_2:
0xc0: {  	(tag) =	ssettag $0x2  }
0xc1: {  	s0 =	rddreg [dreg:$0x0];
	s2 =	stileid.u32  }
0xc2: {  	s1 =	rddreg [dreg:$0x1];
	p0 =	sne.s32 s2, $0x0  }
0xc3: {  	s3 =	rddreg [dreg:$0x2];
	[bflag:$0x3] =	sbarrier.arrive $0xFFFF;
	s2 =	simm.s32 @!p0 $0x1C05  }
0xc4: {  	[timem:s3], [sflag:s2] =	dma.local @!p0 [hbm:s0], s1  }
0xc5: {  	s0 =	simm.s32 @!p0 $0x5  }
0xc6: {  	_ =	swait.ge @!p0 [sflag:s0], s1  }
0xc7: {  	s1 =	ssub.s32 @!p0 $0x0, s1;
	[sflag:s0] =	ssyncset.done @!p0 $0x0  }
0xc8: {  	[sflag:s0] =	ssyncadd.s32 @!p0 s1  }
0xc9: {  	[bflag:$0x3] =	sbarrier.arrive $0xFFFF  }
0xca: {  	_ =	shalt  }

// kernel: kernel.21.cloned.1.call-start
scs
__scs_entry_jumppad:
0x0: {  	(pc) =	sbr.rel $0x88, $3  }
0x1: {  	(tag) =	ssettag $0x0;
	lr =	simm.s32 $0x1  }
0x2: {  	[smem:$0x3F8F] =	sst lr;
	_ =	strace $0xD0000000  }
0x3: {  	_ = 	snop  }
0x4: {  	_ = 	snop  }
0x5: {  	_ = 	snop  }
0x6: {  	_ = 	snop  }
0x7: {  	_ = 	snop  }
__scs_overlays_trampoline_lowered:
0x8: {  	[smem:$0x3F9E] =	sst s0  }
0x9: {  	[smem:$0x3F9F] =	sst s1  }
0xa: {  	[smem:$0x3FA0] =	sst s2  }
0xb: {  	[smem:$0x3FA1] =	sst s3  }
0xc: {  	[smem:$0x3FA2] =	sst s4  }
0xd: {  	[smem:$0x3FA3] =	sst s5  }
0xe: {  	[smem:$0x3FA4] =	sst s6  }
0xf: {  	[smem:$0x3FA5] =	sst s7  }
0x10: {  	[smem:$0x3FA6] =	sst s8  }
0x11: {  	[smem:$0x3FA7] =	sst s9;
	s0 =	simm.s32 @!p0 $0x0  }
0x12: {  	s1 =	sld [smem:$0x3F8D];
	s0 =	simm.s32 @p0 $0x1  }
0x13: {  	[smem:$0x3FA8] =	sst s0;
	s0 =	simm.s32 @!p1 $0x0  }
0x14: {  	s2 =	sld [smem:$0x3F8C];
	s0 =	simm.s32 @p1 $0x1  }
0x15: {  	[smem:$0x3FA9] =	sst s0;
	s0 =	simm.s32 @!p2 $0x0  }
0x16: {  	s3 =	sld [smem:$0x3FDB];
	s0 =	simm.s32 @p2 $0x1  }
0x17: {  	s4 =	simm.s32 $0x1BF5;
	[smem:$0x3FAB] =	sst s0  }
0x18: {  	s0 =	sld [smem:$0x3F8E];
	_ =	swait.ge [sflag:s4], $0x0  }
0x19: {  	s7 =	sld [smem:$0x3F8F]  }
0x1a: {  	s8 =	sadd.s32 $0xFFFFE003, lr  }
0x1b: {  	s9 =	sadd.s32 $0xFFFFFEF7, lr;
	s5 =	simm.s32 $0xFFFFFFFF;
	p2 =	slt.u32 s8, $0xFFFFF086  }
0x1c: {  	p1 =	slt.u32 s9, $0xF7A;
	s5 =	simm.s32 @!p2 $0x0  }
0x1d: {  	s5 =	simm.s32 @p1 $0x1;
	p0 =	seq.s32 s7, s2  }
0x1e: {  	s7 =	smul.u32 @!p0 $0xF7A, s2;
	p2 =	seq.s32 @!p0 s5, $0x0  }
0x1f: {  	s9 =	smul.u32 $0xF7A, s1;
	s8 =	simm.s32 @!p0 $0x1BF5;
	p2 =	por !p2, p0  }
0x20: {  	[sflag:s8] =	ssyncset.s32 @!p0 $0xFFFFF086;
	s6 =	sadd.s32 @!p0 s3, s7;
	s7 =	simm.s32 @!p0 $0x108  }
0x21: {  	s3 =	sadd.s32 s3, s9;
	s6 =	sadd.s32 @!p0 $0x88, s6;
	s7 =	simm.s32 @p2 $0x1082  }
0x22: {  	[simem:s7], [sflag:s8] =	dma.local @!p0 [hbm:s6], $0xF7A  }
0x23: {  	s9 =	sor.u32 $0xD0000000, s2;
	s6 =	simm.s32 $0x108;
	_ =	swait.ge @!p0 [sflag:s8], $0x0  }
0x24: {  	s3 =	sadd.s32 $0x88, s3;
	s6 =	simm.s32 @!p1 $0x1082;
	[sflag:s4] =	ssyncset.s32 $0xFFFFF086  }
0x25: {  	[simem:s6], [sflag:s4] =	dma.local [hbm:s3], $0xF7A  }
0x26: {  	[smem:$0x3F8F] =	sst s1;
	(tag) =	ssettag s2;
	_ =	strace s9  }
0x27: {  	s1 =	sld [smem:$0x3F9F]  }
0x28: {  	s2 =	sld [smem:$0x3FA0]  }
0x29: {  	s4 =	sld [smem:$0x3FA2]  }
0x2a: {  	p0 =	seq.s32 s5, $0x0;
	s5 =	sld [smem:$0x3FA3]  }
0x2b: {  	s6 =	sld [smem:$0x3FA4]  }
0x2c: {  	s7 =	sld [smem:$0x3FA5]  }
0x2d: {  	s3 =	simm.s32 $0x108;
	s8 =	sld [smem:$0x3FA6]  }
0x2e: {  	s3 =	simm.s32 @!p0 $0x1082;
	s9 =	sld [smem:$0x3FA7]  }
0x2f: {  	lr =	sadd.s32 s0, s3;
	s0 =	sld [smem:$0x3F9E]  }
0x30: {  	s3 =	sld [smem:$0x3FA1]  }
0x31: {  	[smem:$0x3FAA] =	sst s10  }
0x32: {  	s10 =	sld [smem:$0x3FA8];
	_ =	sdelay $0x3  }
0x33: {  	p0 =	seq.s32 s10, $0x1;
	s10 =	sld [smem:$0x3FAA];
	_ =	sdelay $0x3  }
0x34: {  	[smem:$0x3FAA] =	sst s10  }
0x35: {  	s10 =	sld [smem:$0x3FA9];
	_ =	sdelay $0x3  }
0x36: {  	p1 =	seq.s32 s10, $0x1;
	s10 =	sld [smem:$0x3FAA];
	_ =	sdelay $0x3  }
0x37: {  	[smem:$0x3FAA] =	sst s10  }
0x38: {  	s10 =	sld [smem:$0x3FAB]  }
0x39: {  	_ = 	snop;
	(pc) =	sbr.ind lr, $3  }
0x3a: {  	_ = 	snop  }
0x3b: {  	_ = 	snop  }
0x3c: {  	p2 =	seq.s32 s10, $0x1;
	s10 =	sld [smem:$0x3FAA]  }
0x3d: {  	_ =	shalt  }
0x3e: {  	_ =	shalt  }
0x3f: {  	_ =	shalt  }
0x40: {  	_ =	shalt  }
0x41: {  	_ =	shalt  }
0x42: {  	_ =	shalt  }
0x43: {  	_ =	shalt  }
0x44: {  	_ =	shalt  }
0x45: {  	_ =	shalt  }
0x46: {  	_ =	shalt  }
0x47: {  	_ =	shalt  }
0x48: {  	_ =	shalt  }
0x49: {  	_ =	shalt  }
0x4a: {  	_ =	shalt  }
0x4b: {  	_ =	shalt  }
0x4c: {  	_ =	shalt  }
0x4d: {  	_ =	shalt  }
0x4e: {  	_ =	shalt  }
0x4f: {  	_ =	shalt  }
0x50: {  	_ =	shalt  }
0x51: {  	_ =	shalt  }
0x52: {  	_ =	shalt  }
0x53: {  	_ =	shalt  }
0x54: {  	_ =	shalt  }
0x55: {  	_ =	shalt  }
0x56: {  	_ =	shalt  }
0x57: {  	_ =	shalt  }
0x58: {  	_ =	shalt  }
0x59: {  	_ =	shalt  }
0x5a: {  	_ =	shalt  }
0x5b: {  	_ =	shalt  }
0x5c: {  	_ =	shalt  }
0x5d: {  	_ =	shalt  }
0x5e: {  	_ =	shalt  }
0x5f: {  	_ =	shalt  }
0x60: {  	_ =	shalt  }
0x61: {  	_ =	shalt  }
0x62: {  	_ =	shalt  }
0x63: {  	_ =	shalt  }
0x64: {  	_ =	shalt  }
0x65: {  	_ =	shalt  }
0x66: {  	_ =	shalt  }
0x67: {  	_ =	shalt  }
0x68: {  	_ =	shalt  }
0x69: {  	_ =	shalt  }
0x6a: {  	_ =	shalt  }
0x6b: {  	_ =	shalt  }
0x6c: {  	_ =	shalt  }
0x6d: {  	_ =	shalt  }
0x6e: {  	_ =	shalt  }
0x6f: {  	_ =	shalt  }
0x70: {  	_ =	shalt  }
0x71: {  	_ =	shalt  }
0x72: {  	_ =	shalt  }
0x73: {  	_ =	shalt  }
0x74: {  	_ =	shalt  }
0x75: {  	_ =	shalt  }
0x76: {  	_ =	shalt  }
0x77: {  	_ =	shalt  }
0x78: {  	_ =	shalt  }
0x79: {  	_ =	shalt  }
0x7a: {  	_ =	shalt  }
0x7b: {  	_ =	shalt  }
0x7c: {  	_ =	shalt  }
0x7d: {  	_ =	shalt  }
0x7e: {  	_ =	shalt  }
0x7f: {  	_ =	shalt  }
0x80: {  	_ =	shalt  }
0x81: {  	_ =	shalt  }
0x82: {  	_ =	shalt  }
0x83: {  	_ =	shalt  }
0x84: {  	_ =	shalt  }
0x85: {  	_ =	shalt  }
0x86: {  	_ =	shalt  }
0x87: {  	_ =	shalt  }
.Lfunc_end0:
.L_simem_size_0:
called_computation.3_lowered:
.L_overlay_start_0:
0x88: {  	s2 =	sld [smem:$0x3FD9]  }
0x89: {  	s3 =	sld [smem:$0x3FFE];
	_ =	sdelay $0x1  }
0x8a: {  	s1 =	srdreg.scid  }
0x8b: {  	s0 =	sand.u32 $0x1, s1  }
0x8c: {  	s16 =	sshll.u32 s0, $0xA;
	s2 =	sadd.s32 s3, s2  }
0x8d: {  	s2 =	sadd.s32 s2, s16  }
0x8e: {  	[smem:$0x3FB6] =	sst s2  }
0x8f: {  	_ = 	snop  }
0x90: {  	(tm) =	ssettm $0x1  }
0x91: {  	s17 =	sld [smem:$0x3FFB];
	_ =	sdelay $0x3  }
0x92: {  	_ =	strace s17  }
0x93: {  	s2 =	sld [smem:$0x3FFC];
	_ =	sdelay $0x3  }
0x94: {  	_ =	strace s2  }
0x95: {  	s2 =	sld [smem:$0x3FFD];
	_ =	sdelay $0x3  }
0x96: {  	_ =	strace s2  }
0x97: {  	_ =	strace $0x8FFFFFFF  }
0x98: {  	s18 =	sld [smem:$0x3FDB];
	_ =	sdelay $0x1  }
0x99: {  	s19 =	simm.s32 $_scs_section_size  }
0x9a: {  	s4 =	simm.s32 $_size__tile_overlayer_lowered;
	s5 =	simm.s32 $_tile_overlayer_lowered  }
0x9b: {  	s22 =	simm.s32 $0x1BFF;
	s21 =	sshll.u32 s5, $0x1;
	s2 =	sadd.s32 s19, s18  }
0x9c: {  	s6 =	simm.s32 $0x0;
	s20 =	sshll.u32 s4, $0x1;
	s4 =	sadd.s32 s21, s2  }
0x9d: {  	[timem:s6], [sflag:s22] =	dma.local [hbm:s4], s20  }
0x9e: {  	_ =	swait.ge [sflag:s22], s20  }
0x9f: {  	s3 =	ssub.s32 $0x0, s20;
	[sflag:s22] =	ssyncset.done $0x0  }
0xa0: {  	[sflag:s22] =	ssyncadd.s32 s3;
	_ =	sdelay $0x1  }
0xa1: {  	s23 =	simm.s32 $0x1B8B  }
0xa2: {  	_ =	swait.ge [sflag:s23], $0x1  }
0xa3: {  	[sflag:s23] =	ssyncset.done $0x0  }
0xa4: {  	s25 =	simm.s32 $0x1B8E;
	s24 =	sld [smem:$0x3FFE];
	[sflag:s23] =	ssyncadd.s32 $0xFFFFFFFF  }
0xa5: {  	s26 =	simm.s32 $execute0_lowered;
	[smem:$0x3FD2] =	sst s25  }
0xa6: {  	s4 =	sshll.u32 s26, $0x1;
	_ =	strace $0x8000004F;
	[dreg:$0x1] =	wrdreg $0xFFFFFFFF  }
0xa7: {  	s28 =	simm.s32 $_size_execute0_lowered;
	s2 =	sadd.s32 s2, s4;
	[dreg:$0x0] =	wrdreg $0x0  }
0xa8: {  	s4 =	sshll.u32 s28, $0x1;
	[dreg:$0x2] =	wrdreg s2  }
0xa9: {  	[dreg:$0x3] =	wrdreg s4  }
0xaa: {  	[dreg:$0x4] =	wrdreg $0xC0  }
0xab: {  	_ =	task [dreg:s6], $0x5FFFF  }
0xac: {  	[dreg:$0x1] =	wrdreg $0xFFFFFFFF  }
0xad: {  	[dreg:$0x0] =	wrdreg $0x60  }
0xae: {  	[dreg:$0x2] =	wrdreg s24  }
0xaf: {  	[dreg:$0x3] =	wrdreg $0xA2000  }
0xb0: {  	[dreg:$0x4] =	wrdreg $0x9  }
0xb1: {  	_ =	task.clear_ibuf [dreg:s6], $0x5FFFF;
	_ =	strace $0x9000004F  }
0xb2: {  	s29 =	simm.s32 $0x9;
	_ =	strace $0x80000051  }
0xb3: {  	_ =	swait.ge [sflag:s29], $0x1  }
0xb4: {  	[sflag:s29] =	ssyncadd.s32 $0xFFFFFFFF  }
0xb5: {  	_ =	strace $0x90000051  }
0xb6: {  	_ =	sfence  }
0xb7: {  	s30 =	sld [smem:$0x0];
	_ =	sdelay $0x2  }
0xb8: {  	s31 =	sshll.u32 s1, $0xD;
	s1 =	sshrl.u32 s1, $0x2  }
0xb9: {  	s3 =	sand.u32 $0x4000, s31;
	s1 =	sadd.s32 s1, s30  }
0xba: {  	s0 =	sor.u32 s3, s0;
	s1 =	sshll.u32 s1, $0x11  }
0xbb: {  	s0 =	sor.u32 s1, s0  }
0xbc: {  	s0 =	sadd.s32 $0x8F2B, s0  }
0xbd: {  	[sflag:s0] =	ssyncadd.remote.s32 $0x1  }
0xbe: {  	_ =	sfence.sel $0xFFFF  }
0xbf: {  	[dreg:$0x0] =	wrdreg $0xFFFFFFFF;
	(pc) =	sbr.abs _section_cstart, $3  }
0xc0: {  	[dreg:$0x1] =	wrdreg $0xFFFFFFFF  }
0xc1: {  	_ =	task.clear_ibuf [dreg:s6], $0x2FFFF;
	_ =	strace $0x9FFFFFFF  }
0xc2: {  	(tm) =	ssettm $0x7FFFFFFF  }
0xc3: {  	_ =	shalt  }
tec
execute0_lowered:
.L_overlay_start_1:
0x0: {  	(tag) =	ssettag $0x1  }
0x1: {  	s0 =	rddreg [dreg:$0x0]  }
0x2: {  	s1 =	rddreg [dreg:$0x1];
	s2 =	srdreg.scid  }
0x3: {  	s3 =	simm.s32 $0x0;
	s15 =	stileid.u32;
	s18 =	simm.s32 $0x8200  }
0x4: {  	s19 =	simm.s32 $0x5;
	s20 =	simm.s32 $0x80;
	s21 =	simm.s32 $0x200  }
0x5: {  	s22 =	simm.s32 $0x4200;
	s28 =	simm.s32 $0x2;
	s5 =	smul.u32 $0x50000, s15  }
0x6: {  	s29 =	simm.s32 $0x3;
	s30 =	simm.s32 $0x4;
	s23 =	smul.u32 $0xA00, s15  }
0x7: {  	s2 =	sand.u32 $0x1, s2;
	[smem:$0x7FF] =	sst s3;
	s26 =	smul.u32 $0x2800, s15  }
0x8: {  	s31 =	simm.s32 $0x0;
	s4 =	smul.u32 $0x27100, s2;
	_ =	strace $0x80000050  }
0x9: {  	s6 =	smul.u32 $0x28000, s2;
	s2 =	ssub.s32 $0x2, s2;
	s5 =	sshrl.u32 s5, $0x2  }
0xa: {  	s17 =	sadd.s32 s23, s0;
	s7 =	sshrl.u32 s2, $0x1;
	s23 =	simm.s32 $0x100  }
0xb: {  	s14 =	sadd.s32 s4, s0;
	s4 =	sadd.s32 s5, s1;
	s0 =	sadd.s32 s6, s0  }
0xc: {  	s2 =	ssub.s32 s2, s7;
	s16 =	sadd.s32 $0xE400, s17;
	s17 =	sadd.s32 $0x18400, s17  }
0xd: {  	s5 =	sadd.s32 $0x2000, s4;
	s24 =	sadd.s32 $0x4000, s4;
	s25 =	sadd.s32 $0x6000, s4  }
0xe: {  	s8 =	sadd.s32 $0x8000, s4;
	s9 =	sadd.s32 $0xA000, s4;
	s10 =	sadd.s32 $0xC000, s4  }
0xf: {  	s11 =	sadd.s32 $0xE000, s4;
	s12 =	sadd.s32 $0x10000, s4;
	[dreg:$0x3] =	wrdreg s5  }
0x10: {  	s13 =	sadd.s32 $0x12000, s4;
	s14 =	sadd.s32 $0x22400, s14;
	[dreg:$0x4] =	wrdreg s24  }
0x11: {  	s0 =	sadd.s32 $0x70600, s0;
	s15 =	smax.u32 s2, $0x1;
	[dreg:$0x5] =	wrdreg s25  }
0x12: {  	v0 =	vimm.f32 $0.0e+00;
	s24 =	sadd.s32 s26, s0;
	s25 =	simm.s32 $0x180;
	s26 =	simm.s32 $0x1  }
.LBB2_1:
0x13: {  	s0 =	simm.s32 $0x0;
	s2 =	simm.s32 $0x200  }
.LBB2_2:
0x14: {  	p0 =	sne.s32 s2, $0x7E00;
	[tilespmem:s0+$0x8270] =	vst v0  }
0x15: {  	[tilespmem:s0+$0x8200] =	vst v0  }
0x16: {  	[tilespmem:s0+$0x8210] =	vst v0  }
.Ltmp0:
0x17: {  	[tilespmem:s0+$0x8220] =	vst v0;
	(pc) =	sbr.rel @p0 .LBB2_2-.Ltmp0, $4  }
0x18: {  	[tilespmem:s0+$0x8230] =	vst v0  }
0x19: {  	[tilespmem:s0+$0x8240] =	vst v0  }
0x1a: {  	[tilespmem:s0+$0x8250] =	vst v0  }
0x1b: {  	[tilespmem:s0+$0x8260] =	vst v0;
	s0 =	sshra.s32 s2, $0x2;
	s2 =	sadd.s32 $0x200, s2  }
0x1c: {  	[tilespmem:s0+$0x8270] =	vst v0  }
0x1d: {  	[tilespmem:s0+$0x8200] =	vst v0  }
0x1e: {  	[tilespmem:s0+$0x8210] =	vst v0  }
0x1f: {  	[tilespmem:s0+$0x8220] =	vst v0  }
0x20: {  	[tilespmem:s0+$0x8230] =	vst v0  }
0x21: {  	[tilespmem:s0+$0x8240] =	vst v0  }
0x22: {  	[tilespmem:s0+$0x8250] =	vst v0  }
0x23: {  	[tilespmem:s0+$0x8260] =	vst v0  }
0x24: {  	[spmem:s4] =	stream.linear.scatter [tilespmem:s18], [sflag:$0x5], $0x2000, $0x38;
	[tilespmem:$0x1E200] =	vst v63  }
0x25: {  	_ =	swait.ge [sflag:s19], $0x2000  }
0x26: {  	[sflag:s19] =	ssyncset.done $0x0  }
0x27: {  	s7 =	rddreg [dreg:$0x3];
	[sflag:s19] =	ssyncadd.s32 $0xFFFFE000  }
0x28: {  	[spmem:s7] =	stream.linear.scatter [tilespmem:s18], [sflag:$0x5], $0x2000, $0x38;
	[tilespmem:$0x1E200] =	vst v63  }
0x29: {  	_ =	swait.ge [sflag:s19], $0x2000  }
0x2a: {  	[sflag:s19] =	ssyncset.done $0x0  }
0x2b: {  	s2 =	rddreg [dreg:$0x4];
	[sflag:s19] =	ssyncadd.s32 $0xFFFFE000  }
0x2c: {  	[spmem:s2] =	stream.linear.scatter [tilespmem:s18], [sflag:$0x5], $0x2000, $0x38;
	[tilespmem:$0x1E200] =	vst v63  }
0x2d: {  	_ =	swait.ge [sflag:s19], $0x2000  }
0x2e: {  	[sflag:s19] =	ssyncset.done $0x0  }
0x2f: {  	s5 =	rddreg [dreg:$0x5];
	[sflag:s19] =	ssyncadd.s32 $0xFFFFE000  }
0x30: {  	[spmem:s5] =	stream.linear.scatter [tilespmem:s18], [sflag:$0x5], $0x2000, $0x38;
	[tilespmem:$0x1E200] =	vst v63  }
0x31: {  	_ =	swait.ge [sflag:s19], $0x2000  }
0x32: {  	[sflag:s19] =	ssyncset.done $0x0  }
0x33: {  	[sflag:s19] =	ssyncadd.s32 $0xFFFFE000  }
0x34: {  	[spmem:s8] =	stream.linear.scatter [tilespmem:s18], [sflag:$0x5], $0x2000, $0x38;
	[tilespmem:$0x1E200] =	vst v63  }
0x35: {  	_ =	swait.ge [sflag:s19], $0x2000  }
0x36: {  	[sflag:s19] =	ssyncset.done $0x0  }
0x37: {  	[sflag:s19] =	ssyncadd.s32 $0xFFFFE000  }
0x38: {  	[spmem:s9] =	stream.linear.scatter [tilespmem:s18], [sflag:$0x5], $0x2000, $0x38;
	[tilespmem:$0x1E200] =	vst v63  }
0x39: {  	_ =	swait.ge [sflag:s19], $0x2000  }
0x3a: {  	[sflag:s19] =	ssyncset.done $0x0  }
0x3b: {  	[sflag:s19] =	ssyncadd.s32 $0xFFFFE000  }
0x3c: {  	[spmem:s10] =	stream.linear.scatter [tilespmem:s18], [sflag:$0x5], $0x2000, $0x38;
	[tilespmem:$0x1E200] =	vst v63  }
0x3d: {  	_ =	swait.ge [sflag:s19], $0x2000  }
0x3e: {  	[sflag:s19] =	ssyncset.done $0x0  }
0x3f: {  	[sflag:s19] =	ssyncadd.s32 $0xFFFFE000  }
0x40: {  	[spmem:s11] =	stream.linear.scatter [tilespmem:s18], [sflag:$0x5], $0x2000, $0x38;
	[tilespmem:$0x1E200] =	vst v63  }
0x41: {  	_ =	swait.ge [sflag:s19], $0x2000  }
0x42: {  	[sflag:s19] =	ssyncset.done $0x0  }
0x43: {  	[sflag:s19] =	ssyncadd.s32 $0xFFFFE000  }
0x44: {  	[spmem:s12] =	stream.linear.scatter [tilespmem:s18], [sflag:$0x5], $0x2000, $0x38;
	[tilespmem:$0x1E200] =	vst v63  }
0x45: {  	_ =	swait.ge [sflag:s19], $0x2000  }
0x46: {  	[sflag:s19] =	ssyncset.done $0x0  }
0x47: {  	[sflag:s19] =	ssyncadd.s32 $0xFFFFE000  }
0x48: {  	[spmem:s13] =	stream.linear.scatter [tilespmem:s18], [sflag:$0x5], $0x2000, $0x38;
	[tilespmem:$0x1E200] =	vst v63  }
0x49: {  	_ =	swait.ge [sflag:s19], $0x2000  }
0x4a: {  	[sflag:s19] =	ssyncset.done $0x0  }
0x4b: {  	[sflag:s19] =	ssyncadd.s32 $0xFFFFE000  }
0x4c: {  	s6 =	sadd.s32 $0x0, s16;
	[bflag:$0x0] =	sbarrier.arrive $0xFFFF  }
0x4d: {  	[tilespmem:s3], [sflag:$0x5] =	stream.linear.gather [hbm4b:s6+s3], $0x80, $0x38;
	[tilespmem:$0x1E200] =	vst v63  }
0x4e: {  	_ =	swait.ge [sflag:s19], $0x80  }
0x4f: {  	[sflag:s19] =	ssyncset.done $0x0  }
0x50: {  	[sflag:s19] =	ssyncadd.s32 $0xFFFFFF80  }
0x51: {  	[tilespmem:s21], [sflag:$0x1] =	stream.indirect.gather [hbm4b:s14+s20], $0x80, s3, s20, $0xb8;
	[tilespmem:$0x1E200] =	vst v63  }
0x52: {  	s0 =	sadd.s32 $0x10, s6  }
0x53: {  	[tilespmem:s20], [sflag:$0x5] =	stream.linear.gather [hbm4b:s0+s3], $0x80, $0x38;
	[tilespmem:$0x1E200] =	vst v63  }
0x54: {  	_ =	swait.ge [sflag:s19], $0x80  }
0x55: {  	[sflag:s19] =	ssyncset.done $0x0  }
0x56: {  	[sflag:s19] =	ssyncadd.s32 $0xFFFFFF80  }
0x57: {  	[tilespmem:s22], [sflag:$0x2] =	stream.indirect.gather [hbm4b:s14+s20], $0x80, s20, s20, $0xb8;
	[tilespmem:$0x1E200] =	vst v63  }
0x58: {  	s7 =	sadd.s32 $0x0, s17  }
0x59: {  	[tilespmem:s23], [sflag:$0x5] =	stream.linear.gather [hbm4b:s7+s3], $0x80, $0x38;
	[tilespmem:$0x1E200] =	vst v63  }
0x5a: {  	_ =	swait.ge [sflag:s19], $0x80  }
0x5b: {  	[sflag:s19] =	ssyncset.done $0x0  }
0x5c: {  	s0 =	sadd.s32 $0x10, s7;
	[sflag:s19] =	ssyncadd.s32 $0xFFFFFF80  }
0x5d: {  	[tilespmem:s25], [sflag:$0x5] =	stream.linear.gather [hbm4b:s0+s3], $0x80, $0x38;
	[tilespmem:$0x1E200] =	vst v63  }
0x5e: {  	_ =	swait.ge [sflag:s19], $0x80  }
0x5f: {  	[sflag:s19] =	ssyncset.done $0x0  }
0x60: {  	[sflag:s19] =	ssyncadd.s32 $0xFFFFFF80  }
0x61: {  	_ =	swait.ge [sflag:s26], $0x4000  }
0x62: {  	[sflag:s26] =	ssyncset.done $0x0  }
0x63: {  	[sflag:s26] =	ssyncadd.s32 $0xFFFFC000  }
0x64: {  	[spmem:s1] =	stream.indirect.scatter.add.f32 [tilespmem:s21], [sflag:$0x3], $0x80, s23, s20, $0xb8;
	[tilespmem:$0x1E200] =	vst v63  }
0x65: {  	_ =	swait.ge [sflag:s28], $0x4000  }
0x66: {  	[sflag:s28] =	ssyncset.done $0x0  }
0x67: {  	[sflag:s28] =	ssyncadd.s32 $0xFFFFC000  }
0x68: {  	[spmem:s1] =	stream.indirect.scatter.add.f32 [tilespmem:s22], [sflag:$0x4], $0x80, s25, s20, $0xb8;
	[tilespmem:$0x1E200] =	vst v63  }
0x69: {  	_ =	swait.ge [sflag:s29], $0x4000  }
0x6a: {  	[sflag:s29] =	ssyncset.done $0x0  }
0x6b: {  	[sflag:s29] =	ssyncadd.s32 $0xFFFFC000  }
0x6c: {  	_ =	swait.ge [sflag:s30], $0x4000  }
0x6d: {  	s2 =	simm.s32 $0x40;
	s0 =	simm.s32 $0x20;
	[sflag:s30] =	ssyncset.done $0x0  }
.LBB2_4:
0x6e: {  	s6 =	sadd.s32 s0, s16  }
0x6f: {  	[sflag:s30] =	ssyncadd.s32 $0xFFFFC000;
	s7 =	smov.u32 s2;
	s5 =	sadd.s32 $0x20, s2  }
0x70: {  	[tilespmem:s3], [sflag:$0x5] =	stream.linear.gather [hbm4b:s6+s3], $0x80, $0x38;
	[tilespmem:$0x1E200] =	vst v63  }
0x71: {  	p0 =	sne.s32 s2, $0x9E0;
	_ =	swait.ge [sflag:s19], $0x80  }
0x72: {  	[sflag:s19] =	ssyncset.done $0x0  }
0x73: {  	[sflag:s19] =	ssyncadd.s32 $0xFFFFFF80  }
0x74: {  	[tilespmem:s21], [sflag:$0x1] =	stream.indirect.gather [hbm4b:s14+s20], $0x80, s3, s20, $0xb8;
	[tilespmem:$0x1E200] =	vst v63  }
0x75: {  	s2 =	sadd.s32 $0x10, s6  }
0x76: {  	[tilespmem:s20], [sflag:$0x5] =	stream.linear.gather [hbm4b:s2+s3], $0x80, $0x38;
	[tilespmem:$0x1E200] =	vst v63  }
0x77: {  	_ =	swait.ge [sflag:s19], $0x80  }
0x78: {  	[sflag:s19] =	ssyncset.done $0x0  }
0x79: {  	[sflag:s19] =	ssyncadd.s32 $0xFFFFFF80  }
0x7a: {  	[tilespmem:s22], [sflag:$0x2] =	stream.indirect.gather [hbm4b:s14+s20], $0x80, s20, s20, $0xb8;
	[tilespmem:$0x1E200] =	vst v63  }
0x7b: {  	s2 =	sadd.s32 s0, s17;
	s0 =	smov.u32 s7  }
0x7c: {  	[tilespmem:s23], [sflag:$0x5] =	stream.linear.gather [hbm4b:s2+s3], $0x80, $0x38;
	[tilespmem:$0x1E200] =	vst v63  }
0x7d: {  	_ =	swait.ge [sflag:s19], $0x80  }
0x7e: {  	[sflag:s19] =	ssyncset.done $0x0  }
0x7f: {  	s2 =	sadd.s32 $0x10, s2;
	[sflag:s19] =	ssyncadd.s32 $0xFFFFFF80  }
0x80: {  	[tilespmem:s25], [sflag:$0x5] =	stream.linear.gather [hbm4b:s2+s3], $0x80, $0x38;
	[tilespmem:$0x1E200] =	vst v63  }
0x81: {  	_ =	swait.ge [sflag:s19], $0x80  }
0x82: {  	[sflag:s19] =	ssyncset.done $0x0  }
0x83: {  	[sflag:s19] =	ssyncadd.s32 $0xFFFFFF80  }
0x84: {  	_ =	swait.ge [sflag:s26], $0x4000  }
0x85: {  	[sflag:s26] =	ssyncset.done $0x0  }
0x86: {  	[sflag:s26] =	ssyncadd.s32 $0xFFFFC000  }
0x87: {  	[spmem:s1] =	stream.indirect.scatter.add.f32 [tilespmem:s21], [sflag:$0x3], $0x80, s23, s20, $0xb8;
	[tilespmem:$0x1E200] =	vst v63  }
0x88: {  	_ =	swait.ge [sflag:s28], $0x4000  }
0x89: {  	[sflag:s28] =	ssyncset.done $0x0  }
0x8a: {  	[sflag:s28] =	ssyncadd.s32 $0xFFFFC000  }
0x8b: {  	[spmem:s1] =	stream.indirect.scatter.add.f32 [tilespmem:s22], [sflag:$0x4], $0x80, s25, s20, $0xb8;
	[tilespmem:$0x1E200] =	vst v63  }
.Ltmp1:
0x8c: {  	_ =	swait.ge [sflag:s29], $0x4000;
	(pc) =	sbr.rel @p0 .LBB2_4-.Ltmp1, $4  }
0x8d: {  	[sflag:s29] =	ssyncset.done $0x0  }
0x8e: {  	[sflag:s29] =	ssyncadd.s32 $0xFFFFC000  }
0x8f: {  	_ =	swait.ge [sflag:s30], $0x4000  }
0x90: {  	s2 =	smov.u32 s5;
	[sflag:s30] =	ssyncset.done $0x0  }
0x91: {  	s2 =	sadd.s32 s0, s16;
	[sflag:s30] =	ssyncadd.s32 $0xFFFFC000  }
0x92: {  	[tilespmem:s3], [sflag:$0x5] =	stream.linear.gather [hbm4b:s2+s3], $0x80, $0x38;
	[tilespmem:$0x1E200] =	vst v63  }
0x93: {  	_ =	swait.ge [sflag:s19], $0x80  }
0x94: {  	[sflag:s19] =	ssyncset.done $0x0  }
0x95: {  	[sflag:s19] =	ssyncadd.s32 $0xFFFFFF80  }
0x96: {  	[tilespmem:s21], [sflag:$0x1] =	stream.indirect.gather [hbm4b:s14+s20], $0x80, s3, s20, $0xb8;
	[tilespmem:$0x1E200] =	vst v63  }
0x97: {  	s2 =	sadd.s32 $0x10, s2  }
0x98: {  	[tilespmem:s20], [sflag:$0x5] =	stream.linear.gather [hbm4b:s2+s3], $0x80, $0x38;
	[tilespmem:$0x1E200] =	vst v63  }
0x99: {  	_ =	swait.ge [sflag:s19], $0x80  }
0x9a: {  	[sflag:s19] =	ssyncset.done $0x0  }
0x9b: {  	[sflag:s19] =	ssyncadd.s32 $0xFFFFFF80  }
0x9c: {  	[tilespmem:s22], [sflag:$0x2] =	stream.indirect.gather [hbm4b:s14+s20], $0x80, s20, s20, $0xb8;
	[tilespmem:$0x1E200] =	vst v63  }
0x9d: {  	s5 =	sadd.s32 s0, s17  }
0x9e: {  	[tilespmem:s23], [sflag:$0x5] =	stream.linear.gather [hbm4b:s5+s3], $0x80, $0x38;
	[tilespmem:$0x1E200] =	vst v63  }
0x9f: {  	_ =	swait.ge [sflag:s19], $0x80  }
0xa0: {  	[sflag:s19] =	ssyncset.done $0x0  }
0xa1: {  	s0 =	sadd.s32 $0x10, s5;
	[sflag:s19] =	ssyncadd.s32 $0xFFFFFF80  }
0xa2: {  	[tilespmem:s25], [sflag:$0x5] =	stream.linear.gather [hbm4b:s0+s3], $0x80, $0x38;
	[tilespmem:$0x1E200] =	vst v63  }
0xa3: {  	_ =	swait.ge [sflag:s19], $0x80  }
0xa4: {  	[sflag:s19] =	ssyncset.done $0x0  }
0xa5: {  	[sflag:s19] =	ssyncadd.s32 $0xFFFFFF80  }
0xa6: {  	_ =	swait.ge [sflag:s26], $0x4000  }
0xa7: {  	[sflag:s26] =	ssyncset.done $0x0  }
0xa8: {  	[sflag:s26] =	ssyncadd.s32 $0xFFFFC000  }
0xa9: {  	[spmem:s1] =	stream.indirect.scatter.add.f32 [tilespmem:s21], [sflag:$0x3], $0x80, s23, s20, $0xb8;
	[tilespmem:$0x1E200] =	vst v63  }
0xaa: {  	_ =	swait.ge [sflag:s28], $0x4000  }
0xab: {  	[sflag:s28] =	ssyncset.done $0x0  }
0xac: {  	[sflag:s28] =	ssyncadd.s32 $0xFFFFC000  }
0xad: {  	[spmem:s1] =	stream.indirect.scatter.add.f32 [tilespmem:s22], [sflag:$0x4], $0x80, s25, s20, $0xb8;
	[tilespmem:$0x1E200] =	vst v63  }
0xae: {  	_ =	swait.ge [sflag:s29], $0x4000  }
0xaf: {  	[sflag:s29] =	ssyncset.done $0x0  }
0xb0: {  	[sflag:s29] =	ssyncadd.s32 $0xFFFFC000  }
0xb1: {  	s6 =	stileid.u32;
	_ =	swait.ge [sflag:s30], $0x4000  }
0xb2: {  	s7 =	sshrl.u32 s4, $0x3;
	s31 =	sadd.s32 $0x1, s31;
	[sflag:s30] =	ssyncset.done $0x0  }
0xb3: {  	p0 =	sne.s32 s31, s15;
	s0 =	sshll.u32 s6, $0x6;
	[sflag:s30] =	ssyncadd.s32 $0xFFFFC000  }
.Ltmp2:
0xb4: {  	s0 =	sor.u32 $0x1C05, s0;
	[bflag:$0x0] =	sbarrier.arrive $0xFFFF;
	(pc) =	sbr.rel @p0 .LBB2_1-.Ltmp2, $4  }
0xb5: {  	[hbm:s24], [sflag:s0] =	dma.local [spmem:s7], $0x2800  }
0xb6: {  	_ =	swait.ge [sflag:s19], $0x2800  }
0xb7: {  	[sflag:s19] =	ssyncset.done $0x0  }
0xb8: {  	[sflag:s19] =	ssyncadd.s32 $0xFFFFD800  }
0xb9: {  	_ =	sfence.sel $0x180000  }
0xba: {  	[bflag:$0x0] =	sbarrier.arrive $0xFFFF  }
0xbb: {  	_ =	strace $0x90000050  }
0xbc: {  	s0 =	stileid.u32;
	[bflag:$0x2] =	sbarrier.arrive $0xFFFF  }
0xbd: {  	p0 =	sne.s32 s0, $0x0;
	s0 =	rddreg [dreg:$0x2]  }
0xbe: {  	s0 =	sadd.s32 @!p0 $0x100000, s0  }
0xbf: {  	[sflag:s0] =	ssyncadd.tile.s32 @!p0 $0x1;
	_ =	shalt  }
.Lfunc_end2:
_tile_overlayer_lowered:
.L_overlay_start_2:
0xc0: {  	(tag) =	ssettag $0x2  }
0xc1: {  	s0 =	rddreg [dreg:$0x0];
	s2 =	stileid.u32  }
0xc2: {  	s1 =	rddreg [dreg:$0x1];
	p0 =	sne.s32 s2, $0x0  }
0xc3: {  	s3 =	rddreg [dreg:$0x2];
	[bflag:$0x3] =	sbarrier.arrive $0xFFFF;
	s2 =	simm.s32 @!p0 $0x1C05  }
0xc4: {  	[timem:s3], [sflag:s2] =	dma.local @!p0 [hbm:s0], s1  }
0xc5: {  	s0 =	simm.s32 @!p0 $0x5  }
0xc6: {  	_ =	swait.ge @!p0 [sflag:s0], s1  }
0xc7: {  	s1 =	ssub.s32 @!p0 $0x0, s1;
	[sflag:s0] =	ssyncset.done @!p0 $0x0  }
0xc8: {  	[sflag:s0] =	ssyncadd.s32 @!p0 s1  }
0xc9: {  	[bflag:$0x3] =	sbarrier.arrive $0xFFFF  }
0xca: {  	_ =	shalt  }

// kernel: kernel.24.cloned.1.call-start
scs
__scs_entry_jumppad:
0x0: {  	(pc) =	sbr.rel $0x88, $3  }
0x1: {  	(tag) =	ssettag $0x0;
	lr =	simm.s32 $0x1  }
0x2: {  	[smem:$0x3F8F] =	sst lr;
	_ =	strace $0xD0000000  }
0x3: {  	_ = 	snop  }
0x4: {  	_ = 	snop  }
0x5: {  	_ = 	snop  }
0x6: {  	_ = 	snop  }
0x7: {  	_ = 	snop  }
__scs_overlays_trampoline_lowered:
0x8: {  	[smem:$0x3F9E] =	sst s0  }
0x9: {  	[smem:$0x3F9F] =	sst s1  }
0xa: {  	[smem:$0x3FA0] =	sst s2  }
0xb: {  	[smem:$0x3FA1] =	sst s3  }
0xc: {  	[smem:$0x3FA2] =	sst s4  }
0xd: {  	[smem:$0x3FA3] =	sst s5  }
0xe: {  	[smem:$0x3FA4] =	sst s6  }
0xf: {  	[smem:$0x3FA5] =	sst s7  }
0x10: {  	[smem:$0x3FA6] =	sst s8  }
0x11: {  	[smem:$0x3FA7] =	sst s9;
	s0 =	simm.s32 @!p0 $0x0  }
0x12: {  	s1 =	sld [smem:$0x3F8D];
	s0 =	simm.s32 @p0 $0x1  }
0x13: {  	[smem:$0x3FA8] =	sst s0;
	s0 =	simm.s32 @!p1 $0x0  }
0x14: {  	s2 =	sld [smem:$0x3F8C];
	s0 =	simm.s32 @p1 $0x1  }
0x15: {  	[smem:$0x3FA9] =	sst s0;
	s0 =	simm.s32 @!p2 $0x0  }
0x16: {  	s3 =	sld [smem:$0x3FDB];
	s0 =	simm.s32 @p2 $0x1  }
0x17: {  	s4 =	simm.s32 $0x1BF5;
	[smem:$0x3FAB] =	sst s0  }
0x18: {  	s0 =	sld [smem:$0x3F8E];
	_ =	swait.ge [sflag:s4], $0x0  }
0x19: {  	s7 =	sld [smem:$0x3F8F]  }
0x1a: {  	s8 =	sadd.s32 $0xFFFFE003, lr  }
0x1b: {  	s9 =	sadd.s32 $0xFFFFFEF7, lr;
	s5 =	simm.s32 $0xFFFFFFFF;
	p2 =	slt.u32 s8, $0xFFFFF086  }
0x1c: {  	p1 =	slt.u32 s9, $0xF7A;
	s5 =	simm.s32 @!p2 $0x0  }
0x1d: {  	s5 =	simm.s32 @p1 $0x1;
	p0 =	seq.s32 s7, s2  }
0x1e: {  	s7 =	smul.u32 @!p0 $0xF7A, s2;
	p2 =	seq.s32 @!p0 s5, $0x0  }
0x1f: {  	s9 =	smul.u32 $0xF7A, s1;
	s8 =	simm.s32 @!p0 $0x1BF5;
	p2 =	por !p2, p0  }
0x20: {  	[sflag:s8] =	ssyncset.s32 @!p0 $0xFFFFF086;
	s6 =	sadd.s32 @!p0 s3, s7;
	s7 =	simm.s32 @!p0 $0x108  }
0x21: {  	s3 =	sadd.s32 s3, s9;
	s6 =	sadd.s32 @!p0 $0x88, s6;
	s7 =	simm.s32 @p2 $0x1082  }
0x22: {  	[simem:s7], [sflag:s8] =	dma.local @!p0 [hbm:s6], $0xF7A  }
0x23: {  	s9 =	sor.u32 $0xD0000000, s2;
	s6 =	simm.s32 $0x108;
	_ =	swait.ge @!p0 [sflag:s8], $0x0  }
0x24: {  	s3 =	sadd.s32 $0x88, s3;
	s6 =	simm.s32 @!p1 $0x1082;
	[sflag:s4] =	ssyncset.s32 $0xFFFFF086  }
0x25: {  	[simem:s6], [sflag:s4] =	dma.local [hbm:s3], $0xF7A  }
0x26: {  	[smem:$0x3F8F] =	sst s1;
	(tag) =	ssettag s2;
	_ =	strace s9  }
0x27: {  	s1 =	sld [smem:$0x3F9F]  }
0x28: {  	s2 =	sld [smem:$0x3FA0]  }
0x29: {  	s4 =	sld [smem:$0x3FA2]  }
0x2a: {  	p0 =	seq.s32 s5, $0x0;
	s5 =	sld [smem:$0x3FA3]  }
0x2b: {  	s6 =	sld [smem:$0x3FA4]  }
0x2c: {  	s7 =	sld [smem:$0x3FA5]  }
0x2d: {  	s3 =	simm.s32 $0x108;
	s8 =	sld [smem:$0x3FA6]  }
0x2e: {  	s3 =	simm.s32 @!p0 $0x1082;
	s9 =	sld [smem:$0x3FA7]  }
0x2f: {  	lr =	sadd.s32 s0, s3;
	s0 =	sld [smem:$0x3F9E]  }
0x30: {  	s3 =	sld [smem:$0x3FA1]  }
0x31: {  	[smem:$0x3FAA] =	sst s10  }
0x32: {  	s10 =	sld [smem:$0x3FA8];
	_ =	sdelay $0x3  }
0x33: {  	p0 =	seq.s32 s10, $0x1;
	s10 =	sld [smem:$0x3FAA];
	_ =	sdelay $0x3  }
0x34: {  	[smem:$0x3FAA] =	sst s10  }
0x35: {  	s10 =	sld [smem:$0x3FA9];
	_ =	sdelay $0x3  }
0x36: {  	p1 =	seq.s32 s10, $0x1;
	s10 =	sld [smem:$0x3FAA];
	_ =	sdelay $0x3  }
0x37: {  	[smem:$0x3FAA] =	sst s10  }
0x38: {  	s10 =	sld [smem:$0x3FAB]  }
0x39: {  	_ = 	snop;
	(pc) =	sbr.ind lr, $3  }
0x3a: {  	_ = 	snop  }
0x3b: {  	_ = 	snop  }
0x3c: {  	p2 =	seq.s32 s10, $0x1;
	s10 =	sld [smem:$0x3FAA]  }
0x3d: {  	_ =	shalt  }
0x3e: {  	_ =	shalt  }
0x3f: {  	_ =	shalt  }
0x40: {  	_ =	shalt  }
0x41: {  	_ =	shalt  }
0x42: {  	_ =	shalt  }
0x43: {  	_ =	shalt  }
0x44: {  	_ =	shalt  }
0x45: {  	_ =	shalt  }
0x46: {  	_ =	shalt  }
0x47: {  	_ =	shalt  }
0x48: {  	_ =	shalt  }
0x49: {  	_ =	shalt  }
0x4a: {  	_ =	shalt  }
0x4b: {  	_ =	shalt  }
0x4c: {  	_ =	shalt  }
0x4d: {  	_ =	shalt  }
0x4e: {  	_ =	shalt  }
0x4f: {  	_ =	shalt  }
0x50: {  	_ =	shalt  }
0x51: {  	_ =	shalt  }
0x52: {  	_ =	shalt  }
0x53: {  	_ =	shalt  }
0x54: {  	_ =	shalt  }
0x55: {  	_ =	shalt  }
0x56: {  	_ =	shalt  }
0x57: {  	_ =	shalt  }
0x58: {  	_ =	shalt  }
0x59: {  	_ =	shalt  }
0x5a: {  	_ =	shalt  }
0x5b: {  	_ =	shalt  }
0x5c: {  	_ =	shalt  }
0x5d: {  	_ =	shalt  }
0x5e: {  	_ =	shalt  }
0x5f: {  	_ =	shalt  }
0x60: {  	_ =	shalt  }
0x61: {  	_ =	shalt  }
0x62: {  	_ =	shalt  }
0x63: {  	_ =	shalt  }
0x64: {  	_ =	shalt  }
0x65: {  	_ =	shalt  }
0x66: {  	_ =	shalt  }
0x67: {  	_ =	shalt  }
0x68: {  	_ =	shalt  }
0x69: {  	_ =	shalt  }
0x6a: {  	_ =	shalt  }
0x6b: {  	_ =	shalt  }
0x6c: {  	_ =	shalt  }
0x6d: {  	_ =	shalt  }
0x6e: {  	_ =	shalt  }
0x6f: {  	_ =	shalt  }
0x70: {  	_ =	shalt  }
0x71: {  	_ =	shalt  }
0x72: {  	_ =	shalt  }
0x73: {  	_ =	shalt  }
0x74: {  	_ =	shalt  }
0x75: {  	_ =	shalt  }
0x76: {  	_ =	shalt  }
0x77: {  	_ =	shalt  }
0x78: {  	_ =	shalt  }
0x79: {  	_ =	shalt  }
0x7a: {  	_ =	shalt  }
0x7b: {  	_ =	shalt  }
0x7c: {  	_ =	shalt  }
0x7d: {  	_ =	shalt  }
0x7e: {  	_ =	shalt  }
0x7f: {  	_ =	shalt  }
0x80: {  	_ =	shalt  }
0x81: {  	_ =	shalt  }
0x82: {  	_ =	shalt  }
0x83: {  	_ =	shalt  }
0x84: {  	_ =	shalt  }
0x85: {  	_ =	shalt  }
0x86: {  	_ =	shalt  }
0x87: {  	_ =	shalt  }
.Lfunc_end0:
.L_simem_size_0:
called_computation.4_lowered:
.L_overlay_start_0:
0x88: {  	s2 =	sld [smem:$0x3FD9]  }
0x89: {  	s3 =	sld [smem:$0x3FFE];
	_ =	sdelay $0x1  }
0x8a: {  	s1 =	srdreg.scid  }
0x8b: {  	s0 =	sand.u32 $0x1, s1  }
0x8c: {  	s16 =	sshll.u32 s0, $0xA;
	s2 =	sadd.s32 s3, s2  }
0x8d: {  	s2 =	sadd.s32 s2, s16  }
0x8e: {  	[smem:$0x3FB6] =	sst s2  }
0x8f: {  	_ = 	snop  }
0x90: {  	(tm) =	ssettm $0x1  }
0x91: {  	s17 =	sld [smem:$0x3FFB];
	_ =	sdelay $0x3  }
0x92: {  	_ =	strace s17  }
0x93: {  	s2 =	sld [smem:$0x3FFC];
	_ =	sdelay $0x3  }
0x94: {  	_ =	strace s2  }
0x95: {  	s2 =	sld [smem:$0x3FFD];
	_ =	sdelay $0x3  }
0x96: {  	_ =	strace s2  }
0x97: {  	_ =	strace $0x8FFFFFFF  }
0x98: {  	s18 =	sld [smem:$0x3FDB];
	_ =	sdelay $0x1  }
0x99: {  	s19 =	simm.s32 $_scs_section_size  }
0x9a: {  	s4 =	simm.s32 $_size__tile_overlayer_lowered;
	s5 =	simm.s32 $_tile_overlayer_lowered  }
0x9b: {  	s22 =	simm.s32 $0x1BFF;
	s21 =	sshll.u32 s5, $0x1;
	s2 =	sadd.s32 s19, s18  }
0x9c: {  	s6 =	simm.s32 $0x0;
	s20 =	sshll.u32 s4, $0x1;
	s4 =	sadd.s32 s21, s2  }
0x9d: {  	[timem:s6], [sflag:s22] =	dma.local [hbm:s4], s20  }
0x9e: {  	_ =	swait.ge [sflag:s22], s20  }
0x9f: {  	s3 =	ssub.s32 $0x0, s20;
	[sflag:s22] =	ssyncset.done $0x0  }
0xa0: {  	[sflag:s22] =	ssyncadd.s32 s3;
	_ =	sdelay $0x1  }
0xa1: {  	s23 =	simm.s32 $0x1B8B  }
0xa2: {  	_ =	swait.ge [sflag:s23], $0x1  }
0xa3: {  	[sflag:s23] =	ssyncset.done $0x0  }
0xa4: {  	s25 =	simm.s32 $0x1B8E;
	s24 =	sld [smem:$0x3FFE];
	[sflag:s23] =	ssyncadd.s32 $0xFFFFFFFF  }
0xa5: {  	s26 =	simm.s32 $execute0_lowered;
	[smem:$0x3FD2] =	sst s25  }
0xa6: {  	s4 =	sshll.u32 s26, $0x1;
	_ =	strace $0x80000052;
	[dreg:$0x1] =	wrdreg $0xFFFFFFFF  }
0xa7: {  	s28 =	simm.s32 $_size_execute0_lowered;
	s2 =	sadd.s32 s2, s4;
	[dreg:$0x0] =	wrdreg $0x0  }
0xa8: {  	s4 =	sshll.u32 s28, $0x1;
	[dreg:$0x2] =	wrdreg s2  }
0xa9: {  	[dreg:$0x3] =	wrdreg s4  }
0xaa: {  	[dreg:$0x4] =	wrdreg $0xC0  }
0xab: {  	_ =	task [dreg:s6], $0x5FFFF  }
0xac: {  	[dreg:$0x1] =	wrdreg $0xFFFFFFFF  }
0xad: {  	[dreg:$0x0] =	wrdreg $0x60  }
0xae: {  	[dreg:$0x2] =	wrdreg s24  }
0xaf: {  	[dreg:$0x3] =	wrdreg $0xA2000  }
0xb0: {  	[dreg:$0x4] =	wrdreg $0x9  }
0xb1: {  	_ =	task.clear_ibuf [dreg:s6], $0x5FFFF;
	_ =	strace $0x90000052  }
0xb2: {  	s29 =	simm.s32 $0x9;
	_ =	strace $0x80000054  }
0xb3: {  	_ =	swait.ge [sflag:s29], $0x1  }
0xb4: {  	[sflag:s29] =	ssyncadd.s32 $0xFFFFFFFF  }
0xb5: {  	_ =	strace $0x90000054  }
0xb6: {  	_ =	sfence  }
0xb7: {  	s30 =	sld [smem:$0x0];
	_ =	sdelay $0x2  }
0xb8: {  	s31 =	sshll.u32 s1, $0xD;
	s1 =	sshrl.u32 s1, $0x2  }
0xb9: {  	s3 =	sand.u32 $0x4000, s31;
	s1 =	sadd.s32 s1, s30  }
0xba: {  	s0 =	sor.u32 s3, s0;
	s1 =	sshll.u32 s1, $0x11  }
0xbb: {  	s0 =	sor.u32 s1, s0  }
0xbc: {  	s0 =	sadd.s32 $0x8F2B, s0  }
0xbd: {  	[sflag:s0] =	ssyncadd.remote.s32 $0x1  }
0xbe: {  	_ =	sfence.sel $0xFFFF  }
0xbf: {  	[dreg:$0x0] =	wrdreg $0xFFFFFFFF;
	(pc) =	sbr.abs _section_cstart, $3  }
0xc0: {  	[dreg:$0x1] =	wrdreg $0xFFFFFFFF  }
0xc1: {  	_ =	task.clear_ibuf [dreg:s6], $0x2FFFF;
	_ =	strace $0x9FFFFFFF  }
0xc2: {  	(tm) =	ssettm $0x7FFFFFFF  }
0xc3: {  	_ =	shalt  }
tec
execute0_lowered:
.L_overlay_start_1:
0x0: {  	(tag) =	ssettag $0x1  }
0x1: {  	s0 =	rddreg [dreg:$0x0]  }
0x2: {  	s1 =	rddreg [dreg:$0x1];
	s2 =	srdreg.scid  }
0x3: {  	s3 =	simm.s32 $0x0;
	s15 =	stileid.u32;
	s18 =	simm.s32 $0x8200  }
0x4: {  	s19 =	simm.s32 $0x5;
	s20 =	simm.s32 $0x80;
	s21 =	simm.s32 $0x200  }
0x5: {  	s22 =	simm.s32 $0x4200;
	s28 =	simm.s32 $0x2;
	s5 =	smul.u32 $0x50000, s15  }
0x6: {  	s29 =	simm.s32 $0x3;
	s30 =	simm.s32 $0x4;
	s23 =	smul.u32 $0xA00, s15  }
0x7: {  	s2 =	sand.u32 $0x1, s2;
	[smem:$0x7FF] =	sst s3;
	s26 =	smul.u32 $0x2800, s15  }
0x8: {  	s31 =	simm.s32 $0x0;
	s4 =	smul.u32 $0x27100, s2;
	_ =	strace $0x80000053  }
0x9: {  	s6 =	smul.u32 $0x28000, s2;
	s2 =	ssub.s32 $0x2, s2;
	s5 =	sshrl.u32 s5, $0x2  }
0xa: {  	s17 =	sadd.s32 s23, s0;
	s7 =	sshrl.u32 s2, $0x1;
	s23 =	simm.s32 $0x100  }
0xb: {  	s14 =	sadd.s32 s4, s0;
	s4 =	sadd.s32 s5, s1;
	s0 =	sadd.s32 s6, s0  }
0xc: {  	s2 =	ssub.s32 s2, s7;
	s16 =	sadd.s32 $0xE400, s17;
	s17 =	sadd.s32 $0x18400, s17  }
0xd: {  	s5 =	sadd.s32 $0x2000, s4;
	s24 =	sadd.s32 $0x4000, s4;
	s25 =	sadd.s32 $0x6000, s4  }
0xe: {  	s8 =	sadd.s32 $0x8000, s4;
	s9 =	sadd.s32 $0xA000, s4;
	s10 =	sadd.s32 $0xC000, s4  }
0xf: {  	s11 =	sadd.s32 $0xE000, s4;
	s12 =	sadd.s32 $0x10000, s4;
	[dreg:$0x3] =	wrdreg s5  }
0x10: {  	s13 =	sadd.s32 $0x12000, s4;
	s14 =	sadd.s32 $0x22400, s14;
	[dreg:$0x4] =	wrdreg s24  }
0x11: {  	s0 =	sadd.s32 $0x70600, s0;
	s15 =	smax.u32 s2, $0x1;
	[dreg:$0x5] =	wrdreg s25  }
0x12: {  	v0 =	vimm.f32 $0.0e+00;
	s24 =	sadd.s32 s26, s0;
	s25 =	simm.s32 $0x180;
	s26 =	simm.s32 $0x1  }
.LBB2_1:
0x13: {  	s0 =	simm.s32 $0x0;
	s2 =	simm.s32 $0x200  }
.LBB2_2:
0x14: {  	p0 =	sne.s32 s2, $0x7E00;
	[tilespmem:s0+$0x8270] =	vst v0  }
0x15: {  	[tilespmem:s0+$0x8200] =	vst v0  }
0x16: {  	[tilespmem:s0+$0x8210] =	vst v0  }
.Ltmp0:
0x17: {  	[tilespmem:s0+$0x8220] =	vst v0;
	(pc) =	sbr.rel @p0 .LBB2_2-.Ltmp0, $4  }
0x18: {  	[tilespmem:s0+$0x8230] =	vst v0  }
0x19: {  	[tilespmem:s0+$0x8240] =	vst v0  }
0x1a: {  	[tilespmem:s0+$0x8250] =	vst v0  }
0x1b: {  	[tilespmem:s0+$0x8260] =	vst v0;
	s0 =	sshra.s32 s2, $0x2;
	s2 =	sadd.s32 $0x200, s2  }
0x1c: {  	[tilespmem:s0+$0x8270] =	vst v0  }
0x1d: {  	[tilespmem:s0+$0x8200] =	vst v0  }
0x1e: {  	[tilespmem:s0+$0x8210] =	vst v0  }
0x1f: {  	[tilespmem:s0+$0x8220] =	vst v0  }
0x20: {  	[tilespmem:s0+$0x8230] =	vst v0  }
0x21: {  	[tilespmem:s0+$0x8240] =	vst v0  }
0x22: {  	[tilespmem:s0+$0x8250] =	vst v0  }
0x23: {  	[tilespmem:s0+$0x8260] =	vst v0  }
0x24: {  	[spmem:s4] =	stream.linear.scatter [tilespmem:s18], [sflag:$0x5], $0x2000, $0x38;
	[tilespmem:$0x1E200] =	vst v63  }
0x25: {  	_ =	swait.ge [sflag:s19], $0x2000  }
0x26: {  	[sflag:s19] =	ssyncset.done $0x0  }
0x27: {  	s7 =	rddreg [dreg:$0x3];
	[sflag:s19] =	ssyncadd.s32 $0xFFFFE000  }
0x28: {  	[spmem:s7] =	stream.linear.scatter [tilespmem:s18], [sflag:$0x5], $0x2000, $0x38;
	[tilespmem:$0x1E200] =	vst v63  }
0x29: {  	_ =	swait.ge [sflag:s19], $0x2000  }
0x2a: {  	[sflag:s19] =	ssyncset.done $0x0  }
0x2b: {  	s2 =	rddreg [dreg:$0x4];
	[sflag:s19] =	ssyncadd.s32 $0xFFFFE000  }
0x2c: {  	[spmem:s2] =	stream.linear.scatter [tilespmem:s18], [sflag:$0x5], $0x2000, $0x38;
	[tilespmem:$0x1E200] =	vst v63  }
0x2d: {  	_ =	swait.ge [sflag:s19], $0x2000  }
0x2e: {  	[sflag:s19] =	ssyncset.done $0x0  }
0x2f: {  	s5 =	rddreg [dreg:$0x5];
	[sflag:s19] =	ssyncadd.s32 $0xFFFFE000  }
0x30: {  	[spmem:s5] =	stream.linear.scatter [tilespmem:s18], [sflag:$0x5], $0x2000, $0x38;
	[tilespmem:$0x1E200] =	vst v63  }
0x31: {  	_ =	swait.ge [sflag:s19], $0x2000  }
0x32: {  	[sflag:s19] =	ssyncset.done $0x0  }
0x33: {  	[sflag:s19] =	ssyncadd.s32 $0xFFFFE000  }
0x34: {  	[spmem:s8] =	stream.linear.scatter [tilespmem:s18], [sflag:$0x5], $0x2000, $0x38;
	[tilespmem:$0x1E200] =	vst v63  }
0x35: {  	_ =	swait.ge [sflag:s19], $0x2000  }
0x36: {  	[sflag:s19] =	ssyncset.done $0x0  }
0x37: {  	[sflag:s19] =	ssyncadd.s32 $0xFFFFE000  }
0x38: {  	[spmem:s9] =	stream.linear.scatter [tilespmem:s18], [sflag:$0x5], $0x2000, $0x38;
	[tilespmem:$0x1E200] =	vst v63  }
0x39: {  	_ =	swait.ge [sflag:s19], $0x2000  }
0x3a: {  	[sflag:s19] =	ssyncset.done $0x0  }
0x3b: {  	[sflag:s19] =	ssyncadd.s32 $0xFFFFE000  }
0x3c: {  	[spmem:s10] =	stream.linear.scatter [tilespmem:s18], [sflag:$0x5], $0x2000, $0x38;
	[tilespmem:$0x1E200] =	vst v63  }
0x3d: {  	_ =	swait.ge [sflag:s19], $0x2000  }
0x3e: {  	[sflag:s19] =	ssyncset.done $0x0  }
0x3f: {  	[sflag:s19] =	ssyncadd.s32 $0xFFFFE000  }
0x40: {  	[spmem:s11] =	stream.linear.scatter [tilespmem:s18], [sflag:$0x5], $0x2000, $0x38;
	[tilespmem:$0x1E200] =	vst v63  }
0x41: {  	_ =	swait.ge [sflag:s19], $0x2000  }
0x42: {  	[sflag:s19] =	ssyncset.done $0x0  }
0x43: {  	[sflag:s19] =	ssyncadd.s32 $0xFFFFE000  }
0x44: {  	[spmem:s12] =	stream.linear.scatter [tilespmem:s18], [sflag:$0x5], $0x2000, $0x38;
	[tilespmem:$0x1E200] =	vst v63  }
0x45: {  	_ =	swait.ge [sflag:s19], $0x2000  }
0x46: {  	[sflag:s19] =	ssyncset.done $0x0  }
0x47: {  	[sflag:s19] =	ssyncadd.s32 $0xFFFFE000  }
0x48: {  	[spmem:s13] =	stream.linear.scatter [tilespmem:s18], [sflag:$0x5], $0x2000, $0x38;
	[tilespmem:$0x1E200] =	vst v63  }
0x49: {  	_ =	swait.ge [sflag:s19], $0x2000  }
0x4a: {  	[sflag:s19] =	ssyncset.done $0x0  }
0x4b: {  	[sflag:s19] =	ssyncadd.s32 $0xFFFFE000  }
0x4c: {  	s6 =	sadd.s32 $0x0, s16;
	[bflag:$0x0] =	sbarrier.arrive $0xFFFF  }
0x4d: {  	[tilespmem:s3], [sflag:$0x5] =	stream.linear.gather [hbm4b:s6+s3], $0x80, $0x38;
	[tilespmem:$0x1E200] =	vst v63  }
0x4e: {  	_ =	swait.ge [sflag:s19], $0x80  }
0x4f: {  	[sflag:s19] =	ssyncset.done $0x0  }
0x50: {  	[sflag:s19] =	ssyncadd.s32 $0xFFFFFF80  }
0x51: {  	[tilespmem:s21], [sflag:$0x1] =	stream.indirect.gather [hbm4b:s14+s20], $0x80, s3, s20, $0xb8;
	[tilespmem:$0x1E200] =	vst v63  }
0x52: {  	s0 =	sadd.s32 $0x10, s6  }
0x53: {  	[tilespmem:s20], [sflag:$0x5] =	stream.linear.gather [hbm4b:s0+s3], $0x80, $0x38;
	[tilespmem:$0x1E200] =	vst v63  }
0x54: {  	_ =	swait.ge [sflag:s19], $0x80  }
0x55: {  	[sflag:s19] =	ssyncset.done $0x0  }
0x56: {  	[sflag:s19] =	ssyncadd.s32 $0xFFFFFF80  }
0x57: {  	[tilespmem:s22], [sflag:$0x2] =	stream.indirect.gather [hbm4b:s14+s20], $0x80, s20, s20, $0xb8;
	[tilespmem:$0x1E200] =	vst v63  }
0x58: {  	s7 =	sadd.s32 $0x0, s17  }
0x59: {  	[tilespmem:s23], [sflag:$0x5] =	stream.linear.gather [hbm4b:s7+s3], $0x80, $0x38;
	[tilespmem:$0x1E200] =	vst v63  }
0x5a: {  	_ =	swait.ge [sflag:s19], $0x80  }
0x5b: {  	[sflag:s19] =	ssyncset.done $0x0  }
0x5c: {  	s0 =	sadd.s32 $0x10, s7;
	[sflag:s19] =	ssyncadd.s32 $0xFFFFFF80  }
0x5d: {  	[tilespmem:s25], [sflag:$0x5] =	stream.linear.gather [hbm4b:s0+s3], $0x80, $0x38;
	[tilespmem:$0x1E200] =	vst v63  }
0x5e: {  	_ =	swait.ge [sflag:s19], $0x80  }
0x5f: {  	[sflag:s19] =	ssyncset.done $0x0  }
0x60: {  	[sflag:s19] =	ssyncadd.s32 $0xFFFFFF80  }
0x61: {  	_ =	swait.ge [sflag:s26], $0x4000  }
0x62: {  	[sflag:s26] =	ssyncset.done $0x0  }
0x63: {  	[sflag:s26] =	ssyncadd.s32 $0xFFFFC000  }
0x64: {  	[spmem:s1] =	stream.indirect.scatter.add.f32 [tilespmem:s21], [sflag:$0x3], $0x80, s23, s20, $0xb8;
	[tilespmem:$0x1E200] =	vst v63  }
0x65: {  	_ =	swait.ge [sflag:s28], $0x4000  }
0x66: {  	[sflag:s28] =	ssyncset.done $0x0  }
0x67: {  	[sflag:s28] =	ssyncadd.s32 $0xFFFFC000  }
0x68: {  	[spmem:s1] =	stream.indirect.scatter.add.f32 [tilespmem:s22], [sflag:$0x4], $0x80, s25, s20, $0xb8;
	[tilespmem:$0x1E200] =	vst v63  }
0x69: {  	_ =	swait.ge [sflag:s29], $0x4000  }
0x6a: {  	[sflag:s29] =	ssyncset.done $0x0  }
0x6b: {  	[sflag:s29] =	ssyncadd.s32 $0xFFFFC000  }
0x6c: {  	_ =	swait.ge [sflag:s30], $0x4000  }
0x6d: {  	s2 =	simm.s32 $0x40;
	s0 =	simm.s32 $0x20;
	[sflag:s30] =	ssyncset.done $0x0  }
.LBB2_4:
0x6e: {  	s6 =	sadd.s32 s0, s16  }
0x6f: {  	[sflag:s30] =	ssyncadd.s32 $0xFFFFC000;
	s7 =	smov.u32 s2;
	s5 =	sadd.s32 $0x20, s2  }
0x70: {  	[tilespmem:s3], [sflag:$0x5] =	stream.linear.gather [hbm4b:s6+s3], $0x80, $0x38;
	[tilespmem:$0x1E200] =	vst v63  }
0x71: {  	p0 =	sne.s32 s2, $0x9E0;
	_ =	swait.ge [sflag:s19], $0x80  }
0x72: {  	[sflag:s19] =	ssyncset.done $0x0  }
0x73: {  	[sflag:s19] =	ssyncadd.s32 $0xFFFFFF80  }
0x74: {  	[tilespmem:s21], [sflag:$0x1] =	stream.indirect.gather [hbm4b:s14+s20], $0x80, s3, s20, $0xb8;
	[tilespmem:$0x1E200] =	vst v63  }
0x75: {  	s2 =	sadd.s32 $0x10, s6  }
0x76: {  	[tilespmem:s20], [sflag:$0x5] =	stream.linear.gather [hbm4b:s2+s3], $0x80, $0x38;
	[tilespmem:$0x1E200] =	vst v63  }
0x77: {  	_ =	swait.ge [sflag:s19], $0x80  }
0x78: {  	[sflag:s19] =	ssyncset.done $0x0  }
0x79: {  	[sflag:s19] =	ssyncadd.s32 $0xFFFFFF80  }
0x7a: {  	[tilespmem:s22], [sflag:$0x2] =	stream.indirect.gather [hbm4b:s14+s20], $0x80, s20, s20, $0xb8;
	[tilespmem:$0x1E200] =	vst v63  }
0x7b: {  	s2 =	sadd.s32 s0, s17;
	s0 =	smov.u32 s7  }
0x7c: {  	[tilespmem:s23], [sflag:$0x5] =	stream.linear.gather [hbm4b:s2+s3], $0x80, $0x38;
	[tilespmem:$0x1E200] =	vst v63  }
0x7d: {  	_ =	swait.ge [sflag:s19], $0x80  }
0x7e: {  	[sflag:s19] =	ssyncset.done $0x0  }
0x7f: {  	s2 =	sadd.s32 $0x10, s2;
	[sflag:s19] =	ssyncadd.s32 $0xFFFFFF80  }
0x80: {  	[tilespmem:s25], [sflag:$0x5] =	stream.linear.gather [hbm4b:s2+s3], $0x80, $0x38;
	[tilespmem:$0x1E200] =	vst v63  }
0x81: {  	_ =	swait.ge [sflag:s19], $0x80  }
0x82: {  	[sflag:s19] =	ssyncset.done $0x0  }
0x83: {  	[sflag:s19] =	ssyncadd.s32 $0xFFFFFF80  }
0x84: {  	_ =	swait.ge [sflag:s26], $0x4000  }
0x85: {  	[sflag:s26] =	ssyncset.done $0x0  }
0x86: {  	[sflag:s26] =	ssyncadd.s32 $0xFFFFC000  }
0x87: {  	[spmem:s1] =	stream.indirect.scatter.add.f32 [tilespmem:s21], [sflag:$0x3], $0x80, s23, s20, $0xb8;
	[tilespmem:$0x1E200] =	vst v63  }
0x88: {  	_ =	swait.ge [sflag:s28], $0x4000  }
0x89: {  	[sflag:s28] =	ssyncset.done $0x0  }
0x8a: {  	[sflag:s28] =	ssyncadd.s32 $0xFFFFC000  }
0x8b: {  	[spmem:s1] =	stream.indirect.scatter.add.f32 [tilespmem:s22], [sflag:$0x4], $0x80, s25, s20, $0xb8;
	[tilespmem:$0x1E200] =	vst v63  }
.Ltmp1:
0x8c: {  	_ =	swait.ge [sflag:s29], $0x4000;
	(pc) =	sbr.rel @p0 .LBB2_4-.Ltmp1, $4  }
0x8d: {  	[sflag:s29] =	ssyncset.done $0x0  }
0x8e: {  	[sflag:s29] =	ssyncadd.s32 $0xFFFFC000  }
0x8f: {  	_ =	swait.ge [sflag:s30], $0x4000  }
0x90: {  	s2 =	smov.u32 s5;
	[sflag:s30] =	ssyncset.done $0x0  }
0x91: {  	s2 =	sadd.s32 s0, s16;
	[sflag:s30] =	ssyncadd.s32 $0xFFFFC000  }
0x92: {  	[tilespmem:s3], [sflag:$0x5] =	stream.linear.gather [hbm4b:s2+s3], $0x80, $0x38;
	[tilespmem:$0x1E200] =	vst v63  }
0x93: {  	_ =	swait.ge [sflag:s19], $0x80  }
0x94: {  	[sflag:s19] =	ssyncset.done $0x0  }
0x95: {  	[sflag:s19] =	ssyncadd.s32 $0xFFFFFF80  }
0x96: {  	[tilespmem:s21], [sflag:$0x1] =	stream.indirect.gather [hbm4b:s14+s20], $0x80, s3, s20, $0xb8;
	[tilespmem:$0x1E200] =	vst v63  }
0x97: {  	s2 =	sadd.s32 $0x10, s2  }
0x98: {  	[tilespmem:s20], [sflag:$0x5] =	stream.linear.gather [hbm4b:s2+s3], $0x80, $0x38;
	[tilespmem:$0x1E200] =	vst v63  }
0x99: {  	_ =	swait.ge [sflag:s19], $0x80  }
0x9a: {  	[sflag:s19] =	ssyncset.done $0x0  }
0x9b: {  	[sflag:s19] =	ssyncadd.s32 $0xFFFFFF80  }
0x9c: {  	[tilespmem:s22], [sflag:$0x2] =	stream.indirect.gather [hbm4b:s14+s20], $0x80, s20, s20, $0xb8;
	[tilespmem:$0x1E200] =	vst v63  }
0x9d: {  	s5 =	sadd.s32 s0, s17  }
0x9e: {  	[tilespmem:s23], [sflag:$0x5] =	stream.linear.gather [hbm4b:s5+s3], $0x80, $0x38;
	[tilespmem:$0x1E200] =	vst v63  }
0x9f: {  	_ =	swait.ge [sflag:s19], $0x80  }
0xa0: {  	[sflag:s19] =	ssyncset.done $0x0  }
0xa1: {  	s0 =	sadd.s32 $0x10, s5;
	[sflag:s19] =	ssyncadd.s32 $0xFFFFFF80  }
0xa2: {  	[tilespmem:s25], [sflag:$0x5] =	stream.linear.gather [hbm4b:s0+s3], $0x80, $0x38;
	[tilespmem:$0x1E200] =	vst v63  }
0xa3: {  	_ =	swait.ge [sflag:s19], $0x80  }
0xa4: {  	[sflag:s19] =	ssyncset.done $0x0  }
0xa5: {  	[sflag:s19] =	ssyncadd.s32 $0xFFFFFF80  }
0xa6: {  	_ =	swait.ge [sflag:s26], $0x4000  }
0xa7: {  	[sflag:s26] =	ssyncset.done $0x0  }
0xa8: {  	[sflag:s26] =	ssyncadd.s32 $0xFFFFC000  }
0xa9: {  	[spmem:s1] =	stream.indirect.scatter.add.f32 [tilespmem:s21], [sflag:$0x3], $0x80, s23, s20, $0xb8;
	[tilespmem:$0x1E200] =	vst v63  }
0xaa: {  	_ =	swait.ge [sflag:s28], $0x4000  }
0xab: {  	[sflag:s28] =	ssyncset.done $0x0  }
0xac: {  	[sflag:s28] =	ssyncadd.s32 $0xFFFFC000  }
0xad: {  	[spmem:s1] =	stream.indirect.scatter.add.f32 [tilespmem:s22], [sflag:$0x4], $0x80, s25, s20, $0xb8;
	[tilespmem:$0x1E200] =	vst v63  }
0xae: {  	_ =	swait.ge [sflag:s29], $0x4000  }
0xaf: {  	[sflag:s29] =	ssyncset.done $0x0  }
0xb0: {  	[sflag:s29] =	ssyncadd.s32 $0xFFFFC000  }
0xb1: {  	s6 =	stileid.u32;
	_ =	swait.ge [sflag:s30], $0x4000  }
0xb2: {  	s7 =	sshrl.u32 s4, $0x3;
	s31 =	sadd.s32 $0x1, s31;
	[sflag:s30] =	ssyncset.done $0x0  }
0xb3: {  	p0 =	sne.s32 s31, s15;
	s0 =	sshll.u32 s6, $0x6;
	[sflag:s30] =	ssyncadd.s32 $0xFFFFC000  }
.Ltmp2:
0xb4: {  	s0 =	sor.u32 $0x1C05, s0;
	[bflag:$0x0] =	sbarrier.arrive $0xFFFF;
	(pc) =	sbr.rel @p0 .LBB2_1-.Ltmp2, $4  }
0xb5: {  	[hbm:s24], [sflag:s0] =	dma.local [spmem:s7], $0x2800  }
0xb6: {  	_ =	swait.ge [sflag:s19], $0x2800  }
0xb7: {  	[sflag:s19] =	ssyncset.done $0x0  }
0xb8: {  	[sflag:s19] =	ssyncadd.s32 $0xFFFFD800  }
0xb9: {  	_ =	sfence.sel $0x180000  }
0xba: {  	[bflag:$0x0] =	sbarrier.arrive $0xFFFF  }
0xbb: {  	_ =	strace $0x90000053  }
0xbc: {  	s0 =	stileid.u32;
	[bflag:$0x2] =	sbarrier.arrive $0xFFFF  }
0xbd: {  	p0 =	sne.s32 s0, $0x0;
	s0 =	rddreg [dreg:$0x2]  }
0xbe: {  	s0 =	sadd.s32 @!p0 $0x100000, s0  }
0xbf: {  	[sflag:s0] =	ssyncadd.tile.s32 @!p0 $0x1;
	_ =	shalt  }
.Lfunc_end2:
_tile_overlayer_lowered:
.L_overlay_start_2:
0xc0: {  	(tag) =	ssettag $0x2  }
0xc1: {  	s0 =	rddreg [dreg:$0x0];
	s2 =	stileid.u32  }
0xc2: {  	s1 =	rddreg [dreg:$0x1];
	p0 =	sne.s32 s2, $0x0  }
0xc3: {  	s3 =	rddreg [dreg:$0x2];
	[bflag:$0x3] =	sbarrier.arrive $0xFFFF;
	s2 =	simm.s32 @!p0 $0x1C05  }
0xc4: {  	[timem:s3], [sflag:s2] =	dma.local @!p0 [hbm:s0], s1  }
0xc5: {  	s0 =	simm.s32 @!p0 $0x5  }
0xc6: {  	_ =	swait.ge @!p0 [sflag:s0], s1  }
0xc7: {  	s1 =	ssub.s32 @!p0 $0x0, s1;
	[sflag:s0] =	ssyncset.done @!p0 $0x0  }
0xc8: {  	[sflag:s0] =	ssyncadd.s32 @!p0 s1  }
0xc9: {  	[bflag:$0x3] =	sbarrier.arrive $0xFFFF  }
0xca: {  	_ =	shalt  }

</sc_bundles>
